<compile_context>
chip_gen: v7x
topology: tpu7x:2x2x1
jax: 0.10.2.dev20260603
libtpu: 0.0.44.dev20260713+nightly
codegen_flags: <defaults>
</compile_context>

<pallas_src>
import functools

import jax
import jax.numpy as jnp
from jax import lax
from jax.experimental import pallas as pl
from jax.experimental.pallas import tpu as pltpu
from jax.experimental.pallas import tpu_sc as plsc

N = 10000
E = 160000
NF = 128
EF = 16
H = 128
NED = 16

NC = 2
NS = 16
NW = NC * NS
EPW = E // NW
CH = 128
NCH = 40
EPWP = NCH * CH
RPT = N // NS

EB = 3200
EG = E // EB
EP = E // 8
NP = N // 8




def _pack8(m):
    k = m.shape[0] // 8
    return jnp.concatenate([m[k * s:k * (s + 1), :] for s in range(8)], axis=1)


def _unpack8(p):
    return jnp.concatenate([p[:, NED * s:NED * (s + 1)] for s in range(8)],
                           axis=0)


def _h0_body(x3_ref, wn_ref, bn_ref, o_ref):
    x3 = x3_ref[...]
    o_ref[...] = jnp.concatenate(
        [jnp.maximum(x3[:, sub, :] @ wn_ref[...] + bn_ref[...], 0.0)
         for sub in range(8)], axis=1)


def _msg_body(eap, xi, xj, w1bd, b1t, w2, b2, r, s2, o_msg):
    hp = jnp.maximum(eap[...] @ w1bd[...] + b1t[...], 0.0)
    hid = jnp.concatenate([hp[:, H * sub:H * (sub + 1)] for sub in range(8)],
                          axis=0)
    w = jnp.dot(hid.astype(jnp.bfloat16), w2[...],
                preferred_element_type=jnp.float32) + b2[...]
    nf = jnp.concatenate([_unpack8(xi[...]), _unpack8(xj[...])], axis=1)
    nfx = jnp.dot(nf.astype(jnp.bfloat16), r[...],
                  preferred_element_type=jnp.float32)
    t = nfx * w
    t = t[:, :256] + t[:, 256:]
    t = t[:, :128] + t[:, 128:]
    msg = jnp.dot(t, s2[...], preferred_element_type=jnp.float32)
    o_msg[...] = _pack8(msg)


def _msg_emb_body(eap, xi, xj, w1bd, b1t, w2, b2, r, s2, webd, be8, g, gt,
                  o_msg, o_em, o_lp):
    _msg_body(eap, xi, xj, w1bd, b1t, w2, b2, r, s2, o_msg)
    emp = jnp.maximum(eap[...] @ webd[...] + be8[...], 0.0)
    gsum = jnp.exp(emp) @ g[...]
    lsex = jnp.log(gsum) @ gt[...]
    o_em[...] = emp
    o_lp[...] = emp - lsex


def _upd_body(part, h, rootbd, bias8, o_ref):
    o_ref[...] = part[0] + part[1] + h[...] @ rootbd[...] + bias8[...]


def _full(shape):
    return pl.BlockSpec(shape, lambda i: tuple(0 for _ in shape))


_EBLK = pl.BlockSpec((EB, NED), lambda i: (i, 0))
_PBLK = pl.BlockSpec((EB // 8, 128), lambda i: (i, 0))

_msg_specs = [
    _PBLK,
    _PBLK,
    _PBLK,
    _full((128, 8 * H)),
    _full((1, 8 * H)),
    _full((H, 2 * NED * NED)),
    _full((1, 2 * NED * NED)),
    _full((2 * NED, 2 * NED * NED)),
    _full((128, NED)),
]

_msg_call = pl.pallas_call(
    _msg_body,
    grid=(EG,),
    in_specs=_msg_specs,
    out_specs=_PBLK,
    out_shape=jax.ShapeDtypeStruct((EP, 128), jnp.float32),
)

_msg_emb_call = pl.pallas_call(
    _msg_emb_body,
    grid=(EG,),
    in_specs=_msg_specs + [_full((128, 128)), _full((1, 128)),
                           _full((128, 8)), _full((8, 128))],
    out_specs=(_PBLK, _PBLK, _PBLK),
    out_shape=(jax.ShapeDtypeStruct((EP, 128), jnp.float32),
               jax.ShapeDtypeStruct((EP, 128), jnp.float32),
               jax.ShapeDtypeStruct((EP, 128), jnp.float32)),
)

_h0_call = pl.pallas_call(
    _h0_body,
    out_shape=jax.ShapeDtypeStruct((NP, 128), jnp.float32),
)

_upd_call = pl.pallas_call(
    _upd_body,
    out_shape=jax.ShapeDtypeStruct((NP, 128), jnp.float32),
)



GRP = 8 * CH
LAST = EPW - (NCH // 8 - 1) * GRP


def _gather_core(h_hbm, dst3, src3, xi_hbm, xj_hbm, idx_a, idx_b,
                 rows_a, rows_b, sem_a, sem_b, wid):
    pltpu.sync_copy(dst3.at[wid], idx_a)
    pltpu.sync_copy(src3.at[wid], idx_b)

    def fire_drain_write(g, rows):
        descs = []
        for k in range(8):
            j = g * 8 + k
            descs.append(pltpu.async_copy(
                h_hbm.at[idx_a.at[j]], rows_a.at[pl.ds(k * CH, CH)], sem_a))
            descs.append(pltpu.async_copy(
                h_hbm.at[idx_b.at[j]], rows_b.at[pl.ds(k * CH, CH)], sem_b))
        for d in descs:
            d.wait()
        pltpu.sync_copy(rows_a.at[pl.ds(0, rows)],
                        xi_hbm.at[wid, pl.ds(g * GRP, rows)])
        pltpu.sync_copy(rows_b.at[pl.ds(0, rows)],
                        xj_hbm.at[wid, pl.ds(g * GRP, rows)])

    def grp(g, _):
        fire_drain_write(g, GRP)
        return 0

    lax.fori_loop(0, NCH // 8 - 1, grp, 0)
    fire_drain_write(NCH // 8 - 1, LAST)


def _gather_body(h_hbm, dst3, src3, xi_hbm, xj_hbm, idx_a, idx_b,
                 rows_a, rows_b, sem_a, sem_b):
    wid = lax.axis_index("s") * NC + lax.axis_index("c")
    _gather_core(h_hbm, dst3, src3, xi_hbm, xj_hbm, idx_a, idx_b,
                 rows_a, rows_b, sem_a, sem_b, wid)


def _scatter_core(msg_hbm, dst3, out_hbm, idx_v, rows_v, zero_v, acc_sh,
                  cid, sid, wid):
    def zr(i, _):
        zero_v[i, :] = jnp.zeros((NED,), jnp.float32)
        return 0

    lax.fori_loop(0, RPT, zr, 0)
    pltpu.sync_copy(zero_v, acc_sh.at[pl.ds(sid * RPT, RPT)])

    def zr2(i, _):
        rows_v[EPW + i, :] = jnp.zeros((NED,), jnp.float32)
        return 0

    lax.fori_loop(0, EPWP - EPW, zr2, 0)
    plsc.subcore_barrier()

    pltpu.sync_copy(dst3.at[wid], idx_v)
    pltpu.sync_copy(msg_hbm.at[wid], rows_v.at[pl.ds(0, EPW)])

    def body(j, _):
        pltpu.sync_copy(rows_v.at[pl.ds(j * CH, CH)],
                        acc_sh.at[idx_v.at[j]], add=True)
        return 0

    lax.fori_loop(0, NCH, body, 0)
    plsc.subcore_barrier()
    pltpu.sync_copy(acc_sh.at[pl.ds(sid * RPT, RPT)],
                    out_hbm.at[cid, pl.ds(sid * RPT, RPT)])


def _scatter_body(msg_hbm, dst3, out_hbm, idx_v, rows_v, zero_v, acc_sh):
    cid = lax.axis_index("c")
    sid = lax.axis_index("s")
    wid = sid * NC + cid
    _scatter_core(msg_hbm, dst3, out_hbm, idx_v, rows_v, zero_v, acc_sh,
                  cid, sid, wid)




@functools.cache
def _sc_kernels():
    mesh = plsc.VectorSubcoreMesh(core_axis_name="c", subcore_axis_name="s",
                                  num_cores=NC, num_subcores=NS)
    params = pltpu.CompilerParams(use_tc_tiling_on_sc=False)
    g_scratch = [
        pltpu.VMEM((NCH, CH), jnp.int32),
        pltpu.VMEM((NCH, CH), jnp.int32),
        pltpu.VMEM((GRP, NED), jnp.float32),
        pltpu.VMEM((GRP, NED), jnp.float32),
        pltpu.SemaphoreType.DMA,
        pltpu.SemaphoreType.DMA,
    ]
    s_scratch = [
        pltpu.VMEM((NCH, CH), jnp.int32),
        pltpu.VMEM((EPWP, NED), jnp.float32),
        pltpu.VMEM((RPT, NED), jnp.float32),
        pltpu.VMEM_SHARED((N, NED), jnp.float32),
    ]
    epw16 = jax.ShapeDtypeStruct((NW, EPW, NED), jnp.float32)
    gather = pl.kernel(
        _gather_body, compiler_params=params, mesh=mesh,
        out_type=(epw16, epw16), scratch_types=g_scratch)
    part_t = jax.ShapeDtypeStruct((NC, N, NED), jnp.float32)
    scatter = pl.kernel(
        _scatter_body, compiler_params=params, mesh=mesh,
        out_type=part_t, scratch_types=s_scratch)
    return gather, scatter



def kernel(x, edge_index, edge_attr, Wn, bn, We, be, W1, b1, W2, b2,
           root1, bias1, root2, bias2):
    _gather, _scatter = _sc_kernels()

    def sc_idx(a):
        padded = jnp.pad(a.reshape(NW, EPW), ((0, 0), (0, EPWP - EPW)))
        return padded.reshape(NW, NCH, CH)

    src3 = sc_idx(edge_index[0])
    dst3 = sc_idx(edge_index[1])

    r = jnp.kron(jnp.eye(2 * NED, dtype=jnp.bfloat16),
                 jnp.ones((1, NED), jnp.bfloat16))
    s2 = jnp.tile(jnp.eye(NED, dtype=jnp.float32), (8, 1))
    g = jnp.kron(jnp.eye(8, dtype=jnp.float32),
                 jnp.ones((NED, 1), jnp.float32))
    gt = jnp.kron(jnp.eye(8, dtype=jnp.float32),
                  jnp.ones((1, NED), jnp.float32))

    eye8 = jnp.eye(8, dtype=jnp.float32)
    bn_ = bn.reshape(1, NED)
    b2_ = b2.reshape(1, 2 * NED * NED)
    w2bf = W2.astype(jnp.bfloat16)
    w1bd = jnp.kron(eye8, W1)
    b1t = jnp.tile(b1, 8).reshape(1, 8 * H)
    webd = jnp.kron(eye8, We)
    be8 = jnp.tile(be, 8).reshape(1, 128)
    root1bd = jnp.kron(eye8, root1)
    root2bd = jnp.kron(eye8, root2)
    bias1_8 = jnp.tile(bias1, 8).reshape(1, 128)
    bias2_8 = jnp.tile(bias2, 8).reshape(1, 128)

    x3 = x.reshape(NP, 8, NF)
    eap = edge_attr.reshape(EP, 128)
    h0p = _h0_call(x3, Wn, bn_)

    xi1, xj1 = _gather(h0p.reshape(N, NED), dst3, src3)
    msg1, emp, lpp = _msg_emb_call(eap, xi1.reshape(EP, 128),
                                   xj1.reshape(EP, 128), w1bd, b1t, w2bf,
                                   b2_, r, s2, webd, be8, g, gt)
    part1 = _scatter(msg1.reshape(NW, EPW, NED), dst3)
    h1p = _upd_call(part1.reshape(NC, NP, 128), h0p, root1bd, bias1_8)

    em = emp.reshape(E, NED)
    lp = lpp.reshape(E, NED)

    xi2, xj2 = _gather(h1p.reshape(N, NED), dst3, src3)
    msg2 = _msg_call(eap, xi2.reshape(EP, 128), xj2.reshape(EP, 128),
                     w1bd, b1t, w2bf, b2_, r, s2)
    zdep = ((em[0, 0] + lp[0, 0]) * 0.0).astype(jnp.int32)
    part2 = _scatter(msg2.reshape(NW, EPW, NED), dst3 + zdep)
    h2p = _upd_call(part2.reshape(NC, NP, 128), h1p, root2bd, bias2_8)

    return (h2p.reshape(N, NED), edge_index, em, lp)

# --- scband reference (transcript-rebuilt; emitter-appended) ---
"""Pipeline reference for scband-mlpencoder-1889785610578 (READ-ONLY COPY).

The authoritative reference and input builder live on the scoring server;
editing this copy changes nothing except your own understanding.
"""

import jax, jax.numpy as jnp
import numpy as np

N = 10000
E = 160000
NF = 128   # node_features
EF = 16    # edge_features
H = 128    # hidden_size
NED = 16   # node_embedding_dim
EED = 16   # edge_embedding_dim


def setup_inputs(seed: int = 0) -> dict:
    key = jax.random.key(seed)
    ks = jax.random.split(key, 16)
    x = jax.random.normal(ks[0], (N, NF), dtype=jnp.float32)
    edge_index = jax.random.randint(ks[1], (2, E), 0, N, dtype=jnp.int32)
    edge_attr = jax.random.normal(ks[2], (E, EF), dtype=jnp.float32)
    s = 0.1
    params = {
        'Wn': jax.random.normal(ks[3], (NF, NED), dtype=jnp.float32) * s,
        'bn': jnp.zeros((NED,), dtype=jnp.float32),
        'We': jax.random.normal(ks[4], (EF, EED), dtype=jnp.float32) * s,
        'be': jnp.zeros((EED,), dtype=jnp.float32),
        'W1': jax.random.normal(ks[5], (EF, H), dtype=jnp.float32) * s,
        'b1': jnp.zeros((H,), dtype=jnp.float32),
        'W2': jax.random.normal(ks[6], (H, 2 * NED * NED), dtype=jnp.float32) * s,
        'b2': jnp.zeros((2 * NED * NED,), dtype=jnp.float32),
        'root1': jax.random.normal(ks[7], (NED, NED), dtype=jnp.float32) * s,
        'bias1': jnp.zeros((NED,), dtype=jnp.float32),
        'root2': jax.random.normal(ks[8], (NED, NED), dtype=jnp.float32) * s,
        'bias2': jnp.zeros((NED,), dtype=jnp.float32),
    }
    return dict(x=x, edge_index=edge_index, edge_attr=edge_attr, **params)


def reference(x, edge_index, edge_attr, Wn, bn, We, be, W1, b1, W2, b2, root1, bias1, root2, bias2):
    # node embedding MLP
    h = jax.nn.relu(x @ Wn + bn)  # [N, NED]
    src = edge_index[0]  # x_j (source)
    dst = edge_index[1]  # x_i (target), aggregation index
    # shared edge MLP producing per-edge weight matrices
    hid = jax.nn.relu(edge_attr @ W1 + b1)
    w_flat = hid @ W2 + b2  # [E, 2*NED*NED] (shared between both conv layers)
    w = w_flat.reshape(E, 2 * NED, NED)
    for root, bias in ((root1, bias1), (root2, bias2)):
        x_i = h[dst]  # gather target features
        x_j = h[src]  # gather source features
        nf = jnp.concatenate([x_i, x_j], axis=1)  # [E, 2*NED]
        msg = jnp.einsum('ec,ecd->ed', nf, w)  # [E, NED]
        aggr = jax.ops.segment_sum(msg, dst, num_segments=N)  # scatter-add
        h = aggr + h @ root + bias
    edge_emb = jax.nn.relu(edge_attr @ We + be)
    log_probs = jax.nn.log_softmax(edge_emb, axis=-1)
    return (h, edge_index, edge_emb, log_probs)

if __name__ == "__main__":
    import jax
    _d = setup_inputs()
    print(jax.jit(kernel)(*tuple(_d.values())))

</pallas_src>

<mosaic_0001>
#map = affine_map<(d0, d1) -> (0, 0, 0)>
module attributes {stable_mosaic.version = 14 : i64} {
  func.func @_scatter_body(%arg0: i32, %arg1: i32, %arg2: memref<32x5000x16xf32, #tpu.memory_space<hbm>>, %arg3: memref<32x40x128xi32, #tpu.memory_space<hbm>>, %arg4: memref<2x10000x16xf32, #tpu.memory_space<hbm>>, %arg5: memref<40x128xi32, #tpu.memory_space<vmem>>, %arg6: memref<5120x16xf32, #tpu.memory_space<vmem>>, %arg7: memref<625x16xf32, #tpu.memory_space<vmem>>, %arg8: memref<10000x16xf32, #tpu.memory_space<vmem_shared>>) attributes {dimension_semantics = [#tpu.dimension_semantics<core_parallel>, #tpu.dimension_semantics<subcore_parallel>], iteration_bounds = array<i64: 2, 16>, scalar_prefetch = 0 : i64, scratch_operands = 4 : i64, tpu.core_type = #tpu.core_type<sc_vector_subcore>, window_params = [{transform_indices = #map}, {transform_indices = #map}, {transform_indices = #map}]} {
    %mul3A = arith.constant 2 : i32
    %mul3A_0 = arith.muli %arg1, %mul3A : i32
    %add3A = arith.addi %mul3A_0, %arg0 : i32
    %scan3A = arith.constant 0 : i32
    %scan3A_1 = arith.constant 0 : i32
    %scan3A_2 = arith.constant 625 : i32
    %scan3A_3 = arith.addi %scan3A_1, %scan3A_2 : i32
    %scan3A_4 = arith.constant 1 : i32
    %scan3A_5 = scf.for %scan3A_28 = %scan3A_1 to %scan3A_3 step %scan3A_4 iter_args(%scan3A_29 = %scan3A) -> (i32)  : i32 {
      %broadcast_in_dim3A = arith.constant 0.000000e+00 : f32
      %broadcast_in_dim3A_30 = vector.broadcast %broadcast_in_dim3A : f32 to vector<16xf32>
      %swap3A = arith.index_cast %scan3A_28 : i32 to index
      %swap3A_31 = arith.constant 0 : index
      %swap3A_32 = tpu.vector_load %arg7[%swap3A, %swap3A_31] {strides = array<i32>} : memref<625x16xf32, #tpu.memory_space<vmem>>, vector<1x16xf32>,
      %swap3A_33 = vector.shape_cast %swap3A_32 : vector<1x16xf32> to vector<16xf32>
      %swap3A_34 = vector.shape_cast %broadcast_in_dim3A_30 : vector<16xf32> to vector<1x16xf32>
      tpu.vector_store %arg7[%swap3A, %swap3A_31], %swap3A_34 {strides = array<i32>} : memref<625x16xf32, #tpu.memory_space<vmem>>, vector<1x16xf32>,
      %scan3A_35 = arith.constant 0 : i32
      scf.yield %scan3A_35 : i32
    }
    %scan3A_6 = arith.constant 625 : i32
    %mul3A_7 = arith.constant 625 : i32
    %mul3A_8 = arith.muli %arg1, %mul3A_7 : i32
    "tpu.region"() ({
      %run_scoped3A = tpu.sem_alloc : memref<!tpu.dma_semaphore, #tpu.memory_space<semaphore_mem>>
      %dma_start3A = arith.constant 0 : i32
      %dma_start3A_28 = tpu.memref_slice %arg8[%mul3A_8, %dma_start3A] : memref<10000x16xf32, #tpu.memory_space<vmem_shared>> -> memref<625x16xf32, #tpu.memory_space<vmem_shared>>
      %dma_start3A_29 = arith.constant 0 : i32
      %dma_start3A_30 = tpu.memref_slice %arg8[%mul3A_8, %dma_start3A_29] : memref<10000x16xf32, #tpu.memory_space<vmem_shared>> -> memref<625x16xf32, #tpu.memory_space<vmem_shared>>
      tpu.enqueue_dma source(%arg7 : memref<625x16xf32, #tpu.memory_space<vmem>>) target(%dma_start3A_30 : memref<625x16xf32, #tpu.memory_space<vmem_shared>>) target_semaphore(%run_scoped3A : memref<!tpu.dma_semaphore, #tpu.memory_space<semaphore_mem>>)
      %dma_wait3A = arith.constant 0 : i32
      %dma_wait3A_31 = tpu.memref_slice %arg8[%mul3A_8, %dma_wait3A] : memref<10000x16xf32, #tpu.memory_space<vmem_shared>> -> memref<625x16xf32, #tpu.memory_space<vmem_shared>>
      %dma_wait3A_32 = arith.constant 0 : i32
      %dma_wait3A_33 = tpu.memref_slice %arg8[%mul3A_8, %dma_wait3A_32] : memref<10000x16xf32, #tpu.memory_space<vmem_shared>> -> memref<625x16xf32, #tpu.memory_space<vmem_shared>>
      tpu.wait_dma2 semaphore(%run_scoped3A : memref<!tpu.dma_semaphore, #tpu.memory_space<semaphore_mem>>) src(%arg7 : memref<625x16xf32, #tpu.memory_space<vmem>>) dst(%dma_wait3A_33 : memref<625x16xf32, #tpu.memory_space<vmem_shared>>)
      tpu.yield
    }) : () -> ()
    %scan3A_9 = arith.constant 0 : i32
    %scan3A_10 = arith.constant 0 : i32
    %scan3A_11 = arith.constant 120 : i32
    %scan3A_12 = arith.addi %scan3A_10, %scan3A_11 : i32
    %scan3A_13 = arith.constant 1 : i32
    %scan3A_14 = scf.for %scan3A_28 = %scan3A_10 to %scan3A_12 step %scan3A_13 iter_args(%scan3A_29 = %scan3A_9) -> (i32)  : i32 {
      %broadcast_in_dim3A = arith.constant 0.000000e+00 : f32
      %broadcast_in_dim3A_30 = vector.broadcast %broadcast_in_dim3A : f32 to vector<16xf32>
      %add3A_31 = arith.constant 5000 : i32
      %add3A_32 = arith.addi %add3A_31, %scan3A_28 : i32
      %swap3A = arith.index_cast %add3A_32 : i32 to index
      %swap3A_33 = arith.constant 0 : index
      %swap3A_34 = tpu.vector_load %arg6[%swap3A, %swap3A_33] {strides = array<i32>} : memref<5120x16xf32, #tpu.memory_space<vmem>>, vector<1x16xf32>,
      %swap3A_35 = vector.shape_cast %swap3A_34 : vector<1x16xf32> to vector<16xf32>
      %swap3A_36 = vector.shape_cast %broadcast_in_dim3A_30 : vector<16xf32> to vector<1x16xf32>
      tpu.vector_store %arg6[%swap3A, %swap3A_33], %swap3A_36 {strides = array<i32>} : memref<5120x16xf32, #tpu.memory_space<vmem>>, vector<1x16xf32>,
      %scan3A_37 = arith.constant 0 : i32
      scf.yield %scan3A_37 : i32
    }
    %scan3A_15 = arith.constant 120 : i32
    %barrier3A = arith.constant 0 : index
    tpu.barrier barrier_id(%barrier3A)
    "tpu.region"() ({
      %run_scoped3A = tpu.sem_alloc : memref<!tpu.dma_semaphore, #tpu.memory_space<semaphore_mem>>
      %dma_start3A = arith.constant 0 : i32
      %dma_start3A_28 = arith.constant 0 : i32
      %dma_start3A_29 = tpu.memref_slice %arg3[%add3A, %dma_start3A, %dma_start3A_28] : memref<32x40x128xi32, #tpu.memory_space<hbm>> -> memref<1x40x128xi32, #tpu.memory_space<hbm>>
      %dma_start3A_30 = tpu.memref_squeeze %dma_start3A_29 : memref<1x40x128xi32, #tpu.memory_space<hbm>> -> memref<40x128xi32, #tpu.memory_space<hbm>>
      %dma_start3A_31 = arith.constant 0 : i32
      %dma_start3A_32 = arith.constant 0 : i32
      %dma_start3A_33 = tpu.memref_slice %arg3[%add3A, %dma_start3A_31, %dma_start3A_32] : memref<32x40x128xi32, #tpu.memory_space<hbm>> -> memref<1x40x128xi32, #tpu.memory_space<hbm>>
      %dma_start3A_34 = tpu.memref_squeeze %dma_start3A_33 : memref<1x40x128xi32, #tpu.memory_space<hbm>> -> memref<40x128xi32, #tpu.memory_space<hbm>>
      tpu.enqueue_dma source(%dma_start3A_34 : memref<40x128xi32, #tpu.memory_space<hbm>>) target(%arg5 : memref<40x128xi32, #tpu.memory_space<vmem>>) target_semaphore(%run_scoped3A : memref<!tpu.dma_semaphore, #tpu.memory_space<semaphore_mem>>)
      %dma_wait3A = arith.constant 0 : i32
      %dma_wait3A_35 = arith.constant 0 : i32
      %dma_wait3A_36 = tpu.memref_slice %arg3[%add3A, %dma_wait3A, %dma_wait3A_35] : memref<32x40x128xi32, #tpu.memory_space<hbm>> -> memref<1x40x128xi32, #tpu.memory_space<hbm>>
      %dma_wait3A_37 = tpu.memref_squeeze %dma_wait3A_36 : memref<1x40x128xi32, #tpu.memory_space<hbm>> -> memref<40x128xi32, #tpu.memory_space<hbm>>
      %dma_wait3A_38 = arith.constant 0 : i32
      %dma_wait3A_39 = arith.constant 0 : i32
      %dma_wait3A_40 = tpu.memref_slice %arg3[%add3A, %dma_wait3A_38, %dma_wait3A_39] : memref<32x40x128xi32, #tpu.memory_space<hbm>> -> memref<1x40x128xi32, #tpu.memory_space<hbm>>
      %dma_wait3A_41 = tpu.memref_squeeze %dma_wait3A_40 : memref<1x40x128xi32, #tpu.memory_space<hbm>> -> memref<40x128xi32, #tpu.memory_space<hbm>>
      tpu.wait_dma2 semaphore(%run_scoped3A : memref<!tpu.dma_semaphore, #tpu.memory_space<semaphore_mem>>) src(%dma_wait3A_41 : memref<40x128xi32, #tpu.memory_space<hbm>>) dst(%arg5 : memref<40x128xi32, #tpu.memory_space<vmem>>)
      tpu.yield
    }) : () -> ()
    "tpu.region"() ({
      %run_scoped3A = tpu.sem_alloc : memref<!tpu.dma_semaphore, #tpu.memory_space<semaphore_mem>>
      %dma_start3A = arith.constant 0 : i32
      %dma_start3A_28 = arith.constant 0 : i32
      %dma_start3A_29 = tpu.memref_slice %arg6[%dma_start3A, %dma_start3A_28] : memref<5120x16xf32, #tpu.memory_space<vmem>> -> memref<5000x16xf32, #tpu.memory_space<vmem>>
      %dma_start3A_30 = arith.constant 0 : i32
      %dma_start3A_31 = arith.constant 0 : i32
      %dma_start3A_32 = tpu.memref_slice %arg2[%add3A, %dma_start3A_30, %dma_start3A_31] : memref<32x5000x16xf32, #tpu.memory_space<hbm>> -> memref<1x5000x16xf32, #tpu.memory_space<hbm>>
      %dma_start3A_33 = tpu.memref_squeeze %dma_start3A_32 : memref<1x5000x16xf32, #tpu.memory_space<hbm>> -> memref<5000x16xf32, #tpu.memory_space<hbm>>
      %dma_start3A_34 = arith.constant 0 : i32
      %dma_start3A_35 = arith.constant 0 : i32
      %dma_start3A_36 = tpu.memref_slice %arg6[%dma_start3A_34, %dma_start3A_35] : memref<5120x16xf32, #tpu.memory_space<vmem>> -> memref<5000x16xf32, #tpu.memory_space<vmem>>
      %dma_start3A_37 = arith.constant 0 : i32
      %dma_start3A_38 = arith.constant 0 : i32
      %dma_start3A_39 = tpu.memref_slice %arg2[%add3A, %dma_start3A_37, %dma_start3A_38] : memref<32x5000x16xf32, #tpu.memory_space<hbm>> -> memref<1x5000x16xf32, #tpu.memory_space<hbm>>
      %dma_start3A_40 = tpu.memref_squeeze %dma_start3A_39 : memref<1x5000x16xf32, #tpu.memory_space<hbm>> -> memref<5000x16xf32, #tpu.memory_space<hbm>>
      tpu.enqueue_dma source(%dma_start3A_40 : memref<5000x16xf32, #tpu.memory_space<hbm>>) target(%dma_start3A_36 : memref<5000x16xf32, #tpu.memory_space<vmem>>) target_semaphore(%run_scoped3A : memref<!tpu.dma_semaphore, #tpu.memory_space<semaphore_mem>>)
      %dma_wait3A = arith.constant 0 : i32
      %dma_wait3A_41 = arith.constant 0 : i32
      %dma_wait3A_42 = tpu.memref_slice %arg6[%dma_wait3A, %dma_wait3A_41] : memref<5120x16xf32, #tpu.memory_space<vmem>> -> memref<5000x16xf32, #tpu.memory_space<vmem>>
      %dma_wait3A_43 = arith.constant 0 : i32
      %dma_wait3A_44 = arith.constant 0 : i32
      %dma_wait3A_45 = tpu.memref_slice %arg2[%add3A, %dma_wait3A_43, %dma_wait3A_44] : memref<32x5000x16xf32, #tpu.memory_space<hbm>> -> memref<1x5000x16xf32, #tpu.memory_space<hbm>>
      %dma_wait3A_46 = tpu.memref_squeeze %dma_wait3A_45 : memref<1x5000x16xf32, #tpu.memory_space<hbm>> -> memref<5000x16xf32, #tpu.memory_space<hbm>>
      %dma_wait3A_47 = arith.constant 0 : i32
      %dma_wait3A_48 = arith.constant 0 : i32
      %dma_wait3A_49 = tpu.memref_slice %arg6[%dma_wait3A_47, %dma_wait3A_48] : memref<5120x16xf32, #tpu.memory_space<vmem>> -> memref<5000x16xf32, #tpu.memory_space<vmem>>
      %dma_wait3A_50 = arith.constant 0 : i32
      %dma_wait3A_51 = arith.constant 0 : i32
      %dma_wait3A_52 = tpu.memref_slice %arg2[%add3A, %dma_wait3A_50, %dma_wait3A_51] : memref<32x5000x16xf32, #tpu.memory_space<hbm>> -> memref<1x5000x16xf32, #tpu.memory_space<hbm>>
      %dma_wait3A_53 = tpu.memref_squeeze %dma_wait3A_52 : memref<1x5000x16xf32, #tpu.memory_space<hbm>> -> memref<5000x16xf32, #tpu.memory_space<hbm>>
      tpu.wait_dma2 semaphore(%run_scoped3A : memref<!tpu.dma_semaphore, #tpu.memory_space<semaphore_mem>>) src(%dma_wait3A_53 : memref<5000x16xf32, #tpu.memory_space<hbm>>) dst(%dma_wait3A_49 : memref<5000x16xf32, #tpu.memory_space<vmem>>)
      tpu.yield
    }) : () -> ()
    %scan3A_16 = arith.constant 0 : i32
    %scan3A_17 = arith.constant 0 : i32
    %scan3A_18 = arith.constant 40 : i32
    %scan3A_19 = arith.addi %scan3A_17, %scan3A_18 : i32
    %scan3A_20 = arith.constant 1 : i32
    %scan3A_21 = scf.for %scan3A_28 = %scan3A_17 to %scan3A_19 step %scan3A_20 iter_args(%scan3A_29 = %scan3A_16) -> (i32)  : i32 {
      %mul3A_30 = arith.constant 128 : i32
      %mul3A_31 = arith.muli %scan3A_28, %mul3A_30 : i32
      "tpu.region"() ({
        %run_scoped3A = tpu.sem_alloc : memref<!tpu.dma_semaphore, #tpu.memory_space<semaphore_mem>>
        %dma_start3A = arith.constant 0 : i32
        %dma_start3A_33 = tpu.memref_slice %arg6[%mul3A_31, %dma_start3A] : memref<5120x16xf32, #tpu.memory_space<vmem>> -> memref<128x16xf32, #tpu.memory_space<vmem>>
        %dma_start3A_34 = arith.constant 0 : i32
        %dma_start3A_35 = tpu.memref_slice %arg5[%scan3A_28, %dma_start3A_34] : memref<40x128xi32, #tpu.memory_space<vmem>> -> memref<1x128xi32, #tpu.memory_space<vmem>>
        %dma_start3A_36 = tpu.memref_squeeze %dma_start3A_35 : memref<1x128xi32, #tpu.memory_space<vmem>> -> memref<128xi32, #tpu.memory_space<vmem>>
        %dma_start3A_37 = arith.constant 0 : i32
        %dma_start3A_38 = arith.constant 0 : i32
        %dma_start3A_39 = tpu.memref_slice %arg8[%dma_start3A_37, %dma_start3A_38] : memref<10000x16xf32, #tpu.memory_space<vmem_shared>> -> memref<10000x16xf32, #tpu.memory_space<vmem_shared>>
        tpu.enqueue_indirect_dma source(%dma_start3A_33 : memref<128x16xf32, #tpu.memory_space<vmem>>) target(%dma_start3A_39 : memref<10000x16xf32, #tpu.memory_space<vmem_shared>>) offsets(%dma_start3A_36 : memref<128xi32, #tpu.memory_space<vmem>>) semaphore(%run_scoped3A : memref<!tpu.dma_semaphore, #tpu.memory_space<semaphore_mem>>) {add = true}
        %dma_wait3A = arith.constant 0 : i32
        %dma_wait3A_40 = tpu.memref_slice %arg6[%mul3A_31, %dma_wait3A] : memref<5120x16xf32, #tpu.memory_space<vmem>> -> memref<128x16xf32, #tpu.memory_space<vmem>>
        %dma_wait3A_41 = arith.constant 0 : i32
        %dma_wait3A_42 = tpu.memref_slice %arg5[%scan3A_28, %dma_wait3A_41] : memref<40x128xi32, #tpu.memory_space<vmem>> -> memref<1x128xi32, #tpu.memory_space<vmem>>
        %dma_wait3A_43 = tpu.memref_squeeze %dma_wait3A_42 : memref<1x128xi32, #tpu.memory_space<vmem>> -> memref<128xi32, #tpu.memory_space<vmem>>
        %dma_wait3A_44 = arith.constant 0 : i32
        %dma_wait3A_45 = arith.constant 0 : i32
        %dma_wait3A_46 = tpu.memref_slice %arg8[%dma_wait3A_44, %dma_wait3A_45] : memref<10000x16xf32, #tpu.memory_space<vmem_shared>> -> memref<10000x16xf32, #tpu.memory_space<vmem_shared>>
        tpu.wait_indirect_dma semaphore(%run_scoped3A : memref<!tpu.dma_semaphore, #tpu.memory_space<semaphore_mem>>) src(%dma_wait3A_40 : memref<128x16xf32, #tpu.memory_space<vmem>>) dst(%dma_wait3A_46 : memref<10000x16xf32, #tpu.memory_space<vmem_shared>>)
        tpu.yield
      }) : () -> ()
      %scan3A_32 = arith.constant 0 : i32
      scf.yield %scan3A_32 : i32
    }
    %scan3A_22 = arith.constant 40 : i32
    %barrier3A_23 = arith.constant 0 : index
    tpu.barrier barrier_id(%barrier3A_23)
    %mul3A_24 = arith.constant 625 : i32
    %mul3A_25 = arith.muli %arg1, %mul3A_24 : i32
    %mul3A_26 = arith.constant 625 : i32
    %mul3A_27 = arith.muli %arg1, %mul3A_26 : i32
    "tpu.region"() ({
      %run_scoped3A = tpu.sem_alloc : memref<!tpu.dma_semaphore, #tpu.memory_space<semaphore_mem>>
      %dma_start3A = arith.constant 0 : i32
      %dma_start3A_28 = tpu.memref_slice %arg4[%arg0, %mul3A_27, %dma_start3A] : memref<2x10000x16xf32, #tpu.memory_space<hbm>> -> memref<1x625x16xf32, #tpu.memory_space<hbm>>
      %dma_start3A_29 = tpu.memref_squeeze %dma_start3A_28 : memref<1x625x16xf32, #tpu.memory_space<hbm>> -> memref<625x16xf32, #tpu.memory_space<hbm>>
      %dma_start3A_30 = arith.constant 0 : i32
      %dma_start3A_31 = tpu.memref_slice %arg8[%mul3A_25, %dma_start3A_30] : memref<10000x16xf32, #tpu.memory_space<vmem_shared>> -> memref<625x16xf32, #tpu.memory_space<vmem_shared>>
      tpu.enqueue_dma source(%dma_start3A_31 : memref<625x16xf32, #tpu.memory_space<vmem_shared>>) target(%dma_start3A_29 : memref<625x16xf32, #tpu.memory_space<hbm>>) target_semaphore(%run_scoped3A : memref<!tpu.dma_semaphore, #tpu.memory_space<semaphore_mem>>)
      %dma_wait3A = arith.constant 0 : i32
      %dma_wait3A_32 = tpu.memref_slice %arg4[%arg0, %mul3A_27, %dma_wait3A] : memref<2x10000x16xf32, #tpu.memory_space<hbm>> -> memref<1x625x16xf32, #tpu.memory_space<hbm>>
      %dma_wait3A_33 = tpu.memref_squeeze %dma_wait3A_32 : memref<1x625x16xf32, #tpu.memory_space<hbm>> -> memref<625x16xf32, #tpu.memory_space<hbm>>
      %dma_wait3A_34 = arith.constant 0 : i32
      %dma_wait3A_35 = tpu.memref_slice %arg8[%mul3A_25, %dma_wait3A_34] : memref<10000x16xf32, #tpu.memory_space<vmem_shared>> -> memref<625x16xf32, #tpu.memory_space<vmem_shared>>
      tpu.wait_dma2 semaphore(%run_scoped3A : memref<!tpu.dma_semaphore, #tpu.memory_space<semaphore_mem>>) src(%dma_wait3A_35 : memref<625x16xf32, #tpu.memory_space<vmem_shared>>) dst(%dma_wait3A_33 : memref<625x16xf32, #tpu.memory_space<hbm>>)
      tpu.yield
    }) : () -> ()
    return
  }
}

#map = affine_map<(d0, d1) -> (0, 0)>
#map1 = affine_map<(d0, d1) -> (0, 0, 0)>
module attributes {stable_mosaic.version = 14 : i64} {
  func.func @_gather_body(%arg0: i32, %arg1: i32, %arg2: memref<10000x16xf32, #tpu.memory_space<hbm>>, %arg3: memref<32x40x128xi32, #tpu.memory_space<hbm>>, %arg4: memref<32x40x128xi32, #tpu.memory_space<hbm>>, %arg5: memref<32x5000x16xf32, #tpu.memory_space<hbm>>, %arg6: memref<32x5000x16xf32, #tpu.memory_space<hbm>>, %arg7: memref<40x128xi32, #tpu.memory_space<vmem>>, %arg8: memref<40x128xi32, #tpu.memory_space<vmem>>, %arg9: memref<1024x16xf32, #tpu.memory_space<vmem>>, %arg10: memref<1024x16xf32, #tpu.memory_space<vmem>>, %arg11: memref<!tpu.dma_semaphore, #tpu.memory_space<semaphore_mem>>, %arg12: memref<!tpu.dma_semaphore, #tpu.memory_space<semaphore_mem>>) attributes {dimension_semantics = [#tpu.dimension_semantics<core_parallel>, #tpu.dimension_semantics<subcore_parallel>], iteration_bounds = array<i64: 2, 16>, scalar_prefetch = 0 : i64, scratch_operands = 6 : i64, tpu.core_type = #tpu.core_type<sc_vector_subcore>, window_params = [{transform_indices = #map}, {transform_indices = #map1}, {transform_indices = #map1}, {transform_indices = #map1}, {transform_indices = #map1}]} {
    %mul3A = arith.constant 2 : i32
    %mul3A_0 = arith.muli %arg1, %mul3A : i32
    %add3A = arith.addi %mul3A_0, %arg0 : i32
    "tpu.region"() ({
      %run_scoped3A = tpu.sem_alloc : memref<!tpu.dma_semaphore, #tpu.memory_space<semaphore_mem>>
      %dma_start3A_325 = arith.constant 0 : i32
      %dma_start3A_326 = arith.constant 0 : i32
      %dma_start3A_327 = tpu.memref_slice %arg3[%add3A, %dma_start3A_325, %dma_start3A_326] : memref<32x40x128xi32, #tpu.memory_space<hbm>> -> memref<1x40x128xi32, #tpu.memory_space<hbm>>
      %dma_start3A_328 = tpu.memref_squeeze %dma_start3A_327 : memref<1x40x128xi32, #tpu.memory_space<hbm>> -> memref<40x128xi32, #tpu.memory_space<hbm>>
      %dma_start3A_329 = arith.constant 0 : i32
      %dma_start3A_330 = arith.constant 0 : i32
      %dma_start3A_331 = tpu.memref_slice %arg3[%add3A, %dma_start3A_329, %dma_start3A_330] : memref<32x40x128xi32, #tpu.memory_space<hbm>> -> memref<1x40x128xi32, #tpu.memory_space<hbm>>
      %dma_start3A_332 = tpu.memref_squeeze %dma_start3A_331 : memref<1x40x128xi32, #tpu.memory_space<hbm>> -> memref<40x128xi32, #tpu.memory_space<hbm>>
      tpu.enqueue_dma source(%dma_start3A_332 : memref<40x128xi32, #tpu.memory_space<hbm>>) target(%arg7 : memref<40x128xi32, #tpu.memory_space<vmem>>) target_semaphore(%run_scoped3A : memref<!tpu.dma_semaphore, #tpu.memory_space<semaphore_mem>>)
      %dma_wait3A_333 = arith.constant 0 : i32
      %dma_wait3A_334 = arith.constant 0 : i32
      %dma_wait3A_335 = tpu.memref_slice %arg3[%add3A, %dma_wait3A_333, %dma_wait3A_334] : memref<32x40x128xi32, #tpu.memory_space<hbm>> -> memref<1x40x128xi32, #tpu.memory_space<hbm>>
      %dma_wait3A_336 = tpu.memref_squeeze %dma_wait3A_335 : memref<1x40x128xi32, #tpu.memory_space<hbm>> -> memref<40x128xi32, #tpu.memory_space<hbm>>
      %dma_wait3A_337 = arith.constant 0 : i32
      %dma_wait3A_338 = arith.constant 0 : i32
      %dma_wait3A_339 = tpu.memref_slice %arg3[%add3A, %dma_wait3A_337, %dma_wait3A_338] : memref<32x40x128xi32, #tpu.memory_space<hbm>> -> memref<1x40x128xi32, #tpu.memory_space<hbm>>
      %dma_wait3A_340 = tpu.memref_squeeze %dma_wait3A_339 : memref<1x40x128xi32, #tpu.memory_space<hbm>> -> memref<40x128xi32, #tpu.memory_space<hbm>>
      tpu.wait_dma2 semaphore(%run_scoped3A : memref<!tpu.dma_semaphore, #tpu.memory_space<semaphore_mem>>) src(%dma_wait3A_340 : memref<40x128xi32, #tpu.memory_space<hbm>>) dst(%arg7 : memref<40x128xi32, #tpu.memory_space<vmem>>)
      tpu.yield
    }) : () -> ()
    "tpu.region"() ({
      %run_scoped3A = tpu.sem_alloc : memref<!tpu.dma_semaphore, #tpu.memory_space<semaphore_mem>>
      %dma_start3A_325 = arith.constant 0 : i32
      %dma_start3A_326 = arith.constant 0 : i32
      %dma_start3A_327 = tpu.memref_slice %arg4[%add3A, %dma_start3A_325, %dma_start3A_326] : memref<32x40x128xi32, #tpu.memory_space<hbm>> -> memref<1x40x128xi32, #tpu.memory_space<hbm>>
      %dma_start3A_328 = tpu.memref_squeeze %dma_start3A_327 : memref<1x40x128xi32, #tpu.memory_space<hbm>> -> memref<40x128xi32, #tpu.memory_space<hbm>>
      %dma_start3A_329 = arith.constant 0 : i32
      %dma_start3A_330 = arith.constant 0 : i32
      %dma_start3A_331 = tpu.memref_slice %arg4[%add3A, %dma_start3A_329, %dma_start3A_330] : memref<32x40x128xi32, #tpu.memory_space<hbm>> -> memref<1x40x128xi32, #tpu.memory_space<hbm>>
      %dma_start3A_332 = tpu.memref_squeeze %dma_start3A_331 : memref<1x40x128xi32, #tpu.memory_space<hbm>> -> memref<40x128xi32, #tpu.memory_space<hbm>>
      tpu.enqueue_dma source(%dma_start3A_332 : memref<40x128xi32, #tpu.memory_space<hbm>>) target(%arg8 : memref<40x128xi32, #tpu.memory_space<vmem>>) target_semaphore(%run_scoped3A : memref<!tpu.dma_semaphore, #tpu.memory_space<semaphore_mem>>)
      %dma_wait3A_333 = arith.constant 0 : i32
      %dma_wait3A_334 = arith.constant 0 : i32
      %dma_wait3A_335 = tpu.memref_slice %arg4[%add3A, %dma_wait3A_333, %dma_wait3A_334] : memref<32x40x128xi32, #tpu.memory_space<hbm>> -> memref<1x40x128xi32, #tpu.memory_space<hbm>>
      %dma_wait3A_336 = tpu.memref_squeeze %dma_wait3A_335 : memref<1x40x128xi32, #tpu.memory_space<hbm>> -> memref<40x128xi32, #tpu.memory_space<hbm>>
      %dma_wait3A_337 = arith.constant 0 : i32
      %dma_wait3A_338 = arith.constant 0 : i32
      %dma_wait3A_339 = tpu.memref_slice %arg4[%add3A, %dma_wait3A_337, %dma_wait3A_338] : memref<32x40x128xi32, #tpu.memory_space<hbm>> -> memref<1x40x128xi32, #tpu.memory_space<hbm>>
      %dma_wait3A_340 = tpu.memref_squeeze %dma_wait3A_339 : memref<1x40x128xi32, #tpu.memory_space<hbm>> -> memref<40x128xi32, #tpu.memory_space<hbm>>
      tpu.wait_dma2 semaphore(%run_scoped3A : memref<!tpu.dma_semaphore, #tpu.memory_space<semaphore_mem>>) src(%dma_wait3A_340 : memref<40x128xi32, #tpu.memory_space<hbm>>) dst(%arg8 : memref<40x128xi32, #tpu.memory_space<vmem>>)
      tpu.yield
    }) : () -> ()
    %scan3A = arith.constant 0 : i32
    %scan3A_1 = arith.constant 0 : i32
    %scan3A_2 = arith.constant 4 : i32
    %scan3A_3 = arith.addi %scan3A_1, %scan3A_2 : i32
    %scan3A_4 = arith.constant 1 : i32
    %scan3A_5 = scf.for %scan3A_325 = %scan3A_1 to %scan3A_3 step %scan3A_4 iter_args(%scan3A_326 = %scan3A) -> (i32)  : i32 {
      %mul3A_327 = arith.constant 8 : i32
      %mul3A_328 = arith.muli %scan3A_325, %mul3A_327 : i32
      %add3A_329 = arith.constant 0 : i32
      %add3A_330 = arith.addi %mul3A_328, %add3A_329 : i32
      %dma_start3A_331 = arith.constant 0 : i32
      %dma_start3A_332 = arith.constant 0 : i32
      %dma_start3A_333 = tpu.memref_slice %arg9[%dma_start3A_331, %dma_start3A_332] : memref<1024x16xf32, #tpu.memory_space<vmem>> -> memref<128x16xf32, #tpu.memory_space<vmem>>
      %dma_start3A_334 = arith.constant 0 : i32
      %dma_start3A_335 = tpu.memref_slice %arg7[%add3A_330, %dma_start3A_334] : memref<40x128xi32, #tpu.memory_space<vmem>> -> memref<1x128xi32, #tpu.memory_space<vmem>>
      %dma_start3A_336 = tpu.memref_squeeze %dma_start3A_335 : memref<1x128xi32, #tpu.memory_space<vmem>> -> memref<128xi32, #tpu.memory_space<vmem>>
      %dma_start3A_337 = arith.constant 0 : i32
      %dma_start3A_338 = arith.constant 0 : i32
      %dma_start3A_339 = tpu.memref_slice %arg2[%dma_start3A_337, %dma_start3A_338] : memref<10000x16xf32, #tpu.memory_space<hbm>> -> memref<10000x16xf32, #tpu.memory_space<hbm>>
      tpu.enqueue_indirect_dma source(%dma_start3A_339 : memref<10000x16xf32, #tpu.memory_space<hbm>>) target(%dma_start3A_333 : memref<128x16xf32, #tpu.memory_space<vmem>>) offsets(%dma_start3A_336 : memref<128xi32, #tpu.memory_space<vmem>>) semaphore(%arg11 : memref<!tpu.dma_semaphore, #tpu.memory_space<semaphore_mem>>)
      %dma_start3A_340 = arith.constant 0 : i32
      %dma_start3A_341 = arith.constant 0 : i32
      %dma_start3A_342 = tpu.memref_slice %arg10[%dma_start3A_340, %dma_start3A_341] : memref<1024x16xf32, #tpu.memory_space<vmem>> -> memref<128x16xf32, #tpu.memory_space<vmem>>
      %dma_start3A_343 = arith.constant 0 : i32
      %dma_start3A_344 = tpu.memref_slice %arg8[%add3A_330, %dma_start3A_343] : memref<40x128xi32, #tpu.memory_space<vmem>> -> memref<1x128xi32, #tpu.memory_space<vmem>>
      %dma_start3A_345 = tpu.memref_squeeze %dma_start3A_344 : memref<1x128xi32, #tpu.memory_space<vmem>> -> memref<128xi32, #tpu.memory_space<vmem>>
      %dma_start3A_346 = arith.constant 0 : i32
      %dma_start3A_347 = arith.constant 0 : i32
      %dma_start3A_348 = tpu.memref_slice %arg2[%dma_start3A_346, %dma_start3A_347] : memref<10000x16xf32, #tpu.memory_space<hbm>> -> memref<10000x16xf32, #tpu.memory_space<hbm>>
      tpu.enqueue_indirect_dma source(%dma_start3A_348 : memref<10000x16xf32, #tpu.memory_space<hbm>>) target(%dma_start3A_342 : memref<128x16xf32, #tpu.memory_space<vmem>>) offsets(%dma_start3A_345 : memref<128xi32, #tpu.memory_space<vmem>>) semaphore(%arg12 : memref<!tpu.dma_semaphore, #tpu.memory_space<semaphore_mem>>)
      %mul3A_349 = arith.constant 8 : i32
      %mul3A_350 = arith.muli %scan3A_325, %mul3A_349 : i32
      %add3A_351 = arith.constant 1 : i32
      %add3A_352 = arith.addi %mul3A_350, %add3A_351 : i32
      %dma_start3A_353 = arith.constant 128 : i32
      %dma_start3A_354 = arith.constant 0 : i32
      %dma_start3A_355 = tpu.memref_slice %arg9[%dma_start3A_353, %dma_start3A_354] : memref<1024x16xf32, #tpu.memory_space<vmem>> -> memref<128x16xf32, #tpu.memory_space<vmem>>
      %dma_start3A_356 = arith.constant 0 : i32
      %dma_start3A_357 = tpu.memref_slice %arg7[%add3A_352, %dma_start3A_356] : memref<40x128xi32, #tpu.memory_space<vmem>> -> memref<1x128xi32, #tpu.memory_space<vmem>>
      %dma_start3A_358 = tpu.memref_squeeze %dma_start3A_357 : memref<1x128xi32, #tpu.memory_space<vmem>> -> memref<128xi32, #tpu.memory_space<vmem>>
      %dma_start3A_359 = arith.constant 0 : i32
      %dma_start3A_360 = arith.constant 0 : i32
      %dma_start3A_361 = tpu.memref_slice %arg2[%dma_start3A_359, %dma_start3A_360] : memref<10000x16xf32, #tpu.memory_space<hbm>> -> memref<10000x16xf32, #tpu.memory_space<hbm>>
      tpu.enqueue_indirect_dma source(%dma_start3A_361 : memref<10000x16xf32, #tpu.memory_space<hbm>>) target(%dma_start3A_355 : memref<128x16xf32, #tpu.memory_space<vmem>>) offsets(%dma_start3A_358 : memref<128xi32, #tpu.memory_space<vmem>>) semaphore(%arg11 : memref<!tpu.dma_semaphore, #tpu.memory_space<semaphore_mem>>)
      %dma_start3A_362 = arith.constant 128 : i32
      %dma_start3A_363 = arith.constant 0 : i32
      %dma_start3A_364 = tpu.memref_slice %arg10[%dma_start3A_362, %dma_start3A_363] : memref<1024x16xf32, #tpu.memory_space<vmem>> -> memref<128x16xf32, #tpu.memory_space<vmem>>
      %dma_start3A_365 = arith.constant 0 : i32
      %dma_start3A_366 = tpu.memref_slice %arg8[%add3A_352, %dma_start3A_365] : memref<40x128xi32, #tpu.memory_space<vmem>> -> memref<1x128xi32, #tpu.memory_space<vmem>>
      %dma_start3A_367 = tpu.memref_squeeze %dma_start3A_366 : memref<1x128xi32, #tpu.memory_space<vmem>> -> memref<128xi32, #tpu.memory_space<vmem>>
      %dma_start3A_368 = arith.constant 0 : i32
      %dma_start3A_369 = arith.constant 0 : i32
      %dma_start3A_370 = tpu.memref_slice %arg2[%dma_start3A_368, %dma_start3A_369] : memref<10000x16xf32, #tpu.memory_space<hbm>> -> memref<10000x16xf32, #tpu.memory_space<hbm>>
      tpu.enqueue_indirect_dma source(%dma_start3A_370 : memref<10000x16xf32, #tpu.memory_space<hbm>>) target(%dma_start3A_364 : memref<128x16xf32, #tpu.memory_space<vmem>>) offsets(%dma_start3A_367 : memref<128xi32, #tpu.memory_space<vmem>>) semaphore(%arg12 : memref<!tpu.dma_semaphore, #tpu.memory_space<semaphore_mem>>)
      %mul3A_371 = arith.constant 8 : i32
      %mul3A_372 = arith.muli %scan3A_325, %mul3A_371 : i32
      %add3A_373 = arith.constant 2 : i32
      %add3A_374 = arith.addi %mul3A_372, %add3A_373 : i32
      %dma_start3A_375 = arith.constant 256 : i32
      %dma_start3A_376 = arith.constant 0 : i32
      %dma_start3A_377 = tpu.memref_slice %arg9[%dma_start3A_375, %dma_start3A_376] : memref<1024x16xf32, #tpu.memory_space<vmem>> -> memref<128x16xf32, #tpu.memory_space<vmem>>
      %dma_start3A_378 = arith.constant 0 : i32
      %dma_start3A_379 = tpu.memref_slice %arg7[%add3A_374, %dma_start3A_378] : memref<40x128xi32, #tpu.memory_space<vmem>> -> memref<1x128xi32, #tpu.memory_space<vmem>>
      %dma_start3A_380 = tpu.memref_squeeze %dma_start3A_379 : memref<1x128xi32, #tpu.memory_space<vmem>> -> memref<128xi32, #tpu.memory_space<vmem>>
      %dma_start3A_381 = arith.constant 0 : i32
      %dma_start3A_382 = arith.constant 0 : i32
      %dma_start3A_383 = tpu.memref_slice %arg2[%dma_start3A_381, %dma_start3A_382] : memref<10000x16xf32, #tpu.memory_space<hbm>> -> memref<10000x16xf32, #tpu.memory_space<hbm>>
      tpu.enqueue_indirect_dma source(%dma_start3A_383 : memref<10000x16xf32, #tpu.memory_space<hbm>>) target(%dma_start3A_377 : memref<128x16xf32, #tpu.memory_space<vmem>>) offsets(%dma_start3A_380 : memref<128xi32, #tpu.memory_space<vmem>>) semaphore(%arg11 : memref<!tpu.dma_semaphore, #tpu.memory_space<semaphore_mem>>)
      %dma_start3A_384 = arith.constant 256 : i32
      %dma_start3A_385 = arith.constant 0 : i32
      %dma_start3A_386 = tpu.memref_slice %arg10[%dma_start3A_384, %dma_start3A_385] : memref<1024x16xf32, #tpu.memory_space<vmem>> -> memref<128x16xf32, #tpu.memory_space<vmem>>
      %dma_start3A_387 = arith.constant 0 : i32
      %dma_start3A_388 = tpu.memref_slice %arg8[%add3A_374, %dma_start3A_387] : memref<40x128xi32, #tpu.memory_space<vmem>> -> memref<1x128xi32, #tpu.memory_space<vmem>>
      %dma_start3A_389 = tpu.memref_squeeze %dma_start3A_388 : memref<1x128xi32, #tpu.memory_space<vmem>> -> memref<128xi32, #tpu.memory_space<vmem>>
      %dma_start3A_390 = arith.constant 0 : i32
      %dma_start3A_391 = arith.constant 0 : i32
      %dma_start3A_392 = tpu.memref_slice %arg2[%dma_start3A_390, %dma_start3A_391] : memref<10000x16xf32, #tpu.memory_space<hbm>> -> memref<10000x16xf32, #tpu.memory_space<hbm>>
      tpu.enqueue_indirect_dma source(%dma_start3A_392 : memref<10000x16xf32, #tpu.memory_space<hbm>>) target(%dma_start3A_386 : memref<128x16xf32, #tpu.memory_space<vmem>>) offsets(%dma_start3A_389 : memref<128xi32, #tpu.memory_space<vmem>>) semaphore(%arg12 : memref<!tpu.dma_semaphore, #tpu.memory_space<semaphore_mem>>)
      %mul3A_393 = arith.constant 8 : i32
      %mul3A_394 = arith.muli %scan3A_325, %mul3A_393 : i32
      %add3A_395 = arith.constant 3 : i32
      %add3A_396 = arith.addi %mul3A_394, %add3A_395 : i32
      %dma_start3A_397 = arith.constant 384 : i32
      %dma_start3A_398 = arith.constant 0 : i32
      %dma_start3A_399 = tpu.memref_slice %arg9[%dma_start3A_397, %dma_start3A_398] : memref<1024x16xf32, #tpu.memory_space<vmem>> -> memref<128x16xf32, #tpu.memory_space<vmem>>
      %dma_start3A_400 = arith.constant 0 : i32
      %dma_start3A_401 = tpu.memref_slice %arg7[%add3A_396, %dma_start3A_400] : memref<40x128xi32, #tpu.memory_space<vmem>> -> memref<1x128xi32, #tpu.memory_space<vmem>>
      %dma_start3A_402 = tpu.memref_squeeze %dma_start3A_401 : memref<1x128xi32, #tpu.memory_space<vmem>> -> memref<128xi32, #tpu.memory_space<vmem>>
      %dma_start3A_403 = arith.constant 0 : i32
      %dma_start3A_404 = arith.constant 0 : i32
      %dma_start3A_405 = tpu.memref_slice %arg2[%dma_start3A_403, %dma_start3A_404] : memref<10000x16xf32, #tpu.memory_space<hbm>> -> memref<10000x16xf32, #tpu.memory_space<hbm>>
      tpu.enqueue_indirect_dma source(%dma_start3A_405 : memref<10000x16xf32, #tpu.memory_space<hbm>>) target(%dma_start3A_399 : memref<128x16xf32, #tpu.memory_space<vmem>>) offsets(%dma_start3A_402 : memref<128xi32, #tpu.memory_space<vmem>>) semaphore(%arg11 : memref<!tpu.dma_semaphore, #tpu.memory_space<semaphore_mem>>)
      %dma_start3A_406 = arith.constant 384 : i32
      %dma_start3A_407 = arith.constant 0 : i32
      %dma_start3A_408 = tpu.memref_slice %arg10[%dma_start3A_406, %dma_start3A_407] : memref<1024x16xf32, #tpu.memory_space<vmem>> -> memref<128x16xf32, #tpu.memory_space<vmem>>
      %dma_start3A_409 = arith.constant 0 : i32
      %dma_start3A_410 = tpu.memref_slice %arg8[%add3A_396, %dma_start3A_409] : memref<40x128xi32, #tpu.memory_space<vmem>> -> memref<1x128xi32, #tpu.memory_space<vmem>>
      %dma_start3A_411 = tpu.memref_squeeze %dma_start3A_410 : memref<1x128xi32, #tpu.memory_space<vmem>> -> memref<128xi32, #tpu.memory_space<vmem>>
      %dma_start3A_412 = arith.constant 0 : i32
      %dma_start3A_413 = arith.constant 0 : i32
      %dma_start3A_414 = tpu.memref_slice %arg2[%dma_start3A_412, %dma_start3A_413] : memref<10000x16xf32, #tpu.memory_space<hbm>> -> memref<10000x16xf32, #tpu.memory_space<hbm>>
      tpu.enqueue_indirect_dma source(%dma_start3A_414 : memref<10000x16xf32, #tpu.memory_space<hbm>>) target(%dma_start3A_408 : memref<128x16xf32, #tpu.memory_space<vmem>>) offsets(%dma_start3A_411 : memref<128xi32, #tpu.memory_space<vmem>>) semaphore(%arg12 : memref<!tpu.dma_semaphore, #tpu.memory_space<semaphore_mem>>)
      %mul3A_415 = arith.constant 8 : i32
      %mul3A_416 = arith.muli %scan3A_325, %mul3A_415 : i32
      %add3A_417 = arith.constant 4 : i32
      %add3A_418 = arith.addi %mul3A_416, %add3A_417 : i32
      %dma_start3A_419 = arith.constant 512 : i32
      %dma_start3A_420 = arith.constant 0 : i32
      %dma_start3A_421 = tpu.memref_slice %arg9[%dma_start3A_419, %dma_start3A_420] : memref<1024x16xf32, #tpu.memory_space<vmem>> -> memref<128x16xf32, #tpu.memory_space<vmem>>
      %dma_start3A_422 = arith.constant 0 : i32
      %dma_start3A_423 = tpu.memref_slice %arg7[%add3A_418, %dma_start3A_422] : memref<40x128xi32, #tpu.memory_space<vmem>> -> memref<1x128xi32, #tpu.memory_space<vmem>>
      %dma_start3A_424 = tpu.memref_squeeze %dma_start3A_423 : memref<1x128xi32, #tpu.memory_space<vmem>> -> memref<128xi32, #tpu.memory_space<vmem>>
      %dma_start3A_425 = arith.constant 0 : i32
      %dma_start3A_426 = arith.constant 0 : i32
      %dma_start3A_427 = tpu.memref_slice %arg2[%dma_start3A_425, %dma_start3A_426] : memref<10000x16xf32, #tpu.memory_space<hbm>> -> memref<10000x16xf32, #tpu.memory_space<hbm>>
      tpu.enqueue_indirect_dma source(%dma_start3A_427 : memref<10000x16xf32, #tpu.memory_space<hbm>>) target(%dma_start3A_421 : memref<128x16xf32, #tpu.memory_space<vmem>>) offsets(%dma_start3A_424 : memref<128xi32, #tpu.memory_space<vmem>>) semaphore(%arg11 : memref<!tpu.dma_semaphore, #tpu.memory_space<semaphore_mem>>)
      %dma_start3A_428 = arith.constant 512 : i32
      %dma_start3A_429 = arith.constant 0 : i32
      %dma_start3A_430 = tpu.memref_slice %arg10[%dma_start3A_428, %dma_start3A_429] : memref<1024x16xf32, #tpu.memory_space<vmem>> -> memref<128x16xf32, #tpu.memory_space<vmem>>
      %dma_start3A_431 = arith.constant 0 : i32
      %dma_start3A_432 = tpu.memref_slice %arg8[%add3A_418, %dma_start3A_431] : memref<40x128xi32, #tpu.memory_space<vmem>> -> memref<1x128xi32, #tpu.memory_space<vmem>>
      %dma_start3A_433 = tpu.memref_squeeze %dma_start3A_432 : memref<1x128xi32, #tpu.memory_space<vmem>> -> memref<128xi32, #tpu.memory_space<vmem>>
      %dma_start3A_434 = arith.constant 0 : i32
      %dma_start3A_435 = arith.constant 0 : i32
      %dma_start3A_436 = tpu.memref_slice %arg2[%dma_start3A_434, %dma_start3A_435] : memref<10000x16xf32, #tpu.memory_space<hbm>> -> memref<10000x16xf32, #tpu.memory_space<hbm>>
      tpu.enqueue_indirect_dma source(%dma_start3A_436 : memref<10000x16xf32, #tpu.memory_space<hbm>>) target(%dma_start3A_430 : memref<128x16xf32, #tpu.memory_space<vmem>>) offsets(%dma_start3A_433 : memref<128xi32, #tpu.memory_space<vmem>>) semaphore(%arg12 : memref<!tpu.dma_semaphore, #tpu.memory_space<semaphore_mem>>)
      %mul3A_437 = arith.constant 8 : i32
      %mul3A_438 = arith.muli %scan3A_325, %mul3A_437 : i32
      %add3A_439 = arith.constant 5 : i32
      %add3A_440 = arith.addi %mul3A_438, %add3A_439 : i32
      %dma_start3A_441 = arith.constant 640 : i32
      %dma_start3A_442 = arith.constant 0 : i32
      %dma_start3A_443 = tpu.memref_slice %arg9[%dma_start3A_441, %dma_start3A_442] : memref<1024x16xf32, #tpu.memory_space<vmem>> -> memref<128x16xf32, #tpu.memory_space<vmem>>
      %dma_start3A_444 = arith.constant 0 : i32
      %dma_start3A_445 = tpu.memref_slice %arg7[%add3A_440, %dma_start3A_444] : memref<40x128xi32, #tpu.memory_space<vmem>> -> memref<1x128xi32, #tpu.memory_space<vmem>>
      %dma_start3A_446 = tpu.memref_squeeze %dma_start3A_445 : memref<1x128xi32, #tpu.memory_space<vmem>> -> memref<128xi32, #tpu.memory_space<vmem>>
      %dma_start3A_447 = arith.constant 0 : i32
      %dma_start3A_448 = arith.constant 0 : i32
      %dma_start3A_449 = tpu.memref_slice %arg2[%dma_start3A_447, %dma_start3A_448] : memref<10000x16xf32, #tpu.memory_space<hbm>> -> memref<10000x16xf32, #tpu.memory_space<hbm>>
      tpu.enqueue_indirect_dma source(%dma_start3A_449 : memref<10000x16xf32, #tpu.memory_space<hbm>>) target(%dma_start3A_443 : memref<128x16xf32, #tpu.memory_space<vmem>>) offsets(%dma_start3A_446 : memref<128xi32, #tpu.memory_space<vmem>>) semaphore(%arg11 : memref<!tpu.dma_semaphore, #tpu.memory_space<semaphore_mem>>)
      %dma_start3A_450 = arith.constant 640 : i32
      %dma_start3A_451 = arith.constant 0 : i32
      %dma_start3A_452 = tpu.memref_slice %arg10[%dma_start3A_450, %dma_start3A_451] : memref<1024x16xf32, #tpu.memory_space<vmem>> -> memref<128x16xf32, #tpu.memory_space<vmem>>
      %dma_start3A_453 = arith.constant 0 : i32
      %dma_start3A_454 = tpu.memref_slice %arg8[%add3A_440, %dma_start3A_453] : memref<40x128xi32, #tpu.memory_space<vmem>> -> memref<1x128xi32, #tpu.memory_space<vmem>>
      %dma_start3A_455 = tpu.memref_squeeze %dma_start3A_454 : memref<1x128xi32, #tpu.memory_space<vmem>> -> memref<128xi32, #tpu.memory_space<vmem>>
      %dma_start3A_456 = arith.constant 0 : i32
      %dma_start3A_457 = arith.constant 0 : i32
      %dma_start3A_458 = tpu.memref_slice %arg2[%dma_start3A_456, %dma_start3A_457] : memref<10000x16xf32, #tpu.memory_space<hbm>> -> memref<10000x16xf32, #tpu.memory_space<hbm>>
      tpu.enqueue_indirect_dma source(%dma_start3A_458 : memref<10000x16xf32, #tpu.memory_space<hbm>>) target(%dma_start3A_452 : memref<128x16xf32, #tpu.memory_space<vmem>>) offsets(%dma_start3A_455 : memref<128xi32, #tpu.memory_space<vmem>>) semaphore(%arg12 : memref<!tpu.dma_semaphore, #tpu.memory_space<semaphore_mem>>)
      %mul3A_459 = arith.constant 8 : i32
      %mul3A_460 = arith.muli %scan3A_325, %mul3A_459 : i32
      %add3A_461 = arith.constant 6 : i32
      %add3A_462 = arith.addi %mul3A_460, %add3A_461 : i32
      %dma_start3A_463 = arith.constant 768 : i32
      %dma_start3A_464 = arith.constant 0 : i32
      %dma_start3A_465 = tpu.memref_slice %arg9[%dma_start3A_463, %dma_start3A_464] : memref<1024x16xf32, #tpu.memory_space<vmem>> -> memref<128x16xf32, #tpu.memory_space<vmem>>
      %dma_start3A_466 = arith.constant 0 : i32
      %dma_start3A_467 = tpu.memref_slice %arg7[%add3A_462, %dma_start3A_466] : memref<40x128xi32, #tpu.memory_space<vmem>> -> memref<1x128xi32, #tpu.memory_space<vmem>>
      %dma_start3A_468 = tpu.memref_squeeze %dma_start3A_467 : memref<1x128xi32, #tpu.memory_space<vmem>> -> memref<128xi32, #tpu.memory_space<vmem>>
      %dma_start3A_469 = arith.constant 0 : i32
      %dma_start3A_470 = arith.constant 0 : i32
      %dma_start3A_471 = tpu.memref_slice %arg2[%dma_start3A_469, %dma_start3A_470] : memref<10000x16xf32, #tpu.memory_space<hbm>> -> memref<10000x16xf32, #tpu.memory_space<hbm>>
      tpu.enqueue_indirect_dma source(%dma_start3A_471 : memref<10000x16xf32, #tpu.memory_space<hbm>>) target(%dma_start3A_465 : memref<128x16xf32, #tpu.memory_space<vmem>>) offsets(%dma_start3A_468 : memref<128xi32, #tpu.memory_space<vmem>>) semaphore(%arg11 : memref<!tpu.dma_semaphore, #tpu.memory_space<semaphore_mem>>)
      %dma_start3A_472 = arith.constant 768 : i32
      %dma_start3A_473 = arith.constant 0 : i32
      %dma_start3A_474 = tpu.memref_slice %arg10[%dma_start3A_472, %dma_start3A_473] : memref<1024x16xf32, #tpu.memory_space<vmem>> -> memref<128x16xf32, #tpu.memory_space<vmem>>
      %dma_start3A_475 = arith.constant 0 : i32
      %dma_start3A_476 = tpu.memref_slice %arg8[%add3A_462, %dma_start3A_475] : memref<40x128xi32, #tpu.memory_space<vmem>> -> memref<1x128xi32, #tpu.memory_space<vmem>>
      %dma_start3A_477 = tpu.memref_squeeze %dma_start3A_476 : memref<1x128xi32, #tpu.memory_space<vmem>> -> memref<128xi32, #tpu.memory_space<vmem>>
      %dma_start3A_478 = arith.constant 0 : i32
      %dma_start3A_479 = arith.constant 0 : i32
      %dma_start3A_480 = tpu.memref_slice %arg2[%dma_start3A_478, %dma_start3A_479] : memref<10000x16xf32, #tpu.memory_space<hbm>> -> memref<10000x16xf32, #tpu.memory_space<hbm>>
      tpu.enqueue_indirect_dma source(%dma_start3A_480 : memref<10000x16xf32, #tpu.memory_space<hbm>>) target(%dma_start3A_474 : memref<128x16xf32, #tpu.memory_space<vmem>>) offsets(%dma_start3A_477 : memref<128xi32, #tpu.memory_space<vmem>>) semaphore(%arg12 : memref<!tpu.dma_semaphore, #tpu.memory_space<semaphore_mem>>)
      %mul3A_481 = arith.constant 8 : i32
      %mul3A_482 = arith.muli %scan3A_325, %mul3A_481 : i32
      %add3A_483 = arith.constant 7 : i32
      %add3A_484 = arith.addi %mul3A_482, %add3A_483 : i32
      %dma_start3A_485 = arith.constant 896 : i32
      %dma_start3A_486 = arith.constant 0 : i32
      %dma_start3A_487 = tpu.memref_slice %arg9[%dma_start3A_485, %dma_start3A_486] : memref<1024x16xf32, #tpu.memory_space<vmem>> -> memref<128x16xf32, #tpu.memory_space<vmem>>
      %dma_start3A_488 = arith.constant 0 : i32
      %dma_start3A_489 = tpu.memref_slice %arg7[%add3A_484, %dma_start3A_488] : memref<40x128xi32, #tpu.memory_space<vmem>> -> memref<1x128xi32, #tpu.memory_space<vmem>>
      %dma_start3A_490 = tpu.memref_squeeze %dma_start3A_489 : memref<1x128xi32, #tpu.memory_space<vmem>> -> memref<128xi32, #tpu.memory_space<vmem>>
      %dma_start3A_491 = arith.constant 0 : i32
      %dma_start3A_492 = arith.constant 0 : i32
      %dma_start3A_493 = tpu.memref_slice %arg2[%dma_start3A_491, %dma_start3A_492] : memref<10000x16xf32, #tpu.memory_space<hbm>> -> memref<10000x16xf32, #tpu.memory_space<hbm>>
      tpu.enqueue_indirect_dma source(%dma_start3A_493 : memref<10000x16xf32, #tpu.memory_space<hbm>>) target(%dma_start3A_487 : memref<128x16xf32, #tpu.memory_space<vmem>>) offsets(%dma_start3A_490 : memref<128xi32, #tpu.memory_space<vmem>>) semaphore(%arg11 : memref<!tpu.dma_semaphore, #tpu.memory_space<semaphore_mem>>)
      %dma_start3A_494 = arith.constant 896 : i32
      %dma_start3A_495 = arith.constant 0 : i32
      %dma_start3A_496 = tpu.memref_slice %arg10[%dma_start3A_494, %dma_start3A_495] : memref<1024x16xf32, #tpu.memory_space<vmem>> -> memref<128x16xf32, #tpu.memory_space<vmem>>
      %dma_start3A_497 = arith.constant 0 : i32
      %dma_start3A_498 = tpu.memref_slice %arg8[%add3A_484, %dma_start3A_497] : memref<40x128xi32, #tpu.memory_space<vmem>> -> memref<1x128xi32, #tpu.memory_space<vmem>>
      %dma_start3A_499 = tpu.memref_squeeze %dma_start3A_498 : memref<1x128xi32, #tpu.memory_space<vmem>> -> memref<128xi32, #tpu.memory_space<vmem>>
      %dma_start3A_500 = arith.constant 0 : i32
      %dma_start3A_501 = arith.constant 0 : i32
      %dma_start3A_502 = tpu.memref_slice %arg2[%dma_start3A_500, %dma_start3A_501] : memref<10000x16xf32, #tpu.memory_space<hbm>> -> memref<10000x16xf32, #tpu.memory_space<hbm>>
      tpu.enqueue_indirect_dma source(%dma_start3A_502 : memref<10000x16xf32, #tpu.memory_space<hbm>>) target(%dma_start3A_496 : memref<128x16xf32, #tpu.memory_space<vmem>>) offsets(%dma_start3A_499 : memref<128xi32, #tpu.memory_space<vmem>>) semaphore(%arg12 : memref<!tpu.dma_semaphore, #tpu.memory_space<semaphore_mem>>)
      %dma_wait3A_503 = arith.constant 0 : i32
      %dma_wait3A_504 = arith.constant 0 : i32
      %dma_wait3A_505 = tpu.memref_slice %arg9[%dma_wait3A_503, %dma_wait3A_504] : memref<1024x16xf32, #tpu.memory_space<vmem>> -> memref<128x16xf32, #tpu.memory_space<vmem>>
      %dma_wait3A_506 = arith.constant 0 : i32
      %dma_wait3A_507 = tpu.memref_slice %arg7[%add3A_330, %dma_wait3A_506] : memref<40x128xi32, #tpu.memory_space<vmem>> -> memref<1x128xi32, #tpu.memory_space<vmem>>
      %dma_wait3A_508 = tpu.memref_squeeze %dma_wait3A_507 : memref<1x128xi32, #tpu.memory_space<vmem>> -> memref<128xi32, #tpu.memory_space<vmem>>
      %dma_wait3A_509 = arith.constant 0 : i32
      %dma_wait3A_510 = arith.constant 0 : i32
      %dma_wait3A_511 = tpu.memref_slice %arg2[%dma_wait3A_509, %dma_wait3A_510] : memref<10000x16xf32, #tpu.memory_space<hbm>> -> memref<10000x16xf32, #tpu.memory_space<hbm>>
      tpu.wait_indirect_dma semaphore(%arg11 : memref<!tpu.dma_semaphore, #tpu.memory_space<semaphore_mem>>) src(%dma_wait3A_511 : memref<10000x16xf32, #tpu.memory_space<hbm>>) dst(%dma_wait3A_505 : memref<128x16xf32, #tpu.memory_space<vmem>>)
      %dma_wait3A_512 = arith.constant 0 : i32
      %dma_wait3A_513 = arith.constant 0 : i32
      %dma_wait3A_514 = tpu.memref_slice %arg10[%dma_wait3A_512, %dma_wait3A_513] : memref<1024x16xf32, #tpu.memory_space<vmem>> -> memref<128x16xf32, #tpu.memory_space<vmem>>
      %dma_wait3A_515 = arith.constant 0 : i32
      %dma_wait3A_516 = tpu.memref_slice %arg8[%add3A_330, %dma_wait3A_515] : memref<40x128xi32, #tpu.memory_space<vmem>> -> memref<1x128xi32, #tpu.memory_space<vmem>>
      %dma_wait3A_517 = tpu.memref_squeeze %dma_wait3A_516 : memref<1x128xi32, #tpu.memory_space<vmem>> -> memref<128xi32, #tpu.memory_space<vmem>>
      %dma_wait3A_518 = arith.constant 0 : i32
      %dma_wait3A_519 = arith.constant 0 : i32
      %dma_wait3A_520 = tpu.memref_slice %arg2[%dma_wait3A_518, %dma_wait3A_519] : memref<10000x16xf32, #tpu.memory_space<hbm>> -> memref<10000x16xf32, #tpu.memory_space<hbm>>
      tpu.wait_indirect_dma semaphore(%arg12 : memref<!tpu.dma_semaphore, #tpu.memory_space<semaphore_mem>>) src(%dma_wait3A_520 : memref<10000x16xf32, #tpu.memory_space<hbm>>) dst(%dma_wait3A_514 : memref<128x16xf32, #tpu.memory_space<vmem>>)
      %dma_wait3A_521 = arith.constant 128 : i32
      %dma_wait3A_522 = arith.constant 0 : i32
      %dma_wait3A_523 = tpu.memref_slice %arg9[%dma_wait3A_521, %dma_wait3A_522] : memref<1024x16xf32, #tpu.memory_space<vmem>> -> memref<128x16xf32, #tpu.memory_space<vmem>>
      %dma_wait3A_524 = arith.constant 0 : i32
      %dma_wait3A_525 = tpu.memref_slice %arg7[%add3A_352, %dma_wait3A_524] : memref<40x128xi32, #tpu.memory_space<vmem>> -> memref<1x128xi32, #tpu.memory_space<vmem>>
      %dma_wait3A_526 = tpu.memref_squeeze %dma_wait3A_525 : memref<1x128xi32, #tpu.memory_space<vmem>> -> memref<128xi32, #tpu.memory_space<vmem>>
      %dma_wait3A_527 = arith.constant 0 : i32
      %dma_wait3A_528 = arith.constant 0 : i32
      %dma_wait3A_529 = tpu.memref_slice %arg2[%dma_wait3A_527, %dma_wait3A_528] : memref<10000x16xf32, #tpu.memory_space<hbm>> -> memref<10000x16xf32, #tpu.memory_space<hbm>>
      tpu.wait_indirect_dma semaphore(%arg11 : memref<!tpu.dma_semaphore, #tpu.memory_space<semaphore_mem>>) src(%dma_wait3A_529 : memref<10000x16xf32, #tpu.memory_space<hbm>>) dst(%dma_wait3A_523 : memref<128x16xf32, #tpu.memory_space<vmem>>)
      %dma_wait3A_530 = arith.constant 128 : i32
      %dma_wait3A_531 = arith.constant 0 : i32
      %dma_wait3A_532 = tpu.memref_slice %arg10[%dma_wait3A_530, %dma_wait3A_531] : memref<1024x16xf32, #tpu.memory_space<vmem>> -> memref<128x16xf32, #tpu.memory_space<vmem>>
      %dma_wait3A_533 = arith.constant 0 : i32
      %dma_wait3A_534 = tpu.memref_slice %arg8[%add3A_352, %dma_wait3A_533] : memref<40x128xi32, #tpu.memory_space<vmem>> -> memref<1x128xi32, #tpu.memory_space<vmem>>
      %dma_wait3A_535 = tpu.memref_squeeze %dma_wait3A_534 : memref<1x128xi32, #tpu.memory_space<vmem>> -> memref<128xi32, #tpu.memory_space<vmem>>
      %dma_wait3A_536 = arith.constant 0 : i32
      %dma_wait3A_537 = arith.constant 0 : i32
      %dma_wait3A_538 = tpu.memref_slice %arg2[%dma_wait3A_536, %dma_wait3A_537] : memref<10000x16xf32, #tpu.memory_space<hbm>> -> memref<10000x16xf32, #tpu.memory_space<hbm>>
      tpu.wait_indirect_dma semaphore(%arg12 : memref<!tpu.dma_semaphore, #tpu.memory_space<semaphore_mem>>) src(%dma_wait3A_538 : memref<10000x16xf32, #tpu.memory_space<hbm>>) dst(%dma_wait3A_532 : memref<128x16xf32, #tpu.memory_space<vmem>>)
      %dma_wait3A_539 = arith.constant 256 : i32
      %dma_wait3A_540 = arith.constant 0 : i32
      %dma_wait3A_541 = tpu.memref_slice %arg9[%dma_wait3A_539, %dma_wait3A_540] : memref<1024x16xf32, #tpu.memory_space<vmem>> -> memref<128x16xf32, #tpu.memory_space<vmem>>
      %dma_wait3A_542 = arith.constant 0 : i32
      %dma_wait3A_543 = tpu.memref_slice %arg7[%add3A_374, %dma_wait3A_542] : memref<40x128xi32, #tpu.memory_space<vmem>> -> memref<1x128xi32, #tpu.memory_space<vmem>>
      %dma_wait3A_544 = tpu.memref_squeeze %dma_wait3A_543 : memref<1x128xi32, #tpu.memory_space<vmem>> -> memref<128xi32, #tpu.memory_space<vmem>>
      %dma_wait3A_545 = arith.constant 0 : i32
      %dma_wait3A_546 = arith.constant 0 : i32
      %dma_wait3A_547 = tpu.memref_slice %arg2[%dma_wait3A_545, %dma_wait3A_546] : memref<10000x16xf32, #tpu.memory_space<hbm>> -> memref<10000x16xf32, #tpu.memory_space<hbm>>
      tpu.wait_indirect_dma semaphore(%arg11 : memref<!tpu.dma_semaphore, #tpu.memory_space<semaphore_mem>>) src(%dma_wait3A_547 : memref<10000x16xf32, #tpu.memory_space<hbm>>) dst(%dma_wait3A_541 : memref<128x16xf32, #tpu.memory_space<vmem>>)
      %dma_wait3A_548 = arith.constant 256 : i32
      %dma_wait3A_549 = arith.constant 0 : i32
      %dma_wait3A_550 = tpu.memref_slice %arg10[%dma_wait3A_548, %dma_wait3A_549] : memref<1024x16xf32, #tpu.memory_space<vmem>> -> memref<128x16xf32, #tpu.memory_space<vmem>>
      %dma_wait3A_551 = arith.constant 0 : i32
      %dma_wait3A_552 = tpu.memref_slice %arg8[%add3A_374, %dma_wait3A_551] : memref<40x128xi32, #tpu.memory_space<vmem>> -> memref<1x128xi32, #tpu.memory_space<vmem>>
      %dma_wait3A_553 = tpu.memref_squeeze %dma_wait3A_552 : memref<1x128xi32, #tpu.memory_space<vmem>> -> memref<128xi32, #tpu.memory_space<vmem>>
      %dma_wait3A_554 = arith.constant 0 : i32
      %dma_wait3A_555 = arith.constant 0 : i32
      %dma_wait3A_556 = tpu.memref_slice %arg2[%dma_wait3A_554, %dma_wait3A_555] : memref<10000x16xf32, #tpu.memory_space<hbm>> -> memref<10000x16xf32, #tpu.memory_space<hbm>>
      tpu.wait_indirect_dma semaphore(%arg12 : memref<!tpu.dma_semaphore, #tpu.memory_space<semaphore_mem>>) src(%dma_wait3A_556 : memref<10000x16xf32, #tpu.memory_space<hbm>>) dst(%dma_wait3A_550 : memref<128x16xf32, #tpu.memory_space<vmem>>)
      %dma_wait3A_557 = arith.constant 384 : i32
      %dma_wait3A_558 = arith.constant 0 : i32
      %dma_wait3A_559 = tpu.memref_slice %arg9[%dma_wait3A_557, %dma_wait3A_558] : memref<1024x16xf32, #tpu.memory_space<vmem>> -> memref<128x16xf32, #tpu.memory_space<vmem>>
      %dma_wait3A_560 = arith.constant 0 : i32
      %dma_wait3A_561 = tpu.memref_slice %arg7[%add3A_396, %dma_wait3A_560] : memref<40x128xi32, #tpu.memory_space<vmem>> -> memref<1x128xi32, #tpu.memory_space<vmem>>
      %dma_wait3A_562 = tpu.memref_squeeze %dma_wait3A_561 : memref<1x128xi32, #tpu.memory_space<vmem>> -> memref<128xi32, #tpu.memory_space<vmem>>
      %dma_wait3A_563 = arith.constant 0 : i32
      %dma_wait3A_564 = arith.constant 0 : i32
      %dma_wait3A_565 = tpu.memref_slice %arg2[%dma_wait3A_563, %dma_wait3A_564] : memref<10000x16xf32, #tpu.memory_space<hbm>> -> memref<10000x16xf32, #tpu.memory_space<hbm>>
      tpu.wait_indirect_dma semaphore(%arg11 : memref<!tpu.dma_semaphore, #tpu.memory_space<semaphore_mem>>) src(%dma_wait3A_565 : memref<10000x16xf32, #tpu.memory_space<hbm>>) dst(%dma_wait3A_559 : memref<128x16xf32, #tpu.memory_space<vmem>>)
      %dma_wait3A_566 = arith.constant 384 : i32
      %dma_wait3A_567 = arith.constant 0 : i32
      %dma_wait3A_568 = tpu.memref_slice %arg10[%dma_wait3A_566, %dma_wait3A_567] : memref<1024x16xf32, #tpu.memory_space<vmem>> -> memref<128x16xf32, #tpu.memory_space<vmem>>
      %dma_wait3A_569 = arith.constant 0 : i32
      %dma_wait3A_570 = tpu.memref_slice %arg8[%add3A_396, %dma_wait3A_569] : memref<40x128xi32, #tpu.memory_space<vmem>> -> memref<1x128xi32, #tpu.memory_space<vmem>>
      %dma_wait3A_571 = tpu.memref_squeeze %dma_wait3A_570 : memref<1x128xi32, #tpu.memory_space<vmem>> -> memref<128xi32, #tpu.memory_space<vmem>>
      %dma_wait3A_572 = arith.constant 0 : i32
      %dma_wait3A_573 = arith.constant 0 : i32
      %dma_wait3A_574 = tpu.memref_slice %arg2[%dma_wait3A_572, %dma_wait3A_573] : memref<10000x16xf32, #tpu.memory_space<hbm>> -> memref<10000x16xf32, #tpu.memory_space<hbm>>
      tpu.wait_indirect_dma semaphore(%arg12 : memref<!tpu.dma_semaphore, #tpu.memory_space<semaphore_mem>>) src(%dma_wait3A_574 : memref<10000x16xf32, #tpu.memory_space<hbm>>) dst(%dma_wait3A_568 : memref<128x16xf32, #tpu.memory_space<vmem>>)
      %dma_wait3A_575 = arith.constant 512 : i32
      %dma_wait3A_576 = arith.constant 0 : i32
      %dma_wait3A_577 = tpu.memref_slice %arg9[%dma_wait3A_575, %dma_wait3A_576] : memref<1024x16xf32, #tpu.memory_space<vmem>> -> memref<128x16xf32, #tpu.memory_space<vmem>>
      %dma_wait3A_578 = arith.constant 0 : i32
      %dma_wait3A_579 = tpu.memref_slice %arg7[%add3A_418, %dma_wait3A_578] : memref<40x128xi32, #tpu.memory_space<vmem>> -> memref<1x128xi32, #tpu.memory_space<vmem>>
      %dma_wait3A_580 = tpu.memref_squeeze %dma_wait3A_579 : memref<1x128xi32, #tpu.memory_space<vmem>> -> memref<128xi32, #tpu.memory_space<vmem>>
      %dma_wait3A_581 = arith.constant 0 : i32
      %dma_wait3A_582 = arith.constant 0 : i32
      %dma_wait3A_583 = tpu.memref_slice %arg2[%dma_wait3A_581, %dma_wait3A_582] : memref<10000x16xf32, #tpu.memory_space<hbm>> -> memref<10000x16xf32, #tpu.memory_space<hbm>>
      tpu.wait_indirect_dma semaphore(%arg11 : memref<!tpu.dma_semaphore, #tpu.memory_space<semaphore_mem>>) src(%dma_wait3A_583 : memref<10000x16xf32, #tpu.memory_space<hbm>>) dst(%dma_wait3A_577 : memref<128x16xf32, #tpu.memory_space<vmem>>)
      %dma_wait3A_584 = arith.constant 512 : i32
      %dma_wait3A_585 = arith.constant 0 : i32
      %dma_wait3A_586 = tpu.memref_slice %arg10[%dma_wait3A_584, %dma_wait3A_585] : memref<1024x16xf32, #tpu.memory_space<vmem>> -> memref<128x16xf32, #tpu.memory_space<vmem>>
      %dma_wait3A_587 = arith.constant 0 : i32
      %dma_wait3A_588 = tpu.memref_slice %arg8[%add3A_418, %dma_wait3A_587] : memref<40x128xi32, #tpu.memory_space<vmem>> -> memref<1x128xi32, #tpu.memory_space<vmem>>
      %dma_wait3A_589 = tpu.memref_squeeze %dma_wait3A_588 : memref<1x128xi32, #tpu.memory_space<vmem>> -> memref<128xi32, #tpu.memory_space<vmem>>
      %dma_wait3A_590 = arith.constant 0 : i32
      %dma_wait3A_591 = arith.constant 0 : i32
      %dma_wait3A_592 = tpu.memref_slice %arg2[%dma_wait3A_590, %dma_wait3A_591] : memref<10000x16xf32, #tpu.memory_space<hbm>> -> memref<10000x16xf32, #tpu.memory_space<hbm>>
      tpu.wait_indirect_dma semaphore(%arg12 : memref<!tpu.dma_semaphore, #tpu.memory_space<semaphore_mem>>) src(%dma_wait3A_592 : memref<10000x16xf32, #tpu.memory_space<hbm>>) dst(%dma_wait3A_586 : memref<128x16xf32, #tpu.memory_space<vmem>>)
      %dma_wait3A_593 = arith.constant 640 : i32
      %dma_wait3A_594 = arith.constant 0 : i32
      %dma_wait3A_595 = tpu.memref_slice %arg9[%dma_wait3A_593, %dma_wait3A_594] : memref<1024x16xf32, #tpu.memory_space<vmem>> -> memref<128x16xf32, #tpu.memory_space<vmem>>
      %dma_wait3A_596 = arith.constant 0 : i32
      %dma_wait3A_597 = tpu.memref_slice %arg7[%add3A_440, %dma_wait3A_596] : memref<40x128xi32, #tpu.memory_space<vmem>> -> memref<1x128xi32, #tpu.memory_space<vmem>>
      %dma_wait3A_598 = tpu.memref_squeeze %dma_wait3A_597 : memref<1x128xi32, #tpu.memory_space<vmem>> -> memref<128xi32, #tpu.memory_space<vmem>>
      %dma_wait3A_599 = arith.constant 0 : i32
      %dma_wait3A_600 = arith.constant 0 : i32
      %dma_wait3A_601 = tpu.memref_slice %arg2[%dma_wait3A_599, %dma_wait3A_600] : memref<10000x16xf32, #tpu.memory_space<hbm>> -> memref<10000x16xf32, #tpu.memory_space<hbm>>
      tpu.wait_indirect_dma semaphore(%arg11 : memref<!tpu.dma_semaphore, #tpu.memory_space<semaphore_mem>>) src(%dma_wait3A_601 : memref<10000x16xf32, #tpu.memory_space<hbm>>) dst(%dma_wait3A_595 : memref<128x16xf32, #tpu.memory_space<vmem>>)
      %dma_wait3A_602 = arith.constant 640 : i32
      %dma_wait3A_603 = arith.constant 0 : i32
      %dma_wait3A_604 = tpu.memref_slice %arg10[%dma_wait3A_602, %dma_wait3A_603] : memref<1024x16xf32, #tpu.memory_space<vmem>> -> memref<128x16xf32, #tpu.memory_space<vmem>>
      %dma_wait3A_605 = arith.constant 0 : i32
      %dma_wait3A_606 = tpu.memref_slice %arg8[%add3A_440, %dma_wait3A_605] : memref<40x128xi32, #tpu.memory_space<vmem>> -> memref<1x128xi32, #tpu.memory_space<vmem>>
      %dma_wait3A_607 = tpu.memref_squeeze %dma_wait3A_606 : memref<1x128xi32, #tpu.memory_space<vmem>> -> memref<128xi32, #tpu.memory_space<vmem>>
      %dma_wait3A_608 = arith.constant 0 : i32
      %dma_wait3A_609 = arith.constant 0 : i32
      %dma_wait3A_610 = tpu.memref_slice %arg2[%dma_wait3A_608, %dma_wait3A_609] : memref<10000x16xf32, #tpu.memory_space<hbm>> -> memref<10000x16xf32, #tpu.memory_space<hbm>>
      tpu.wait_indirect_dma semaphore(%arg12 : memref<!tpu.dma_semaphore, #tpu.memory_space<semaphore_mem>>) src(%dma_wait3A_610 : memref<10000x16xf32, #tpu.memory_space<hbm>>) dst(%dma_wait3A_604 : memref<128x16xf32, #tpu.memory_space<vmem>>)
      %dma_wait3A_611 = arith.constant 768 : i32
      %dma_wait3A_612 = arith.constant 0 : i32
      %dma_wait3A_613 = tpu.memref_slice %arg9[%dma_wait3A_611, %dma_wait3A_612] : memref<1024x16xf32, #tpu.memory_space<vmem>> -> memref<128x16xf32, #tpu.memory_space<vmem>>
      %dma_wait3A_614 = arith.constant 0 : i32
      %dma_wait3A_615 = tpu.memref_slice %arg7[%add3A_462, %dma_wait3A_614] : memref<40x128xi32, #tpu.memory_space<vmem>> -> memref<1x128xi32, #tpu.memory_space<vmem>>
      %dma_wait3A_616 = tpu.memref_squeeze %dma_wait3A_615 : memref<1x128xi32, #tpu.memory_space<vmem>> -> memref<128xi32, #tpu.memory_space<vmem>>
      %dma_wait3A_617 = arith.constant 0 : i32
      %dma_wait3A_618 = arith.constant 0 : i32
      %dma_wait3A_619 = tpu.memref_slice %arg2[%dma_wait3A_617, %dma_wait3A_618] : memref<10000x16xf32, #tpu.memory_space<hbm>> -> memref<10000x16xf32, #tpu.memory_space<hbm>>
      tpu.wait_indirect_dma semaphore(%arg11 : memref<!tpu.dma_semaphore, #tpu.memory_space<semaphore_mem>>) src(%dma_wait3A_619 : memref<10000x16xf32, #tpu.memory_space<hbm>>) dst(%dma_wait3A_613 : memref<128x16xf32, #tpu.memory_space<vmem>>)
      %dma_wait3A_620 = arith.constant 768 : i32
      %dma_wait3A_621 = arith.constant 0 : i32
      %dma_wait3A_622 = tpu.memref_slice %arg10[%dma_wait3A_620, %dma_wait3A_621] : memref<1024x16xf32, #tpu.memory_space<vmem>> -> memref<128x16xf32, #tpu.memory_space<vmem>>
      %dma_wait3A_623 = arith.constant 0 : i32
      %dma_wait3A_624 = tpu.memref_slice %arg8[%add3A_462, %dma_wait3A_623] : memref<40x128xi32, #tpu.memory_space<vmem>> -> memref<1x128xi32, #tpu.memory_space<vmem>>
      %dma_wait3A_625 = tpu.memref_squeeze %dma_wait3A_624 : memref<1x128xi32, #tpu.memory_space<vmem>> -> memref<128xi32, #tpu.memory_space<vmem>>
      %dma_wait3A_626 = arith.constant 0 : i32
      %dma_wait3A_627 = arith.constant 0 : i32
      %dma_wait3A_628 = tpu.memref_slice %arg2[%dma_wait3A_626, %dma_wait3A_627] : memref<10000x16xf32, #tpu.memory_space<hbm>> -> memref<10000x16xf32, #tpu.memory_space<hbm>>
      tpu.wait_indirect_dma semaphore(%arg12 : memref<!tpu.dma_semaphore, #tpu.memory_space<semaphore_mem>>) src(%dma_wait3A_628 : memref<10000x16xf32, #tpu.memory_space<hbm>>) dst(%dma_wait3A_622 : memref<128x16xf32, #tpu.memory_space<vmem>>)
      %dma_wait3A_629 = arith.constant 896 : i32
      %dma_wait3A_630 = arith.constant 0 : i32
      %dma_wait3A_631 = tpu.memref_slice %arg9[%dma_wait3A_629, %dma_wait3A_630] : memref<1024x16xf32, #tpu.memory_space<vmem>> -> memref<128x16xf32, #tpu.memory_space<vmem>>
      %dma_wait3A_632 = arith.constant 0 : i32
      %dma_wait3A_633 = tpu.memref_slice %arg7[%add3A_484, %dma_wait3A_632] : memref<40x128xi32, #tpu.memory_space<vmem>> -> memref<1x128xi32, #tpu.memory_space<vmem>>
      %dma_wait3A_634 = tpu.memref_squeeze %dma_wait3A_633 : memref<1x128xi32, #tpu.memory_space<vmem>> -> memref<128xi32, #tpu.memory_space<vmem>>
      %dma_wait3A_635 = arith.constant 0 : i32
      %dma_wait3A_636 = arith.constant 0 : i32
      %dma_wait3A_637 = tpu.memref_slice %arg2[%dma_wait3A_635, %dma_wait3A_636] : memref<10000x16xf32, #tpu.memory_space<hbm>> -> memref<10000x16xf32, #tpu.memory_space<hbm>>
      tpu.wait_indirect_dma semaphore(%arg11 : memref<!tpu.dma_semaphore, #tpu.memory_space<semaphore_mem>>) src(%dma_wait3A_637 : memref<10000x16xf32, #tpu.memory_space<hbm>>) dst(%dma_wait3A_631 : memref<128x16xf32, #tpu.memory_space<vmem>>)
      %dma_wait3A_638 = arith.constant 896 : i32
      %dma_wait3A_639 = arith.constant 0 : i32
      %dma_wait3A_640 = tpu.memref_slice %arg10[%dma_wait3A_638, %dma_wait3A_639] : memref<1024x16xf32, #tpu.memory_space<vmem>> -> memref<128x16xf32, #tpu.memory_space<vmem>>
      %dma_wait3A_641 = arith.constant 0 : i32
      %dma_wait3A_642 = tpu.memref_slice %arg8[%add3A_484, %dma_wait3A_641] : memref<40x128xi32, #tpu.memory_space<vmem>> -> memref<1x128xi32, #tpu.memory_space<vmem>>
      %dma_wait3A_643 = tpu.memref_squeeze %dma_wait3A_642 : memref<1x128xi32, #tpu.memory_space<vmem>> -> memref<128xi32, #tpu.memory_space<vmem>>
      %dma_wait3A_644 = arith.constant 0 : i32
      %dma_wait3A_645 = arith.constant 0 : i32
      %dma_wait3A_646 = tpu.memref_slice %arg2[%dma_wait3A_644, %dma_wait3A_645] : memref<10000x16xf32, #tpu.memory_space<hbm>> -> memref<10000x16xf32, #tpu.memory_space<hbm>>
      tpu.wait_indirect_dma semaphore(%arg12 : memref<!tpu.dma_semaphore, #tpu.memory_space<semaphore_mem>>) src(%dma_wait3A_646 : memref<10000x16xf32, #tpu.memory_space<hbm>>) dst(%dma_wait3A_640 : memref<128x16xf32, #tpu.memory_space<vmem>>)
      %mul3A_647 = arith.constant 1024 : i32
      %mul3A_648 = arith.muli %scan3A_325, %mul3A_647 : i32
      "tpu.region"() ({
        %run_scoped3A = tpu.sem_alloc : memref<!tpu.dma_semaphore, #tpu.memory_space<semaphore_mem>>
        %dma_start3A_652 = arith.constant 0 : i32
        %dma_start3A_653 = arith.constant 0 : i32
        %dma_start3A_654 = tpu.memref_slice %arg9[%dma_start3A_652, %dma_start3A_653] : memref<1024x16xf32, #tpu.memory_space<vmem>> -> memref<1024x16xf32, #tpu.memory_space<vmem>>
        %dma_start3A_655 = arith.constant 0 : i32
        %dma_start3A_656 = tpu.memref_slice %arg5[%add3A, %mul3A_648, %dma_start3A_655] : memref<32x5000x16xf32, #tpu.memory_space<hbm>> -> memref<1x1024x16xf32, #tpu.memory_space<hbm>>
        %dma_start3A_657 = tpu.memref_squeeze %dma_start3A_656 : memref<1x1024x16xf32, #tpu.memory_space<hbm>> -> memref<1024x16xf32, #tpu.memory_space<hbm>>
        %dma_start3A_658 = arith.constant 0 : i32
        %dma_start3A_659 = tpu.memref_slice %arg5[%add3A, %mul3A_648, %dma_start3A_658] : memref<32x5000x16xf32, #tpu.memory_space<hbm>> -> memref<1x1024x16xf32, #tpu.memory_space<hbm>>
        %dma_start3A_660 = tpu.memref_squeeze %dma_start3A_659 : memref<1x1024x16xf32, #tpu.memory_space<hbm>> -> memref<1024x16xf32, #tpu.memory_space<hbm>>
        %dma_start3A_661 = arith.constant 0 : i32
        %dma_start3A_662 = arith.constant 0 : i32
        %dma_start3A_663 = tpu.memref_slice %arg9[%dma_start3A_661, %dma_start3A_662] : memref<1024x16xf32, #tpu.memory_space<vmem>> -> memref<1024x16xf32, #tpu.memory_space<vmem>>
        tpu.enqueue_dma source(%dma_start3A_663 : memref<1024x16xf32, #tpu.memory_space<vmem>>) target(%dma_start3A_660 : memref<1024x16xf32, #tpu.memory_space<hbm>>) target_semaphore(%run_scoped3A : memref<!tpu.dma_semaphore, #tpu.memory_space<semaphore_mem>>)
        %dma_wait3A_664 = arith.constant 0 : i32
        %dma_wait3A_665 = arith.constant 0 : i32
        %dma_wait3A_666 = tpu.memref_slice %arg9[%dma_wait3A_664, %dma_wait3A_665] : memref<1024x16xf32, #tpu.memory_space<vmem>> -> memref<1024x16xf32, #tpu.memory_space<vmem>>
        %dma_wait3A_667 = arith.constant 0 : i32
        %dma_wait3A_668 = tpu.memref_slice %arg5[%add3A, %mul3A_648, %dma_wait3A_667] : memref<32x5000x16xf32, #tpu.memory_space<hbm>> -> memref<1x1024x16xf32, #tpu.memory_space<hbm>>
        %dma_wait3A_669 = tpu.memref_squeeze %dma_wait3A_668 : memref<1x1024x16xf32, #tpu.memory_space<hbm>> -> memref<1024x16xf32, #tpu.memory_space<hbm>>
        %dma_wait3A_670 = arith.constant 0 : i32
        %dma_wait3A_671 = tpu.memref_slice %arg5[%add3A, %mul3A_648, %dma_wait3A_670] : memref<32x5000x16xf32, #tpu.memory_space<hbm>> -> memref<1x1024x16xf32, #tpu.memory_space<hbm>>
        %dma_wait3A_672 = tpu.memref_squeeze %dma_wait3A_671 : memref<1x1024x16xf32, #tpu.memory_space<hbm>> -> memref<1024x16xf32, #tpu.memory_space<hbm>>
        %dma_wait3A_673 = arith.constant 0 : i32
        %dma_wait3A_674 = arith.constant 0 : i32
        %dma_wait3A_675 = tpu.memref_slice %arg9[%dma_wait3A_673, %dma_wait3A_674] : memref<1024x16xf32, #tpu.memory_space<vmem>> -> memref<1024x16xf32, #tpu.memory_space<vmem>>
        tpu.wait_dma2 semaphore(%run_scoped3A : memref<!tpu.dma_semaphore, #tpu.memory_space<semaphore_mem>>) src(%dma_wait3A_675 : memref<1024x16xf32, #tpu.memory_space<vmem>>) dst(%dma_wait3A_672 : memref<1024x16xf32, #tpu.memory_space<hbm>>)
        tpu.yield
      }) : () -> ()
      %mul3A_649 = arith.constant 1024 : i32
      %mul3A_650 = arith.muli %scan3A_325, %mul3A_649 : i32
      "tpu.region"() ({
        %run_scoped3A = tpu.sem_alloc : memref<!tpu.dma_semaphore, #tpu.memory_space<semaphore_mem>>
        %dma_start3A_652 = arith.constant 0 : i32
        %dma_start3A_653 = arith.constant 0 : i32
        %dma_start3A_654 = tpu.memref_slice %arg10[%dma_start3A_652, %dma_start3A_653] : memref<1024x16xf32, #tpu.memory_space<vmem>> -> memref<1024x16xf32, #tpu.memory_space<vmem>>
        %dma_start3A_655 = arith.constant 0 : i32
        %dma_start3A_656 = tpu.memref_slice %arg6[%add3A, %mul3A_650, %dma_start3A_655] : memref<32x5000x16xf32, #tpu.memory_space<hbm>> -> memref<1x1024x16xf32, #tpu.memory_space<hbm>>
        %dma_start3A_657 = tpu.memref_squeeze %dma_start3A_656 : memref<1x1024x16xf32, #tpu.memory_space<hbm>> -> memref<1024x16xf32, #tpu.memory_space<hbm>>
        %dma_start3A_658 = arith.constant 0 : i32
        %dma_start3A_659 = tpu.memref_slice %arg6[%add3A, %mul3A_650, %dma_start3A_658] : memref<32x5000x16xf32, #tpu.memory_space<hbm>> -> memref<1x1024x16xf32, #tpu.memory_space<hbm>>
        %dma_start3A_660 = tpu.memref_squeeze %dma_start3A_659 : memref<1x1024x16xf32, #tpu.memory_space<hbm>> -> memref<1024x16xf32, #tpu.memory_space<hbm>>
        %dma_start3A_661 = arith.constant 0 : i32
        %dma_start3A_662 = arith.constant 0 : i32
        %dma_start3A_663 = tpu.memref_slice %arg10[%dma_start3A_661, %dma_start3A_662] : memref<1024x16xf32, #tpu.memory_space<vmem>> -> memref<1024x16xf32, #tpu.memory_space<vmem>>
        tpu.enqueue_dma source(%dma_start3A_663 : memref<1024x16xf32, #tpu.memory_space<vmem>>) target(%dma_start3A_660 : memref<1024x16xf32, #tpu.memory_space<hbm>>) target_semaphore(%run_scoped3A : memref<!tpu.dma_semaphore, #tpu.memory_space<semaphore_mem>>)
        %dma_wait3A_664 = arith.constant 0 : i32
        %dma_wait3A_665 = arith.constant 0 : i32
        %dma_wait3A_666 = tpu.memref_slice %arg10[%dma_wait3A_664, %dma_wait3A_665] : memref<1024x16xf32, #tpu.memory_space<vmem>> -> memref<1024x16xf32, #tpu.memory_space<vmem>>
        %dma_wait3A_667 = arith.constant 0 : i32
        %dma_wait3A_668 = tpu.memref_slice %arg6[%add3A, %mul3A_650, %dma_wait3A_667] : memref<32x5000x16xf32, #tpu.memory_space<hbm>> -> memref<1x1024x16xf32, #tpu.memory_space<hbm>>
        %dma_wait3A_669 = tpu.memref_squeeze %dma_wait3A_668 : memref<1x1024x16xf32, #tpu.memory_space<hbm>> -> memref<1024x16xf32, #tpu.memory_space<hbm>>
        %dma_wait3A_670 = arith.constant 0 : i32
        %dma_wait3A_671 = tpu.memref_slice %arg6[%add3A, %mul3A_650, %dma_wait3A_670] : memref<32x5000x16xf32, #tpu.memory_space<hbm>> -> memref<1x1024x16xf32, #tpu.memory_space<hbm>>
        %dma_wait3A_672 = tpu.memref_squeeze %dma_wait3A_671 : memref<1x1024x16xf32, #tpu.memory_space<hbm>> -> memref<1024x16xf32, #tpu.memory_space<hbm>>
        %dma_wait3A_673 = arith.constant 0 : i32
        %dma_wait3A_674 = arith.constant 0 : i32
        %dma_wait3A_675 = tpu.memref_slice %arg10[%dma_wait3A_673, %dma_wait3A_674] : memref<1024x16xf32, #tpu.memory_space<vmem>> -> memref<1024x16xf32, #tpu.memory_space<vmem>>
        tpu.wait_dma2 semaphore(%run_scoped3A : memref<!tpu.dma_semaphore, #tpu.memory_space<semaphore_mem>>) src(%dma_wait3A_675 : memref<1024x16xf32, #tpu.memory_space<vmem>>) dst(%dma_wait3A_672 : memref<1024x16xf32, #tpu.memory_space<hbm>>)
        tpu.yield
      }) : () -> ()
      %scan3A_651 = arith.constant 0 : i32
      scf.yield %scan3A_651 : i32
    }
    %scan3A_6 = arith.constant 4 : i32
    %dma_start3A = arith.constant 32 : i32
    %dma_start3A_7 = arith.constant 0 : i32
    %dma_start3A_8 = arith.constant 0 : i32
    %dma_start3A_9 = tpu.memref_slice %arg9[%dma_start3A_7, %dma_start3A_8] : memref<1024x16xf32, #tpu.memory_space<vmem>> -> memref<128x16xf32, #tpu.memory_space<vmem>>
    %dma_start3A_10 = arith.constant 0 : i32
    %dma_start3A_11 = tpu.memref_slice %arg7[%dma_start3A, %dma_start3A_10] : memref<40x128xi32, #tpu.memory_space<vmem>> -> memref<1x128xi32, #tpu.memory_space<vmem>>
    %dma_start3A_12 = tpu.memref_squeeze %dma_start3A_11 : memref<1x128xi32, #tpu.memory_space<vmem>> -> memref<128xi32, #tpu.memory_space<vmem>>
    %dma_start3A_13 = arith.constant 0 : i32
    %dma_start3A_14 = arith.constant 0 : i32
    %dma_start3A_15 = tpu.memref_slice %arg2[%dma_start3A_13, %dma_start3A_14] : memref<10000x16xf32, #tpu.memory_space<hbm>> -> memref<10000x16xf32, #tpu.memory_space<hbm>>
    tpu.enqueue_indirect_dma source(%dma_start3A_15 : memref<10000x16xf32, #tpu.memory_space<hbm>>) target(%dma_start3A_9 : memref<128x16xf32, #tpu.memory_space<vmem>>) offsets(%dma_start3A_12 : memref<128xi32, #tpu.memory_space<vmem>>) semaphore(%arg11 : memref<!tpu.dma_semaphore, #tpu.memory_space<semaphore_mem>>)
    %dma_start3A_16 = arith.constant 32 : i32
    %dma_start3A_17 = arith.constant 0 : i32
    %dma_start3A_18 = arith.constant 0 : i32
    %dma_start3A_19 = tpu.memref_slice %arg10[%dma_start3A_17, %dma_start3A_18] : memref<1024x16xf32, #tpu.memory_space<vmem>> -> memref<128x16xf32, #tpu.memory_space<vmem>>
    %dma_start3A_20 = arith.constant 0 : i32
    %dma_start3A_21 = tpu.memref_slice %arg8[%dma_start3A_16, %dma_start3A_20] : memref<40x128xi32, #tpu.memory_space<vmem>> -> memref<1x128xi32, #tpu.memory_space<vmem>>
    %dma_start3A_22 = tpu.memref_squeeze %dma_start3A_21 : memref<1x128xi32, #tpu.memory_space<vmem>> -> memref<128xi32, #tpu.memory_space<vmem>>
    %dma_start3A_23 = arith.constant 0 : i32
    %dma_start3A_24 = arith.constant 0 : i32
    %dma_start3A_25 = tpu.memref_slice %arg2[%dma_start3A_23, %dma_start3A_24] : memref<10000x16xf32, #tpu.memory_space<hbm>> -> memref<10000x16xf32, #tpu.memory_space<hbm>>
    tpu.enqueue_indirect_dma source(%dma_start3A_25 : memref<10000x16xf32, #tpu.memory_space<hbm>>) target(%dma_start3A_19 : memref<128x16xf32, #tpu.memory_space<vmem>>) offsets(%dma_start3A_22 : memref<128xi32, #tpu.memory_space<vmem>>) semaphore(%arg12 : memref<!tpu.dma_semaphore, #tpu.memory_space<semaphore_mem>>)
    %dma_start3A_26 = arith.constant 33 : i32
    %dma_start3A_27 = arith.constant 128 : i32
    %dma_start3A_28 = arith.constant 0 : i32
    %dma_start3A_29 = tpu.memref_slice %arg9[%dma_start3A_27, %dma_start3A_28] : memref<1024x16xf32, #tpu.memory_space<vmem>> -> memref<128x16xf32, #tpu.memory_space<vmem>>
    %dma_start3A_30 = arith.constant 0 : i32
    %dma_start3A_31 = tpu.memref_slice %arg7[%dma_start3A_26, %dma_start3A_30] : memref<40x128xi32, #tpu.memory_space<vmem>> -> memref<1x128xi32, #tpu.memory_space<vmem>>
    %dma_start3A_32 = tpu.memref_squeeze %dma_start3A_31 : memref<1x128xi32, #tpu.memory_space<vmem>> -> memref<128xi32, #tpu.memory_space<vmem>>
    %dma_start3A_33 = arith.constant 0 : i32
    %dma_start3A_34 = arith.constant 0 : i32
    %dma_start3A_35 = tpu.memref_slice %arg2[%dma_start3A_33, %dma_start3A_34] : memref<10000x16xf32, #tpu.memory_space<hbm>> -> memref<10000x16xf32, #tpu.memory_space<hbm>>
    tpu.enqueue_indirect_dma source(%dma_start3A_35 : memref<10000x16xf32, #tpu.memory_space<hbm>>) target(%dma_start3A_29 : memref<128x16xf32, #tpu.memory_space<vmem>>) offsets(%dma_start3A_32 : memref<128xi32, #tpu.memory_space<vmem>>) semaphore(%arg11 : memref<!tpu.dma_semaphore, #tpu.memory_space<semaphore_mem>>)
    %dma_start3A_36 = arith.constant 33 : i32
    %dma_start3A_37 = arith.constant 128 : i32
    %dma_start3A_38 = arith.constant 0 : i32
    %dma_start3A_39 = tpu.memref_slice %arg10[%dma_start3A_37, %dma_start3A_38] : memref<1024x16xf32, #tpu.memory_space<vmem>> -> memref<128x16xf32, #tpu.memory_space<vmem>>
    %dma_start3A_40 = arith.constant 0 : i32
    %dma_start3A_41 = tpu.memref_slice %arg8[%dma_start3A_36, %dma_start3A_40] : memref<40x128xi32, #tpu.memory_space<vmem>> -> memref<1x128xi32, #tpu.memory_space<vmem>>
    %dma_start3A_42 = tpu.memref_squeeze %dma_start3A_41 : memref<1x128xi32, #tpu.memory_space<vmem>> -> memref<128xi32, #tpu.memory_space<vmem>>
    %dma_start3A_43 = arith.constant 0 : i32
    %dma_start3A_44 = arith.constant 0 : i32
    %dma_start3A_45 = tpu.memref_slice %arg2[%dma_start3A_43, %dma_start3A_44] : memref<10000x16xf32, #tpu.memory_space<hbm>> -> memref<10000x16xf32, #tpu.memory_space<hbm>>
    tpu.enqueue_indirect_dma source(%dma_start3A_45 : memref<10000x16xf32, #tpu.memory_space<hbm>>) target(%dma_start3A_39 : memref<128x16xf32, #tpu.memory_space<vmem>>) offsets(%dma_start3A_42 : memref<128xi32, #tpu.memory_space<vmem>>) semaphore(%arg12 : memref<!tpu.dma_semaphore, #tpu.memory_space<semaphore_mem>>)
    %dma_start3A_46 = arith.constant 34 : i32
    %dma_start3A_47 = arith.constant 256 : i32
    %dma_start3A_48 = arith.constant 0 : i32
    %dma_start3A_49 = tpu.memref_slice %arg9[%dma_start3A_47, %dma_start3A_48] : memref<1024x16xf32, #tpu.memory_space<vmem>> -> memref<128x16xf32, #tpu.memory_space<vmem>>
    %dma_start3A_50 = arith.constant 0 : i32
    %dma_start3A_51 = tpu.memref_slice %arg7[%dma_start3A_46, %dma_start3A_50] : memref<40x128xi32, #tpu.memory_space<vmem>> -> memref<1x128xi32, #tpu.memory_space<vmem>>
    %dma_start3A_52 = tpu.memref_squeeze %dma_start3A_51 : memref<1x128xi32, #tpu.memory_space<vmem>> -> memref<128xi32, #tpu.memory_space<vmem>>
    %dma_start3A_53 = arith.constant 0 : i32
    %dma_start3A_54 = arith.constant 0 : i32
    %dma_start3A_55 = tpu.memref_slice %arg2[%dma_start3A_53, %dma_start3A_54] : memref<10000x16xf32, #tpu.memory_space<hbm>> -> memref<10000x16xf32, #tpu.memory_space<hbm>>
    tpu.enqueue_indirect_dma source(%dma_start3A_55 : memref<10000x16xf32, #tpu.memory_space<hbm>>) target(%dma_start3A_49 : memref<128x16xf32, #tpu.memory_space<vmem>>) offsets(%dma_start3A_52 : memref<128xi32, #tpu.memory_space<vmem>>) semaphore(%arg11 : memref<!tpu.dma_semaphore, #tpu.memory_space<semaphore_mem>>)
    %dma_start3A_56 = arith.constant 34 : i32
    %dma_start3A_57 = arith.constant 256 : i32
    %dma_start3A_58 = arith.constant 0 : i32
    %dma_start3A_59 = tpu.memref_slice %arg10[%dma_start3A_57, %dma_start3A_58] : memref<1024x16xf32, #tpu.memory_space<vmem>> -> memref<128x16xf32, #tpu.memory_space<vmem>>
    %dma_start3A_60 = arith.constant 0 : i32
    %dma_start3A_61 = tpu.memref_slice %arg8[%dma_start3A_56, %dma_start3A_60] : memref<40x128xi32, #tpu.memory_space<vmem>> -> memref<1x128xi32, #tpu.memory_space<vmem>>
    %dma_start3A_62 = tpu.memref_squeeze %dma_start3A_61 : memref<1x128xi32, #tpu.memory_space<vmem>> -> memref<128xi32, #tpu.memory_space<vmem>>
    %dma_start3A_63 = arith.constant 0 : i32
    %dma_start3A_64 = arith.constant 0 : i32
    %dma_start3A_65 = tpu.memref_slice %arg2[%dma_start3A_63, %dma_start3A_64] : memref<10000x16xf32, #tpu.memory_space<hbm>> -> memref<10000x16xf32, #tpu.memory_space<hbm>>
    tpu.enqueue_indirect_dma source(%dma_start3A_65 : memref<10000x16xf32, #tpu.memory_space<hbm>>) target(%dma_start3A_59 : memref<128x16xf32, #tpu.memory_space<vmem>>) offsets(%dma_start3A_62 : memref<128xi32, #tpu.memory_space<vmem>>) semaphore(%arg12 : memref<!tpu.dma_semaphore, #tpu.memory_space<semaphore_mem>>)
    %dma_start3A_66 = arith.constant 35 : i32
    %dma_start3A_67 = arith.constant 384 : i32
    %dma_start3A_68 = arith.constant 0 : i32
    %dma_start3A_69 = tpu.memref_slice %arg9[%dma_start3A_67, %dma_start3A_68] : memref<1024x16xf32, #tpu.memory_space<vmem>> -> memref<128x16xf32, #tpu.memory_space<vmem>>
    %dma_start3A_70 = arith.constant 0 : i32
    %dma_start3A_71 = tpu.memref_slice %arg7[%dma_start3A_66, %dma_start3A_70] : memref<40x128xi32, #tpu.memory_space<vmem>> -> memref<1x128xi32, #tpu.memory_space<vmem>>
    %dma_start3A_72 = tpu.memref_squeeze %dma_start3A_71 : memref<1x128xi32, #tpu.memory_space<vmem>> -> memref<128xi32, #tpu.memory_space<vmem>>
    %dma_start3A_73 = arith.constant 0 : i32
    %dma_start3A_74 = arith.constant 0 : i32
    %dma_start3A_75 = tpu.memref_slice %arg2[%dma_start3A_73, %dma_start3A_74] : memref<10000x16xf32, #tpu.memory_space<hbm>> -> memref<10000x16xf32, #tpu.memory_space<hbm>>
    tpu.enqueue_indirect_dma source(%dma_start3A_75 : memref<10000x16xf32, #tpu.memory_space<hbm>>) target(%dma_start3A_69 : memref<128x16xf32, #tpu.memory_space<vmem>>) offsets(%dma_start3A_72 : memref<128xi32, #tpu.memory_space<vmem>>) semaphore(%arg11 : memref<!tpu.dma_semaphore, #tpu.memory_space<semaphore_mem>>)
    %dma_start3A_76 = arith.constant 35 : i32
    %dma_start3A_77 = arith.constant 384 : i32
    %dma_start3A_78 = arith.constant 0 : i32
    %dma_start3A_79 = tpu.memref_slice %arg10[%dma_start3A_77, %dma_start3A_78] : memref<1024x16xf32, #tpu.memory_space<vmem>> -> memref<128x16xf32, #tpu.memory_space<vmem>>
    %dma_start3A_80 = arith.constant 0 : i32
    %dma_start3A_81 = tpu.memref_slice %arg8[%dma_start3A_76, %dma_start3A_80] : memref<40x128xi32, #tpu.memory_space<vmem>> -> memref<1x128xi32, #tpu.memory_space<vmem>>
    %dma_start3A_82 = tpu.memref_squeeze %dma_start3A_81 : memref<1x128xi32, #tpu.memory_space<vmem>> -> memref<128xi32, #tpu.memory_space<vmem>>
    %dma_start3A_83 = arith.constant 0 : i32
    %dma_start3A_84 = arith.constant 0 : i32
    %dma_start3A_85 = tpu.memref_slice %arg2[%dma_start3A_83, %dma_start3A_84] : memref<10000x16xf32, #tpu.memory_space<hbm>> -> memref<10000x16xf32, #tpu.memory_space<hbm>>
    tpu.enqueue_indirect_dma source(%dma_start3A_85 : memref<10000x16xf32, #tpu.memory_space<hbm>>) target(%dma_start3A_79 : memref<128x16xf32, #tpu.memory_space<vmem>>) offsets(%dma_start3A_82 : memref<128xi32, #tpu.memory_space<vmem>>) semaphore(%arg12 : memref<!tpu.dma_semaphore, #tpu.memory_space<semaphore_mem>>)
    %dma_start3A_86 = arith.constant 36 : i32
    %dma_start3A_87 = arith.constant 512 : i32
    %dma_start3A_88 = arith.constant 0 : i32
    %dma_start3A_89 = tpu.memref_slice %arg9[%dma_start3A_87, %dma_start3A_88] : memref<1024x16xf32, #tpu.memory_space<vmem>> -> memref<128x16xf32, #tpu.memory_space<vmem>>
    %dma_start3A_90 = arith.constant 0 : i32
    %dma_start3A_91 = tpu.memref_slice %arg7[%dma_start3A_86, %dma_start3A_90] : memref<40x128xi32, #tpu.memory_space<vmem>> -> memref<1x128xi32, #tpu.memory_space<vmem>>
    %dma_start3A_92 = tpu.memref_squeeze %dma_start3A_91 : memref<1x128xi32, #tpu.memory_space<vmem>> -> memref<128xi32, #tpu.memory_space<vmem>>
    %dma_start3A_93 = arith.constant 0 : i32
    %dma_start3A_94 = arith.constant 0 : i32
    %dma_start3A_95 = tpu.memref_slice %arg2[%dma_start3A_93, %dma_start3A_94] : memref<10000x16xf32, #tpu.memory_space<hbm>> -> memref<10000x16xf32, #tpu.memory_space<hbm>>
    tpu.enqueue_indirect_dma source(%dma_start3A_95 : memref<10000x16xf32, #tpu.memory_space<hbm>>) target(%dma_start3A_89 : memref<128x16xf32, #tpu.memory_space<vmem>>) offsets(%dma_start3A_92 : memref<128xi32, #tpu.memory_space<vmem>>) semaphore(%arg11 : memref<!tpu.dma_semaphore, #tpu.memory_space<semaphore_mem>>)
    %dma_start3A_96 = arith.constant 36 : i32
    %dma_start3A_97 = arith.constant 512 : i32
    %dma_start3A_98 = arith.constant 0 : i32
    %dma_start3A_99 = tpu.memref_slice %arg10[%dma_start3A_97, %dma_start3A_98] : memref<1024x16xf32, #tpu.memory_space<vmem>> -> memref<128x16xf32, #tpu.memory_space<vmem>>
    %dma_start3A_100 = arith.constant 0 : i32
    %dma_start3A_101 = tpu.memref_slice %arg8[%dma_start3A_96, %dma_start3A_100] : memref<40x128xi32, #tpu.memory_space<vmem>> -> memref<1x128xi32, #tpu.memory_space<vmem>>
    %dma_start3A_102 = tpu.memref_squeeze %dma_start3A_101 : memref<1x128xi32, #tpu.memory_space<vmem>> -> memref<128xi32, #tpu.memory_space<vmem>>
    %dma_start3A_103 = arith.constant 0 : i32
    %dma_start3A_104 = arith.constant 0 : i32
    %dma_start3A_105 = tpu.memref_slice %arg2[%dma_start3A_103, %dma_start3A_104] : memref<10000x16xf32, #tpu.memory_space<hbm>> -> memref<10000x16xf32, #tpu.memory_space<hbm>>
    tpu.enqueue_indirect_dma source(%dma_start3A_105 : memref<10000x16xf32, #tpu.memory_space<hbm>>) target(%dma_start3A_99 : memref<128x16xf32, #tpu.memory_space<vmem>>) offsets(%dma_start3A_102 : memref<128xi32, #tpu.memory_space<vmem>>) semaphore(%arg12 : memref<!tpu.dma_semaphore, #tpu.memory_space<semaphore_mem>>)
    %dma_start3A_106 = arith.constant 37 : i32
    %dma_start3A_107 = arith.constant 640 : i32
    %dma_start3A_108 = arith.constant 0 : i32
    %dma_start3A_109 = tpu.memref_slice %arg9[%dma_start3A_107, %dma_start3A_108] : memref<1024x16xf32, #tpu.memory_space<vmem>> -> memref<128x16xf32, #tpu.memory_space<vmem>>
    %dma_start3A_110 = arith.constant 0 : i32
    %dma_start3A_111 = tpu.memref_slice %arg7[%dma_start3A_106, %dma_start3A_110] : memref<40x128xi32, #tpu.memory_space<vmem>> -> memref<1x128xi32, #tpu.memory_space<vmem>>
    %dma_start3A_112 = tpu.memref_squeeze %dma_start3A_111 : memref<1x128xi32, #tpu.memory_space<vmem>> -> memref<128xi32, #tpu.memory_space<vmem>>
    %dma_start3A_113 = arith.constant 0 : i32
    %dma_start3A_114 = arith.constant 0 : i32
    %dma_start3A_115 = tpu.memref_slice %arg2[%dma_start3A_113, %dma_start3A_114] : memref<10000x16xf32, #tpu.memory_space<hbm>> -> memref<10000x16xf32, #tpu.memory_space<hbm>>
    tpu.enqueue_indirect_dma source(%dma_start3A_115 : memref<10000x16xf32, #tpu.memory_space<hbm>>) target(%dma_start3A_109 : memref<128x16xf32, #tpu.memory_space<vmem>>) offsets(%dma_start3A_112 : memref<128xi32, #tpu.memory_space<vmem>>) semaphore(%arg11 : memref<!tpu.dma_semaphore, #tpu.memory_space<semaphore_mem>>)
    %dma_start3A_116 = arith.constant 37 : i32
    %dma_start3A_117 = arith.constant 640 : i32
    %dma_start3A_118 = arith.constant 0 : i32
    %dma_start3A_119 = tpu.memref_slice %arg10[%dma_start3A_117, %dma_start3A_118] : memref<1024x16xf32, #tpu.memory_space<vmem>> -> memref<128x16xf32, #tpu.memory_space<vmem>>
    %dma_start3A_120 = arith.constant 0 : i32
    %dma_start3A_121 = tpu.memref_slice %arg8[%dma_start3A_116, %dma_start3A_120] : memref<40x128xi32, #tpu.memory_space<vmem>> -> memref<1x128xi32, #tpu.memory_space<vmem>>
    %dma_start3A_122 = tpu.memref_squeeze %dma_start3A_121 : memref<1x128xi32, #tpu.memory_space<vmem>> -> memref<128xi32, #tpu.memory_space<vmem>>
    %dma_start3A_123 = arith.constant 0 : i32
    %dma_start3A_124 = arith.constant 0 : i32
    %dma_start3A_125 = tpu.memref_slice %arg2[%dma_start3A_123, %dma_start3A_124] : memref<10000x16xf32, #tpu.memory_space<hbm>> -> memref<10000x16xf32, #tpu.memory_space<hbm>>
    tpu.enqueue_indirect_dma source(%dma_start3A_125 : memref<10000x16xf32, #tpu.memory_space<hbm>>) target(%dma_start3A_119 : memref<128x16xf32, #tpu.memory_space<vmem>>) offsets(%dma_start3A_122 : memref<128xi32, #tpu.memory_space<vmem>>) semaphore(%arg12 : memref<!tpu.dma_semaphore, #tpu.memory_space<semaphore_mem>>)
    %dma_start3A_126 = arith.constant 38 : i32
    %dma_start3A_127 = arith.constant 768 : i32
    %dma_start3A_128 = arith.constant 0 : i32
    %dma_start3A_129 = tpu.memref_slice %arg9[%dma_start3A_127, %dma_start3A_128] : memref<1024x16xf32, #tpu.memory_space<vmem>> -> memref<128x16xf32, #tpu.memory_space<vmem>>
    %dma_start3A_130 = arith.constant 0 : i32
    %dma_start3A_131 = tpu.memref_slice %arg7[%dma_start3A_126, %dma_start3A_130] : memref<40x128xi32, #tpu.memory_space<vmem>> -> memref<1x128xi32, #tpu.memory_space<vmem>>
    %dma_start3A_132 = tpu.memref_squeeze %dma_start3A_131 : memref<1x128xi32, #tpu.memory_space<vmem>> -> memref<128xi32, #tpu.memory_space<vmem>>
    %dma_start3A_133 = arith.constant 0 : i32
    %dma_start3A_134 = arith.constant 0 : i32
    %dma_start3A_135 = tpu.memref_slice %arg2[%dma_start3A_133, %dma_start3A_134] : memref<10000x16xf32, #tpu.memory_space<hbm>> -> memref<10000x16xf32, #tpu.memory_space<hbm>>
    tpu.enqueue_indirect_dma source(%dma_start3A_135 : memref<10000x16xf32, #tpu.memory_space<hbm>>) target(%dma_start3A_129 : memref<128x16xf32, #tpu.memory_space<vmem>>) offsets(%dma_start3A_132 : memref<128xi32, #tpu.memory_space<vmem>>) semaphore(%arg11 : memref<!tpu.dma_semaphore, #tpu.memory_space<semaphore_mem>>)
    %dma_start3A_136 = arith.constant 38 : i32
    %dma_start3A_137 = arith.constant 768 : i32
    %dma_start3A_138 = arith.constant 0 : i32
    %dma_start3A_139 = tpu.memref_slice %arg10[%dma_start3A_137, %dma_start3A_138] : memref<1024x16xf32, #tpu.memory_space<vmem>> -> memref<128x16xf32, #tpu.memory_space<vmem>>
    %dma_start3A_140 = arith.constant 0 : i32
    %dma_start3A_141 = tpu.memref_slice %arg8[%dma_start3A_136, %dma_start3A_140] : memref<40x128xi32, #tpu.memory_space<vmem>> -> memref<1x128xi32, #tpu.memory_space<vmem>>
    %dma_start3A_142 = tpu.memref_squeeze %dma_start3A_141 : memref<1x128xi32, #tpu.memory_space<vmem>> -> memref<128xi32, #tpu.memory_space<vmem>>
    %dma_start3A_143 = arith.constant 0 : i32
    %dma_start3A_144 = arith.constant 0 : i32
    %dma_start3A_145 = tpu.memref_slice %arg2[%dma_start3A_143, %dma_start3A_144] : memref<10000x16xf32, #tpu.memory_space<hbm>> -> memref<10000x16xf32, #tpu.memory_space<hbm>>
    tpu.enqueue_indirect_dma source(%dma_start3A_145 : memref<10000x16xf32, #tpu.memory_space<hbm>>) target(%dma_start3A_139 : memref<128x16xf32, #tpu.memory_space<vmem>>) offsets(%dma_start3A_142 : memref<128xi32, #tpu.memory_space<vmem>>) semaphore(%arg12 : memref<!tpu.dma_semaphore, #tpu.memory_space<semaphore_mem>>)
    %dma_start3A_146 = arith.constant 39 : i32
    %dma_start3A_147 = arith.constant 896 : i32
    %dma_start3A_148 = arith.constant 0 : i32
    %dma_start3A_149 = tpu.memref_slice %arg9[%dma_start3A_147, %dma_start3A_148] : memref<1024x16xf32, #tpu.memory_space<vmem>> -> memref<128x16xf32, #tpu.memory_space<vmem>>
    %dma_start3A_150 = arith.constant 0 : i32
    %dma_start3A_151 = tpu.memref_slice %arg7[%dma_start3A_146, %dma_start3A_150] : memref<40x128xi32, #tpu.memory_space<vmem>> -> memref<1x128xi32, #tpu.memory_space<vmem>>
    %dma_start3A_152 = tpu.memref_squeeze %dma_start3A_151 : memref<1x128xi32, #tpu.memory_space<vmem>> -> memref<128xi32, #tpu.memory_space<vmem>>
    %dma_start3A_153 = arith.constant 0 : i32
    %dma_start3A_154 = arith.constant 0 : i32
    %dma_start3A_155 = tpu.memref_slice %arg2[%dma_start3A_153, %dma_start3A_154] : memref<10000x16xf32, #tpu.memory_space<hbm>> -> memref<10000x16xf32, #tpu.memory_space<hbm>>
    tpu.enqueue_indirect_dma source(%dma_start3A_155 : memref<10000x16xf32, #tpu.memory_space<hbm>>) target(%dma_start3A_149 : memref<128x16xf32, #tpu.memory_space<vmem>>) offsets(%dma_start3A_152 : memref<128xi32, #tpu.memory_space<vmem>>) semaphore(%arg11 : memref<!tpu.dma_semaphore, #tpu.memory_space<semaphore_mem>>)
    %dma_start3A_156 = arith.constant 39 : i32
    %dma_start3A_157 = arith.constant 896 : i32
    %dma_start3A_158 = arith.constant 0 : i32
    %dma_start3A_159 = tpu.memref_slice %arg10[%dma_start3A_157, %dma_start3A_158] : memref<1024x16xf32, #tpu.memory_space<vmem>> -> memref<128x16xf32, #tpu.memory_space<vmem>>
    %dma_start3A_160 = arith.constant 0 : i32
    %dma_start3A_161 = tpu.memref_slice %arg8[%dma_start3A_156, %dma_start3A_160] : memref<40x128xi32, #tpu.memory_space<vmem>> -> memref<1x128xi32, #tpu.memory_space<vmem>>
    %dma_start3A_162 = tpu.memref_squeeze %dma_start3A_161 : memref<1x128xi32, #tpu.memory_space<vmem>> -> memref<128xi32, #tpu.memory_space<vmem>>
    %dma_start3A_163 = arith.constant 0 : i32
    %dma_start3A_164 = arith.constant 0 : i32
    %dma_start3A_165 = tpu.memref_slice %arg2[%dma_start3A_163, %dma_start3A_164] : memref<10000x16xf32, #tpu.memory_space<hbm>> -> memref<10000x16xf32, #tpu.memory_space<hbm>>
    tpu.enqueue_indirect_dma source(%dma_start3A_165 : memref<10000x16xf32, #tpu.memory_space<hbm>>) target(%dma_start3A_159 : memref<128x16xf32, #tpu.memory_space<vmem>>) offsets(%dma_start3A_162 : memref<128xi32, #tpu.memory_space<vmem>>) semaphore(%arg12 : memref<!tpu.dma_semaphore, #tpu.memory_space<semaphore_mem>>)
    %dma_wait3A = arith.constant 32 : i32
    %dma_wait3A_166 = arith.constant 0 : i32
    %dma_wait3A_167 = arith.constant 0 : i32
    %dma_wait3A_168 = tpu.memref_slice %arg9[%dma_wait3A_166, %dma_wait3A_167] : memref<1024x16xf32, #tpu.memory_space<vmem>> -> memref<128x16xf32, #tpu.memory_space<vmem>>
    %dma_wait3A_169 = arith.constant 0 : i32
    %dma_wait3A_170 = tpu.memref_slice %arg7[%dma_wait3A, %dma_wait3A_169] : memref<40x128xi32, #tpu.memory_space<vmem>> -> memref<1x128xi32, #tpu.memory_space<vmem>>
    %dma_wait3A_171 = tpu.memref_squeeze %dma_wait3A_170 : memref<1x128xi32, #tpu.memory_space<vmem>> -> memref<128xi32, #tpu.memory_space<vmem>>
    %dma_wait3A_172 = arith.constant 0 : i32
    %dma_wait3A_173 = arith.constant 0 : i32
    %dma_wait3A_174 = tpu.memref_slice %arg2[%dma_wait3A_172, %dma_wait3A_173] : memref<10000x16xf32, #tpu.memory_space<hbm>> -> memref<10000x16xf32, #tpu.memory_space<hbm>>
    tpu.wait_indirect_dma semaphore(%arg11 : memref<!tpu.dma_semaphore, #tpu.memory_space<semaphore_mem>>) src(%dma_wait3A_174 : memref<10000x16xf32, #tpu.memory_space<hbm>>) dst(%dma_wait3A_168 : memref<128x16xf32, #tpu.memory_space<vmem>>)
    %dma_wait3A_175 = arith.constant 32 : i32
    %dma_wait3A_176 = arith.constant 0 : i32
    %dma_wait3A_177 = arith.constant 0 : i32
    %dma_wait3A_178 = tpu.memref_slice %arg10[%dma_wait3A_176, %dma_wait3A_177] : memref<1024x16xf32, #tpu.memory_space<vmem>> -> memref<128x16xf32, #tpu.memory_space<vmem>>
    %dma_wait3A_179 = arith.constant 0 : i32
    %dma_wait3A_180 = tpu.memref_slice %arg8[%dma_wait3A_175, %dma_wait3A_179] : memref<40x128xi32, #tpu.memory_space<vmem>> -> memref<1x128xi32, #tpu.memory_space<vmem>>
    %dma_wait3A_181 = tpu.memref_squeeze %dma_wait3A_180 : memref<1x128xi32, #tpu.memory_space<vmem>> -> memref<128xi32, #tpu.memory_space<vmem>>
    %dma_wait3A_182 = arith.constant 0 : i32
    %dma_wait3A_183 = arith.constant 0 : i32
    %dma_wait3A_184 = tpu.memref_slice %arg2[%dma_wait3A_182, %dma_wait3A_183] : memref<10000x16xf32, #tpu.memory_space<hbm>> -> memref<10000x16xf32, #tpu.memory_space<hbm>>
    tpu.wait_indirect_dma semaphore(%arg12 : memref<!tpu.dma_semaphore, #tpu.memory_space<semaphore_mem>>) src(%dma_wait3A_184 : memref<10000x16xf32, #tpu.memory_space<hbm>>) dst(%dma_wait3A_178 : memref<128x16xf32, #tpu.memory_space<vmem>>)
    %dma_wait3A_185 = arith.constant 33 : i32
    %dma_wait3A_186 = arith.constant 128 : i32
    %dma_wait3A_187 = arith.constant 0 : i32
    %dma_wait3A_188 = tpu.memref_slice %arg9[%dma_wait3A_186, %dma_wait3A_187] : memref<1024x16xf32, #tpu.memory_space<vmem>> -> memref<128x16xf32, #tpu.memory_space<vmem>>
    %dma_wait3A_189 = arith.constant 0 : i32
    %dma_wait3A_190 = tpu.memref_slice %arg7[%dma_wait3A_185, %dma_wait3A_189] : memref<40x128xi32, #tpu.memory_space<vmem>> -> memref<1x128xi32, #tpu.memory_space<vmem>>
    %dma_wait3A_191 = tpu.memref_squeeze %dma_wait3A_190 : memref<1x128xi32, #tpu.memory_space<vmem>> -> memref<128xi32, #tpu.memory_space<vmem>>
    %dma_wait3A_192 = arith.constant 0 : i32
    %dma_wait3A_193 = arith.constant 0 : i32
    %dma_wait3A_194 = tpu.memref_slice %arg2[%dma_wait3A_192, %dma_wait3A_193] : memref<10000x16xf32, #tpu.memory_space<hbm>> -> memref<10000x16xf32, #tpu.memory_space<hbm>>
    tpu.wait_indirect_dma semaphore(%arg11 : memref<!tpu.dma_semaphore, #tpu.memory_space<semaphore_mem>>) src(%dma_wait3A_194 : memref<10000x16xf32, #tpu.memory_space<hbm>>) dst(%dma_wait3A_188 : memref<128x16xf32, #tpu.memory_space<vmem>>)
    %dma_wait3A_195 = arith.constant 33 : i32
    %dma_wait3A_196 = arith.constant 128 : i32
    %dma_wait3A_197 = arith.constant 0 : i32
    %dma_wait3A_198 = tpu.memref_slice %arg10[%dma_wait3A_196, %dma_wait3A_197] : memref<1024x16xf32, #tpu.memory_space<vmem>> -> memref<128x16xf32, #tpu.memory_space<vmem>>
    %dma_wait3A_199 = arith.constant 0 : i32
    %dma_wait3A_200 = tpu.memref_slice %arg8[%dma_wait3A_195, %dma_wait3A_199] : memref<40x128xi32, #tpu.memory_space<vmem>> -> memref<1x128xi32, #tpu.memory_space<vmem>>
    %dma_wait3A_201 = tpu.memref_squeeze %dma_wait3A_200 : memref<1x128xi32, #tpu.memory_space<vmem>> -> memref<128xi32, #tpu.memory_space<vmem>>
    %dma_wait3A_202 = arith.constant 0 : i32
    %dma_wait3A_203 = arith.constant 0 : i32
    %dma_wait3A_204 = tpu.memref_slice %arg2[%dma_wait3A_202, %dma_wait3A_203] : memref<10000x16xf32, #tpu.memory_space<hbm>> -> memref<10000x16xf32, #tpu.memory_space<hbm>>
    tpu.wait_indirect_dma semaphore(%arg12 : memref<!tpu.dma_semaphore, #tpu.memory_space<semaphore_mem>>) src(%dma_wait3A_204 : memref<10000x16xf32, #tpu.memory_space<hbm>>) dst(%dma_wait3A_198 : memref<128x16xf32, #tpu.memory_space<vmem>>)
    %dma_wait3A_205 = arith.constant 34 : i32
    %dma_wait3A_206 = arith.constant 256 : i32
    %dma_wait3A_207 = arith.constant 0 : i32
    %dma_wait3A_208 = tpu.memref_slice %arg9[%dma_wait3A_206, %dma_wait3A_207] : memref<1024x16xf32, #tpu.memory_space<vmem>> -> memref<128x16xf32, #tpu.memory_space<vmem>>
    %dma_wait3A_209 = arith.constant 0 : i32
    %dma_wait3A_210 = tpu.memref_slice %arg7[%dma_wait3A_205, %dma_wait3A_209] : memref<40x128xi32, #tpu.memory_space<vmem>> -> memref<1x128xi32, #tpu.memory_space<vmem>>
    %dma_wait3A_211 = tpu.memref_squeeze %dma_wait3A_210 : memref<1x128xi32, #tpu.memory_space<vmem>> -> memref<128xi32, #tpu.memory_space<vmem>>
    %dma_wait3A_212 = arith.constant 0 : i32
    %dma_wait3A_213 = arith.constant 0 : i32
    %dma_wait3A_214 = tpu.memref_slice %arg2[%dma_wait3A_212, %dma_wait3A_213] : memref<10000x16xf32, #tpu.memory_space<hbm>> -> memref<10000x16xf32, #tpu.memory_space<hbm>>
    tpu.wait_indirect_dma semaphore(%arg11 : memref<!tpu.dma_semaphore, #tpu.memory_space<semaphore_mem>>) src(%dma_wait3A_214 : memref<10000x16xf32, #tpu.memory_space<hbm>>) dst(%dma_wait3A_208 : memref<128x16xf32, #tpu.memory_space<vmem>>)
    %dma_wait3A_215 = arith.constant 34 : i32
    %dma_wait3A_216 = arith.constant 256 : i32
    %dma_wait3A_217 = arith.constant 0 : i32
    %dma_wait3A_218 = tpu.memref_slice %arg10[%dma_wait3A_216, %dma_wait3A_217] : memref<1024x16xf32, #tpu.memory_space<vmem>> -> memref<128x16xf32, #tpu.memory_space<vmem>>
    %dma_wait3A_219 = arith.constant 0 : i32
    %dma_wait3A_220 = tpu.memref_slice %arg8[%dma_wait3A_215, %dma_wait3A_219] : memref<40x128xi32, #tpu.memory_space<vmem>> -> memref<1x128xi32, #tpu.memory_space<vmem>>
    %dma_wait3A_221 = tpu.memref_squeeze %dma_wait3A_220 : memref<1x128xi32, #tpu.memory_space<vmem>> -> memref<128xi32, #tpu.memory_space<vmem>>
    %dma_wait3A_222 = arith.constant 0 : i32
    %dma_wait3A_223 = arith.constant 0 : i32
    %dma_wait3A_224 = tpu.memref_slice %arg2[%dma_wait3A_222, %dma_wait3A_223] : memref<10000x16xf32, #tpu.memory_space<hbm>> -> memref<10000x16xf32, #tpu.memory_space<hbm>>
    tpu.wait_indirect_dma semaphore(%arg12 : memref<!tpu.dma_semaphore, #tpu.memory_space<semaphore_mem>>) src(%dma_wait3A_224 : memref<10000x16xf32, #tpu.memory_space<hbm>>) dst(%dma_wait3A_218 : memref<128x16xf32, #tpu.memory_space<vmem>>)
    %dma_wait3A_225 = arith.constant 35 : i32
    %dma_wait3A_226 = arith.constant 384 : i32
    %dma_wait3A_227 = arith.constant 0 : i32
    %dma_wait3A_228 = tpu.memref_slice %arg9[%dma_wait3A_226, %dma_wait3A_227] : memref<1024x16xf32, #tpu.memory_space<vmem>> -> memref<128x16xf32, #tpu.memory_space<vmem>>
    %dma_wait3A_229 = arith.constant 0 : i32
    %dma_wait3A_230 = tpu.memref_slice %arg7[%dma_wait3A_225, %dma_wait3A_229] : memref<40x128xi32, #tpu.memory_space<vmem>> -> memref<1x128xi32, #tpu.memory_space<vmem>>
    %dma_wait3A_231 = tpu.memref_squeeze %dma_wait3A_230 : memref<1x128xi32, #tpu.memory_space<vmem>> -> memref<128xi32, #tpu.memory_space<vmem>>
    %dma_wait3A_232 = arith.constant 0 : i32
    %dma_wait3A_233 = arith.constant 0 : i32
    %dma_wait3A_234 = tpu.memref_slice %arg2[%dma_wait3A_232, %dma_wait3A_233] : memref<10000x16xf32, #tpu.memory_space<hbm>> -> memref<10000x16xf32, #tpu.memory_space<hbm>>
    tpu.wait_indirect_dma semaphore(%arg11 : memref<!tpu.dma_semaphore, #tpu.memory_space<semaphore_mem>>) src(%dma_wait3A_234 : memref<10000x16xf32, #tpu.memory_space<hbm>>) dst(%dma_wait3A_228 : memref<128x16xf32, #tpu.memory_space<vmem>>)
    %dma_wait3A_235 = arith.constant 35 : i32
    %dma_wait3A_236 = arith.constant 384 : i32
    %dma_wait3A_237 = arith.constant 0 : i32
    %dma_wait3A_238 = tpu.memref_slice %arg10[%dma_wait3A_236, %dma_wait3A_237] : memref<1024x16xf32, #tpu.memory_space<vmem>> -> memref<128x16xf32, #tpu.memory_space<vmem>>
    %dma_wait3A_239 = arith.constant 0 : i32
    %dma_wait3A_240 = tpu.memref_slice %arg8[%dma_wait3A_235, %dma_wait3A_239] : memref<40x128xi32, #tpu.memory_space<vmem>> -> memref<1x128xi32, #tpu.memory_space<vmem>>
    %dma_wait3A_241 = tpu.memref_squeeze %dma_wait3A_240 : memref<1x128xi32, #tpu.memory_space<vmem>> -> memref<128xi32, #tpu.memory_space<vmem>>
    %dma_wait3A_242 = arith.constant 0 : i32
    %dma_wait3A_243 = arith.constant 0 : i32
    %dma_wait3A_244 = tpu.memref_slice %arg2[%dma_wait3A_242, %dma_wait3A_243] : memref<10000x16xf32, #tpu.memory_space<hbm>> -> memref<10000x16xf32, #tpu.memory_space<hbm>>
    tpu.wait_indirect_dma semaphore(%arg12 : memref<!tpu.dma_semaphore, #tpu.memory_space<semaphore_mem>>) src(%dma_wait3A_244 : memref<10000x16xf32, #tpu.memory_space<hbm>>) dst(%dma_wait3A_238 : memref<128x16xf32, #tpu.memory_space<vmem>>)
    %dma_wait3A_245 = arith.constant 36 : i32
    %dma_wait3A_246 = arith.constant 512 : i32
    %dma_wait3A_247 = arith.constant 0 : i32
    %dma_wait3A_248 = tpu.memref_slice %arg9[%dma_wait3A_246, %dma_wait3A_247] : memref<1024x16xf32, #tpu.memory_space<vmem>> -> memref<128x16xf32, #tpu.memory_space<vmem>>
    %dma_wait3A_249 = arith.constant 0 : i32
    %dma_wait3A_250 = tpu.memref_slice %arg7[%dma_wait3A_245, %dma_wait3A_249] : memref<40x128xi32, #tpu.memory_space<vmem>> -> memref<1x128xi32, #tpu.memory_space<vmem>>
    %dma_wait3A_251 = tpu.memref_squeeze %dma_wait3A_250 : memref<1x128xi32, #tpu.memory_space<vmem>> -> memref<128xi32, #tpu.memory_space<vmem>>
    %dma_wait3A_252 = arith.constant 0 : i32
    %dma_wait3A_253 = arith.constant 0 : i32
    %dma_wait3A_254 = tpu.memref_slice %arg2[%dma_wait3A_252, %dma_wait3A_253] : memref<10000x16xf32, #tpu.memory_space<hbm>> -> memref<10000x16xf32, #tpu.memory_space<hbm>>
    tpu.wait_indirect_dma semaphore(%arg11 : memref<!tpu.dma_semaphore, #tpu.memory_space<semaphore_mem>>) src(%dma_wait3A_254 : memref<10000x16xf32, #tpu.memory_space<hbm>>) dst(%dma_wait3A_248 : memref<128x16xf32, #tpu.memory_space<vmem>>)
    %dma_wait3A_255 = arith.constant 36 : i32
    %dma_wait3A_256 = arith.constant 512 : i32
    %dma_wait3A_257 = arith.constant 0 : i32
    %dma_wait3A_258 = tpu.memref_slice %arg10[%dma_wait3A_256, %dma_wait3A_257] : memref<1024x16xf32, #tpu.memory_space<vmem>> -> memref<128x16xf32, #tpu.memory_space<vmem>>
    %dma_wait3A_259 = arith.constant 0 : i32
    %dma_wait3A_260 = tpu.memref_slice %arg8[%dma_wait3A_255, %dma_wait3A_259] : memref<40x128xi32, #tpu.memory_space<vmem>> -> memref<1x128xi32, #tpu.memory_space<vmem>>
    %dma_wait3A_261 = tpu.memref_squeeze %dma_wait3A_260 : memref<1x128xi32, #tpu.memory_space<vmem>> -> memref<128xi32, #tpu.memory_space<vmem>>
    %dma_wait3A_262 = arith.constant 0 : i32
    %dma_wait3A_263 = arith.constant 0 : i32
    %dma_wait3A_264 = tpu.memref_slice %arg2[%dma_wait3A_262, %dma_wait3A_263] : memref<10000x16xf32, #tpu.memory_space<hbm>> -> memref<10000x16xf32, #tpu.memory_space<hbm>>
    tpu.wait_indirect_dma semaphore(%arg12 : memref<!tpu.dma_semaphore, #tpu.memory_space<semaphore_mem>>) src(%dma_wait3A_264 : memref<10000x16xf32, #tpu.memory_space<hbm>>) dst(%dma_wait3A_258 : memref<128x16xf32, #tpu.memory_space<vmem>>)
    %dma_wait3A_265 = arith.constant 37 : i32
    %dma_wait3A_266 = arith.constant 640 : i32
    %dma_wait3A_267 = arith.constant 0 : i32
    %dma_wait3A_268 = tpu.memref_slice %arg9[%dma_wait3A_266, %dma_wait3A_267] : memref<1024x16xf32, #tpu.memory_space<vmem>> -> memref<128x16xf32, #tpu.memory_space<vmem>>
    %dma_wait3A_269 = arith.constant 0 : i32
    %dma_wait3A_270 = tpu.memref_slice %arg7[%dma_wait3A_265, %dma_wait3A_269] : memref<40x128xi32, #tpu.memory_space<vmem>> -> memref<1x128xi32, #tpu.memory_space<vmem>>
    %dma_wait3A_271 = tpu.memref_squeeze %dma_wait3A_270 : memref<1x128xi32, #tpu.memory_space<vmem>> -> memref<128xi32, #tpu.memory_space<vmem>>
    %dma_wait3A_272 = arith.constant 0 : i32
    %dma_wait3A_273 = arith.constant 0 : i32
    %dma_wait3A_274 = tpu.memref_slice %arg2[%dma_wait3A_272, %dma_wait3A_273] : memref<10000x16xf32, #tpu.memory_space<hbm>> -> memref<10000x16xf32, #tpu.memory_space<hbm>>
    tpu.wait_indirect_dma semaphore(%arg11 : memref<!tpu.dma_semaphore, #tpu.memory_space<semaphore_mem>>) src(%dma_wait3A_274 : memref<10000x16xf32, #tpu.memory_space<hbm>>) dst(%dma_wait3A_268 : memref<128x16xf32, #tpu.memory_space<vmem>>)
    %dma_wait3A_275 = arith.constant 37 : i32
    %dma_wait3A_276 = arith.constant 640 : i32
    %dma_wait3A_277 = arith.constant 0 : i32
    %dma_wait3A_278 = tpu.memref_slice %arg10[%dma_wait3A_276, %dma_wait3A_277] : memref<1024x16xf32, #tpu.memory_space<vmem>> -> memref<128x16xf32, #tpu.memory_space<vmem>>
    %dma_wait3A_279 = arith.constant 0 : i32
    %dma_wait3A_280 = tpu.memref_slice %arg8[%dma_wait3A_275, %dma_wait3A_279] : memref<40x128xi32, #tpu.memory_space<vmem>> -> memref<1x128xi32, #tpu.memory_space<vmem>>
    %dma_wait3A_281 = tpu.memref_squeeze %dma_wait3A_280 : memref<1x128xi32, #tpu.memory_space<vmem>> -> memref<128xi32, #tpu.memory_space<vmem>>
    %dma_wait3A_282 = arith.constant 0 : i32
    %dma_wait3A_283 = arith.constant 0 : i32
    %dma_wait3A_284 = tpu.memref_slice %arg2[%dma_wait3A_282, %dma_wait3A_283] : memref<10000x16xf32, #tpu.memory_space<hbm>> -> memref<10000x16xf32, #tpu.memory_space<hbm>>
    tpu.wait_indirect_dma semaphore(%arg12 : memref<!tpu.dma_semaphore, #tpu.memory_space<semaphore_mem>>) src(%dma_wait3A_284 : memref<10000x16xf32, #tpu.memory_space<hbm>>) dst(%dma_wait3A_278 : memref<128x16xf32, #tpu.memory_space<vmem>>)
    %dma_wait3A_285 = arith.constant 38 : i32
    %dma_wait3A_286 = arith.constant 768 : i32
    %dma_wait3A_287 = arith.constant 0 : i32
    %dma_wait3A_288 = tpu.memref_slice %arg9[%dma_wait3A_286, %dma_wait3A_287] : memref<1024x16xf32, #tpu.memory_space<vmem>> -> memref<128x16xf32, #tpu.memory_space<vmem>>
    %dma_wait3A_289 = arith.constant 0 : i32
    %dma_wait3A_290 = tpu.memref_slice %arg7[%dma_wait3A_285, %dma_wait3A_289] : memref<40x128xi32, #tpu.memory_space<vmem>> -> memref<1x128xi32, #tpu.memory_space<vmem>>
    %dma_wait3A_291 = tpu.memref_squeeze %dma_wait3A_290 : memref<1x128xi32, #tpu.memory_space<vmem>> -> memref<128xi32, #tpu.memory_space<vmem>>
    %dma_wait3A_292 = arith.constant 0 : i32
    %dma_wait3A_293 = arith.constant 0 : i32
    %dma_wait3A_294 = tpu.memref_slice %arg2[%dma_wait3A_292, %dma_wait3A_293] : memref<10000x16xf32, #tpu.memory_space<hbm>> -> memref<10000x16xf32, #tpu.memory_space<hbm>>
    tpu.wait_indirect_dma semaphore(%arg11 : memref<!tpu.dma_semaphore, #tpu.memory_space<semaphore_mem>>) src(%dma_wait3A_294 : memref<10000x16xf32, #tpu.memory_space<hbm>>) dst(%dma_wait3A_288 : memref<128x16xf32, #tpu.memory_space<vmem>>)
    %dma_wait3A_295 = arith.constant 38 : i32
    %dma_wait3A_296 = arith.constant 768 : i32
    %dma_wait3A_297 = arith.constant 0 : i32
    %dma_wait3A_298 = tpu.memref_slice %arg10[%dma_wait3A_296, %dma_wait3A_297] : memref<1024x16xf32, #tpu.memory_space<vmem>> -> memref<128x16xf32, #tpu.memory_space<vmem>>
    %dma_wait3A_299 = arith.constant 0 : i32
    %dma_wait3A_300 = tpu.memref_slice %arg8[%dma_wait3A_295, %dma_wait3A_299] : memref<40x128xi32, #tpu.memory_space<vmem>> -> memref<1x128xi32, #tpu.memory_space<vmem>>
    %dma_wait3A_301 = tpu.memref_squeeze %dma_wait3A_300 : memref<1x128xi32, #tpu.memory_space<vmem>> -> memref<128xi32, #tpu.memory_space<vmem>>
    %dma_wait3A_302 = arith.constant 0 : i32
    %dma_wait3A_303 = arith.constant 0 : i32
    %dma_wait3A_304 = tpu.memref_slice %arg2[%dma_wait3A_302, %dma_wait3A_303] : memref<10000x16xf32, #tpu.memory_space<hbm>> -> memref<10000x16xf32, #tpu.memory_space<hbm>>
    tpu.wait_indirect_dma semaphore(%arg12 : memref<!tpu.dma_semaphore, #tpu.memory_space<semaphore_mem>>) src(%dma_wait3A_304 : memref<10000x16xf32, #tpu.memory_space<hbm>>) dst(%dma_wait3A_298 : memref<128x16xf32, #tpu.memory_space<vmem>>)
    %dma_wait3A_305 = arith.constant 39 : i32
    %dma_wait3A_306 = arith.constant 896 : i32
    %dma_wait3A_307 = arith.constant 0 : i32
    %dma_wait3A_308 = tpu.memref_slice %arg9[%dma_wait3A_306, %dma_wait3A_307] : memref<1024x16xf32, #tpu.memory_space<vmem>> -> memref<128x16xf32, #tpu.memory_space<vmem>>
    %dma_wait3A_309 = arith.constant 0 : i32
    %dma_wait3A_310 = tpu.memref_slice %arg7[%dma_wait3A_305, %dma_wait3A_309] : memref<40x128xi32, #tpu.memory_space<vmem>> -> memref<1x128xi32, #tpu.memory_space<vmem>>
    %dma_wait3A_311 = tpu.memref_squeeze %dma_wait3A_310 : memref<1x128xi32, #tpu.memory_space<vmem>> -> memref<128xi32, #tpu.memory_space<vmem>>
    %dma_wait3A_312 = arith.constant 0 : i32
    %dma_wait3A_313 = arith.constant 0 : i32
    %dma_wait3A_314 = tpu.memref_slice %arg2[%dma_wait3A_312, %dma_wait3A_313] : memref<10000x16xf32, #tpu.memory_space<hbm>> -> memref<10000x16xf32, #tpu.memory_space<hbm>>
    tpu.wait_indirect_dma semaphore(%arg11 : memref<!tpu.dma_semaphore, #tpu.memory_space<semaphore_mem>>) src(%dma_wait3A_314 : memref<10000x16xf32, #tpu.memory_space<hbm>>) dst(%dma_wait3A_308 : memref<128x16xf32, #tpu.memory_space<vmem>>)
    %dma_wait3A_315 = arith.constant 39 : i32
    %dma_wait3A_316 = arith.constant 896 : i32
    %dma_wait3A_317 = arith.constant 0 : i32
    %dma_wait3A_318 = tpu.memref_slice %arg10[%dma_wait3A_316, %dma_wait3A_317] : memref<1024x16xf32, #tpu.memory_space<vmem>> -> memref<128x16xf32, #tpu.memory_space<vmem>>
    %dma_wait3A_319 = arith.constant 0 : i32
    %dma_wait3A_320 = tpu.memref_slice %arg8[%dma_wait3A_315, %dma_wait3A_319] : memref<40x128xi32, #tpu.memory_space<vmem>> -> memref<1x128xi32, #tpu.memory_space<vmem>>
    %dma_wait3A_321 = tpu.memref_squeeze %dma_wait3A_320 : memref<1x128xi32, #tpu.memory_space<vmem>> -> memref<128xi32, #tpu.memory_space<vmem>>
    %dma_wait3A_322 = arith.constant 0 : i32
    %dma_wait3A_323 = arith.constant 0 : i32
    %dma_wait3A_324 = tpu.memref_slice %arg2[%dma_wait3A_322, %dma_wait3A_323] : memref<10000x16xf32, #tpu.memory_space<hbm>> -> memref<10000x16xf32, #tpu.memory_space<hbm>>
    tpu.wait_indirect_dma semaphore(%arg12 : memref<!tpu.dma_semaphore, #tpu.memory_space<semaphore_mem>>) src(%dma_wait3A_324 : memref<10000x16xf32, #tpu.memory_space<hbm>>) dst(%dma_wait3A_318 : memref<128x16xf32, #tpu.memory_space<vmem>>)
    "tpu.region"() ({
      %run_scoped3A = tpu.sem_alloc : memref<!tpu.dma_semaphore, #tpu.memory_space<semaphore_mem>>
      %dma_start3A_325 = arith.constant 0 : i32
      %dma_start3A_326 = arith.constant 0 : i32
      %dma_start3A_327 = tpu.memref_slice %arg9[%dma_start3A_325, %dma_start3A_326] : memref<1024x16xf32, #tpu.memory_space<vmem>> -> memref<904x16xf32, #tpu.memory_space<vmem>>
      %dma_start3A_328 = arith.constant 4096 : i32
      %dma_start3A_329 = arith.constant 0 : i32
      %dma_start3A_330 = tpu.memref_slice %arg5[%add3A, %dma_start3A_328, %dma_start3A_329] : memref<32x5000x16xf32, #tpu.memory_space<hbm>> -> memref<1x904x16xf32, #tpu.memory_space<hbm>>
      %dma_start3A_331 = tpu.memref_squeeze %dma_start3A_330 : memref<1x904x16xf32, #tpu.memory_space<hbm>> -> memref<904x16xf32, #tpu.memory_space<hbm>>
      %dma_start3A_332 = arith.constant 4096 : i32
      %dma_start3A_333 = arith.constant 0 : i32
      %dma_start3A_334 = tpu.memref_slice %arg5[%add3A, %dma_start3A_332, %dma_start3A_333] : memref<32x5000x16xf32, #tpu.memory_space<hbm>> -> memref<1x904x16xf32, #tpu.memory_space<hbm>>
      %dma_start3A_335 = tpu.memref_squeeze %dma_start3A_334 : memref<1x904x16xf32, #tpu.memory_space<hbm>> -> memref<904x16xf32, #tpu.memory_space<hbm>>
      %dma_start3A_336 = arith.constant 0 : i32
      %dma_start3A_337 = arith.constant 0 : i32
      %dma_start3A_338 = tpu.memref_slice %arg9[%dma_start3A_336, %dma_start3A_337] : memref<1024x16xf32, #tpu.memory_space<vmem>> -> memref<904x16xf32, #tpu.memory_space<vmem>>
      tpu.enqueue_dma source(%dma_start3A_338 : memref<904x16xf32, #tpu.memory_space<vmem>>) target(%dma_start3A_335 : memref<904x16xf32, #tpu.memory_space<hbm>>) target_semaphore(%run_scoped3A : memref<!tpu.dma_semaphore, #tpu.memory_space<semaphore_mem>>)
      %dma_wait3A_339 = arith.constant 0 : i32
      %dma_wait3A_340 = arith.constant 0 : i32
      %dma_wait3A_341 = tpu.memref_slice %arg9[%dma_wait3A_339, %dma_wait3A_340] : memref<1024x16xf32, #tpu.memory_space<vmem>> -> memref<904x16xf32, #tpu.memory_space<vmem>>
      %dma_wait3A_342 = arith.constant 4096 : i32
      %dma_wait3A_343 = arith.constant 0 : i32
      %dma_wait3A_344 = tpu.memref_slice %arg5[%add3A, %dma_wait3A_342, %dma_wait3A_343] : memref<32x5000x16xf32, #tpu.memory_space<hbm>> -> memref<1x904x16xf32, #tpu.memory_space<hbm>>
      %dma_wait3A_345 = tpu.memref_squeeze %dma_wait3A_344 : memref<1x904x16xf32, #tpu.memory_space<hbm>> -> memref<904x16xf32, #tpu.memory_space<hbm>>
      %dma_wait3A_346 = arith.constant 4096 : i32
      %dma_wait3A_347 = arith.constant 0 : i32
      %dma_wait3A_348 = tpu.memref_slice %arg5[%add3A, %dma_wait3A_346, %dma_wait3A_347] : memref<32x5000x16xf32, #tpu.memory_space<hbm>> -> memref<1x904x16xf32, #tpu.memory_space<hbm>>
      %dma_wait3A_349 = tpu.memref_squeeze %dma_wait3A_348 : memref<1x904x16xf32, #tpu.memory_space<hbm>> -> memref<904x16xf32, #tpu.memory_space<hbm>>
      %dma_wait3A_350 = arith.constant 0 : i32
      %dma_wait3A_351 = arith.constant 0 : i32
      %dma_wait3A_352 = tpu.memref_slice %arg9[%dma_wait3A_350, %dma_wait3A_351] : memref<1024x16xf32, #tpu.memory_space<vmem>> -> memref<904x16xf32, #tpu.memory_space<vmem>>
      tpu.wait_dma2 semaphore(%run_scoped3A : memref<!tpu.dma_semaphore, #tpu.memory_space<semaphore_mem>>) src(%dma_wait3A_352 : memref<904x16xf32, #tpu.memory_space<vmem>>) dst(%dma_wait3A_349 : memref<904x16xf32, #tpu.memory_space<hbm>>)
      tpu.yield
    }) : () -> ()
    "tpu.region"() ({
      %run_scoped3A = tpu.sem_alloc : memref<!tpu.dma_semaphore, #tpu.memory_space<semaphore_mem>>
      %dma_start3A_325 = arith.constant 0 : i32
      %dma_start3A_326 = arith.constant 0 : i32
      %dma_start3A_327 = tpu.memref_slice %arg10[%dma_start3A_325, %dma_start3A_326] : memref<1024x16xf32, #tpu.memory_space<vmem>> -> memref<904x16xf32, #tpu.memory_space<vmem>>
      %dma_start3A_328 = arith.constant 4096 : i32
      %dma_start3A_329 = arith.constant 0 : i32
      %dma_start3A_330 = tpu.memref_slice %arg6[%add3A, %dma_start3A_328, %dma_start3A_329] : memref<32x5000x16xf32, #tpu.memory_space<hbm>> -> memref<1x904x16xf32, #tpu.memory_space<hbm>>
      %dma_start3A_331 = tpu.memref_squeeze %dma_start3A_330 : memref<1x904x16xf32, #tpu.memory_space<hbm>> -> memref<904x16xf32, #tpu.memory_space<hbm>>
      %dma_start3A_332 = arith.constant 4096 : i32
      %dma_start3A_333 = arith.constant 0 : i32
      %dma_start3A_334 = tpu.memref_slice %arg6[%add3A, %dma_start3A_332, %dma_start3A_333] : memref<32x5000x16xf32, #tpu.memory_space<hbm>> -> memref<1x904x16xf32, #tpu.memory_space<hbm>>
      %dma_start3A_335 = tpu.memref_squeeze %dma_start3A_334 : memref<1x904x16xf32, #tpu.memory_space<hbm>> -> memref<904x16xf32, #tpu.memory_space<hbm>>
      %dma_start3A_336 = arith.constant 0 : i32
      %dma_start3A_337 = arith.constant 0 : i32
      %dma_start3A_338 = tpu.memref_slice %arg10[%dma_start3A_336, %dma_start3A_337] : memref<1024x16xf32, #tpu.memory_space<vmem>> -> memref<904x16xf32, #tpu.memory_space<vmem>>
      tpu.enqueue_dma source(%dma_start3A_338 : memref<904x16xf32, #tpu.memory_space<vmem>>) target(%dma_start3A_335 : memref<904x16xf32, #tpu.memory_space<hbm>>) target_semaphore(%run_scoped3A : memref<!tpu.dma_semaphore, #tpu.memory_space<semaphore_mem>>)
      %dma_wait3A_339 = arith.constant 0 : i32
      %dma_wait3A_340 = arith.constant 0 : i32
      %dma_wait3A_341 = tpu.memref_slice %arg10[%dma_wait3A_339, %dma_wait3A_340] : memref<1024x16xf32, #tpu.memory_space<vmem>> -> memref<904x16xf32, #tpu.memory_space<vmem>>
      %dma_wait3A_342 = arith.constant 4096 : i32
      %dma_wait3A_343 = arith.constant 0 : i32
      %dma_wait3A_344 = tpu.memref_slice %arg6[%add3A, %dma_wait3A_342, %dma_wait3A_343] : memref<32x5000x16xf32, #tpu.memory_space<hbm>> -> memref<1x904x16xf32, #tpu.memory_space<hbm>>
      %dma_wait3A_345 = tpu.memref_squeeze %dma_wait3A_344 : memref<1x904x16xf32, #tpu.memory_space<hbm>> -> memref<904x16xf32, #tpu.memory_space<hbm>>
      %dma_wait3A_346 = arith.constant 4096 : i32
      %dma_wait3A_347 = arith.constant 0 : i32
      %dma_wait3A_348 = tpu.memref_slice %arg6[%add3A, %dma_wait3A_346, %dma_wait3A_347] : memref<32x5000x16xf32, #tpu.memory_space<hbm>> -> memref<1x904x16xf32, #tpu.memory_space<hbm>>
      %dma_wait3A_349 = tpu.memref_squeeze %dma_wait3A_348 : memref<1x904x16xf32, #tpu.memory_space<hbm>> -> memref<904x16xf32, #tpu.memory_space<hbm>>
      %dma_wait3A_350 = arith.constant 0 : i32
      %dma_wait3A_351 = arith.constant 0 : i32
      %dma_wait3A_352 = tpu.memref_slice %arg10[%dma_wait3A_350, %dma_wait3A_351] : memref<1024x16xf32, #tpu.memory_space<vmem>> -> memref<904x16xf32, #tpu.memory_space<vmem>>
      tpu.wait_dma2 semaphore(%run_scoped3A : memref<!tpu.dma_semaphore, #tpu.memory_space<semaphore_mem>>) src(%dma_wait3A_352 : memref<904x16xf32, #tpu.memory_space<vmem>>) dst(%dma_wait3A_349 : memref<904x16xf32, #tpu.memory_space<hbm>>)
      tpu.yield
    }) : () -> ()
    return
  }
}

#map = affine_map<(d0, d1) -> (0, 0, 0)>
module attributes {stable_mosaic.version = 14 : i64} {
  func.func @_scatter_body(%arg0: i32, %arg1: i32, %arg2: memref<32x5000x16xf32, #tpu.memory_space<hbm>>, %arg3: memref<32x40x128xi32, #tpu.memory_space<hbm>>, %arg4: memref<2x10000x16xf32, #tpu.memory_space<hbm>>, %arg5: memref<40x128xi32, #tpu.memory_space<vmem>>, %arg6: memref<5120x16xf32, #tpu.memory_space<vmem>>, %arg7: memref<625x16xf32, #tpu.memory_space<vmem>>, %arg8: memref<10000x16xf32, #tpu.memory_space<vmem_shared>>) attributes {dimension_semantics = [#tpu.dimension_semantics<core_parallel>, #tpu.dimension_semantics<subcore_parallel>], iteration_bounds = array<i64: 2, 16>, scalar_prefetch = 0 : i64, scratch_operands = 4 : i64, tpu.core_type = #tpu.core_type<sc_vector_subcore>, window_params = [{transform_indices = #map}, {transform_indices = #map}, {transform_indices = #map}]} {
    %mul3A = arith.constant 2 : i32
    %mul3A_0 = arith.muli %arg1, %mul3A : i32
    %add3A = arith.addi %mul3A_0, %arg0 : i32
    %scan3A = arith.constant 0 : i32
    %scan3A_1 = arith.constant 0 : i32
    %scan3A_2 = arith.constant 625 : i32
    %scan3A_3 = arith.addi %scan3A_1, %scan3A_2 : i32
    %scan3A_4 = arith.constant 1 : i32
    %scan3A_5 = scf.for %scan3A_28 = %scan3A_1 to %scan3A_3 step %scan3A_4 iter_args(%scan3A_29 = %scan3A) -> (i32)  : i32 {
      %broadcast_in_dim3A = arith.constant 0.000000e+00 : f32
      %broadcast_in_dim3A_30 = vector.broadcast %broadcast_in_dim3A : f32 to vector<16xf32>
      %swap3A = arith.index_cast %scan3A_28 : i32 to index
      %swap3A_31 = arith.constant 0 : index
      %swap3A_32 = tpu.vector_load %arg7[%swap3A, %swap3A_31] {strides = array<i32>} : memref<625x16xf32, #tpu.memory_space<vmem>>, vector<1x16xf32>,
      %swap3A_33 = vector.shape_cast %swap3A_32 : vector<1x16xf32> to vector<16xf32>
      %swap3A_34 = vector.shape_cast %broadcast_in_dim3A_30 : vector<16xf32> to vector<1x16xf32>
      tpu.vector_store %arg7[%swap3A, %swap3A_31], %swap3A_34 {strides = array<i32>} : memref<625x16xf32, #tpu.memory_space<vmem>>, vector<1x16xf32>,
      %scan3A_35 = arith.constant 0 : i32
      scf.yield %scan3A_35 : i32
    }
    %scan3A_6 = arith.constant 625 : i32
    %mul3A_7 = arith.constant 625 : i32
    %mul3A_8 = arith.muli %arg1, %mul3A_7 : i32
    "tpu.region"() ({
      %run_scoped3A = tpu.sem_alloc : memref<!tpu.dma_semaphore, #tpu.memory_space<semaphore_mem>>
      %dma_start3A = arith.constant 0 : i32
      %dma_start3A_28 = tpu.memref_slice %arg8[%mul3A_8, %dma_start3A] : memref<10000x16xf32, #tpu.memory_space<vmem_shared>> -> memref<625x16xf32, #tpu.memory_space<vmem_shared>>
      %dma_start3A_29 = arith.constant 0 : i32
      %dma_start3A_30 = tpu.memref_slice %arg8[%mul3A_8, %dma_start3A_29] : memref<10000x16xf32, #tpu.memory_space<vmem_shared>> -> memref<625x16xf32, #tpu.memory_space<vmem_shared>>
      tpu.enqueue_dma source(%arg7 : memref<625x16xf32, #tpu.memory_space<vmem>>) target(%dma_start3A_30 : memref<625x16xf32, #tpu.memory_space<vmem_shared>>) target_semaphore(%run_scoped3A : memref<!tpu.dma_semaphore, #tpu.memory_space<semaphore_mem>>)
      %dma_wait3A = arith.constant 0 : i32
      %dma_wait3A_31 = tpu.memref_slice %arg8[%mul3A_8, %dma_wait3A] : memref<10000x16xf32, #tpu.memory_space<vmem_shared>> -> memref<625x16xf32, #tpu.memory_space<vmem_shared>>
      %dma_wait3A_32 = arith.constant 0 : i32
      %dma_wait3A_33 = tpu.memref_slice %arg8[%mul3A_8, %dma_wait3A_32] : memref<10000x16xf32, #tpu.memory_space<vmem_shared>> -> memref<625x16xf32, #tpu.memory_space<vmem_shared>>
      tpu.wait_dma2 semaphore(%run_scoped3A : memref<!tpu.dma_semaphore, #tpu.memory_space<semaphore_mem>>) src(%arg7 : memref<625x16xf32, #tpu.memory_space<vmem>>) dst(%dma_wait3A_33 : memref<625x16xf32, #tpu.memory_space<vmem_shared>>)
      tpu.yield
    }) : () -> ()
    %scan3A_9 = arith.constant 0 : i32
    %scan3A_10 = arith.constant 0 : i32
    %scan3A_11 = arith.constant 120 : i32
    %scan3A_12 = arith.addi %scan3A_10, %scan3A_11 : i32
    %scan3A_13 = arith.constant 1 : i32
    %scan3A_14 = scf.for %scan3A_28 = %scan3A_10 to %scan3A_12 step %scan3A_13 iter_args(%scan3A_29 = %scan3A_9) -> (i32)  : i32 {
      %broadcast_in_dim3A = arith.constant 0.000000e+00 : f32
      %broadcast_in_dim3A_30 = vector.broadcast %broadcast_in_dim3A : f32 to vector<16xf32>
      %add3A_31 = arith.constant 5000 : i32
      %add3A_32 = arith.addi %add3A_31, %scan3A_28 : i32
      %swap3A = arith.index_cast %add3A_32 : i32 to index
      %swap3A_33 = arith.constant 0 : index
      %swap3A_34 = tpu.vector_load %arg6[%swap3A, %swap3A_33] {strides = array<i32>} : memref<5120x16xf32, #tpu.memory_space<vmem>>, vector<1x16xf32>,
      %swap3A_35 = vector.shape_cast %swap3A_34 : vector<1x16xf32> to vector<16xf32>
      %swap3A_36 = vector.shape_cast %broadcast_in_dim3A_30 : vector<16xf32> to vector<1x16xf32>
      tpu.vector_store %arg6[%swap3A, %swap3A_33], %swap3A_36 {strides = array<i32>} : memref<5120x16xf32, #tpu.memory_space<vmem>>, vector<1x16xf32>,
      %scan3A_37 = arith.constant 0 : i32
      scf.yield %scan3A_37 : i32
    }
    %scan3A_15 = arith.constant 120 : i32
    %barrier3A = arith.constant 0 : index
    tpu.barrier barrier_id(%barrier3A)
    "tpu.region"() ({
      %run_scoped3A = tpu.sem_alloc : memref<!tpu.dma_semaphore, #tpu.memory_space<semaphore_mem>>
      %dma_start3A = arith.constant 0 : i32
      %dma_start3A_28 = arith.constant 0 : i32
      %dma_start3A_29 = tpu.memref_slice %arg3[%add3A, %dma_start3A, %dma_start3A_28] : memref<32x40x128xi32, #tpu.memory_space<hbm>> -> memref<1x40x128xi32, #tpu.memory_space<hbm>>
      %dma_start3A_30 = tpu.memref_squeeze %dma_start3A_29 : memref<1x40x128xi32, #tpu.memory_space<hbm>> -> memref<40x128xi32, #tpu.memory_space<hbm>>
      %dma_start3A_31 = arith.constant 0 : i32
      %dma_start3A_32 = arith.constant 0 : i32
      %dma_start3A_33 = tpu.memref_slice %arg3[%add3A, %dma_start3A_31, %dma_start3A_32] : memref<32x40x128xi32, #tpu.memory_space<hbm>> -> memref<1x40x128xi32, #tpu.memory_space<hbm>>
      %dma_start3A_34 = tpu.memref_squeeze %dma_start3A_33 : memref<1x40x128xi32, #tpu.memory_space<hbm>> -> memref<40x128xi32, #tpu.memory_space<hbm>>
      tpu.enqueue_dma source(%dma_start3A_34 : memref<40x128xi32, #tpu.memory_space<hbm>>) target(%arg5 : memref<40x128xi32, #tpu.memory_space<vmem>>) target_semaphore(%run_scoped3A : memref<!tpu.dma_semaphore, #tpu.memory_space<semaphore_mem>>)
      %dma_wait3A = arith.constant 0 : i32
      %dma_wait3A_35 = arith.constant 0 : i32
      %dma_wait3A_36 = tpu.memref_slice %arg3[%add3A, %dma_wait3A, %dma_wait3A_35] : memref<32x40x128xi32, #tpu.memory_space<hbm>> -> memref<1x40x128xi32, #tpu.memory_space<hbm>>
      %dma_wait3A_37 = tpu.memref_squeeze %dma_wait3A_36 : memref<1x40x128xi32, #tpu.memory_space<hbm>> -> memref<40x128xi32, #tpu.memory_space<hbm>>
      %dma_wait3A_38 = arith.constant 0 : i32
      %dma_wait3A_39 = arith.constant 0 : i32
      %dma_wait3A_40 = tpu.memref_slice %arg3[%add3A, %dma_wait3A_38, %dma_wait3A_39] : memref<32x40x128xi32, #tpu.memory_space<hbm>> -> memref<1x40x128xi32, #tpu.memory_space<hbm>>
      %dma_wait3A_41 = tpu.memref_squeeze %dma_wait3A_40 : memref<1x40x128xi32, #tpu.memory_space<hbm>> -> memref<40x128xi32, #tpu.memory_space<hbm>>
      tpu.wait_dma2 semaphore(%run_scoped3A : memref<!tpu.dma_semaphore, #tpu.memory_space<semaphore_mem>>) src(%dma_wait3A_41 : memref<40x128xi32, #tpu.memory_space<hbm>>) dst(%arg5 : memref<40x128xi32, #tpu.memory_space<vmem>>)
      tpu.yield
    }) : () -> ()
    "tpu.region"() ({
      %run_scoped3A = tpu.sem_alloc : memref<!tpu.dma_semaphore, #tpu.memory_space<semaphore_mem>>
      %dma_start3A = arith.constant 0 : i32
      %dma_start3A_28 = arith.constant 0 : i32
      %dma_start3A_29 = tpu.memref_slice %arg6[%dma_start3A, %dma_start3A_28] : memref<5120x16xf32, #tpu.memory_space<vmem>> -> memref<5000x16xf32, #tpu.memory_space<vmem>>
      %dma_start3A_30 = arith.constant 0 : i32
      %dma_start3A_31 = arith.constant 0 : i32
      %dma_start3A_32 = tpu.memref_slice %arg2[%add3A, %dma_start3A_30, %dma_start3A_31] : memref<32x5000x16xf32, #tpu.memory_space<hbm>> -> memref<1x5000x16xf32, #tpu.memory_space<hbm>>
      %dma_start3A_33 = tpu.memref_squeeze %dma_start3A_32 : memref<1x5000x16xf32, #tpu.memory_space<hbm>> -> memref<5000x16xf32, #tpu.memory_space<hbm>>
      %dma_start3A_34 = arith.constant 0 : i32
      %dma_start3A_35 = arith.constant 0 : i32
      %dma_start3A_36 = tpu.memref_slice %arg6[%dma_start3A_34, %dma_start3A_35] : memref<5120x16xf32, #tpu.memory_space<vmem>> -> memref<5000x16xf32, #tpu.memory_space<vmem>>
      %dma_start3A_37 = arith.constant 0 : i32
      %dma_start3A_38 = arith.constant 0 : i32
      %dma_start3A_39 = tpu.memref_slice %arg2[%add3A, %dma_start3A_37, %dma_start3A_38] : memref<32x5000x16xf32, #tpu.memory_space<hbm>> -> memref<1x5000x16xf32, #tpu.memory_space<hbm>>
      %dma_start3A_40 = tpu.memref_squeeze %dma_start3A_39 : memref<1x5000x16xf32, #tpu.memory_space<hbm>> -> memref<5000x16xf32, #tpu.memory_space<hbm>>
      tpu.enqueue_dma source(%dma_start3A_40 : memref<5000x16xf32, #tpu.memory_space<hbm>>) target(%dma_start3A_36 : memref<5000x16xf32, #tpu.memory_space<vmem>>) target_semaphore(%run_scoped3A : memref<!tpu.dma_semaphore, #tpu.memory_space<semaphore_mem>>)
      %dma_wait3A = arith.constant 0 : i32
      %dma_wait3A_41 = arith.constant 0 : i32
      %dma_wait3A_42 = tpu.memref_slice %arg6[%dma_wait3A, %dma_wait3A_41] : memref<5120x16xf32, #tpu.memory_space<vmem>> -> memref<5000x16xf32, #tpu.memory_space<vmem>>
      %dma_wait3A_43 = arith.constant 0 : i32
      %dma_wait3A_44 = arith.constant 0 : i32
      %dma_wait3A_45 = tpu.memref_slice %arg2[%add3A, %dma_wait3A_43, %dma_wait3A_44] : memref<32x5000x16xf32, #tpu.memory_space<hbm>> -> memref<1x5000x16xf32, #tpu.memory_space<hbm>>
      %dma_wait3A_46 = tpu.memref_squeeze %dma_wait3A_45 : memref<1x5000x16xf32, #tpu.memory_space<hbm>> -> memref<5000x16xf32, #tpu.memory_space<hbm>>
      %dma_wait3A_47 = arith.constant 0 : i32
      %dma_wait3A_48 = arith.constant 0 : i32
      %dma_wait3A_49 = tpu.memref_slice %arg6[%dma_wait3A_47, %dma_wait3A_48] : memref<5120x16xf32, #tpu.memory_space<vmem>> -> memref<5000x16xf32, #tpu.memory_space<vmem>>
      %dma_wait3A_50 = arith.constant 0 : i32
      %dma_wait3A_51 = arith.constant 0 : i32
      %dma_wait3A_52 = tpu.memref_slice %arg2[%add3A, %dma_wait3A_50, %dma_wait3A_51] : memref<32x5000x16xf32, #tpu.memory_space<hbm>> -> memref<1x5000x16xf32, #tpu.memory_space<hbm>>
      %dma_wait3A_53 = tpu.memref_squeeze %dma_wait3A_52 : memref<1x5000x16xf32, #tpu.memory_space<hbm>> -> memref<5000x16xf32, #tpu.memory_space<hbm>>
      tpu.wait_dma2 semaphore(%run_scoped3A : memref<!tpu.dma_semaphore, #tpu.memory_space<semaphore_mem>>) src(%dma_wait3A_53 : memref<5000x16xf32, #tpu.memory_space<hbm>>) dst(%dma_wait3A_49 : memref<5000x16xf32, #tpu.memory_space<vmem>>)
      tpu.yield
    }) : () -> ()
    %scan3A_16 = arith.constant 0 : i32
    %scan3A_17 = arith.constant 0 : i32
    %scan3A_18 = arith.constant 40 : i32
    %scan3A_19 = arith.addi %scan3A_17, %scan3A_18 : i32
    %scan3A_20 = arith.constant 1 : i32
    %scan3A_21 = scf.for %scan3A_28 = %scan3A_17 to %scan3A_19 step %scan3A_20 iter_args(%scan3A_29 = %scan3A_16) -> (i32)  : i32 {
      %mul3A_30 = arith.constant 128 : i32
      %mul3A_31 = arith.muli %scan3A_28, %mul3A_30 : i32
      "tpu.region"() ({
        %run_scoped3A = tpu.sem_alloc : memref<!tpu.dma_semaphore, #tpu.memory_space<semaphore_mem>>
        %dma_start3A = arith.constant 0 : i32
        %dma_start3A_33 = tpu.memref_slice %arg6[%mul3A_31, %dma_start3A] : memref<5120x16xf32, #tpu.memory_space<vmem>> -> memref<128x16xf32, #tpu.memory_space<vmem>>
        %dma_start3A_34 = arith.constant 0 : i32
        %dma_start3A_35 = tpu.memref_slice %arg5[%scan3A_28, %dma_start3A_34] : memref<40x128xi32, #tpu.memory_space<vmem>> -> memref<1x128xi32, #tpu.memory_space<vmem>>
        %dma_start3A_36 = tpu.memref_squeeze %dma_start3A_35 : memref<1x128xi32, #tpu.memory_space<vmem>> -> memref<128xi32, #tpu.memory_space<vmem>>
        %dma_start3A_37 = arith.constant 0 : i32
        %dma_start3A_38 = arith.constant 0 : i32
        %dma_start3A_39 = tpu.memref_slice %arg8[%dma_start3A_37, %dma_start3A_38] : memref<10000x16xf32, #tpu.memory_space<vmem_shared>> -> memref<10000x16xf32, #tpu.memory_space<vmem_shared>>
        tpu.enqueue_indirect_dma source(%dma_start3A_33 : memref<128x16xf32, #tpu.memory_space<vmem>>) target(%dma_start3A_39 : memref<10000x16xf32, #tpu.memory_space<vmem_shared>>) offsets(%dma_start3A_36 : memref<128xi32, #tpu.memory_space<vmem>>) semaphore(%run_scoped3A : memref<!tpu.dma_semaphore, #tpu.memory_space<semaphore_mem>>) {add = true}
        %dma_wait3A = arith.constant 0 : i32
        %dma_wait3A_40 = tpu.memref_slice %arg6[%mul3A_31, %dma_wait3A] : memref<5120x16xf32, #tpu.memory_space<vmem>> -> memref<128x16xf32, #tpu.memory_space<vmem>>
        %dma_wait3A_41 = arith.constant 0 : i32
        %dma_wait3A_42 = tpu.memref_slice %arg5[%scan3A_28, %dma_wait3A_41] : memref<40x128xi32, #tpu.memory_space<vmem>> -> memref<1x128xi32, #tpu.memory_space<vmem>>
        %dma_wait3A_43 = tpu.memref_squeeze %dma_wait3A_42 : memref<1x128xi32, #tpu.memory_space<vmem>> -> memref<128xi32, #tpu.memory_space<vmem>>
        %dma_wait3A_44 = arith.constant 0 : i32
        %dma_wait3A_45 = arith.constant 0 : i32
        %dma_wait3A_46 = tpu.memref_slice %arg8[%dma_wait3A_44, %dma_wait3A_45] : memref<10000x16xf32, #tpu.memory_space<vmem_shared>> -> memref<10000x16xf32, #tpu.memory_space<vmem_shared>>
        tpu.wait_indirect_dma semaphore(%run_scoped3A : memref<!tpu.dma_semaphore, #tpu.memory_space<semaphore_mem>>) src(%dma_wait3A_40 : memref<128x16xf32, #tpu.memory_space<vmem>>) dst(%dma_wait3A_46 : memref<10000x16xf32, #tpu.memory_space<vmem_shared>>)
        tpu.yield
      }) : () -> ()
      %scan3A_32 = arith.constant 0 : i32
      scf.yield %scan3A_32 : i32
    }
    %scan3A_22 = arith.constant 40 : i32
    %barrier3A_23 = arith.constant 0 : index
    tpu.barrier barrier_id(%barrier3A_23)
    %mul3A_24 = arith.constant 625 : i32
    %mul3A_25 = arith.muli %arg1, %mul3A_24 : i32
    %mul3A_26 = arith.constant 625 : i32
    %mul3A_27 = arith.muli %arg1, %mul3A_26 : i32
    "tpu.region"() ({
      %run_scoped3A = tpu.sem_alloc : memref<!tpu.dma_semaphore, #tpu.memory_space<semaphore_mem>>
      %dma_start3A = arith.constant 0 : i32
      %dma_start3A_28 = tpu.memref_slice %arg4[%arg0, %mul3A_27, %dma_start3A] : memref<2x10000x16xf32, #tpu.memory_space<hbm>> -> memref<1x625x16xf32, #tpu.memory_space<hbm>>
      %dma_start3A_29 = tpu.memref_squeeze %dma_start3A_28 : memref<1x625x16xf32, #tpu.memory_space<hbm>> -> memref<625x16xf32, #tpu.memory_space<hbm>>
      %dma_start3A_30 = arith.constant 0 : i32
      %dma_start3A_31 = tpu.memref_slice %arg8[%mul3A_25, %dma_start3A_30] : memref<10000x16xf32, #tpu.memory_space<vmem_shared>> -> memref<625x16xf32, #tpu.memory_space<vmem_shared>>
      tpu.enqueue_dma source(%dma_start3A_31 : memref<625x16xf32, #tpu.memory_space<vmem_shared>>) target(%dma_start3A_29 : memref<625x16xf32, #tpu.memory_space<hbm>>) target_semaphore(%run_scoped3A : memref<!tpu.dma_semaphore, #tpu.memory_space<semaphore_mem>>)
      %dma_wait3A = arith.constant 0 : i32
      %dma_wait3A_32 = tpu.memref_slice %arg4[%arg0, %mul3A_27, %dma_wait3A] : memref<2x10000x16xf32, #tpu.memory_space<hbm>> -> memref<1x625x16xf32, #tpu.memory_space<hbm>>
      %dma_wait3A_33 = tpu.memref_squeeze %dma_wait3A_32 : memref<1x625x16xf32, #tpu.memory_space<hbm>> -> memref<625x16xf32, #tpu.memory_space<hbm>>
      %dma_wait3A_34 = arith.constant 0 : i32
      %dma_wait3A_35 = tpu.memref_slice %arg8[%mul3A_25, %dma_wait3A_34] : memref<10000x16xf32, #tpu.memory_space<vmem_shared>> -> memref<625x16xf32, #tpu.memory_space<vmem_shared>>
      tpu.wait_dma2 semaphore(%run_scoped3A : memref<!tpu.dma_semaphore, #tpu.memory_space<semaphore_mem>>) src(%dma_wait3A_35 : memref<625x16xf32, #tpu.memory_space<vmem_shared>>) dst(%dma_wait3A_33 : memref<625x16xf32, #tpu.memory_space<hbm>>)
      tpu.yield
    }) : () -> ()
    return
  }
}

#map = affine_map<(d0, d1) -> (0, 0)>
#map1 = affine_map<(d0, d1) -> (0, 0, 0)>
module attributes {stable_mosaic.version = 14 : i64} {
  func.func @_gather_body(%arg0: i32, %arg1: i32, %arg2: memref<10000x16xf32, #tpu.memory_space<hbm>>, %arg3: memref<32x40x128xi32, #tpu.memory_space<hbm>>, %arg4: memref<32x40x128xi32, #tpu.memory_space<hbm>>, %arg5: memref<32x5000x16xf32, #tpu.memory_space<hbm>>, %arg6: memref<32x5000x16xf32, #tpu.memory_space<hbm>>, %arg7: memref<40x128xi32, #tpu.memory_space<vmem>>, %arg8: memref<40x128xi32, #tpu.memory_space<vmem>>, %arg9: memref<1024x16xf32, #tpu.memory_space<vmem>>, %arg10: memref<1024x16xf32, #tpu.memory_space<vmem>>, %arg11: memref<!tpu.dma_semaphore, #tpu.memory_space<semaphore_mem>>, %arg12: memref<!tpu.dma_semaphore, #tpu.memory_space<semaphore_mem>>) attributes {dimension_semantics = [#tpu.dimension_semantics<core_parallel>, #tpu.dimension_semantics<subcore_parallel>], iteration_bounds = array<i64: 2, 16>, scalar_prefetch = 0 : i64, scratch_operands = 6 : i64, tpu.core_type = #tpu.core_type<sc_vector_subcore>, window_params = [{transform_indices = #map}, {transform_indices = #map1}, {transform_indices = #map1}, {transform_indices = #map1}, {transform_indices = #map1}]} {
    %mul3A = arith.constant 2 : i32
    %mul3A_0 = arith.muli %arg1, %mul3A : i32
    %add3A = arith.addi %mul3A_0, %arg0 : i32
    "tpu.region"() ({
      %run_scoped3A = tpu.sem_alloc : memref<!tpu.dma_semaphore, #tpu.memory_space<semaphore_mem>>
      %dma_start3A_325 = arith.constant 0 : i32
      %dma_start3A_326 = arith.constant 0 : i32
      %dma_start3A_327 = tpu.memref_slice %arg3[%add3A, %dma_start3A_325, %dma_start3A_326] : memref<32x40x128xi32, #tpu.memory_space<hbm>> -> memref<1x40x128xi32, #tpu.memory_space<hbm>>
      %dma_start3A_328 = tpu.memref_squeeze %dma_start3A_327 : memref<1x40x128xi32, #tpu.memory_space<hbm>> -> memref<40x128xi32, #tpu.memory_space<hbm>>
      %dma_start3A_329 = arith.constant 0 : i32
      %dma_start3A_330 = arith.constant 0 : i32
      %dma_start3A_331 = tpu.memref_slice %arg3[%add3A, %dma_start3A_329, %dma_start3A_330] : memref<32x40x128xi32, #tpu.memory_space<hbm>> -> memref<1x40x128xi32, #tpu.memory_space<hbm>>
      %dma_start3A_332 = tpu.memref_squeeze %dma_start3A_331 : memref<1x40x128xi32, #tpu.memory_space<hbm>> -> memref<40x128xi32, #tpu.memory_space<hbm>>
      tpu.enqueue_dma source(%dma_start3A_332 : memref<40x128xi32, #tpu.memory_space<hbm>>) target(%arg7 : memref<40x128xi32, #tpu.memory_space<vmem>>) target_semaphore(%run_scoped3A : memref<!tpu.dma_semaphore, #tpu.memory_space<semaphore_mem>>)
      %dma_wait3A_333 = arith.constant 0 : i32
      %dma_wait3A_334 = arith.constant 0 : i32
      %dma_wait3A_335 = tpu.memref_slice %arg3[%add3A, %dma_wait3A_333, %dma_wait3A_334] : memref<32x40x128xi32, #tpu.memory_space<hbm>> -> memref<1x40x128xi32, #tpu.memory_space<hbm>>
      %dma_wait3A_336 = tpu.memref_squeeze %dma_wait3A_335 : memref<1x40x128xi32, #tpu.memory_space<hbm>> -> memref<40x128xi32, #tpu.memory_space<hbm>>
      %dma_wait3A_337 = arith.constant 0 : i32
      %dma_wait3A_338 = arith.constant 0 : i32
      %dma_wait3A_339 = tpu.memref_slice %arg3[%add3A, %dma_wait3A_337, %dma_wait3A_338] : memref<32x40x128xi32, #tpu.memory_space<hbm>> -> memref<1x40x128xi32, #tpu.memory_space<hbm>>
      %dma_wait3A_340 = tpu.memref_squeeze %dma_wait3A_339 : memref<1x40x128xi32, #tpu.memory_space<hbm>> -> memref<40x128xi32, #tpu.memory_space<hbm>>
      tpu.wait_dma2 semaphore(%run_scoped3A : memref<!tpu.dma_semaphore, #tpu.memory_space<semaphore_mem>>) src(%dma_wait3A_340 : memref<40x128xi32, #tpu.memory_space<hbm>>) dst(%arg7 : memref<40x128xi32, #tpu.memory_space<vmem>>)
      tpu.yield
    }) : () -> ()
    "tpu.region"() ({
      %run_scoped3A = tpu.sem_alloc : memref<!tpu.dma_semaphore, #tpu.memory_space<semaphore_mem>>
      %dma_start3A_325 = arith.constant 0 : i32
      %dma_start3A_326 = arith.constant 0 : i32
      %dma_start3A_327 = tpu.memref_slice %arg4[%add3A, %dma_start3A_325, %dma_start3A_326] : memref<32x40x128xi32, #tpu.memory_space<hbm>> -> memref<1x40x128xi32, #tpu.memory_space<hbm>>
      %dma_start3A_328 = tpu.memref_squeeze %dma_start3A_327 : memref<1x40x128xi32, #tpu.memory_space<hbm>> -> memref<40x128xi32, #tpu.memory_space<hbm>>
      %dma_start3A_329 = arith.constant 0 : i32
      %dma_start3A_330 = arith.constant 0 : i32
      %dma_start3A_331 = tpu.memref_slice %arg4[%add3A, %dma_start3A_329, %dma_start3A_330] : memref<32x40x128xi32, #tpu.memory_space<hbm>> -> memref<1x40x128xi32, #tpu.memory_space<hbm>>
      %dma_start3A_332 = tpu.memref_squeeze %dma_start3A_331 : memref<1x40x128xi32, #tpu.memory_space<hbm>> -> memref<40x128xi32, #tpu.memory_space<hbm>>
      tpu.enqueue_dma source(%dma_start3A_332 : memref<40x128xi32, #tpu.memory_space<hbm>>) target(%arg8 : memref<40x128xi32, #tpu.memory_space<vmem>>) target_semaphore(%run_scoped3A : memref<!tpu.dma_semaphore, #tpu.memory_space<semaphore_mem>>)
      %dma_wait3A_333 = arith.constant 0 : i32
      %dma_wait3A_334 = arith.constant 0 : i32
      %dma_wait3A_335 = tpu.memref_slice %arg4[%add3A, %dma_wait3A_333, %dma_wait3A_334] : memref<32x40x128xi32, #tpu.memory_space<hbm>> -> memref<1x40x128xi32, #tpu.memory_space<hbm>>
      %dma_wait3A_336 = tpu.memref_squeeze %dma_wait3A_335 : memref<1x40x128xi32, #tpu.memory_space<hbm>> -> memref<40x128xi32, #tpu.memory_space<hbm>>
      %dma_wait3A_337 = arith.constant 0 : i32
      %dma_wait3A_338 = arith.constant 0 : i32
      %dma_wait3A_339 = tpu.memref_slice %arg4[%add3A, %dma_wait3A_337, %dma_wait3A_338] : memref<32x40x128xi32, #tpu.memory_space<hbm>> -> memref<1x40x128xi32, #tpu.memory_space<hbm>>
      %dma_wait3A_340 = tpu.memref_squeeze %dma_wait3A_339 : memref<1x40x128xi32, #tpu.memory_space<hbm>> -> memref<40x128xi32, #tpu.memory_space<hbm>>
      tpu.wait_dma2 semaphore(%run_scoped3A : memref<!tpu.dma_semaphore, #tpu.memory_space<semaphore_mem>>) src(%dma_wait3A_340 : memref<40x128xi32, #tpu.memory_space<hbm>>) dst(%arg8 : memref<40x128xi32, #tpu.memory_space<vmem>>)
      tpu.yield
    }) : () -> ()
    %scan3A = arith.constant 0 : i32
    %scan3A_1 = arith.constant 0 : i32
    %scan3A_2 = arith.constant 4 : i32
    %scan3A_3 = arith.addi %scan3A_1, %scan3A_2 : i32
    %scan3A_4 = arith.constant 1 : i32
    %scan3A_5 = scf.for %scan3A_325 = %scan3A_1 to %scan3A_3 step %scan3A_4 iter_args(%scan3A_326 = %scan3A) -> (i32)  : i32 {
      %mul3A_327 = arith.constant 8 : i32
      %mul3A_328 = arith.muli %scan3A_325, %mul3A_327 : i32
      %add3A_329 = arith.constant 0 : i32
      %add3A_330 = arith.addi %mul3A_328, %add3A_329 : i32
      %dma_start3A_331 = arith.constant 0 : i32
      %dma_start3A_332 = arith.constant 0 : i32
      %dma_start3A_333 = tpu.memref_slice %arg9[%dma_start3A_331, %dma_start3A_332] : memref<1024x16xf32, #tpu.memory_space<vmem>> -> memref<128x16xf32, #tpu.memory_space<vmem>>
      %dma_start3A_334 = arith.constant 0 : i32
      %dma_start3A_335 = tpu.memref_slice %arg7[%add3A_330, %dma_start3A_334] : memref<40x128xi32, #tpu.memory_space<vmem>> -> memref<1x128xi32, #tpu.memory_space<vmem>>
      %dma_start3A_336 = tpu.memref_squeeze %dma_start3A_335 : memref<1x128xi32, #tpu.memory_space<vmem>> -> memref<128xi32, #tpu.memory_space<vmem>>
      %dma_start3A_337 = arith.constant 0 : i32
      %dma_start3A_338 = arith.constant 0 : i32
      %dma_start3A_339 = tpu.memref_slice %arg2[%dma_start3A_337, %dma_start3A_338] : memref<10000x16xf32, #tpu.memory_space<hbm>> -> memref<10000x16xf32, #tpu.memory_space<hbm>>
      tpu.enqueue_indirect_dma source(%dma_start3A_339 : memref<10000x16xf32, #tpu.memory_space<hbm>>) target(%dma_start3A_333 : memref<128x16xf32, #tpu.memory_space<vmem>>) offsets(%dma_start3A_336 : memref<128xi32, #tpu.memory_space<vmem>>) semaphore(%arg11 : memref<!tpu.dma_semaphore, #tpu.memory_space<semaphore_mem>>)
      %dma_start3A_340 = arith.constant 0 : i32
      %dma_start3A_341 = arith.constant 0 : i32
      %dma_start3A_342 = tpu.memref_slice %arg10[%dma_start3A_340, %dma_start3A_341] : memref<1024x16xf32, #tpu.memory_space<vmem>> -> memref<128x16xf32, #tpu.memory_space<vmem>>
      %dma_start3A_343 = arith.constant 0 : i32
      %dma_start3A_344 = tpu.memref_slice %arg8[%add3A_330, %dma_start3A_343] : memref<40x128xi32, #tpu.memory_space<vmem>> -> memref<1x128xi32, #tpu.memory_space<vmem>>
      %dma_start3A_345 = tpu.memref_squeeze %dma_start3A_344 : memref<1x128xi32, #tpu.memory_space<vmem>> -> memref<128xi32, #tpu.memory_space<vmem>>
      %dma_start3A_346 = arith.constant 0 : i32
      %dma_start3A_347 = arith.constant 0 : i32
      %dma_start3A_348 = tpu.memref_slice %arg2[%dma_start3A_346, %dma_start3A_347] : memref<10000x16xf32, #tpu.memory_space<hbm>> -> memref<10000x16xf32, #tpu.memory_space<hbm>>
      tpu.enqueue_indirect_dma source(%dma_start3A_348 : memref<10000x16xf32, #tpu.memory_space<hbm>>) target(%dma_start3A_342 : memref<128x16xf32, #tpu.memory_space<vmem>>) offsets(%dma_start3A_345 : memref<128xi32, #tpu.memory_space<vmem>>) semaphore(%arg12 : memref<!tpu.dma_semaphore, #tpu.memory_space<semaphore_mem>>)
      %mul3A_349 = arith.constant 8 : i32
      %mul3A_350 = arith.muli %scan3A_325, %mul3A_349 : i32
      %add3A_351 = arith.constant 1 : i32
      %add3A_352 = arith.addi %mul3A_350, %add3A_351 : i32
      %dma_start3A_353 = arith.constant 128 : i32
      %dma_start3A_354 = arith.constant 0 : i32
      %dma_start3A_355 = tpu.memref_slice %arg9[%dma_start3A_353, %dma_start3A_354] : memref<1024x16xf32, #tpu.memory_space<vmem>> -> memref<128x16xf32, #tpu.memory_space<vmem>>
      %dma_start3A_356 = arith.constant 0 : i32
      %dma_start3A_357 = tpu.memref_slice %arg7[%add3A_352, %dma_start3A_356] : memref<40x128xi32, #tpu.memory_space<vmem>> -> memref<1x128xi32, #tpu.memory_space<vmem>>
      %dma_start3A_358 = tpu.memref_squeeze %dma_start3A_357 : memref<1x128xi32, #tpu.memory_space<vmem>> -> memref<128xi32, #tpu.memory_space<vmem>>
      %dma_start3A_359 = arith.constant 0 : i32
      %dma_start3A_360 = arith.constant 0 : i32
      %dma_start3A_361 = tpu.memref_slice %arg2[%dma_start3A_359, %dma_start3A_360] : memref<10000x16xf32, #tpu.memory_space<hbm>> -> memref<10000x16xf32, #tpu.memory_space<hbm>>
      tpu.enqueue_indirect_dma source(%dma_start3A_361 : memref<10000x16xf32, #tpu.memory_space<hbm>>) target(%dma_start3A_355 : memref<128x16xf32, #tpu.memory_space<vmem>>) offsets(%dma_start3A_358 : memref<128xi32, #tpu.memory_space<vmem>>) semaphore(%arg11 : memref<!tpu.dma_semaphore, #tpu.memory_space<semaphore_mem>>)
      %dma_start3A_362 = arith.constant 128 : i32
      %dma_start3A_363 = arith.constant 0 : i32
      %dma_start3A_364 = tpu.memref_slice %arg10[%dma_start3A_362, %dma_start3A_363] : memref<1024x16xf32, #tpu.memory_space<vmem>> -> memref<128x16xf32, #tpu.memory_space<vmem>>
      %dma_start3A_365 = arith.constant 0 : i32
      %dma_start3A_366 = tpu.memref_slice %arg8[%add3A_352, %dma_start3A_365] : memref<40x128xi32, #tpu.memory_space<vmem>> -> memref<1x128xi32, #tpu.memory_space<vmem>>
      %dma_start3A_367 = tpu.memref_squeeze %dma_start3A_366 : memref<1x128xi32, #tpu.memory_space<vmem>> -> memref<128xi32, #tpu.memory_space<vmem>>
      %dma_start3A_368 = arith.constant 0 : i32
      %dma_start3A_369 = arith.constant 0 : i32
      %dma_start3A_370 = tpu.memref_slice %arg2[%dma_start3A_368, %dma_start3A_369] : memref<10000x16xf32, #tpu.memory_space<hbm>> -> memref<10000x16xf32, #tpu.memory_space<hbm>>
      tpu.enqueue_indirect_dma source(%dma_start3A_370 : memref<10000x16xf32, #tpu.memory_space<hbm>>) target(%dma_start3A_364 : memref<128x16xf32, #tpu.memory_space<vmem>>) offsets(%dma_start3A_367 : memref<128xi32, #tpu.memory_space<vmem>>) semaphore(%arg12 : memref<!tpu.dma_semaphore, #tpu.memory_space<semaphore_mem>>)
      %mul3A_371 = arith.constant 8 : i32
      %mul3A_372 = arith.muli %scan3A_325, %mul3A_371 : i32
      %add3A_373 = arith.constant 2 : i32
      %add3A_374 = arith.addi %mul3A_372, %add3A_373 : i32
      %dma_start3A_375 = arith.constant 256 : i32
      %dma_start3A_376 = arith.constant 0 : i32
      %dma_start3A_377 = tpu.memref_slice %arg9[%dma_start3A_375, %dma_start3A_376] : memref<1024x16xf32, #tpu.memory_space<vmem>> -> memref<128x16xf32, #tpu.memory_space<vmem>>
      %dma_start3A_378 = arith.constant 0 : i32
      %dma_start3A_379 = tpu.memref_slice %arg7[%add3A_374, %dma_start3A_378] : memref<40x128xi32, #tpu.memory_space<vmem>> -> memref<1x128xi32, #tpu.memory_space<vmem>>
      %dma_start3A_380 = tpu.memref_squeeze %dma_start3A_379 : memref<1x128xi32, #tpu.memory_space<vmem>> -> memref<128xi32, #tpu.memory_space<vmem>>
      %dma_start3A_381 = arith.constant 0 : i32
      %dma_start3A_382 = arith.constant 0 : i32
      %dma_start3A_383 = tpu.memref_slice %arg2[%dma_start3A_381, %dma_start3A_382] : memref<10000x16xf32, #tpu.memory_space<hbm>> -> memref<10000x16xf32, #tpu.memory_space<hbm>>
      tpu.enqueue_indirect_dma source(%dma_start3A_383 : memref<10000x16xf32, #tpu.memory_space<hbm>>) target(%dma_start3A_377 : memref<128x16xf32, #tpu.memory_space<vmem>>) offsets(%dma_start3A_380 : memref<128xi32, #tpu.memory_space<vmem>>) semaphore(%arg11 : memref<!tpu.dma_semaphore, #tpu.memory_space<semaphore_mem>>)
      %dma_start3A_384 = arith.constant 256 : i32
      %dma_start3A_385 = arith.constant 0 : i32
      %dma_start3A_386 = tpu.memref_slice %arg10[%dma_start3A_384, %dma_start3A_385] : memref<1024x16xf32, #tpu.memory_space<vmem>> -> memref<128x16xf32, #tpu.memory_space<vmem>>
      %dma_start3A_387 = arith.constant 0 : i32
      %dma_start3A_388 = tpu.memref_slice %arg8[%add3A_374, %dma_start3A_387] : memref<40x128xi32, #tpu.memory_space<vmem>> -> memref<1x128xi32, #tpu.memory_space<vmem>>
      %dma_start3A_389 = tpu.memref_squeeze %dma_start3A_388 : memref<1x128xi32, #tpu.memory_space<vmem>> -> memref<128xi32, #tpu.memory_space<vmem>>
      %dma_start3A_390 = arith.constant 0 : i32
      %dma_start3A_391 = arith.constant 0 : i32
      %dma_start3A_392 = tpu.memref_slice %arg2[%dma_start3A_390, %dma_start3A_391] : memref<10000x16xf32, #tpu.memory_space<hbm>> -> memref<10000x16xf32, #tpu.memory_space<hbm>>
      tpu.enqueue_indirect_dma source(%dma_start3A_392 : memref<10000x16xf32, #tpu.memory_space<hbm>>) target(%dma_start3A_386 : memref<128x16xf32, #tpu.memory_space<vmem>>) offsets(%dma_start3A_389 : memref<128xi32, #tpu.memory_space<vmem>>) semaphore(%arg12 : memref<!tpu.dma_semaphore, #tpu.memory_space<semaphore_mem>>)
      %mul3A_393 = arith.constant 8 : i32
      %mul3A_394 = arith.muli %scan3A_325, %mul3A_393 : i32
      %add3A_395 = arith.constant 3 : i32
      %add3A_396 = arith.addi %mul3A_394, %add3A_395 : i32
      %dma_start3A_397 = arith.constant 384 : i32
      %dma_start3A_398 = arith.constant 0 : i32
      %dma_start3A_399 = tpu.memref_slice %arg9[%dma_start3A_397, %dma_start3A_398] : memref<1024x16xf32, #tpu.memory_space<vmem>> -> memref<128x16xf32, #tpu.memory_space<vmem>>
      %dma_start3A_400 = arith.constant 0 : i32
      %dma_start3A_401 = tpu.memref_slice %arg7[%add3A_396, %dma_start3A_400] : memref<40x128xi32, #tpu.memory_space<vmem>> -> memref<1x128xi32, #tpu.memory_space<vmem>>
      %dma_start3A_402 = tpu.memref_squeeze %dma_start3A_401 : memref<1x128xi32, #tpu.memory_space<vmem>> -> memref<128xi32, #tpu.memory_space<vmem>>
      %dma_start3A_403 = arith.constant 0 : i32
      %dma_start3A_404 = arith.constant 0 : i32
      %dma_start3A_405 = tpu.memref_slice %arg2[%dma_start3A_403, %dma_start3A_404] : memref<10000x16xf32, #tpu.memory_space<hbm>> -> memref<10000x16xf32, #tpu.memory_space<hbm>>
      tpu.enqueue_indirect_dma source(%dma_start3A_405 : memref<10000x16xf32, #tpu.memory_space<hbm>>) target(%dma_start3A_399 : memref<128x16xf32, #tpu.memory_space<vmem>>) offsets(%dma_start3A_402 : memref<128xi32, #tpu.memory_space<vmem>>) semaphore(%arg11 : memref<!tpu.dma_semaphore, #tpu.memory_space<semaphore_mem>>)
      %dma_start3A_406 = arith.constant 384 : i32
      %dma_start3A_407 = arith.constant 0 : i32
      %dma_start3A_408 = tpu.memref_slice %arg10[%dma_start3A_406, %dma_start3A_407] : memref<1024x16xf32, #tpu.memory_space<vmem>> -> memref<128x16xf32, #tpu.memory_space<vmem>>
      %dma_start3A_409 = arith.constant 0 : i32
      %dma_start3A_410 = tpu.memref_slice %arg8[%add3A_396, %dma_start3A_409] : memref<40x128xi32, #tpu.memory_space<vmem>> -> memref<1x128xi32, #tpu.memory_space<vmem>>
      %dma_start3A_411 = tpu.memref_squeeze %dma_start3A_410 : memref<1x128xi32, #tpu.memory_space<vmem>> -> memref<128xi32, #tpu.memory_space<vmem>>
      %dma_start3A_412 = arith.constant 0 : i32
      %dma_start3A_413 = arith.constant 0 : i32
      %dma_start3A_414 = tpu.memref_slice %arg2[%dma_start3A_412, %dma_start3A_413] : memref<10000x16xf32, #tpu.memory_space<hbm>> -> memref<10000x16xf32, #tpu.memory_space<hbm>>
      tpu.enqueue_indirect_dma source(%dma_start3A_414 : memref<10000x16xf32, #tpu.memory_space<hbm>>) target(%dma_start3A_408 : memref<128x16xf32, #tpu.memory_space<vmem>>) offsets(%dma_start3A_411 : memref<128xi32, #tpu.memory_space<vmem>>) semaphore(%arg12 : memref<!tpu.dma_semaphore, #tpu.memory_space<semaphore_mem>>)
      %mul3A_415 = arith.constant 8 : i32
      %mul3A_416 = arith.muli %scan3A_325, %mul3A_415 : i32
      %add3A_417 = arith.constant 4 : i32
      %add3A_418 = arith.addi %mul3A_416, %add3A_417 : i32
      %dma_start3A_419 = arith.constant 512 : i32
      %dma_start3A_420 = arith.constant 0 : i32
      %dma_start3A_421 = tpu.memref_slice %arg9[%dma_start3A_419, %dma_start3A_420] : memref<1024x16xf32, #tpu.memory_space<vmem>> -> memref<128x16xf32, #tpu.memory_space<vmem>>
      %dma_start3A_422 = arith.constant 0 : i32
      %dma_start3A_423 = tpu.memref_slice %arg7[%add3A_418, %dma_start3A_422] : memref<40x128xi32, #tpu.memory_space<vmem>> -> memref<1x128xi32, #tpu.memory_space<vmem>>
      %dma_start3A_424 = tpu.memref_squeeze %dma_start3A_423 : memref<1x128xi32, #tpu.memory_space<vmem>> -> memref<128xi32, #tpu.memory_space<vmem>>
      %dma_start3A_425 = arith.constant 0 : i32
      %dma_start3A_426 = arith.constant 0 : i32
      %dma_start3A_427 = tpu.memref_slice %arg2[%dma_start3A_425, %dma_start3A_426] : memref<10000x16xf32, #tpu.memory_space<hbm>> -> memref<10000x16xf32, #tpu.memory_space<hbm>>
      tpu.enqueue_indirect_dma source(%dma_start3A_427 : memref<10000x16xf32, #tpu.memory_space<hbm>>) target(%dma_start3A_421 : memref<128x16xf32, #tpu.memory_space<vmem>>) offsets(%dma_start3A_424 : memref<128xi32, #tpu.memory_space<vmem>>) semaphore(%arg11 : memref<!tpu.dma_semaphore, #tpu.memory_space<semaphore_mem>>)
      %dma_start3A_428 = arith.constant 512 : i32
      %dma_start3A_429 = arith.constant 0 : i32
      %dma_start3A_430 = tpu.memref_slice %arg10[%dma_start3A_428, %dma_start3A_429] : memref<1024x16xf32, #tpu.memory_space<vmem>> -> memref<128x16xf32, #tpu.memory_space<vmem>>
      %dma_start3A_431 = arith.constant 0 : i32
      %dma_start3A_432 = tpu.memref_slice %arg8[%add3A_418, %dma_start3A_431] : memref<40x128xi32, #tpu.memory_space<vmem>> -> memref<1x128xi32, #tpu.memory_space<vmem>>
      %dma_start3A_433 = tpu.memref_squeeze %dma_start3A_432 : memref<1x128xi32, #tpu.memory_space<vmem>> -> memref<128xi32, #tpu.memory_space<vmem>>
      %dma_start3A_434 = arith.constant 0 : i32
      %dma_start3A_435 = arith.constant 0 : i32
      %dma_start3A_436 = tpu.memref_slice %arg2[%dma_start3A_434, %dma_start3A_435] : memref<10000x16xf32, #tpu.memory_space<hbm>> -> memref<10000x16xf32, #tpu.memory_space<hbm>>
      tpu.enqueue_indirect_dma source(%dma_start3A_436 : memref<10000x16xf32, #tpu.memory_space<hbm>>) target(%dma_start3A_430 : memref<128x16xf32, #tpu.memory_space<vmem>>) offsets(%dma_start3A_433 : memref<128xi32, #tpu.memory_space<vmem>>) semaphore(%arg12 : memref<!tpu.dma_semaphore, #tpu.memory_space<semaphore_mem>>)
      %mul3A_437 = arith.constant 8 : i32
      %mul3A_438 = arith.muli %scan3A_325, %mul3A_437 : i32
      %add3A_439 = arith.constant 5 : i32
      %add3A_440 = arith.addi %mul3A_438, %add3A_439 : i32
      %dma_start3A_441 = arith.constant 640 : i32
      %dma_start3A_442 = arith.constant 0 : i32
      %dma_start3A_443 = tpu.memref_slice %arg9[%dma_start3A_441, %dma_start3A_442] : memref<1024x16xf32, #tpu.memory_space<vmem>> -> memref<128x16xf32, #tpu.memory_space<vmem>>
      %dma_start3A_444 = arith.constant 0 : i32
      %dma_start3A_445 = tpu.memref_slice %arg7[%add3A_440, %dma_start3A_444] : memref<40x128xi32, #tpu.memory_space<vmem>> -> memref<1x128xi32, #tpu.memory_space<vmem>>
      %dma_start3A_446 = tpu.memref_squeeze %dma_start3A_445 : memref<1x128xi32, #tpu.memory_space<vmem>> -> memref<128xi32, #tpu.memory_space<vmem>>
      %dma_start3A_447 = arith.constant 0 : i32
      %dma_start3A_448 = arith.constant 0 : i32
      %dma_start3A_449 = tpu.memref_slice %arg2[%dma_start3A_447, %dma_start3A_448] : memref<10000x16xf32, #tpu.memory_space<hbm>> -> memref<10000x16xf32, #tpu.memory_space<hbm>>
      tpu.enqueue_indirect_dma source(%dma_start3A_449 : memref<10000x16xf32, #tpu.memory_space<hbm>>) target(%dma_start3A_443 : memref<128x16xf32, #tpu.memory_space<vmem>>) offsets(%dma_start3A_446 : memref<128xi32, #tpu.memory_space<vmem>>) semaphore(%arg11 : memref<!tpu.dma_semaphore, #tpu.memory_space<semaphore_mem>>)
      %dma_start3A_450 = arith.constant 640 : i32
      %dma_start3A_451 = arith.constant 0 : i32
      %dma_start3A_452 = tpu.memref_slice %arg10[%dma_start3A_450, %dma_start3A_451] : memref<1024x16xf32, #tpu.memory_space<vmem>> -> memref<128x16xf32, #tpu.memory_space<vmem>>
      %dma_start3A_453 = arith.constant 0 : i32
      %dma_start3A_454 = tpu.memref_slice %arg8[%add3A_440, %dma_start3A_453] : memref<40x128xi32, #tpu.memory_space<vmem>> -> memref<1x128xi32, #tpu.memory_space<vmem>>
      %dma_start3A_455 = tpu.memref_squeeze %dma_start3A_454 : memref<1x128xi32, #tpu.memory_space<vmem>> -> memref<128xi32, #tpu.memory_space<vmem>>
      %dma_start3A_456 = arith.constant 0 : i32
      %dma_start3A_457 = arith.constant 0 : i32
      %dma_start3A_458 = tpu.memref_slice %arg2[%dma_start3A_456, %dma_start3A_457] : memref<10000x16xf32, #tpu.memory_space<hbm>> -> memref<10000x16xf32, #tpu.memory_space<hbm>>
      tpu.enqueue_indirect_dma source(%dma_start3A_458 : memref<10000x16xf32, #tpu.memory_space<hbm>>) target(%dma_start3A_452 : memref<128x16xf32, #tpu.memory_space<vmem>>) offsets(%dma_start3A_455 : memref<128xi32, #tpu.memory_space<vmem>>) semaphore(%arg12 : memref<!tpu.dma_semaphore, #tpu.memory_space<semaphore_mem>>)
      %mul3A_459 = arith.constant 8 : i32
      %mul3A_460 = arith.muli %scan3A_325, %mul3A_459 : i32
      %add3A_461 = arith.constant 6 : i32
      %add3A_462 = arith.addi %mul3A_460, %add3A_461 : i32
      %dma_start3A_463 = arith.constant 768 : i32
      %dma_start3A_464 = arith.constant 0 : i32
      %dma_start3A_465 = tpu.memref_slice %arg9[%dma_start3A_463, %dma_start3A_464] : memref<1024x16xf32, #tpu.memory_space<vmem>> -> memref<128x16xf32, #tpu.memory_space<vmem>>
      %dma_start3A_466 = arith.constant 0 : i32
      %dma_start3A_467 = tpu.memref_slice %arg7[%add3A_462, %dma_start3A_466] : memref<40x128xi32, #tpu.memory_space<vmem>> -> memref<1x128xi32, #tpu.memory_space<vmem>>
      %dma_start3A_468 = tpu.memref_squeeze %dma_start3A_467 : memref<1x128xi32, #tpu.memory_space<vmem>> -> memref<128xi32, #tpu.memory_space<vmem>>
      %dma_start3A_469 = arith.constant 0 : i32
      %dma_start3A_470 = arith.constant 0 : i32
      %dma_start3A_471 = tpu.memref_slice %arg2[%dma_start3A_469, %dma_start3A_470] : memref<10000x16xf32, #tpu.memory_space<hbm>> -> memref<10000x16xf32, #tpu.memory_space<hbm>>
      tpu.enqueue_indirect_dma source(%dma_start3A_471 : memref<10000x16xf32, #tpu.memory_space<hbm>>) target(%dma_start3A_465 : memref<128x16xf32, #tpu.memory_space<vmem>>) offsets(%dma_start3A_468 : memref<128xi32, #tpu.memory_space<vmem>>) semaphore(%arg11 : memref<!tpu.dma_semaphore, #tpu.memory_space<semaphore_mem>>)
      %dma_start3A_472 = arith.constant 768 : i32
      %dma_start3A_473 = arith.constant 0 : i32
      %dma_start3A_474 = tpu.memref_slice %arg10[%dma_start3A_472, %dma_start3A_473] : memref<1024x16xf32, #tpu.memory_space<vmem>> -> memref<128x16xf32, #tpu.memory_space<vmem>>
      %dma_start3A_475 = arith.constant 0 : i32
      %dma_start3A_476 = tpu.memref_slice %arg8[%add3A_462, %dma_start3A_475] : memref<40x128xi32, #tpu.memory_space<vmem>> -> memref<1x128xi32, #tpu.memory_space<vmem>>
      %dma_start3A_477 = tpu.memref_squeeze %dma_start3A_476 : memref<1x128xi32, #tpu.memory_space<vmem>> -> memref<128xi32, #tpu.memory_space<vmem>>
      %dma_start3A_478 = arith.constant 0 : i32
      %dma_start3A_479 = arith.constant 0 : i32
      %dma_start3A_480 = tpu.memref_slice %arg2[%dma_start3A_478, %dma_start3A_479] : memref<10000x16xf32, #tpu.memory_space<hbm>> -> memref<10000x16xf32, #tpu.memory_space<hbm>>
      tpu.enqueue_indirect_dma source(%dma_start3A_480 : memref<10000x16xf32, #tpu.memory_space<hbm>>) target(%dma_start3A_474 : memref<128x16xf32, #tpu.memory_space<vmem>>) offsets(%dma_start3A_477 : memref<128xi32, #tpu.memory_space<vmem>>) semaphore(%arg12 : memref<!tpu.dma_semaphore, #tpu.memory_space<semaphore_mem>>)
      %mul3A_481 = arith.constant 8 : i32
      %mul3A_482 = arith.muli %scan3A_325, %mul3A_481 : i32
      %add3A_483 = arith.constant 7 : i32
      %add3A_484 = arith.addi %mul3A_482, %add3A_483 : i32
      %dma_start3A_485 = arith.constant 896 : i32
      %dma_start3A_486 = arith.constant 0 : i32
      %dma_start3A_487 = tpu.memref_slice %arg9[%dma_start3A_485, %dma_start3A_486] : memref<1024x16xf32, #tpu.memory_space<vmem>> -> memref<128x16xf32, #tpu.memory_space<vmem>>
      %dma_start3A_488 = arith.constant 0 : i32
      %dma_start3A_489 = tpu.memref_slice %arg7[%add3A_484, %dma_start3A_488] : memref<40x128xi32, #tpu.memory_space<vmem>> -> memref<1x128xi32, #tpu.memory_space<vmem>>
      %dma_start3A_490 = tpu.memref_squeeze %dma_start3A_489 : memref<1x128xi32, #tpu.memory_space<vmem>> -> memref<128xi32, #tpu.memory_space<vmem>>
      %dma_start3A_491 = arith.constant 0 : i32
      %dma_start3A_492 = arith.constant 0 : i32
      %dma_start3A_493 = tpu.memref_slice %arg2[%dma_start3A_491, %dma_start3A_492] : memref<10000x16xf32, #tpu.memory_space<hbm>> -> memref<10000x16xf32, #tpu.memory_space<hbm>>
      tpu.enqueue_indirect_dma source(%dma_start3A_493 : memref<10000x16xf32, #tpu.memory_space<hbm>>) target(%dma_start3A_487 : memref<128x16xf32, #tpu.memory_space<vmem>>) offsets(%dma_start3A_490 : memref<128xi32, #tpu.memory_space<vmem>>) semaphore(%arg11 : memref<!tpu.dma_semaphore, #tpu.memory_space<semaphore_mem>>)
      %dma_start3A_494 = arith.constant 896 : i32
      %dma_start3A_495 = arith.constant 0 : i32
      %dma_start3A_496 = tpu.memref_slice %arg10[%dma_start3A_494, %dma_start3A_495] : memref<1024x16xf32, #tpu.memory_space<vmem>> -> memref<128x16xf32, #tpu.memory_space<vmem>>
      %dma_start3A_497 = arith.constant 0 : i32
      %dma_start3A_498 = tpu.memref_slice %arg8[%add3A_484, %dma_start3A_497] : memref<40x128xi32, #tpu.memory_space<vmem>> -> memref<1x128xi32, #tpu.memory_space<vmem>>
      %dma_start3A_499 = tpu.memref_squeeze %dma_start3A_498 : memref<1x128xi32, #tpu.memory_space<vmem>> -> memref<128xi32, #tpu.memory_space<vmem>>
      %dma_start3A_500 = arith.constant 0 : i32
      %dma_start3A_501 = arith.constant 0 : i32
      %dma_start3A_502 = tpu.memref_slice %arg2[%dma_start3A_500, %dma_start3A_501] : memref<10000x16xf32, #tpu.memory_space<hbm>> -> memref<10000x16xf32, #tpu.memory_space<hbm>>
      tpu.enqueue_indirect_dma source(%dma_start3A_502 : memref<10000x16xf32, #tpu.memory_space<hbm>>) target(%dma_start3A_496 : memref<128x16xf32, #tpu.memory_space<vmem>>) offsets(%dma_start3A_499 : memref<128xi32, #tpu.memory_space<vmem>>) semaphore(%arg12 : memref<!tpu.dma_semaphore, #tpu.memory_space<semaphore_mem>>)
      %dma_wait3A_503 = arith.constant 0 : i32
      %dma_wait3A_504 = arith.constant 0 : i32
      %dma_wait3A_505 = tpu.memref_slice %arg9[%dma_wait3A_503, %dma_wait3A_504] : memref<1024x16xf32, #tpu.memory_space<vmem>> -> memref<128x16xf32, #tpu.memory_space<vmem>>
      %dma_wait3A_506 = arith.constant 0 : i32
      %dma_wait3A_507 = tpu.memref_slice %arg7[%add3A_330, %dma_wait3A_506] : memref<40x128xi32, #tpu.memory_space<vmem>> -> memref<1x128xi32, #tpu.memory_space<vmem>>
      %dma_wait3A_508 = tpu.memref_squeeze %dma_wait3A_507 : memref<1x128xi32, #tpu.memory_space<vmem>> -> memref<128xi32, #tpu.memory_space<vmem>>
      %dma_wait3A_509 = arith.constant 0 : i32
      %dma_wait3A_510 = arith.constant 0 : i32
      %dma_wait3A_511 = tpu.memref_slice %arg2[%dma_wait3A_509, %dma_wait3A_510] : memref<10000x16xf32, #tpu.memory_space<hbm>> -> memref<10000x16xf32, #tpu.memory_space<hbm>>
      tpu.wait_indirect_dma semaphore(%arg11 : memref<!tpu.dma_semaphore, #tpu.memory_space<semaphore_mem>>) src(%dma_wait3A_511 : memref<10000x16xf32, #tpu.memory_space<hbm>>) dst(%dma_wait3A_505 : memref<128x16xf32, #tpu.memory_space<vmem>>)
      %dma_wait3A_512 = arith.constant 0 : i32
      %dma_wait3A_513 = arith.constant 0 : i32
      %dma_wait3A_514 = tpu.memref_slice %arg10[%dma_wait3A_512, %dma_wait3A_513] : memref<1024x16xf32, #tpu.memory_space<vmem>> -> memref<128x16xf32, #tpu.memory_space<vmem>>
      %dma_wait3A_515 = arith.constant 0 : i32
      %dma_wait3A_516 = tpu.memref_slice %arg8[%add3A_330, %dma_wait3A_515] : memref<40x128xi32, #tpu.memory_space<vmem>> -> memref<1x128xi32, #tpu.memory_space<vmem>>
      %dma_wait3A_517 = tpu.memref_squeeze %dma_wait3A_516 : memref<1x128xi32, #tpu.memory_space<vmem>> -> memref<128xi32, #tpu.memory_space<vmem>>
      %dma_wait3A_518 = arith.constant 0 : i32
      %dma_wait3A_519 = arith.constant 0 : i32
      %dma_wait3A_520 = tpu.memref_slice %arg2[%dma_wait3A_518, %dma_wait3A_519] : memref<10000x16xf32, #tpu.memory_space<hbm>> -> memref<10000x16xf32, #tpu.memory_space<hbm>>
      tpu.wait_indirect_dma semaphore(%arg12 : memref<!tpu.dma_semaphore, #tpu.memory_space<semaphore_mem>>) src(%dma_wait3A_520 : memref<10000x16xf32, #tpu.memory_space<hbm>>) dst(%dma_wait3A_514 : memref<128x16xf32, #tpu.memory_space<vmem>>)
      %dma_wait3A_521 = arith.constant 128 : i32
      %dma_wait3A_522 = arith.constant 0 : i32
      %dma_wait3A_523 = tpu.memref_slice %arg9[%dma_wait3A_521, %dma_wait3A_522] : memref<1024x16xf32, #tpu.memory_space<vmem>> -> memref<128x16xf32, #tpu.memory_space<vmem>>
      %dma_wait3A_524 = arith.constant 0 : i32
      %dma_wait3A_525 = tpu.memref_slice %arg7[%add3A_352, %dma_wait3A_524] : memref<40x128xi32, #tpu.memory_space<vmem>> -> memref<1x128xi32, #tpu.memory_space<vmem>>
      %dma_wait3A_526 = tpu.memref_squeeze %dma_wait3A_525 : memref<1x128xi32, #tpu.memory_space<vmem>> -> memref<128xi32, #tpu.memory_space<vmem>>
      %dma_wait3A_527 = arith.constant 0 : i32
      %dma_wait3A_528 = arith.constant 0 : i32
      %dma_wait3A_529 = tpu.memref_slice %arg2[%dma_wait3A_527, %dma_wait3A_528] : memref<10000x16xf32, #tpu.memory_space<hbm>> -> memref<10000x16xf32, #tpu.memory_space<hbm>>
      tpu.wait_indirect_dma semaphore(%arg11 : memref<!tpu.dma_semaphore, #tpu.memory_space<semaphore_mem>>) src(%dma_wait3A_529 : memref<10000x16xf32, #tpu.memory_space<hbm>>) dst(%dma_wait3A_523 : memref<128x16xf32, #tpu.memory_space<vmem>>)
      %dma_wait3A_530 = arith.constant 128 : i32
      %dma_wait3A_531 = arith.constant 0 : i32
      %dma_wait3A_532 = tpu.memref_slice %arg10[%dma_wait3A_530, %dma_wait3A_531] : memref<1024x16xf32, #tpu.memory_space<vmem>> -> memref<128x16xf32, #tpu.memory_space<vmem>>
      %dma_wait3A_533 = arith.constant 0 : i32
      %dma_wait3A_534 = tpu.memref_slice %arg8[%add3A_352, %dma_wait3A_533] : memref<40x128xi32, #tpu.memory_space<vmem>> -> memref<1x128xi32, #tpu.memory_space<vmem>>
      %dma_wait3A_535 = tpu.memref_squeeze %dma_wait3A_534 : memref<1x128xi32, #tpu.memory_space<vmem>> -> memref<128xi32, #tpu.memory_space<vmem>>
      %dma_wait3A_536 = arith.constant 0 : i32
      %dma_wait3A_537 = arith.constant 0 : i32
      %dma_wait3A_538 = tpu.memref_slice %arg2[%dma_wait3A_536, %dma_wait3A_537] : memref<10000x16xf32, #tpu.memory_space<hbm>> -> memref<10000x16xf32, #tpu.memory_space<hbm>>
      tpu.wait_indirect_dma semaphore(%arg12 : memref<!tpu.dma_semaphore, #tpu.memory_space<semaphore_mem>>) src(%dma_wait3A_538 : memref<10000x16xf32, #tpu.memory_space<hbm>>) dst(%dma_wait3A_532 : memref<128x16xf32, #tpu.memory_space<vmem>>)
      %dma_wait3A_539 = arith.constant 256 : i32
      %dma_wait3A_540 = arith.constant 0 : i32
      %dma_wait3A_541 = tpu.memref_slice %arg9[%dma_wait3A_539, %dma_wait3A_540] : memref<1024x16xf32, #tpu.memory_space<vmem>> -> memref<128x16xf32, #tpu.memory_space<vmem>>
      %dma_wait3A_542 = arith.constant 0 : i32
      %dma_wait3A_543 = tpu.memref_slice %arg7[%add3A_374, %dma_wait3A_542] : memref<40x128xi32, #tpu.memory_space<vmem>> -> memref<1x128xi32, #tpu.memory_space<vmem>>
      %dma_wait3A_544 = tpu.memref_squeeze %dma_wait3A_543 : memref<1x128xi32, #tpu.memory_space<vmem>> -> memref<128xi32, #tpu.memory_space<vmem>>
      %dma_wait3A_545 = arith.constant 0 : i32
      %dma_wait3A_546 = arith.constant 0 : i32
      %dma_wait3A_547 = tpu.memref_slice %arg2[%dma_wait3A_545, %dma_wait3A_546] : memref<10000x16xf32, #tpu.memory_space<hbm>> -> memref<10000x16xf32, #tpu.memory_space<hbm>>
      tpu.wait_indirect_dma semaphore(%arg11 : memref<!tpu.dma_semaphore, #tpu.memory_space<semaphore_mem>>) src(%dma_wait3A_547 : memref<10000x16xf32, #tpu.memory_space<hbm>>) dst(%dma_wait3A_541 : memref<128x16xf32, #tpu.memory_space<vmem>>)
      %dma_wait3A_548 = arith.constant 256 : i32
      %dma_wait3A_549 = arith.constant 0 : i32
      %dma_wait3A_550 = tpu.memref_slice %arg10[%dma_wait3A_548, %dma_wait3A_549] : memref<1024x16xf32, #tpu.memory_space<vmem>> -> memref<128x16xf32, #tpu.memory_space<vmem>>
      %dma_wait3A_551 = arith.constant 0 : i32
      %dma_wait3A_552 = tpu.memref_slice %arg8[%add3A_374, %dma_wait3A_551] : memref<40x128xi32, #tpu.memory_space<vmem>> -> memref<1x128xi32, #tpu.memory_space<vmem>>
      %dma_wait3A_553 = tpu.memref_squeeze %dma_wait3A_552 : memref<1x128xi32, #tpu.memory_space<vmem>> -> memref<128xi32, #tpu.memory_space<vmem>>
      %dma_wait3A_554 = arith.constant 0 : i32
      %dma_wait3A_555 = arith.constant 0 : i32
      %dma_wait3A_556 = tpu.memref_slice %arg2[%dma_wait3A_554, %dma_wait3A_555] : memref<10000x16xf32, #tpu.memory_space<hbm>> -> memref<10000x16xf32, #tpu.memory_space<hbm>>
      tpu.wait_indirect_dma semaphore(%arg12 : memref<!tpu.dma_semaphore, #tpu.memory_space<semaphore_mem>>) src(%dma_wait3A_556 : memref<10000x16xf32, #tpu.memory_space<hbm>>) dst(%dma_wait3A_550 : memref<128x16xf32, #tpu.memory_space<vmem>>)
      %dma_wait3A_557 = arith.constant 384 : i32
      %dma_wait3A_558 = arith.constant 0 : i32
      %dma_wait3A_559 = tpu.memref_slice %arg9[%dma_wait3A_557, %dma_wait3A_558] : memref<1024x16xf32, #tpu.memory_space<vmem>> -> memref<128x16xf32, #tpu.memory_space<vmem>>
      %dma_wait3A_560 = arith.constant 0 : i32
      %dma_wait3A_561 = tpu.memref_slice %arg7[%add3A_396, %dma_wait3A_560] : memref<40x128xi32, #tpu.memory_space<vmem>> -> memref<1x128xi32, #tpu.memory_space<vmem>>
      %dma_wait3A_562 = tpu.memref_squeeze %dma_wait3A_561 : memref<1x128xi32, #tpu.memory_space<vmem>> -> memref<128xi32, #tpu.memory_space<vmem>>
      %dma_wait3A_563 = arith.constant 0 : i32
      %dma_wait3A_564 = arith.constant 0 : i32
      %dma_wait3A_565 = tpu.memref_slice %arg2[%dma_wait3A_563, %dma_wait3A_564] : memref<10000x16xf32, #tpu.memory_space<hbm>> -> memref<10000x16xf32, #tpu.memory_space<hbm>>
      tpu.wait_indirect_dma semaphore(%arg11 : memref<!tpu.dma_semaphore, #tpu.memory_space<semaphore_mem>>) src(%dma_wait3A_565 : memref<10000x16xf32, #tpu.memory_space<hbm>>) dst(%dma_wait3A_559 : memref<128x16xf32, #tpu.memory_space<vmem>>)
      %dma_wait3A_566 = arith.constant 384 : i32
      %dma_wait3A_567 = arith.constant 0 : i32
      %dma_wait3A_568 = tpu.memref_slice %arg10[%dma_wait3A_566, %dma_wait3A_567] : memref<1024x16xf32, #tpu.memory_space<vmem>> -> memref<128x16xf32, #tpu.memory_space<vmem>>
      %dma_wait3A_569 = arith.constant 0 : i32
      %dma_wait3A_570 = tpu.memref_slice %arg8[%add3A_396, %dma_wait3A_569] : memref<40x128xi32, #tpu.memory_space<vmem>> -> memref<1x128xi32, #tpu.memory_space<vmem>>
      %dma_wait3A_571 = tpu.memref_squeeze %dma_wait3A_570 : memref<1x128xi32, #tpu.memory_space<vmem>> -> memref<128xi32, #tpu.memory_space<vmem>>
      %dma_wait3A_572 = arith.constant 0 : i32
      %dma_wait3A_573 = arith.constant 0 : i32
      %dma_wait3A_574 = tpu.memref_slice %arg2[%dma_wait3A_572, %dma_wait3A_573] : memref<10000x16xf32, #tpu.memory_space<hbm>> -> memref<10000x16xf32, #tpu.memory_space<hbm>>
      tpu.wait_indirect_dma semaphore(%arg12 : memref<!tpu.dma_semaphore, #tpu.memory_space<semaphore_mem>>) src(%dma_wait3A_574 : memref<10000x16xf32, #tpu.memory_space<hbm>>) dst(%dma_wait3A_568 : memref<128x16xf32, #tpu.memory_space<vmem>>)
      %dma_wait3A_575 = arith.constant 512 : i32
      %dma_wait3A_576 = arith.constant 0 : i32
      %dma_wait3A_577 = tpu.memref_slice %arg9[%dma_wait3A_575, %dma_wait3A_576] : memref<1024x16xf32, #tpu.memory_space<vmem>> -> memref<128x16xf32, #tpu.memory_space<vmem>>
      %dma_wait3A_578 = arith.constant 0 : i32
      %dma_wait3A_579 = tpu.memref_slice %arg7[%add3A_418, %dma_wait3A_578] : memref<40x128xi32, #tpu.memory_space<vmem>> -> memref<1x128xi32, #tpu.memory_space<vmem>>
      %dma_wait3A_580 = tpu.memref_squeeze %dma_wait3A_579 : memref<1x128xi32, #tpu.memory_space<vmem>> -> memref<128xi32, #tpu.memory_space<vmem>>
      %dma_wait3A_581 = arith.constant 0 : i32
      %dma_wait3A_582 = arith.constant 0 : i32
      %dma_wait3A_583 = tpu.memref_slice %arg2[%dma_wait3A_581, %dma_wait3A_582] : memref<10000x16xf32, #tpu.memory_space<hbm>> -> memref<10000x16xf32, #tpu.memory_space<hbm>>
      tpu.wait_indirect_dma semaphore(%arg11 : memref<!tpu.dma_semaphore, #tpu.memory_space<semaphore_mem>>) src(%dma_wait3A_583 : memref<10000x16xf32, #tpu.memory_space<hbm>>) dst(%dma_wait3A_577 : memref<128x16xf32, #tpu.memory_space<vmem>>)
      %dma_wait3A_584 = arith.constant 512 : i32
      %dma_wait3A_585 = arith.constant 0 : i32
      %dma_wait3A_586 = tpu.memref_slice %arg10[%dma_wait3A_584, %dma_wait3A_585] : memref<1024x16xf32, #tpu.memory_space<vmem>> -> memref<128x16xf32, #tpu.memory_space<vmem>>
      %dma_wait3A_587 = arith.constant 0 : i32
      %dma_wait3A_588 = tpu.memref_slice %arg8[%add3A_418, %dma_wait3A_587] : memref<40x128xi32, #tpu.memory_space<vmem>> -> memref<1x128xi32, #tpu.memory_space<vmem>>
      %dma_wait3A_589 = tpu.memref_squeeze %dma_wait3A_588 : memref<1x128xi32, #tpu.memory_space<vmem>> -> memref<128xi32, #tpu.memory_space<vmem>>
      %dma_wait3A_590 = arith.constant 0 : i32
      %dma_wait3A_591 = arith.constant 0 : i32
      %dma_wait3A_592 = tpu.memref_slice %arg2[%dma_wait3A_590, %dma_wait3A_591] : memref<10000x16xf32, #tpu.memory_space<hbm>> -> memref<10000x16xf32, #tpu.memory_space<hbm>>
      tpu.wait_indirect_dma semaphore(%arg12 : memref<!tpu.dma_semaphore, #tpu.memory_space<semaphore_mem>>) src(%dma_wait3A_592 : memref<10000x16xf32, #tpu.memory_space<hbm>>) dst(%dma_wait3A_586 : memref<128x16xf32, #tpu.memory_space<vmem>>)
      %dma_wait3A_593 = arith.constant 640 : i32
      %dma_wait3A_594 = arith.constant 0 : i32
      %dma_wait3A_595 = tpu.memref_slice %arg9[%dma_wait3A_593, %dma_wait3A_594] : memref<1024x16xf32, #tpu.memory_space<vmem>> -> memref<128x16xf32, #tpu.memory_space<vmem>>
      %dma_wait3A_596 = arith.constant 0 : i32
      %dma_wait3A_597 = tpu.memref_slice %arg7[%add3A_440, %dma_wait3A_596] : memref<40x128xi32, #tpu.memory_space<vmem>> -> memref<1x128xi32, #tpu.memory_space<vmem>>
      %dma_wait3A_598 = tpu.memref_squeeze %dma_wait3A_597 : memref<1x128xi32, #tpu.memory_space<vmem>> -> memref<128xi32, #tpu.memory_space<vmem>>
      %dma_wait3A_599 = arith.constant 0 : i32
      %dma_wait3A_600 = arith.constant 0 : i32
      %dma_wait3A_601 = tpu.memref_slice %arg2[%dma_wait3A_599, %dma_wait3A_600] : memref<10000x16xf32, #tpu.memory_space<hbm>> -> memref<10000x16xf32, #tpu.memory_space<hbm>>
      tpu.wait_indirect_dma semaphore(%arg11 : memref<!tpu.dma_semaphore, #tpu.memory_space<semaphore_mem>>) src(%dma_wait3A_601 : memref<10000x16xf32, #tpu.memory_space<hbm>>) dst(%dma_wait3A_595 : memref<128x16xf32, #tpu.memory_space<vmem>>)
      %dma_wait3A_602 = arith.constant 640 : i32
      %dma_wait3A_603 = arith.constant 0 : i32
      %dma_wait3A_604 = tpu.memref_slice %arg10[%dma_wait3A_602, %dma_wait3A_603] : memref<1024x16xf32, #tpu.memory_space<vmem>> -> memref<128x16xf32, #tpu.memory_space<vmem>>
      %dma_wait3A_605 = arith.constant 0 : i32
      %dma_wait3A_606 = tpu.memref_slice %arg8[%add3A_440, %dma_wait3A_605] : memref<40x128xi32, #tpu.memory_space<vmem>> -> memref<1x128xi32, #tpu.memory_space<vmem>>
      %dma_wait3A_607 = tpu.memref_squeeze %dma_wait3A_606 : memref<1x128xi32, #tpu.memory_space<vmem>> -> memref<128xi32, #tpu.memory_space<vmem>>
      %dma_wait3A_608 = arith.constant 0 : i32
      %dma_wait3A_609 = arith.constant 0 : i32
      %dma_wait3A_610 = tpu.memref_slice %arg2[%dma_wait3A_608, %dma_wait3A_609] : memref<10000x16xf32, #tpu.memory_space<hbm>> -> memref<10000x16xf32, #tpu.memory_space<hbm>>
      tpu.wait_indirect_dma semaphore(%arg12 : memref<!tpu.dma_semaphore, #tpu.memory_space<semaphore_mem>>) src(%dma_wait3A_610 : memref<10000x16xf32, #tpu.memory_space<hbm>>) dst(%dma_wait3A_604 : memref<128x16xf32, #tpu.memory_space<vmem>>)
      %dma_wait3A_611 = arith.constant 768 : i32
      %dma_wait3A_612 = arith.constant 0 : i32
      %dma_wait3A_613 = tpu.memref_slice %arg9[%dma_wait3A_611, %dma_wait3A_612] : memref<1024x16xf32, #tpu.memory_space<vmem>> -> memref<128x16xf32, #tpu.memory_space<vmem>>
      %dma_wait3A_614 = arith.constant 0 : i32
      %dma_wait3A_615 = tpu.memref_slice %arg7[%add3A_462, %dma_wait3A_614] : memref<40x128xi32, #tpu.memory_space<vmem>> -> memref<1x128xi32, #tpu.memory_space<vmem>>
      %dma_wait3A_616 = tpu.memref_squeeze %dma_wait3A_615 : memref<1x128xi32, #tpu.memory_space<vmem>> -> memref<128xi32, #tpu.memory_space<vmem>>
      %dma_wait3A_617 = arith.constant 0 : i32
      %dma_wait3A_618 = arith.constant 0 : i32
      %dma_wait3A_619 = tpu.memref_slice %arg2[%dma_wait3A_617, %dma_wait3A_618] : memref<10000x16xf32, #tpu.memory_space<hbm>> -> memref<10000x16xf32, #tpu.memory_space<hbm>>
      tpu.wait_indirect_dma semaphore(%arg11 : memref<!tpu.dma_semaphore, #tpu.memory_space<semaphore_mem>>) src(%dma_wait3A_619 : memref<10000x16xf32, #tpu.memory_space<hbm>>) dst(%dma_wait3A_613 : memref<128x16xf32, #tpu.memory_space<vmem>>)
      %dma_wait3A_620 = arith.constant 768 : i32
      %dma_wait3A_621 = arith.constant 0 : i32
      %dma_wait3A_622 = tpu.memref_slice %arg10[%dma_wait3A_620, %dma_wait3A_621] : memref<1024x16xf32, #tpu.memory_space<vmem>> -> memref<128x16xf32, #tpu.memory_space<vmem>>
      %dma_wait3A_623 = arith.constant 0 : i32
      %dma_wait3A_624 = tpu.memref_slice %arg8[%add3A_462, %dma_wait3A_623] : memref<40x128xi32, #tpu.memory_space<vmem>> -> memref<1x128xi32, #tpu.memory_space<vmem>>
      %dma_wait3A_625 = tpu.memref_squeeze %dma_wait3A_624 : memref<1x128xi32, #tpu.memory_space<vmem>> -> memref<128xi32, #tpu.memory_space<vmem>>
      %dma_wait3A_626 = arith.constant 0 : i32
      %dma_wait3A_627 = arith.constant 0 : i32
      %dma_wait3A_628 = tpu.memref_slice %arg2[%dma_wait3A_626, %dma_wait3A_627] : memref<10000x16xf32, #tpu.memory_space<hbm>> -> memref<10000x16xf32, #tpu.memory_space<hbm>>
      tpu.wait_indirect_dma semaphore(%arg12 : memref<!tpu.dma_semaphore, #tpu.memory_space<semaphore_mem>>) src(%dma_wait3A_628 : memref<10000x16xf32, #tpu.memory_space<hbm>>) dst(%dma_wait3A_622 : memref<128x16xf32, #tpu.memory_space<vmem>>)
      %dma_wait3A_629 = arith.constant 896 : i32
      %dma_wait3A_630 = arith.constant 0 : i32
      %dma_wait3A_631 = tpu.memref_slice %arg9[%dma_wait3A_629, %dma_wait3A_630] : memref<1024x16xf32, #tpu.memory_space<vmem>> -> memref<128x16xf32, #tpu.memory_space<vmem>>
      %dma_wait3A_632 = arith.constant 0 : i32
      %dma_wait3A_633 = tpu.memref_slice %arg7[%add3A_484, %dma_wait3A_632] : memref<40x128xi32, #tpu.memory_space<vmem>> -> memref<1x128xi32, #tpu.memory_space<vmem>>
      %dma_wait3A_634 = tpu.memref_squeeze %dma_wait3A_633 : memref<1x128xi32, #tpu.memory_space<vmem>> -> memref<128xi32, #tpu.memory_space<vmem>>
      %dma_wait3A_635 = arith.constant 0 : i32
      %dma_wait3A_636 = arith.constant 0 : i32
      %dma_wait3A_637 = tpu.memref_slice %arg2[%dma_wait3A_635, %dma_wait3A_636] : memref<10000x16xf32, #tpu.memory_space<hbm>> -> memref<10000x16xf32, #tpu.memory_space<hbm>>
      tpu.wait_indirect_dma semaphore(%arg11 : memref<!tpu.dma_semaphore, #tpu.memory_space<semaphore_mem>>) src(%dma_wait3A_637 : memref<10000x16xf32, #tpu.memory_space<hbm>>) dst(%dma_wait3A_631 : memref<128x16xf32, #tpu.memory_space<vmem>>)
      %dma_wait3A_638 = arith.constant 896 : i32
      %dma_wait3A_639 = arith.constant 0 : i32
      %dma_wait3A_640 = tpu.memref_slice %arg10[%dma_wait3A_638, %dma_wait3A_639] : memref<1024x16xf32, #tpu.memory_space<vmem>> -> memref<128x16xf32, #tpu.memory_space<vmem>>
      %dma_wait3A_641 = arith.constant 0 : i32
      %dma_wait3A_642 = tpu.memref_slice %arg8[%add3A_484, %dma_wait3A_641] : memref<40x128xi32, #tpu.memory_space<vmem>> -> memref<1x128xi32, #tpu.memory_space<vmem>>
      %dma_wait3A_643 = tpu.memref_squeeze %dma_wait3A_642 : memref<1x128xi32, #tpu.memory_space<vmem>> -> memref<128xi32, #tpu.memory_space<vmem>>
      %dma_wait3A_644 = arith.constant 0 : i32
      %dma_wait3A_645 = arith.constant 0 : i32
      %dma_wait3A_646 = tpu.memref_slice %arg2[%dma_wait3A_644, %dma_wait3A_645] : memref<10000x16xf32, #tpu.memory_space<hbm>> -> memref<10000x16xf32, #tpu.memory_space<hbm>>
      tpu.wait_indirect_dma semaphore(%arg12 : memref<!tpu.dma_semaphore, #tpu.memory_space<semaphore_mem>>) src(%dma_wait3A_646 : memref<10000x16xf32, #tpu.memory_space<hbm>>) dst(%dma_wait3A_640 : memref<128x16xf32, #tpu.memory_space<vmem>>)
      %mul3A_647 = arith.constant 1024 : i32
      %mul3A_648 = arith.muli %scan3A_325, %mul3A_647 : i32
      "tpu.region"() ({
        %run_scoped3A = tpu.sem_alloc : memref<!tpu.dma_semaphore, #tpu.memory_space<semaphore_mem>>
        %dma_start3A_652 = arith.constant 0 : i32
        %dma_start3A_653 = arith.constant 0 : i32
        %dma_start3A_654 = tpu.memref_slice %arg9[%dma_start3A_652, %dma_start3A_653] : memref<1024x16xf32, #tpu.memory_space<vmem>> -> memref<1024x16xf32, #tpu.memory_space<vmem>>
        %dma_start3A_655 = arith.constant 0 : i32
        %dma_start3A_656 = tpu.memref_slice %arg5[%add3A, %mul3A_648, %dma_start3A_655] : memref<32x5000x16xf32, #tpu.memory_space<hbm>> -> memref<1x1024x16xf32, #tpu.memory_space<hbm>>
        %dma_start3A_657 = tpu.memref_squeeze %dma_start3A_656 : memref<1x1024x16xf32, #tpu.memory_space<hbm>> -> memref<1024x16xf32, #tpu.memory_space<hbm>>
        %dma_start3A_658 = arith.constant 0 : i32
        %dma_start3A_659 = tpu.memref_slice %arg5[%add3A, %mul3A_648, %dma_start3A_658] : memref<32x5000x16xf32, #tpu.memory_space<hbm>> -> memref<1x1024x16xf32, #tpu.memory_space<hbm>>
        %dma_start3A_660 = tpu.memref_squeeze %dma_start3A_659 : memref<1x1024x16xf32, #tpu.memory_space<hbm>> -> memref<1024x16xf32, #tpu.memory_space<hbm>>
        %dma_start3A_661 = arith.constant 0 : i32
        %dma_start3A_662 = arith.constant 0 : i32
        %dma_start3A_663 = tpu.memref_slice %arg9[%dma_start3A_661, %dma_start3A_662] : memref<1024x16xf32, #tpu.memory_space<vmem>> -> memref<1024x16xf32, #tpu.memory_space<vmem>>
        tpu.enqueue_dma source(%dma_start3A_663 : memref<1024x16xf32, #tpu.memory_space<vmem>>) target(%dma_start3A_660 : memref<1024x16xf32, #tpu.memory_space<hbm>>) target_semaphore(%run_scoped3A : memref<!tpu.dma_semaphore, #tpu.memory_space<semaphore_mem>>)
        %dma_wait3A_664 = arith.constant 0 : i32
        %dma_wait3A_665 = arith.constant 0 : i32
        %dma_wait3A_666 = tpu.memref_slice %arg9[%dma_wait3A_664, %dma_wait3A_665] : memref<1024x16xf32, #tpu.memory_space<vmem>> -> memref<1024x16xf32, #tpu.memory_space<vmem>>
        %dma_wait3A_667 = arith.constant 0 : i32
        %dma_wait3A_668 = tpu.memref_slice %arg5[%add3A, %mul3A_648, %dma_wait3A_667] : memref<32x5000x16xf32, #tpu.memory_space<hbm>> -> memref<1x1024x16xf32, #tpu.memory_space<hbm>>
        %dma_wait3A_669 = tpu.memref_squeeze %dma_wait3A_668 : memref<1x1024x16xf32, #tpu.memory_space<hbm>> -> memref<1024x16xf32, #tpu.memory_space<hbm>>
        %dma_wait3A_670 = arith.constant 0 : i32
        %dma_wait3A_671 = tpu.memref_slice %arg5[%add3A, %mul3A_648, %dma_wait3A_670] : memref<32x5000x16xf32, #tpu.memory_space<hbm>> -> memref<1x1024x16xf32, #tpu.memory_space<hbm>>
        %dma_wait3A_672 = tpu.memref_squeeze %dma_wait3A_671 : memref<1x1024x16xf32, #tpu.memory_space<hbm>> -> memref<1024x16xf32, #tpu.memory_space<hbm>>
        %dma_wait3A_673 = arith.constant 0 : i32
        %dma_wait3A_674 = arith.constant 0 : i32
        %dma_wait3A_675 = tpu.memref_slice %arg9[%dma_wait3A_673, %dma_wait3A_674] : memref<1024x16xf32, #tpu.memory_space<vmem>> -> memref<1024x16xf32, #tpu.memory_space<vmem>>
        tpu.wait_dma2 semaphore(%run_scoped3A : memref<!tpu.dma_semaphore, #tpu.memory_space<semaphore_mem>>) src(%dma_wait3A_675 : memref<1024x16xf32, #tpu.memory_space<vmem>>) dst(%dma_wait3A_672 : memref<1024x16xf32, #tpu.memory_space<hbm>>)
        tpu.yield
      }) : () -> ()
      %mul3A_649 = arith.constant 1024 : i32
      %mul3A_650 = arith.muli %scan3A_325, %mul3A_649 : i32
      "tpu.region"() ({
        %run_scoped3A = tpu.sem_alloc : memref<!tpu.dma_semaphore, #tpu.memory_space<semaphore_mem>>
        %dma_start3A_652 = arith.constant 0 : i32
        %dma_start3A_653 = arith.constant 0 : i32
        %dma_start3A_654 = tpu.memref_slice %arg10[%dma_start3A_652, %dma_start3A_653] : memref<1024x16xf32, #tpu.memory_space<vmem>> -> memref<1024x16xf32, #tpu.memory_space<vmem>>
        %dma_start3A_655 = arith.constant 0 : i32
        %dma_start3A_656 = tpu.memref_slice %arg6[%add3A, %mul3A_650, %dma_start3A_655] : memref<32x5000x16xf32, #tpu.memory_space<hbm>> -> memref<1x1024x16xf32, #tpu.memory_space<hbm>>
        %dma_start3A_657 = tpu.memref_squeeze %dma_start3A_656 : memref<1x1024x16xf32, #tpu.memory_space<hbm>> -> memref<1024x16xf32, #tpu.memory_space<hbm>>
        %dma_start3A_658 = arith.constant 0 : i32
        %dma_start3A_659 = tpu.memref_slice %arg6[%add3A, %mul3A_650, %dma_start3A_658] : memref<32x5000x16xf32, #tpu.memory_space<hbm>> -> memref<1x1024x16xf32, #tpu.memory_space<hbm>>
        %dma_start3A_660 = tpu.memref_squeeze %dma_start3A_659 : memref<1x1024x16xf32, #tpu.memory_space<hbm>> -> memref<1024x16xf32, #tpu.memory_space<hbm>>
        %dma_start3A_661 = arith.constant 0 : i32
        %dma_start3A_662 = arith.constant 0 : i32
        %dma_start3A_663 = tpu.memref_slice %arg10[%dma_start3A_661, %dma_start3A_662] : memref<1024x16xf32, #tpu.memory_space<vmem>> -> memref<1024x16xf32, #tpu.memory_space<vmem>>
        tpu.enqueue_dma source(%dma_start3A_663 : memref<1024x16xf32, #tpu.memory_space<vmem>>) target(%dma_start3A_660 : memref<1024x16xf32, #tpu.memory_space<hbm>>) target_semaphore(%run_scoped3A : memref<!tpu.dma_semaphore, #tpu.memory_space<semaphore_mem>>)
        %dma_wait3A_664 = arith.constant 0 : i32
        %dma_wait3A_665 = arith.constant 0 : i32
        %dma_wait3A_666 = tpu.memref_slice %arg10[%dma_wait3A_664, %dma_wait3A_665] : memref<1024x16xf32, #tpu.memory_space<vmem>> -> memref<1024x16xf32, #tpu.memory_space<vmem>>
        %dma_wait3A_667 = arith.constant 0 : i32
        %dma_wait3A_668 = tpu.memref_slice %arg6[%add3A, %mul3A_650, %dma_wait3A_667] : memref<32x5000x16xf32, #tpu.memory_space<hbm>> -> memref<1x1024x16xf32, #tpu.memory_space<hbm>>
        %dma_wait3A_669 = tpu.memref_squeeze %dma_wait3A_668 : memref<1x1024x16xf32, #tpu.memory_space<hbm>> -> memref<1024x16xf32, #tpu.memory_space<hbm>>
        %dma_wait3A_670 = arith.constant 0 : i32
        %dma_wait3A_671 = tpu.memref_slice %arg6[%add3A, %mul3A_650, %dma_wait3A_670] : memref<32x5000x16xf32, #tpu.memory_space<hbm>> -> memref<1x1024x16xf32, #tpu.memory_space<hbm>>
        %dma_wait3A_672 = tpu.memref_squeeze %dma_wait3A_671 : memref<1x1024x16xf32, #tpu.memory_space<hbm>> -> memref<1024x16xf32, #tpu.memory_space<hbm>>
        %dma_wait3A_673 = arith.constant 0 : i32
        %dma_wait3A_674 = arith.constant 0 : i32
        %dma_wait3A_675 = tpu.memref_slice %arg10[%dma_wait3A_673, %dma_wait3A_674] : memref<1024x16xf32, #tpu.memory_space<vmem>> -> memref<1024x16xf32, #tpu.memory_space<vmem>>
        tpu.wait_dma2 semaphore(%run_scoped3A : memref<!tpu.dma_semaphore, #tpu.memory_space<semaphore_mem>>) src(%dma_wait3A_675 : memref<1024x16xf32, #tpu.memory_space<vmem>>) dst(%dma_wait3A_672 : memref<1024x16xf32, #tpu.memory_space<hbm>>)
        tpu.yield
      }) : () -> ()
      %scan3A_651 = arith.constant 0 : i32
      scf.yield %scan3A_651 : i32
    }
    %scan3A_6 = arith.constant 4 : i32
    %dma_start3A = arith.constant 32 : i32
    %dma_start3A_7 = arith.constant 0 : i32
    %dma_start3A_8 = arith.constant 0 : i32
    %dma_start3A_9 = tpu.memref_slice %arg9[%dma_start3A_7, %dma_start3A_8] : memref<1024x16xf32, #tpu.memory_space<vmem>> -> memref<128x16xf32, #tpu.memory_space<vmem>>
    %dma_start3A_10 = arith.constant 0 : i32
    %dma_start3A_11 = tpu.memref_slice %arg7[%dma_start3A, %dma_start3A_10] : memref<40x128xi32, #tpu.memory_space<vmem>> -> memref<1x128xi32, #tpu.memory_space<vmem>>
    %dma_start3A_12 = tpu.memref_squeeze %dma_start3A_11 : memref<1x128xi32, #tpu.memory_space<vmem>> -> memref<128xi32, #tpu.memory_space<vmem>>
    %dma_start3A_13 = arith.constant 0 : i32
    %dma_start3A_14 = arith.constant 0 : i32
    %dma_start3A_15 = tpu.memref_slice %arg2[%dma_start3A_13, %dma_start3A_14] : memref<10000x16xf32, #tpu.memory_space<hbm>> -> memref<10000x16xf32, #tpu.memory_space<hbm>>
    tpu.enqueue_indirect_dma source(%dma_start3A_15 : memref<10000x16xf32, #tpu.memory_space<hbm>>) target(%dma_start3A_9 : memref<128x16xf32, #tpu.memory_space<vmem>>) offsets(%dma_start3A_12 : memref<128xi32, #tpu.memory_space<vmem>>) semaphore(%arg11 : memref<!tpu.dma_semaphore, #tpu.memory_space<semaphore_mem>>)
    %dma_start3A_16 = arith.constant 32 : i32
    %dma_start3A_17 = arith.constant 0 : i32
    %dma_start3A_18 = arith.constant 0 : i32
    %dma_start3A_19 = tpu.memref_slice %arg10[%dma_start3A_17, %dma_start3A_18] : memref<1024x16xf32, #tpu.memory_space<vmem>> -> memref<128x16xf32, #tpu.memory_space<vmem>>
    %dma_start3A_20 = arith.constant 0 : i32
    %dma_start3A_21 = tpu.memref_slice %arg8[%dma_start3A_16, %dma_start3A_20] : memref<40x128xi32, #tpu.memory_space<vmem>> -> memref<1x128xi32, #tpu.memory_space<vmem>>
    %dma_start3A_22 = tpu.memref_squeeze %dma_start3A_21 : memref<1x128xi32, #tpu.memory_space<vmem>> -> memref<128xi32, #tpu.memory_space<vmem>>
    %dma_start3A_23 = arith.constant 0 : i32
    %dma_start3A_24 = arith.constant 0 : i32
    %dma_start3A_25 = tpu.memref_slice %arg2[%dma_start3A_23, %dma_start3A_24] : memref<10000x16xf32, #tpu.memory_space<hbm>> -> memref<10000x16xf32, #tpu.memory_space<hbm>>
    tpu.enqueue_indirect_dma source(%dma_start3A_25 : memref<10000x16xf32, #tpu.memory_space<hbm>>) target(%dma_start3A_19 : memref<128x16xf32, #tpu.memory_space<vmem>>) offsets(%dma_start3A_22 : memref<128xi32, #tpu.memory_space<vmem>>) semaphore(%arg12 : memref<!tpu.dma_semaphore, #tpu.memory_space<semaphore_mem>>)
    %dma_start3A_26 = arith.constant 33 : i32
    %dma_start3A_27 = arith.constant 128 : i32
    %dma_start3A_28 = arith.constant 0 : i32
    %dma_start3A_29 = tpu.memref_slice %arg9[%dma_start3A_27, %dma_start3A_28] : memref<1024x16xf32, #tpu.memory_space<vmem>> -> memref<128x16xf32, #tpu.memory_space<vmem>>
    %dma_start3A_30 = arith.constant 0 : i32
    %dma_start3A_31 = tpu.memref_slice %arg7[%dma_start3A_26, %dma_start3A_30] : memref<40x128xi32, #tpu.memory_space<vmem>> -> memref<1x128xi32, #tpu.memory_space<vmem>>
    %dma_start3A_32 = tpu.memref_squeeze %dma_start3A_31 : memref<1x128xi32, #tpu.memory_space<vmem>> -> memref<128xi32, #tpu.memory_space<vmem>>
    %dma_start3A_33 = arith.constant 0 : i32
    %dma_start3A_34 = arith.constant 0 : i32
    %dma_start3A_35 = tpu.memref_slice %arg2[%dma_start3A_33, %dma_start3A_34] : memref<10000x16xf32, #tpu.memory_space<hbm>> -> memref<10000x16xf32, #tpu.memory_space<hbm>>
    tpu.enqueue_indirect_dma source(%dma_start3A_35 : memref<10000x16xf32, #tpu.memory_space<hbm>>) target(%dma_start3A_29 : memref<128x16xf32, #tpu.memory_space<vmem>>) offsets(%dma_start3A_32 : memref<128xi32, #tpu.memory_space<vmem>>) semaphore(%arg11 : memref<!tpu.dma_semaphore, #tpu.memory_space<semaphore_mem>>)
    %dma_start3A_36 = arith.constant 33 : i32
    %dma_start3A_37 = arith.constant 128 : i32
    %dma_start3A_38 = arith.constant 0 : i32
    %dma_start3A_39 = tpu.memref_slice %arg10[%dma_start3A_37, %dma_start3A_38] : memref<1024x16xf32, #tpu.memory_space<vmem>> -> memref<128x16xf32, #tpu.memory_space<vmem>>
    %dma_start3A_40 = arith.constant 0 : i32
    %dma_start3A_41 = tpu.memref_slice %arg8[%dma_start3A_36, %dma_start3A_40] : memref<40x128xi32, #tpu.memory_space<vmem>> -> memref<1x128xi32, #tpu.memory_space<vmem>>
    %dma_start3A_42 = tpu.memref_squeeze %dma_start3A_41 : memref<1x128xi32, #tpu.memory_space<vmem>> -> memref<128xi32, #tpu.memory_space<vmem>>
    %dma_start3A_43 = arith.constant 0 : i32
    %dma_start3A_44 = arith.constant 0 : i32
    %dma_start3A_45 = tpu.memref_slice %arg2[%dma_start3A_43, %dma_start3A_44] : memref<10000x16xf32, #tpu.memory_space<hbm>> -> memref<10000x16xf32, #tpu.memory_space<hbm>>
    tpu.enqueue_indirect_dma source(%dma_start3A_45 : memref<10000x16xf32, #tpu.memory_space<hbm>>) target(%dma_start3A_39 : memref<128x16xf32, #tpu.memory_space<vmem>>) offsets(%dma_start3A_42 : memref<128xi32, #tpu.memory_space<vmem>>) semaphore(%arg12 : memref<!tpu.dma_semaphore, #tpu.memory_space<semaphore_mem>>)
    %dma_start3A_46 = arith.constant 34 : i32
    %dma_start3A_47 = arith.constant 256 : i32
    %dma_start3A_48 = arith.constant 0 : i32
    %dma_start3A_49 = tpu.memref_slice %arg9[%dma_start3A_47, %dma_start3A_48] : memref<1024x16xf32, #tpu.memory_space<vmem>> -> memref<128x16xf32, #tpu.memory_space<vmem>>
    %dma_start3A_50 = arith.constant 0 : i32
    %dma_start3A_51 = tpu.memref_slice %arg7[%dma_start3A_46, %dma_start3A_50] : memref<40x128xi32, #tpu.memory_space<vmem>> -> memref<1x128xi32, #tpu.memory_space<vmem>>
    %dma_start3A_52 = tpu.memref_squeeze %dma_start3A_51 : memref<1x128xi32, #tpu.memory_space<vmem>> -> memref<128xi32, #tpu.memory_space<vmem>>
    %dma_start3A_53 = arith.constant 0 : i32
    %dma_start3A_54 = arith.constant 0 : i32
    %dma_start3A_55 = tpu.memref_slice %arg2[%dma_start3A_53, %dma_start3A_54] : memref<10000x16xf32, #tpu.memory_space<hbm>> -> memref<10000x16xf32, #tpu.memory_space<hbm>>
    tpu.enqueue_indirect_dma source(%dma_start3A_55 : memref<10000x16xf32, #tpu.memory_space<hbm>>) target(%dma_start3A_49 : memref<128x16xf32, #tpu.memory_space<vmem>>) offsets(%dma_start3A_52 : memref<128xi32, #tpu.memory_space<vmem>>) semaphore(%arg11 : memref<!tpu.dma_semaphore, #tpu.memory_space<semaphore_mem>>)
    %dma_start3A_56 = arith.constant 34 : i32
    %dma_start3A_57 = arith.constant 256 : i32
    %dma_start3A_58 = arith.constant 0 : i32
    %dma_start3A_59 = tpu.memref_slice %arg10[%dma_start3A_57, %dma_start3A_58] : memref<1024x16xf32, #tpu.memory_space<vmem>> -> memref<128x16xf32, #tpu.memory_space<vmem>>
    %dma_start3A_60 = arith.constant 0 : i32
    %dma_start3A_61 = tpu.memref_slice %arg8[%dma_start3A_56, %dma_start3A_60] : memref<40x128xi32, #tpu.memory_space<vmem>> -> memref<1x128xi32, #tpu.memory_space<vmem>>
    %dma_start3A_62 = tpu.memref_squeeze %dma_start3A_61 : memref<1x128xi32, #tpu.memory_space<vmem>> -> memref<128xi32, #tpu.memory_space<vmem>>
    %dma_start3A_63 = arith.constant 0 : i32
    %dma_start3A_64 = arith.constant 0 : i32
    %dma_start3A_65 = tpu.memref_slice %arg2[%dma_start3A_63, %dma_start3A_64] : memref<10000x16xf32, #tpu.memory_space<hbm>> -> memref<10000x16xf32, #tpu.memory_space<hbm>>
    tpu.enqueue_indirect_dma source(%dma_start3A_65 : memref<10000x16xf32, #tpu.memory_space<hbm>>) target(%dma_start3A_59 : memref<128x16xf32, #tpu.memory_space<vmem>>) offsets(%dma_start3A_62 : memref<128xi32, #tpu.memory_space<vmem>>) semaphore(%arg12 : memref<!tpu.dma_semaphore, #tpu.memory_space<semaphore_mem>>)
    %dma_start3A_66 = arith.constant 35 : i32
    %dma_start3A_67 = arith.constant 384 : i32
    %dma_start3A_68 = arith.constant 0 : i32
    %dma_start3A_69 = tpu.memref_slice %arg9[%dma_start3A_67, %dma_start3A_68] : memref<1024x16xf32, #tpu.memory_space<vmem>> -> memref<128x16xf32, #tpu.memory_space<vmem>>
    %dma_start3A_70 = arith.constant 0 : i32
    %dma_start3A_71 = tpu.memref_slice %arg7[%dma_start3A_66, %dma_start3A_70] : memref<40x128xi32, #tpu.memory_space<vmem>> -> memref<1x128xi32, #tpu.memory_space<vmem>>
    %dma_start3A_72 = tpu.memref_squeeze %dma_start3A_71 : memref<1x128xi32, #tpu.memory_space<vmem>> -> memref<128xi32, #tpu.memory_space<vmem>>
    %dma_start3A_73 = arith.constant 0 : i32
    %dma_start3A_74 = arith.constant 0 : i32
    %dma_start3A_75 = tpu.memref_slice %arg2[%dma_start3A_73, %dma_start3A_74] : memref<10000x16xf32, #tpu.memory_space<hbm>> -> memref<10000x16xf32, #tpu.memory_space<hbm>>
    tpu.enqueue_indirect_dma source(%dma_start3A_75 : memref<10000x16xf32, #tpu.memory_space<hbm>>) target(%dma_start3A_69 : memref<128x16xf32, #tpu.memory_space<vmem>>) offsets(%dma_start3A_72 : memref<128xi32, #tpu.memory_space<vmem>>) semaphore(%arg11 : memref<!tpu.dma_semaphore, #tpu.memory_space<semaphore_mem>>)
    %dma_start3A_76 = arith.constant 35 : i32
    %dma_start3A_77 = arith.constant 384 : i32
    %dma_start3A_78 = arith.constant 0 : i32
    %dma_start3A_79 = tpu.memref_slice %arg10[%dma_start3A_77, %dma_start3A_78] : memref<1024x16xf32, #tpu.memory_space<vmem>> -> memref<128x16xf32, #tpu.memory_space<vmem>>
    %dma_start3A_80 = arith.constant 0 : i32
    %dma_start3A_81 = tpu.memref_slice %arg8[%dma_start3A_76, %dma_start3A_80] : memref<40x128xi32, #tpu.memory_space<vmem>> -> memref<1x128xi32, #tpu.memory_space<vmem>>
    %dma_start3A_82 = tpu.memref_squeeze %dma_start3A_81 : memref<1x128xi32, #tpu.memory_space<vmem>> -> memref<128xi32, #tpu.memory_space<vmem>>
    %dma_start3A_83 = arith.constant 0 : i32
    %dma_start3A_84 = arith.constant 0 : i32
    %dma_start3A_85 = tpu.memref_slice %arg2[%dma_start3A_83, %dma_start3A_84] : memref<10000x16xf32, #tpu.memory_space<hbm>> -> memref<10000x16xf32, #tpu.memory_space<hbm>>
    tpu.enqueue_indirect_dma source(%dma_start3A_85 : memref<10000x16xf32, #tpu.memory_space<hbm>>) target(%dma_start3A_79 : memref<128x16xf32, #tpu.memory_space<vmem>>) offsets(%dma_start3A_82 : memref<128xi32, #tpu.memory_space<vmem>>) semaphore(%arg12 : memref<!tpu.dma_semaphore, #tpu.memory_space<semaphore_mem>>)
    %dma_start3A_86 = arith.constant 36 : i32
    %dma_start3A_87 = arith.constant 512 : i32
    %dma_start3A_88 = arith.constant 0 : i32
    %dma_start3A_89 = tpu.memref_slice %arg9[%dma_start3A_87, %dma_start3A_88] : memref<1024x16xf32, #tpu.memory_space<vmem>> -> memref<128x16xf32, #tpu.memory_space<vmem>>
    %dma_start3A_90 = arith.constant 0 : i32
    %dma_start3A_91 = tpu.memref_slice %arg7[%dma_start3A_86, %dma_start3A_90] : memref<40x128xi32, #tpu.memory_space<vmem>> -> memref<1x128xi32, #tpu.memory_space<vmem>>
    %dma_start3A_92 = tpu.memref_squeeze %dma_start3A_91 : memref<1x128xi32, #tpu.memory_space<vmem>> -> memref<128xi32, #tpu.memory_space<vmem>>
    %dma_start3A_93 = arith.constant 0 : i32
    %dma_start3A_94 = arith.constant 0 : i32
    %dma_start3A_95 = tpu.memref_slice %arg2[%dma_start3A_93, %dma_start3A_94] : memref<10000x16xf32, #tpu.memory_space<hbm>> -> memref<10000x16xf32, #tpu.memory_space<hbm>>
    tpu.enqueue_indirect_dma source(%dma_start3A_95 : memref<10000x16xf32, #tpu.memory_space<hbm>>) target(%dma_start3A_89 : memref<128x16xf32, #tpu.memory_space<vmem>>) offsets(%dma_start3A_92 : memref<128xi32, #tpu.memory_space<vmem>>) semaphore(%arg11 : memref<!tpu.dma_semaphore, #tpu.memory_space<semaphore_mem>>)
    %dma_start3A_96 = arith.constant 36 : i32
    %dma_start3A_97 = arith.constant 512 : i32
    %dma_start3A_98 = arith.constant 0 : i32
    %dma_start3A_99 = tpu.memref_slice %arg10[%dma_start3A_97, %dma_start3A_98] : memref<1024x16xf32, #tpu.memory_space<vmem>> -> memref<128x16xf32, #tpu.memory_space<vmem>>
    %dma_start3A_100 = arith.constant 0 : i32
    %dma_start3A_101 = tpu.memref_slice %arg8[%dma_start3A_96, %dma_start3A_100] : memref<40x128xi32, #tpu.memory_space<vmem>> -> memref<1x128xi32, #tpu.memory_space<vmem>>
    %dma_start3A_102 = tpu.memref_squeeze %dma_start3A_101 : memref<1x128xi32, #tpu.memory_space<vmem>> -> memref<128xi32, #tpu.memory_space<vmem>>
    %dma_start3A_103 = arith.constant 0 : i32
    %dma_start3A_104 = arith.constant 0 : i32
    %dma_start3A_105 = tpu.memref_slice %arg2[%dma_start3A_103, %dma_start3A_104] : memref<10000x16xf32, #tpu.memory_space<hbm>> -> memref<10000x16xf32, #tpu.memory_space<hbm>>
    tpu.enqueue_indirect_dma source(%dma_start3A_105 : memref<10000x16xf32, #tpu.memory_space<hbm>>) target(%dma_start3A_99 : memref<128x16xf32, #tpu.memory_space<vmem>>) offsets(%dma_start3A_102 : memref<128xi32, #tpu.memory_space<vmem>>) semaphore(%arg12 : memref<!tpu.dma_semaphore, #tpu.memory_space<semaphore_mem>>)
    %dma_start3A_106 = arith.constant 37 : i32
    %dma_start3A_107 = arith.constant 640 : i32
    %dma_start3A_108 = arith.constant 0 : i32
    %dma_start3A_109 = tpu.memref_slice %arg9[%dma_start3A_107, %dma_start3A_108] : memref<1024x16xf32, #tpu.memory_space<vmem>> -> memref<128x16xf32, #tpu.memory_space<vmem>>
    %dma_start3A_110 = arith.constant 0 : i32
    %dma_start3A_111 = tpu.memref_slice %arg7[%dma_start3A_106, %dma_start3A_110] : memref<40x128xi32, #tpu.memory_space<vmem>> -> memref<1x128xi32, #tpu.memory_space<vmem>>
    %dma_start3A_112 = tpu.memref_squeeze %dma_start3A_111 : memref<1x128xi32, #tpu.memory_space<vmem>> -> memref<128xi32, #tpu.memory_space<vmem>>
    %dma_start3A_113 = arith.constant 0 : i32
    %dma_start3A_114 = arith.constant 0 : i32
    %dma_start3A_115 = tpu.memref_slice %arg2[%dma_start3A_113, %dma_start3A_114] : memref<10000x16xf32, #tpu.memory_space<hbm>> -> memref<10000x16xf32, #tpu.memory_space<hbm>>
    tpu.enqueue_indirect_dma source(%dma_start3A_115 : memref<10000x16xf32, #tpu.memory_space<hbm>>) target(%dma_start3A_109 : memref<128x16xf32, #tpu.memory_space<vmem>>) offsets(%dma_start3A_112 : memref<128xi32, #tpu.memory_space<vmem>>) semaphore(%arg11 : memref<!tpu.dma_semaphore, #tpu.memory_space<semaphore_mem>>)
    %dma_start3A_116 = arith.constant 37 : i32
    %dma_start3A_117 = arith.constant 640 : i32
    %dma_start3A_118 = arith.constant 0 : i32
    %dma_start3A_119 = tpu.memref_slice %arg10[%dma_start3A_117, %dma_start3A_118] : memref<1024x16xf32, #tpu.memory_space<vmem>> -> memref<128x16xf32, #tpu.memory_space<vmem>>
    %dma_start3A_120 = arith.constant 0 : i32
    %dma_start3A_121 = tpu.memref_slice %arg8[%dma_start3A_116, %dma_start3A_120] : memref<40x128xi32, #tpu.memory_space<vmem>> -> memref<1x128xi32, #tpu.memory_space<vmem>>
    %dma_start3A_122 = tpu.memref_squeeze %dma_start3A_121 : memref<1x128xi32, #tpu.memory_space<vmem>> -> memref<128xi32, #tpu.memory_space<vmem>>
    %dma_start3A_123 = arith.constant 0 : i32
    %dma_start3A_124 = arith.constant 0 : i32
    %dma_start3A_125 = tpu.memref_slice %arg2[%dma_start3A_123, %dma_start3A_124] : memref<10000x16xf32, #tpu.memory_space<hbm>> -> memref<10000x16xf32, #tpu.memory_space<hbm>>
    tpu.enqueue_indirect_dma source(%dma_start3A_125 : memref<10000x16xf32, #tpu.memory_space<hbm>>) target(%dma_start3A_119 : memref<128x16xf32, #tpu.memory_space<vmem>>) offsets(%dma_start3A_122 : memref<128xi32, #tpu.memory_space<vmem>>) semaphore(%arg12 : memref<!tpu.dma_semaphore, #tpu.memory_space<semaphore_mem>>)
    %dma_start3A_126 = arith.constant 38 : i32
    %dma_start3A_127 = arith.constant 768 : i32
    %dma_start3A_128 = arith.constant 0 : i32
    %dma_start3A_129 = tpu.memref_slice %arg9[%dma_start3A_127, %dma_start3A_128] : memref<1024x16xf32, #tpu.memory_space<vmem>> -> memref<128x16xf32, #tpu.memory_space<vmem>>
    %dma_start3A_130 = arith.constant 0 : i32
    %dma_start3A_131 = tpu.memref_slice %arg7[%dma_start3A_126, %dma_start3A_130] : memref<40x128xi32, #tpu.memory_space<vmem>> -> memref<1x128xi32, #tpu.memory_space<vmem>>
    %dma_start3A_132 = tpu.memref_squeeze %dma_start3A_131 : memref<1x128xi32, #tpu.memory_space<vmem>> -> memref<128xi32, #tpu.memory_space<vmem>>
    %dma_start3A_133 = arith.constant 0 : i32
    %dma_start3A_134 = arith.constant 0 : i32
    %dma_start3A_135 = tpu.memref_slice %arg2[%dma_start3A_133, %dma_start3A_134] : memref<10000x16xf32, #tpu.memory_space<hbm>> -> memref<10000x16xf32, #tpu.memory_space<hbm>>
    tpu.enqueue_indirect_dma source(%dma_start3A_135 : memref<10000x16xf32, #tpu.memory_space<hbm>>) target(%dma_start3A_129 : memref<128x16xf32, #tpu.memory_space<vmem>>) offsets(%dma_start3A_132 : memref<128xi32, #tpu.memory_space<vmem>>) semaphore(%arg11 : memref<!tpu.dma_semaphore, #tpu.memory_space<semaphore_mem>>)
    %dma_start3A_136 = arith.constant 38 : i32
    %dma_start3A_137 = arith.constant 768 : i32
    %dma_start3A_138 = arith.constant 0 : i32
    %dma_start3A_139 = tpu.memref_slice %arg10[%dma_start3A_137, %dma_start3A_138] : memref<1024x16xf32, #tpu.memory_space<vmem>> -> memref<128x16xf32, #tpu.memory_space<vmem>>
    %dma_start3A_140 = arith.constant 0 : i32
    %dma_start3A_141 = tpu.memref_slice %arg8[%dma_start3A_136, %dma_start3A_140] : memref<40x128xi32, #tpu.memory_space<vmem>> -> memref<1x128xi32, #tpu.memory_space<vmem>>
    %dma_start3A_142 = tpu.memref_squeeze %dma_start3A_141 : memref<1x128xi32, #tpu.memory_space<vmem>> -> memref<128xi32, #tpu.memory_space<vmem>>
    %dma_start3A_143 = arith.constant 0 : i32
    %dma_start3A_144 = arith.constant 0 : i32
    %dma_start3A_145 = tpu.memref_slice %arg2[%dma_start3A_143, %dma_start3A_144] : memref<10000x16xf32, #tpu.memory_space<hbm>> -> memref<10000x16xf32, #tpu.memory_space<hbm>>
    tpu.enqueue_indirect_dma source(%dma_start3A_145 : memref<10000x16xf32, #tpu.memory_space<hbm>>) target(%dma_start3A_139 : memref<128x16xf32, #tpu.memory_space<vmem>>) offsets(%dma_start3A_142 : memref<128xi32, #tpu.memory_space<vmem>>) semaphore(%arg12 : memref<!tpu.dma_semaphore, #tpu.memory_space<semaphore_mem>>)
    %dma_start3A_146 = arith.constant 39 : i32
    %dma_start3A_147 = arith.constant 896 : i32
    %dma_start3A_148 = arith.constant 0 : i32
    %dma_start3A_149 = tpu.memref_slice %arg9[%dma_start3A_147, %dma_start3A_148] : memref<1024x16xf32, #tpu.memory_space<vmem>> -> memref<128x16xf32, #tpu.memory_space<vmem>>
    %dma_start3A_150 = arith.constant 0 : i32
    %dma_start3A_151 = tpu.memref_slice %arg7[%dma_start3A_146, %dma_start3A_150] : memref<40x128xi32, #tpu.memory_space<vmem>> -> memref<1x128xi32, #tpu.memory_space<vmem>>
    %dma_start3A_152 = tpu.memref_squeeze %dma_start3A_151 : memref<1x128xi32, #tpu.memory_space<vmem>> -> memref<128xi32, #tpu.memory_space<vmem>>
    %dma_start3A_153 = arith.constant 0 : i32
    %dma_start3A_154 = arith.constant 0 : i32
    %dma_start3A_155 = tpu.memref_slice %arg2[%dma_start3A_153, %dma_start3A_154] : memref<10000x16xf32, #tpu.memory_space<hbm>> -> memref<10000x16xf32, #tpu.memory_space<hbm>>
    tpu.enqueue_indirect_dma source(%dma_start3A_155 : memref<10000x16xf32, #tpu.memory_space<hbm>>) target(%dma_start3A_149 : memref<128x16xf32, #tpu.memory_space<vmem>>) offsets(%dma_start3A_152 : memref<128xi32, #tpu.memory_space<vmem>>) semaphore(%arg11 : memref<!tpu.dma_semaphore, #tpu.memory_space<semaphore_mem>>)
    %dma_start3A_156 = arith.constant 39 : i32
    %dma_start3A_157 = arith.constant 896 : i32
    %dma_start3A_158 = arith.constant 0 : i32
    %dma_start3A_159 = tpu.memref_slice %arg10[%dma_start3A_157, %dma_start3A_158] : memref<1024x16xf32, #tpu.memory_space<vmem>> -> memref<128x16xf32, #tpu.memory_space<vmem>>
    %dma_start3A_160 = arith.constant 0 : i32
    %dma_start3A_161 = tpu.memref_slice %arg8[%dma_start3A_156, %dma_start3A_160] : memref<40x128xi32, #tpu.memory_space<vmem>> -> memref<1x128xi32, #tpu.memory_space<vmem>>
    %dma_start3A_162 = tpu.memref_squeeze %dma_start3A_161 : memref<1x128xi32, #tpu.memory_space<vmem>> -> memref<128xi32, #tpu.memory_space<vmem>>
    %dma_start3A_163 = arith.constant 0 : i32
    %dma_start3A_164 = arith.constant 0 : i32
    %dma_start3A_165 = tpu.memref_slice %arg2[%dma_start3A_163, %dma_start3A_164] : memref<10000x16xf32, #tpu.memory_space<hbm>> -> memref<10000x16xf32, #tpu.memory_space<hbm>>
    tpu.enqueue_indirect_dma source(%dma_start3A_165 : memref<10000x16xf32, #tpu.memory_space<hbm>>) target(%dma_start3A_159 : memref<128x16xf32, #tpu.memory_space<vmem>>) offsets(%dma_start3A_162 : memref<128xi32, #tpu.memory_space<vmem>>) semaphore(%arg12 : memref<!tpu.dma_semaphore, #tpu.memory_space<semaphore_mem>>)
    %dma_wait3A = arith.constant 32 : i32
    %dma_wait3A_166 = arith.constant 0 : i32
    %dma_wait3A_167 = arith.constant 0 : i32
    %dma_wait3A_168 = tpu.memref_slice %arg9[%dma_wait3A_166, %dma_wait3A_167] : memref<1024x16xf32, #tpu.memory_space<vmem>> -> memref<128x16xf32, #tpu.memory_space<vmem>>
    %dma_wait3A_169 = arith.constant 0 : i32
    %dma_wait3A_170 = tpu.memref_slice %arg7[%dma_wait3A, %dma_wait3A_169] : memref<40x128xi32, #tpu.memory_space<vmem>> -> memref<1x128xi32, #tpu.memory_space<vmem>>
    %dma_wait3A_171 = tpu.memref_squeeze %dma_wait3A_170 : memref<1x128xi32, #tpu.memory_space<vmem>> -> memref<128xi32, #tpu.memory_space<vmem>>
    %dma_wait3A_172 = arith.constant 0 : i32
    %dma_wait3A_173 = arith.constant 0 : i32
    %dma_wait3A_174 = tpu.memref_slice %arg2[%dma_wait3A_172, %dma_wait3A_173] : memref<10000x16xf32, #tpu.memory_space<hbm>> -> memref<10000x16xf32, #tpu.memory_space<hbm>>
    tpu.wait_indirect_dma semaphore(%arg11 : memref<!tpu.dma_semaphore, #tpu.memory_space<semaphore_mem>>) src(%dma_wait3A_174 : memref<10000x16xf32, #tpu.memory_space<hbm>>) dst(%dma_wait3A_168 : memref<128x16xf32, #tpu.memory_space<vmem>>)
    %dma_wait3A_175 = arith.constant 32 : i32
    %dma_wait3A_176 = arith.constant 0 : i32
    %dma_wait3A_177 = arith.constant 0 : i32
    %dma_wait3A_178 = tpu.memref_slice %arg10[%dma_wait3A_176, %dma_wait3A_177] : memref<1024x16xf32, #tpu.memory_space<vmem>> -> memref<128x16xf32, #tpu.memory_space<vmem>>
    %dma_wait3A_179 = arith.constant 0 : i32
    %dma_wait3A_180 = tpu.memref_slice %arg8[%dma_wait3A_175, %dma_wait3A_179] : memref<40x128xi32, #tpu.memory_space<vmem>> -> memref<1x128xi32, #tpu.memory_space<vmem>>
    %dma_wait3A_181 = tpu.memref_squeeze %dma_wait3A_180 : memref<1x128xi32, #tpu.memory_space<vmem>> -> memref<128xi32, #tpu.memory_space<vmem>>
    %dma_wait3A_182 = arith.constant 0 : i32
    %dma_wait3A_183 = arith.constant 0 : i32
    %dma_wait3A_184 = tpu.memref_slice %arg2[%dma_wait3A_182, %dma_wait3A_183] : memref<10000x16xf32, #tpu.memory_space<hbm>> -> memref<10000x16xf32, #tpu.memory_space<hbm>>
    tpu.wait_indirect_dma semaphore(%arg12 : memref<!tpu.dma_semaphore, #tpu.memory_space<semaphore_mem>>) src(%dma_wait3A_184 : memref<10000x16xf32, #tpu.memory_space<hbm>>) dst(%dma_wait3A_178 : memref<128x16xf32, #tpu.memory_space<vmem>>)
    %dma_wait3A_185 = arith.constant 33 : i32
    %dma_wait3A_186 = arith.constant 128 : i32
    %dma_wait3A_187 = arith.constant 0 : i32
    %dma_wait3A_188 = tpu.memref_slice %arg9[%dma_wait3A_186, %dma_wait3A_187] : memref<1024x16xf32, #tpu.memory_space<vmem>> -> memref<128x16xf32, #tpu.memory_space<vmem>>
    %dma_wait3A_189 = arith.constant 0 : i32
    %dma_wait3A_190 = tpu.memref_slice %arg7[%dma_wait3A_185, %dma_wait3A_189] : memref<40x128xi32, #tpu.memory_space<vmem>> -> memref<1x128xi32, #tpu.memory_space<vmem>>
    %dma_wait3A_191 = tpu.memref_squeeze %dma_wait3A_190 : memref<1x128xi32, #tpu.memory_space<vmem>> -> memref<128xi32, #tpu.memory_space<vmem>>
    %dma_wait3A_192 = arith.constant 0 : i32
    %dma_wait3A_193 = arith.constant 0 : i32
    %dma_wait3A_194 = tpu.memref_slice %arg2[%dma_wait3A_192, %dma_wait3A_193] : memref<10000x16xf32, #tpu.memory_space<hbm>> -> memref<10000x16xf32, #tpu.memory_space<hbm>>
    tpu.wait_indirect_dma semaphore(%arg11 : memref<!tpu.dma_semaphore, #tpu.memory_space<semaphore_mem>>) src(%dma_wait3A_194 : memref<10000x16xf32, #tpu.memory_space<hbm>>) dst(%dma_wait3A_188 : memref<128x16xf32, #tpu.memory_space<vmem>>)
    %dma_wait3A_195 = arith.constant 33 : i32
    %dma_wait3A_196 = arith.constant 128 : i32
    %dma_wait3A_197 = arith.constant 0 : i32
    %dma_wait3A_198 = tpu.memref_slice %arg10[%dma_wait3A_196, %dma_wait3A_197] : memref<1024x16xf32, #tpu.memory_space<vmem>> -> memref<128x16xf32, #tpu.memory_space<vmem>>
    %dma_wait3A_199 = arith.constant 0 : i32
    %dma_wait3A_200 = tpu.memref_slice %arg8[%dma_wait3A_195, %dma_wait3A_199] : memref<40x128xi32, #tpu.memory_space<vmem>> -> memref<1x128xi32, #tpu.memory_space<vmem>>
    %dma_wait3A_201 = tpu.memref_squeeze %dma_wait3A_200 : memref<1x128xi32, #tpu.memory_space<vmem>> -> memref<128xi32, #tpu.memory_space<vmem>>
    %dma_wait3A_202 = arith.constant 0 : i32
    %dma_wait3A_203 = arith.constant 0 : i32
    %dma_wait3A_204 = tpu.memref_slice %arg2[%dma_wait3A_202, %dma_wait3A_203] : memref<10000x16xf32, #tpu.memory_space<hbm>> -> memref<10000x16xf32, #tpu.memory_space<hbm>>
    tpu.wait_indirect_dma semaphore(%arg12 : memref<!tpu.dma_semaphore, #tpu.memory_space<semaphore_mem>>) src(%dma_wait3A_204 : memref<10000x16xf32, #tpu.memory_space<hbm>>) dst(%dma_wait3A_198 : memref<128x16xf32, #tpu.memory_space<vmem>>)
    %dma_wait3A_205 = arith.constant 34 : i32
    %dma_wait3A_206 = arith.constant 256 : i32
    %dma_wait3A_207 = arith.constant 0 : i32
    %dma_wait3A_208 = tpu.memref_slice %arg9[%dma_wait3A_206, %dma_wait3A_207] : memref<1024x16xf32, #tpu.memory_space<vmem>> -> memref<128x16xf32, #tpu.memory_space<vmem>>
    %dma_wait3A_209 = arith.constant 0 : i32
    %dma_wait3A_210 = tpu.memref_slice %arg7[%dma_wait3A_205, %dma_wait3A_209] : memref<40x128xi32, #tpu.memory_space<vmem>> -> memref<1x128xi32, #tpu.memory_space<vmem>>
    %dma_wait3A_211 = tpu.memref_squeeze %dma_wait3A_210 : memref<1x128xi32, #tpu.memory_space<vmem>> -> memref<128xi32, #tpu.memory_space<vmem>>
    %dma_wait3A_212 = arith.constant 0 : i32
    %dma_wait3A_213 = arith.constant 0 : i32
    %dma_wait3A_214 = tpu.memref_slice %arg2[%dma_wait3A_212, %dma_wait3A_213] : memref<10000x16xf32, #tpu.memory_space<hbm>> -> memref<10000x16xf32, #tpu.memory_space<hbm>>
    tpu.wait_indirect_dma semaphore(%arg11 : memref<!tpu.dma_semaphore, #tpu.memory_space<semaphore_mem>>) src(%dma_wait3A_214 : memref<10000x16xf32, #tpu.memory_space<hbm>>) dst(%dma_wait3A_208 : memref<128x16xf32, #tpu.memory_space<vmem>>)
    %dma_wait3A_215 = arith.constant 34 : i32
    %dma_wait3A_216 = arith.constant 256 : i32
    %dma_wait3A_217 = arith.constant 0 : i32
    %dma_wait3A_218 = tpu.memref_slice %arg10[%dma_wait3A_216, %dma_wait3A_217] : memref<1024x16xf32, #tpu.memory_space<vmem>> -> memref<128x16xf32, #tpu.memory_space<vmem>>
    %dma_wait3A_219 = arith.constant 0 : i32
    %dma_wait3A_220 = tpu.memref_slice %arg8[%dma_wait3A_215, %dma_wait3A_219] : memref<40x128xi32, #tpu.memory_space<vmem>> -> memref<1x128xi32, #tpu.memory_space<vmem>>
    %dma_wait3A_221 = tpu.memref_squeeze %dma_wait3A_220 : memref<1x128xi32, #tpu.memory_space<vmem>> -> memref<128xi32, #tpu.memory_space<vmem>>
    %dma_wait3A_222 = arith.constant 0 : i32
    %dma_wait3A_223 = arith.constant 0 : i32
    %dma_wait3A_224 = tpu.memref_slice %arg2[%dma_wait3A_222, %dma_wait3A_223] : memref<10000x16xf32, #tpu.memory_space<hbm>> -> memref<10000x16xf32, #tpu.memory_space<hbm>>
    tpu.wait_indirect_dma semaphore(%arg12 : memref<!tpu.dma_semaphore, #tpu.memory_space<semaphore_mem>>) src(%dma_wait3A_224 : memref<10000x16xf32, #tpu.memory_space<hbm>>) dst(%dma_wait3A_218 : memref<128x16xf32, #tpu.memory_space<vmem>>)
    %dma_wait3A_225 = arith.constant 35 : i32
    %dma_wait3A_226 = arith.constant 384 : i32
    %dma_wait3A_227 = arith.constant 0 : i32
    %dma_wait3A_228 = tpu.memref_slice %arg9[%dma_wait3A_226, %dma_wait3A_227] : memref<1024x16xf32, #tpu.memory_space<vmem>> -> memref<128x16xf32, #tpu.memory_space<vmem>>
    %dma_wait3A_229 = arith.constant 0 : i32
    %dma_wait3A_230 = tpu.memref_slice %arg7[%dma_wait3A_225, %dma_wait3A_229] : memref<40x128xi32, #tpu.memory_space<vmem>> -> memref<1x128xi32, #tpu.memory_space<vmem>>
    %dma_wait3A_231 = tpu.memref_squeeze %dma_wait3A_230 : memref<1x128xi32, #tpu.memory_space<vmem>> -> memref<128xi32, #tpu.memory_space<vmem>>
    %dma_wait3A_232 = arith.constant 0 : i32
    %dma_wait3A_233 = arith.constant 0 : i32
    %dma_wait3A_234 = tpu.memref_slice %arg2[%dma_wait3A_232, %dma_wait3A_233] : memref<10000x16xf32, #tpu.memory_space<hbm>> -> memref<10000x16xf32, #tpu.memory_space<hbm>>
    tpu.wait_indirect_dma semaphore(%arg11 : memref<!tpu.dma_semaphore, #tpu.memory_space<semaphore_mem>>) src(%dma_wait3A_234 : memref<10000x16xf32, #tpu.memory_space<hbm>>) dst(%dma_wait3A_228 : memref<128x16xf32, #tpu.memory_space<vmem>>)
    %dma_wait3A_235 = arith.constant 35 : i32
    %dma_wait3A_236 = arith.constant 384 : i32
    %dma_wait3A_237 = arith.constant 0 : i32
    %dma_wait3A_238 = tpu.memref_slice %arg10[%dma_wait3A_236, %dma_wait3A_237] : memref<1024x16xf32, #tpu.memory_space<vmem>> -> memref<128x16xf32, #tpu.memory_space<vmem>>
    %dma_wait3A_239 = arith.constant 0 : i32
    %dma_wait3A_240 = tpu.memref_slice %arg8[%dma_wait3A_235, %dma_wait3A_239] : memref<40x128xi32, #tpu.memory_space<vmem>> -> memref<1x128xi32, #tpu.memory_space<vmem>>
    %dma_wait3A_241 = tpu.memref_squeeze %dma_wait3A_240 : memref<1x128xi32, #tpu.memory_space<vmem>> -> memref<128xi32, #tpu.memory_space<vmem>>
    %dma_wait3A_242 = arith.constant 0 : i32
    %dma_wait3A_243 = arith.constant 0 : i32
    %dma_wait3A_244 = tpu.memref_slice %arg2[%dma_wait3A_242, %dma_wait3A_243] : memref<10000x16xf32, #tpu.memory_space<hbm>> -> memref<10000x16xf32, #tpu.memory_space<hbm>>
    tpu.wait_indirect_dma semaphore(%arg12 : memref<!tpu.dma_semaphore, #tpu.memory_space<semaphore_mem>>) src(%dma_wait3A_244 : memref<10000x16xf32, #tpu.memory_space<hbm>>) dst(%dma_wait3A_238 : memref<128x16xf32, #tpu.memory_space<vmem>>)
    %dma_wait3A_245 = arith.constant 36 : i32
    %dma_wait3A_246 = arith.constant 512 : i32
    %dma_wait3A_247 = arith.constant 0 : i32
    %dma_wait3A_248 = tpu.memref_slice %arg9[%dma_wait3A_246, %dma_wait3A_247] : memref<1024x16xf32, #tpu.memory_space<vmem>> -> memref<128x16xf32, #tpu.memory_space<vmem>>
    %dma_wait3A_249 = arith.constant 0 : i32
    %dma_wait3A_250 = tpu.memref_slice %arg7[%dma_wait3A_245, %dma_wait3A_249] : memref<40x128xi32, #tpu.memory_space<vmem>> -> memref<1x128xi32, #tpu.memory_space<vmem>>
    %dma_wait3A_251 = tpu.memref_squeeze %dma_wait3A_250 : memref<1x128xi32, #tpu.memory_space<vmem>> -> memref<128xi32, #tpu.memory_space<vmem>>
    %dma_wait3A_252 = arith.constant 0 : i32
    %dma_wait3A_253 = arith.constant 0 : i32
    %dma_wait3A_254 = tpu.memref_slice %arg2[%dma_wait3A_252, %dma_wait3A_253] : memref<10000x16xf32, #tpu.memory_space<hbm>> -> memref<10000x16xf32, #tpu.memory_space<hbm>>
    tpu.wait_indirect_dma semaphore(%arg11 : memref<!tpu.dma_semaphore, #tpu.memory_space<semaphore_mem>>) src(%dma_wait3A_254 : memref<10000x16xf32, #tpu.memory_space<hbm>>) dst(%dma_wait3A_248 : memref<128x16xf32, #tpu.memory_space<vmem>>)
    %dma_wait3A_255 = arith.constant 36 : i32
    %dma_wait3A_256 = arith.constant 512 : i32
    %dma_wait3A_257 = arith.constant 0 : i32
    %dma_wait3A_258 = tpu.memref_slice %arg10[%dma_wait3A_256, %dma_wait3A_257] : memref<1024x16xf32, #tpu.memory_space<vmem>> -> memref<128x16xf32, #tpu.memory_space<vmem>>
    %dma_wait3A_259 = arith.constant 0 : i32
    %dma_wait3A_260 = tpu.memref_slice %arg8[%dma_wait3A_255, %dma_wait3A_259] : memref<40x128xi32, #tpu.memory_space<vmem>> -> memref<1x128xi32, #tpu.memory_space<vmem>>
    %dma_wait3A_261 = tpu.memref_squeeze %dma_wait3A_260 : memref<1x128xi32, #tpu.memory_space<vmem>> -> memref<128xi32, #tpu.memory_space<vmem>>
    %dma_wait3A_262 = arith.constant 0 : i32
    %dma_wait3A_263 = arith.constant 0 : i32
    %dma_wait3A_264 = tpu.memref_slice %arg2[%dma_wait3A_262, %dma_wait3A_263] : memref<10000x16xf32, #tpu.memory_space<hbm>> -> memref<10000x16xf32, #tpu.memory_space<hbm>>
    tpu.wait_indirect_dma semaphore(%arg12 : memref<!tpu.dma_semaphore, #tpu.memory_space<semaphore_mem>>) src(%dma_wait3A_264 : memref<10000x16xf32, #tpu.memory_space<hbm>>) dst(%dma_wait3A_258 : memref<128x16xf32, #tpu.memory_space<vmem>>)
    %dma_wait3A_265 = arith.constant 37 : i32
    %dma_wait3A_266 = arith.constant 640 : i32
    %dma_wait3A_267 = arith.constant 0 : i32
    %dma_wait3A_268 = tpu.memref_slice %arg9[%dma_wait3A_266, %dma_wait3A_267] : memref<1024x16xf32, #tpu.memory_space<vmem>> -> memref<128x16xf32, #tpu.memory_space<vmem>>
    %dma_wait3A_269 = arith.constant 0 : i32
    %dma_wait3A_270 = tpu.memref_slice %arg7[%dma_wait3A_265, %dma_wait3A_269] : memref<40x128xi32, #tpu.memory_space<vmem>> -> memref<1x128xi32, #tpu.memory_space<vmem>>
    %dma_wait3A_271 = tpu.memref_squeeze %dma_wait3A_270 : memref<1x128xi32, #tpu.memory_space<vmem>> -> memref<128xi32, #tpu.memory_space<vmem>>
    %dma_wait3A_272 = arith.constant 0 : i32
    %dma_wait3A_273 = arith.constant 0 : i32
    %dma_wait3A_274 = tpu.memref_slice %arg2[%dma_wait3A_272, %dma_wait3A_273] : memref<10000x16xf32, #tpu.memory_space<hbm>> -> memref<10000x16xf32, #tpu.memory_space<hbm>>
    tpu.wait_indirect_dma semaphore(%arg11 : memref<!tpu.dma_semaphore, #tpu.memory_space<semaphore_mem>>) src(%dma_wait3A_274 : memref<10000x16xf32, #tpu.memory_space<hbm>>) dst(%dma_wait3A_268 : memref<128x16xf32, #tpu.memory_space<vmem>>)
    %dma_wait3A_275 = arith.constant 37 : i32
    %dma_wait3A_276 = arith.constant 640 : i32
    %dma_wait3A_277 = arith.constant 0 : i32
    %dma_wait3A_278 = tpu.memref_slice %arg10[%dma_wait3A_276, %dma_wait3A_277] : memref<1024x16xf32, #tpu.memory_space<vmem>> -> memref<128x16xf32, #tpu.memory_space<vmem>>
    %dma_wait3A_279 = arith.constant 0 : i32
    %dma_wait3A_280 = tpu.memref_slice %arg8[%dma_wait3A_275, %dma_wait3A_279] : memref<40x128xi32, #tpu.memory_space<vmem>> -> memref<1x128xi32, #tpu.memory_space<vmem>>
    %dma_wait3A_281 = tpu.memref_squeeze %dma_wait3A_280 : memref<1x128xi32, #tpu.memory_space<vmem>> -> memref<128xi32, #tpu.memory_space<vmem>>
    %dma_wait3A_282 = arith.constant 0 : i32
    %dma_wait3A_283 = arith.constant 0 : i32
    %dma_wait3A_284 = tpu.memref_slice %arg2[%dma_wait3A_282, %dma_wait3A_283] : memref<10000x16xf32, #tpu.memory_space<hbm>> -> memref<10000x16xf32, #tpu.memory_space<hbm>>
    tpu.wait_indirect_dma semaphore(%arg12 : memref<!tpu.dma_semaphore, #tpu.memory_space<semaphore_mem>>) src(%dma_wait3A_284 : memref<10000x16xf32, #tpu.memory_space<hbm>>) dst(%dma_wait3A_278 : memref<128x16xf32, #tpu.memory_space<vmem>>)
    %dma_wait3A_285 = arith.constant 38 : i32
    %dma_wait3A_286 = arith.constant 768 : i32
    %dma_wait3A_287 = arith.constant 0 : i32
    %dma_wait3A_288 = tpu.memref_slice %arg9[%dma_wait3A_286, %dma_wait3A_287] : memref<1024x16xf32, #tpu.memory_space<vmem>> -> memref<128x16xf32, #tpu.memory_space<vmem>>
    %dma_wait3A_289 = arith.constant 0 : i32
    %dma_wait3A_290 = tpu.memref_slice %arg7[%dma_wait3A_285, %dma_wait3A_289] : memref<40x128xi32, #tpu.memory_space<vmem>> -> memref<1x128xi32, #tpu.memory_space<vmem>>
    %dma_wait3A_291 = tpu.memref_squeeze %dma_wait3A_290 : memref<1x128xi32, #tpu.memory_space<vmem>> -> memref<128xi32, #tpu.memory_space<vmem>>
    %dma_wait3A_292 = arith.constant 0 : i32
    %dma_wait3A_293 = arith.constant 0 : i32
    %dma_wait3A_294 = tpu.memref_slice %arg2[%dma_wait3A_292, %dma_wait3A_293] : memref<10000x16xf32, #tpu.memory_space<hbm>> -> memref<10000x16xf32, #tpu.memory_space<hbm>>
    tpu.wait_indirect_dma semaphore(%arg11 : memref<!tpu.dma_semaphore, #tpu.memory_space<semaphore_mem>>) src(%dma_wait3A_294 : memref<10000x16xf32, #tpu.memory_space<hbm>>) dst(%dma_wait3A_288 : memref<128x16xf32, #tpu.memory_space<vmem>>)
    %dma_wait3A_295 = arith.constant 38 : i32
    %dma_wait3A_296 = arith.constant 768 : i32
    %dma_wait3A_297 = arith.constant 0 : i32
    %dma_wait3A_298 = tpu.memref_slice %arg10[%dma_wait3A_296, %dma_wait3A_297] : memref<1024x16xf32, #tpu.memory_space<vmem>> -> memref<128x16xf32, #tpu.memory_space<vmem>>
    %dma_wait3A_299 = arith.constant 0 : i32
    %dma_wait3A_300 = tpu.memref_slice %arg8[%dma_wait3A_295, %dma_wait3A_299] : memref<40x128xi32, #tpu.memory_space<vmem>> -> memref<1x128xi32, #tpu.memory_space<vmem>>
    %dma_wait3A_301 = tpu.memref_squeeze %dma_wait3A_300 : memref<1x128xi32, #tpu.memory_space<vmem>> -> memref<128xi32, #tpu.memory_space<vmem>>
    %dma_wait3A_302 = arith.constant 0 : i32
    %dma_wait3A_303 = arith.constant 0 : i32
    %dma_wait3A_304 = tpu.memref_slice %arg2[%dma_wait3A_302, %dma_wait3A_303] : memref<10000x16xf32, #tpu.memory_space<hbm>> -> memref<10000x16xf32, #tpu.memory_space<hbm>>
    tpu.wait_indirect_dma semaphore(%arg12 : memref<!tpu.dma_semaphore, #tpu.memory_space<semaphore_mem>>) src(%dma_wait3A_304 : memref<10000x16xf32, #tpu.memory_space<hbm>>) dst(%dma_wait3A_298 : memref<128x16xf32, #tpu.memory_space<vmem>>)
    %dma_wait3A_305 = arith.constant 39 : i32
    %dma_wait3A_306 = arith.constant 896 : i32
    %dma_wait3A_307 = arith.constant 0 : i32
    %dma_wait3A_308 = tpu.memref_slice %arg9[%dma_wait3A_306, %dma_wait3A_307] : memref<1024x16xf32, #tpu.memory_space<vmem>> -> memref<128x16xf32, #tpu.memory_space<vmem>>
    %dma_wait3A_309 = arith.constant 0 : i32
    %dma_wait3A_310 = tpu.memref_slice %arg7[%dma_wait3A_305, %dma_wait3A_309] : memref<40x128xi32, #tpu.memory_space<vmem>> -> memref<1x128xi32, #tpu.memory_space<vmem>>
    %dma_wait3A_311 = tpu.memref_squeeze %dma_wait3A_310 : memref<1x128xi32, #tpu.memory_space<vmem>> -> memref<128xi32, #tpu.memory_space<vmem>>
    %dma_wait3A_312 = arith.constant 0 : i32
    %dma_wait3A_313 = arith.constant 0 : i32
    %dma_wait3A_314 = tpu.memref_slice %arg2[%dma_wait3A_312, %dma_wait3A_313] : memref<10000x16xf32, #tpu.memory_space<hbm>> -> memref<10000x16xf32, #tpu.memory_space<hbm>>
    tpu.wait_indirect_dma semaphore(%arg11 : memref<!tpu.dma_semaphore, #tpu.memory_space<semaphore_mem>>) src(%dma_wait3A_314 : memref<10000x16xf32, #tpu.memory_space<hbm>>) dst(%dma_wait3A_308 : memref<128x16xf32, #tpu.memory_space<vmem>>)
    %dma_wait3A_315 = arith.constant 39 : i32
    %dma_wait3A_316 = arith.constant 896 : i32
    %dma_wait3A_317 = arith.constant 0 : i32
    %dma_wait3A_318 = tpu.memref_slice %arg10[%dma_wait3A_316, %dma_wait3A_317] : memref<1024x16xf32, #tpu.memory_space<vmem>> -> memref<128x16xf32, #tpu.memory_space<vmem>>
    %dma_wait3A_319 = arith.constant 0 : i32
    %dma_wait3A_320 = tpu.memref_slice %arg8[%dma_wait3A_315, %dma_wait3A_319] : memref<40x128xi32, #tpu.memory_space<vmem>> -> memref<1x128xi32, #tpu.memory_space<vmem>>
    %dma_wait3A_321 = tpu.memref_squeeze %dma_wait3A_320 : memref<1x128xi32, #tpu.memory_space<vmem>> -> memref<128xi32, #tpu.memory_space<vmem>>
    %dma_wait3A_322 = arith.constant 0 : i32
    %dma_wait3A_323 = arith.constant 0 : i32
    %dma_wait3A_324 = tpu.memref_slice %arg2[%dma_wait3A_322, %dma_wait3A_323] : memref<10000x16xf32, #tpu.memory_space<hbm>> -> memref<10000x16xf32, #tpu.memory_space<hbm>>
    tpu.wait_indirect_dma semaphore(%arg12 : memref<!tpu.dma_semaphore, #tpu.memory_space<semaphore_mem>>) src(%dma_wait3A_324 : memref<10000x16xf32, #tpu.memory_space<hbm>>) dst(%dma_wait3A_318 : memref<128x16xf32, #tpu.memory_space<vmem>>)
    "tpu.region"() ({
      %run_scoped3A = tpu.sem_alloc : memref<!tpu.dma_semaphore, #tpu.memory_space<semaphore_mem>>
      %dma_start3A_325 = arith.constant 0 : i32
      %dma_start3A_326 = arith.constant 0 : i32
      %dma_start3A_327 = tpu.memref_slice %arg9[%dma_start3A_325, %dma_start3A_326] : memref<1024x16xf32, #tpu.memory_space<vmem>> -> memref<904x16xf32, #tpu.memory_space<vmem>>
      %dma_start3A_328 = arith.constant 4096 : i32
      %dma_start3A_329 = arith.constant 0 : i32
      %dma_start3A_330 = tpu.memref_slice %arg5[%add3A, %dma_start3A_328, %dma_start3A_329] : memref<32x5000x16xf32, #tpu.memory_space<hbm>> -> memref<1x904x16xf32, #tpu.memory_space<hbm>>
      %dma_start3A_331 = tpu.memref_squeeze %dma_start3A_330 : memref<1x904x16xf32, #tpu.memory_space<hbm>> -> memref<904x16xf32, #tpu.memory_space<hbm>>
      %dma_start3A_332 = arith.constant 4096 : i32
      %dma_start3A_333 = arith.constant 0 : i32
      %dma_start3A_334 = tpu.memref_slice %arg5[%add3A, %dma_start3A_332, %dma_start3A_333] : memref<32x5000x16xf32, #tpu.memory_space<hbm>> -> memref<1x904x16xf32, #tpu.memory_space<hbm>>
      %dma_start3A_335 = tpu.memref_squeeze %dma_start3A_334 : memref<1x904x16xf32, #tpu.memory_space<hbm>> -> memref<904x16xf32, #tpu.memory_space<hbm>>
      %dma_start3A_336 = arith.constant 0 : i32
      %dma_start3A_337 = arith.constant 0 : i32
      %dma_start3A_338 = tpu.memref_slice %arg9[%dma_start3A_336, %dma_start3A_337] : memref<1024x16xf32, #tpu.memory_space<vmem>> -> memref<904x16xf32, #tpu.memory_space<vmem>>
      tpu.enqueue_dma source(%dma_start3A_338 : memref<904x16xf32, #tpu.memory_space<vmem>>) target(%dma_start3A_335 : memref<904x16xf32, #tpu.memory_space<hbm>>) target_semaphore(%run_scoped3A : memref<!tpu.dma_semaphore, #tpu.memory_space<semaphore_mem>>)
      %dma_wait3A_339 = arith.constant 0 : i32
      %dma_wait3A_340 = arith.constant 0 : i32
      %dma_wait3A_341 = tpu.memref_slice %arg9[%dma_wait3A_339, %dma_wait3A_340] : memref<1024x16xf32, #tpu.memory_space<vmem>> -> memref<904x16xf32, #tpu.memory_space<vmem>>
      %dma_wait3A_342 = arith.constant 4096 : i32
      %dma_wait3A_343 = arith.constant 0 : i32
      %dma_wait3A_344 = tpu.memref_slice %arg5[%add3A, %dma_wait3A_342, %dma_wait3A_343] : memref<32x5000x16xf32, #tpu.memory_space<hbm>> -> memref<1x904x16xf32, #tpu.memory_space<hbm>>
      %dma_wait3A_345 = tpu.memref_squeeze %dma_wait3A_344 : memref<1x904x16xf32, #tpu.memory_space<hbm>> -> memref<904x16xf32, #tpu.memory_space<hbm>>
      %dma_wait3A_346 = arith.constant 4096 : i32
      %dma_wait3A_347 = arith.constant 0 : i32
      %dma_wait3A_348 = tpu.memref_slice %arg5[%add3A, %dma_wait3A_346, %dma_wait3A_347] : memref<32x5000x16xf32, #tpu.memory_space<hbm>> -> memref<1x904x16xf32, #tpu.memory_space<hbm>>
      %dma_wait3A_349 = tpu.memref_squeeze %dma_wait3A_348 : memref<1x904x16xf32, #tpu.memory_space<hbm>> -> memref<904x16xf32, #tpu.memory_space<hbm>>
      %dma_wait3A_350 = arith.constant 0 : i32
      %dma_wait3A_351 = arith.constant 0 : i32
      %dma_wait3A_352 = tpu.memref_slice %arg9[%dma_wait3A_350, %dma_wait3A_351] : memref<1024x16xf32, #tpu.memory_space<vmem>> -> memref<904x16xf32, #tpu.memory_space<vmem>>
      tpu.wait_dma2 semaphore(%run_scoped3A : memref<!tpu.dma_semaphore, #tpu.memory_space<semaphore_mem>>) src(%dma_wait3A_352 : memref<904x16xf32, #tpu.memory_space<vmem>>) dst(%dma_wait3A_349 : memref<904x16xf32, #tpu.memory_space<hbm>>)
      tpu.yield
    }) : () -> ()
    "tpu.region"() ({
      %run_scoped3A = tpu.sem_alloc : memref<!tpu.dma_semaphore, #tpu.memory_space<semaphore_mem>>
      %dma_start3A_325 = arith.constant 0 : i32
      %dma_start3A_326 = arith.constant 0 : i32
      %dma_start3A_327 = tpu.memref_slice %arg10[%dma_start3A_325, %dma_start3A_326] : memref<1024x16xf32, #tpu.memory_space<vmem>> -> memref<904x16xf32, #tpu.memory_space<vmem>>
      %dma_start3A_328 = arith.constant 4096 : i32
      %dma_start3A_329 = arith.constant 0 : i32
      %dma_start3A_330 = tpu.memref_slice %arg6[%add3A, %dma_start3A_328, %dma_start3A_329] : memref<32x5000x16xf32, #tpu.memory_space<hbm>> -> memref<1x904x16xf32, #tpu.memory_space<hbm>>
      %dma_start3A_331 = tpu.memref_squeeze %dma_start3A_330 : memref<1x904x16xf32, #tpu.memory_space<hbm>> -> memref<904x16xf32, #tpu.memory_space<hbm>>
      %dma_start3A_332 = arith.constant 4096 : i32
      %dma_start3A_333 = arith.constant 0 : i32
      %dma_start3A_334 = tpu.memref_slice %arg6[%add3A, %dma_start3A_332, %dma_start3A_333] : memref<32x5000x16xf32, #tpu.memory_space<hbm>> -> memref<1x904x16xf32, #tpu.memory_space<hbm>>
      %dma_start3A_335 = tpu.memref_squeeze %dma_start3A_334 : memref<1x904x16xf32, #tpu.memory_space<hbm>> -> memref<904x16xf32, #tpu.memory_space<hbm>>
      %dma_start3A_336 = arith.constant 0 : i32
      %dma_start3A_337 = arith.constant 0 : i32
      %dma_start3A_338 = tpu.memref_slice %arg10[%dma_start3A_336, %dma_start3A_337] : memref<1024x16xf32, #tpu.memory_space<vmem>> -> memref<904x16xf32, #tpu.memory_space<vmem>>
      tpu.enqueue_dma source(%dma_start3A_338 : memref<904x16xf32, #tpu.memory_space<vmem>>) target(%dma_start3A_335 : memref<904x16xf32, #tpu.memory_space<hbm>>) target_semaphore(%run_scoped3A : memref<!tpu.dma_semaphore, #tpu.memory_space<semaphore_mem>>)
      %dma_wait3A_339 = arith.constant 0 : i32
      %dma_wait3A_340 = arith.constant 0 : i32
      %dma_wait3A_341 = tpu.memref_slice %arg10[%dma_wait3A_339, %dma_wait3A_340] : memref<1024x16xf32, #tpu.memory_space<vmem>> -> memref<904x16xf32, #tpu.memory_space<vmem>>
      %dma_wait3A_342 = arith.constant 4096 : i32
      %dma_wait3A_343 = arith.constant 0 : i32
      %dma_wait3A_344 = tpu.memref_slice %arg6[%add3A, %dma_wait3A_342, %dma_wait3A_343] : memref<32x5000x16xf32, #tpu.memory_space<hbm>> -> memref<1x904x16xf32, #tpu.memory_space<hbm>>
      %dma_wait3A_345 = tpu.memref_squeeze %dma_wait3A_344 : memref<1x904x16xf32, #tpu.memory_space<hbm>> -> memref<904x16xf32, #tpu.memory_space<hbm>>
      %dma_wait3A_346 = arith.constant 4096 : i32
      %dma_wait3A_347 = arith.constant 0 : i32
      %dma_wait3A_348 = tpu.memref_slice %arg6[%add3A, %dma_wait3A_346, %dma_wait3A_347] : memref<32x5000x16xf32, #tpu.memory_space<hbm>> -> memref<1x904x16xf32, #tpu.memory_space<hbm>>
      %dma_wait3A_349 = tpu.memref_squeeze %dma_wait3A_348 : memref<1x904x16xf32, #tpu.memory_space<hbm>> -> memref<904x16xf32, #tpu.memory_space<hbm>>
      %dma_wait3A_350 = arith.constant 0 : i32
      %dma_wait3A_351 = arith.constant 0 : i32
      %dma_wait3A_352 = tpu.memref_slice %arg10[%dma_wait3A_350, %dma_wait3A_351] : memref<1024x16xf32, #tpu.memory_space<vmem>> -> memref<904x16xf32, #tpu.memory_space<vmem>>
      tpu.wait_dma2 semaphore(%run_scoped3A : memref<!tpu.dma_semaphore, #tpu.memory_space<semaphore_mem>>) src(%dma_wait3A_352 : memref<904x16xf32, #tpu.memory_space<vmem>>) dst(%dma_wait3A_349 : memref<904x16xf32, #tpu.memory_space<hbm>>)
      tpu.yield
    }) : () -> ()
    return
  }
}

module attributes {stable_mosaic.version = 14 : i64} {
  func.func @_h0_body(%arg0: memref<1250x8x128xf32, #tpu.memory_space<vmem>>, %arg1: memref<128x16xf32, #tpu.memory_space<vmem>>, %arg2: memref<1x16xf32, #tpu.memory_space<vmem>>, %arg3: memref<1250x128xf32, #tpu.memory_space<vmem>>) attributes {dimension_semantics = [], scalar_prefetch = 0 : i64, scratch_operands = 0 : i64, tpu.core_type = #tpu.core_type<tc>} {
    %get3A = arith.constant 0 : index
    %get3A_0 = arith.constant 0 : index
    %get3A_1 = arith.constant 0 : index
    %get3A_2 = vector.load %arg0[%get3A, %get3A_0, %get3A_1] : memref<1250x8x128xf32, #tpu.memory_space<vmem>>, vector<1250x8x128xf32>
    %slice3A = vector.extract_strided_slice %get3A_2 {offsets = [0, 0, 0], sizes = [1250, 1, 128], strides = [1, 1, 1]} : vector<1250x8x128xf32> to vector<1250x1x128xf32>
    %squeeze3A = vector.shape_cast %slice3A : vector<1250x1x128xf32> to vector<1250x128xf32>
    %get3A_3 = arith.constant 0 : index
    %get3A_4 = arith.constant 0 : index
    %get3A_5 = vector.load %arg1[%get3A_3, %get3A_4] : memref<128x16xf32, #tpu.memory_space<vmem>>, vector<128x16xf32>
    %dot_general3A = arith.constant dense<0.000000e+00> : vector<1250x16xf32>
    %dot_general3A_6 = tpu.matmul %squeeze3A, %get3A_5, %dot_general3A {dimension_numbers = #tpu.dot_dimension_numbers<[1], [0], [0], [1], [0, 0, 1, 1], [], []>, transpose_lhs_hint = false} : vector<1250x128xf32>, vector<128x16xf32>, vector<1250x16xf32> -> vector<1250x16xf32>
    %get3A_7 = arith.constant 0 : index
    %get3A_8 = arith.constant 0 : index
    %get3A_9 = vector.load %arg2[%get3A_7, %get3A_8] : memref<1x16xf32, #tpu.memory_space<vmem>>, vector<1x16xf32>
    %add3A = vector.broadcast %get3A_9 : vector<1x16xf32> to vector<1250x16xf32>
    %add3A_10 = arith.addf %dot_general3A_6, %add3A : vector<1250x16xf32>
    %max3A = arith.constant 0.000000e+00 : f32
    %max3A_11 = vector.broadcast %max3A : f32 to vector<1250x16xf32>
    %max3A_12 = arith.maximumf %add3A_10, %max3A_11 : vector<1250x16xf32>
    %slice3A_13 = vector.extract_strided_slice %get3A_2 {offsets = [0, 1, 0], sizes = [1250, 1, 128], strides = [1, 1, 1]} : vector<1250x8x128xf32> to vector<1250x1x128xf32>
    %squeeze3A_14 = vector.shape_cast %slice3A_13 : vector<1250x1x128xf32> to vector<1250x128xf32>
    %get3A_15 = arith.constant 0 : index
    %get3A_16 = arith.constant 0 : index
    %get3A_17 = vector.load %arg1[%get3A_15, %get3A_16] : memref<128x16xf32, #tpu.memory_space<vmem>>, vector<128x16xf32>
    %dot_general3A_18 = arith.constant dense<0.000000e+00> : vector<1250x16xf32>
    %dot_general3A_19 = tpu.matmul %squeeze3A_14, %get3A_17, %dot_general3A_18 {dimension_numbers = #tpu.dot_dimension_numbers<[1], [0], [0], [1], [0, 0, 1, 1], [], []>, transpose_lhs_hint = false} : vector<1250x128xf32>, vector<128x16xf32>, vector<1250x16xf32> -> vector<1250x16xf32>
    %get3A_20 = arith.constant 0 : index
    %get3A_21 = arith.constant 0 : index
    %get3A_22 = vector.load %arg2[%get3A_20, %get3A_21] : memref<1x16xf32, #tpu.memory_space<vmem>>, vector<1x16xf32>
    %add3A_23 = vector.broadcast %get3A_22 : vector<1x16xf32> to vector<1250x16xf32>
    %add3A_24 = arith.addf %dot_general3A_19, %add3A_23 : vector<1250x16xf32>
    %max3A_25 = arith.constant 0.000000e+00 : f32
    %max3A_26 = vector.broadcast %max3A_25 : f32 to vector<1250x16xf32>
    %max3A_27 = arith.maximumf %add3A_24, %max3A_26 : vector<1250x16xf32>
    %slice3A_28 = vector.extract_strided_slice %get3A_2 {offsets = [0, 2, 0], sizes = [1250, 1, 128], strides = [1, 1, 1]} : vector<1250x8x128xf32> to vector<1250x1x128xf32>
    %squeeze3A_29 = vector.shape_cast %slice3A_28 : vector<1250x1x128xf32> to vector<1250x128xf32>
    %get3A_30 = arith.constant 0 : index
    %get3A_31 = arith.constant 0 : index
    %get3A_32 = vector.load %arg1[%get3A_30, %get3A_31] : memref<128x16xf32, #tpu.memory_space<vmem>>, vector<128x16xf32>
    %dot_general3A_33 = arith.constant dense<0.000000e+00> : vector<1250x16xf32>
    %dot_general3A_34 = tpu.matmul %squeeze3A_29, %get3A_32, %dot_general3A_33 {dimension_numbers = #tpu.dot_dimension_numbers<[1], [0], [0], [1], [0, 0, 1, 1], [], []>, transpose_lhs_hint = false} : vector<1250x128xf32>, vector<128x16xf32>, vector<1250x16xf32> -> vector<1250x16xf32>
    %get3A_35 = arith.constant 0 : index
    %get3A_36 = arith.constant 0 : index
    %get3A_37 = vector.load %arg2[%get3A_35, %get3A_36] : memref<1x16xf32, #tpu.memory_space<vmem>>, vector<1x16xf32>
    %add3A_38 = vector.broadcast %get3A_37 : vector<1x16xf32> to vector<1250x16xf32>
    %add3A_39 = arith.addf %dot_general3A_34, %add3A_38 : vector<1250x16xf32>
    %max3A_40 = arith.constant 0.000000e+00 : f32
    %max3A_41 = vector.broadcast %max3A_40 : f32 to vector<1250x16xf32>
    %max3A_42 = arith.maximumf %add3A_39, %max3A_41 : vector<1250x16xf32>
    %slice3A_43 = vector.extract_strided_slice %get3A_2 {offsets = [0, 3, 0], sizes = [1250, 1, 128], strides = [1, 1, 1]} : vector<1250x8x128xf32> to vector<1250x1x128xf32>
    %squeeze3A_44 = vector.shape_cast %slice3A_43 : vector<1250x1x128xf32> to vector<1250x128xf32>
    %get3A_45 = arith.constant 0 : index
    %get3A_46 = arith.constant 0 : index
    %get3A_47 = vector.load %arg1[%get3A_45, %get3A_46] : memref<128x16xf32, #tpu.memory_space<vmem>>, vector<128x16xf32>
    %dot_general3A_48 = arith.constant dense<0.000000e+00> : vector<1250x16xf32>
    %dot_general3A_49 = tpu.matmul %squeeze3A_44, %get3A_47, %dot_general3A_48 {dimension_numbers = #tpu.dot_dimension_numbers<[1], [0], [0], [1], [0, 0, 1, 1], [], []>, transpose_lhs_hint = false} : vector<1250x128xf32>, vector<128x16xf32>, vector<1250x16xf32> -> vector<1250x16xf32>
    %get3A_50 = arith.constant 0 : index
    %get3A_51 = arith.constant 0 : index
    %get3A_52 = vector.load %arg2[%get3A_50, %get3A_51] : memref<1x16xf32, #tpu.memory_space<vmem>>, vector<1x16xf32>
    %add3A_53 = vector.broadcast %get3A_52 : vector<1x16xf32> to vector<1250x16xf32>
    %add3A_54 = arith.addf %dot_general3A_49, %add3A_53 : vector<1250x16xf32>
    %max3A_55 = arith.constant 0.000000e+00 : f32
    %max3A_56 = vector.broadcast %max3A_55 : f32 to vector<1250x16xf32>
    %max3A_57 = arith.maximumf %add3A_54, %max3A_56 : vector<1250x16xf32>
    %slice3A_58 = vector.extract_strided_slice %get3A_2 {offsets = [0, 4, 0], sizes = [1250, 1, 128], strides = [1, 1, 1]} : vector<1250x8x128xf32> to vector<1250x1x128xf32>
    %squeeze3A_59 = vector.shape_cast %slice3A_58 : vector<1250x1x128xf32> to vector<1250x128xf32>
    %get3A_60 = arith.constant 0 : index
    %get3A_61 = arith.constant 0 : index
    %get3A_62 = vector.load %arg1[%get3A_60, %get3A_61] : memref<128x16xf32, #tpu.memory_space<vmem>>, vector<128x16xf32>
    %dot_general3A_63 = arith.constant dense<0.000000e+00> : vector<1250x16xf32>
    %dot_general3A_64 = tpu.matmul %squeeze3A_59, %get3A_62, %dot_general3A_63 {dimension_numbers = #tpu.dot_dimension_numbers<[1], [0], [0], [1], [0, 0, 1, 1], [], []>, transpose_lhs_hint = false} : vector<1250x128xf32>, vector<128x16xf32>, vector<1250x16xf32> -> vector<1250x16xf32>
    %get3A_65 = arith.constant 0 : index
    %get3A_66 = arith.constant 0 : index
    %get3A_67 = vector.load %arg2[%get3A_65, %get3A_66] : memref<1x16xf32, #tpu.memory_space<vmem>>, vector<1x16xf32>
    %add3A_68 = vector.broadcast %get3A_67 : vector<1x16xf32> to vector<1250x16xf32>
    %add3A_69 = arith.addf %dot_general3A_64, %add3A_68 : vector<1250x16xf32>
    %max3A_70 = arith.constant 0.000000e+00 : f32
    %max3A_71 = vector.broadcast %max3A_70 : f32 to vector<1250x16xf32>
    %max3A_72 = arith.maximumf %add3A_69, %max3A_71 : vector<1250x16xf32>
    %slice3A_73 = vector.extract_strided_slice %get3A_2 {offsets = [0, 5, 0], sizes = [1250, 1, 128], strides = [1, 1, 1]} : vector<1250x8x128xf32> to vector<1250x1x128xf32>
    %squeeze3A_74 = vector.shape_cast %slice3A_73 : vector<1250x1x128xf32> to vector<1250x128xf32>
    %get3A_75 = arith.constant 0 : index
    %get3A_76 = arith.constant 0 : index
    %get3A_77 = vector.load %arg1[%get3A_75, %get3A_76] : memref<128x16xf32, #tpu.memory_space<vmem>>, vector<128x16xf32>
    %dot_general3A_78 = arith.constant dense<0.000000e+00> : vector<1250x16xf32>
    %dot_general3A_79 = tpu.matmul %squeeze3A_74, %get3A_77, %dot_general3A_78 {dimension_numbers = #tpu.dot_dimension_numbers<[1], [0], [0], [1], [0, 0, 1, 1], [], []>, transpose_lhs_hint = false} : vector<1250x128xf32>, vector<128x16xf32>, vector<1250x16xf32> -> vector<1250x16xf32>
    %get3A_80 = arith.constant 0 : index
    %get3A_81 = arith.constant 0 : index
    %get3A_82 = vector.load %arg2[%get3A_80, %get3A_81] : memref<1x16xf32, #tpu.memory_space<vmem>>, vector<1x16xf32>
    %add3A_83 = vector.broadcast %get3A_82 : vector<1x16xf32> to vector<1250x16xf32>
    %add3A_84 = arith.addf %dot_general3A_79, %add3A_83 : vector<1250x16xf32>
    %max3A_85 = arith.constant 0.000000e+00 : f32
    %max3A_86 = vector.broadcast %max3A_85 : f32 to vector<1250x16xf32>
    %max3A_87 = arith.maximumf %add3A_84, %max3A_86 : vector<1250x16xf32>
    %slice3A_88 = vector.extract_strided_slice %get3A_2 {offsets = [0, 6, 0], sizes = [1250, 1, 128], strides = [1, 1, 1]} : vector<1250x8x128xf32> to vector<1250x1x128xf32>
    %squeeze3A_89 = vector.shape_cast %slice3A_88 : vector<1250x1x128xf32> to vector<1250x128xf32>
    %get3A_90 = arith.constant 0 : index
    %get3A_91 = arith.constant 0 : index
    %get3A_92 = vector.load %arg1[%get3A_90, %get3A_91] : memref<128x16xf32, #tpu.memory_space<vmem>>, vector<128x16xf32>
    %dot_general3A_93 = arith.constant dense<0.000000e+00> : vector<1250x16xf32>
    %dot_general3A_94 = tpu.matmul %squeeze3A_89, %get3A_92, %dot_general3A_93 {dimension_numbers = #tpu.dot_dimension_numbers<[1], [0], [0], [1], [0, 0, 1, 1], [], []>, transpose_lhs_hint = false} : vector<1250x128xf32>, vector<128x16xf32>, vector<1250x16xf32> -> vector<1250x16xf32>
    %get3A_95 = arith.constant 0 : index
    %get3A_96 = arith.constant 0 : index
    %get3A_97 = vector.load %arg2[%get3A_95, %get3A_96] : memref<1x16xf32, #tpu.memory_space<vmem>>, vector<1x16xf32>
    %add3A_98 = vector.broadcast %get3A_97 : vector<1x16xf32> to vector<1250x16xf32>
    %add3A_99 = arith.addf %dot_general3A_94, %add3A_98 : vector<1250x16xf32>
    %max3A_100 = arith.constant 0.000000e+00 : f32
    %max3A_101 = vector.broadcast %max3A_100 : f32 to vector<1250x16xf32>
    %max3A_102 = arith.maximumf %add3A_99, %max3A_101 : vector<1250x16xf32>
    %slice3A_103 = vector.extract_strided_slice %get3A_2 {offsets = [0, 7, 0], sizes = [1250, 1, 128], strides = [1, 1, 1]} : vector<1250x8x128xf32> to vector<1250x1x128xf32>
    %squeeze3A_104 = vector.shape_cast %slice3A_103 : vector<1250x1x128xf32> to vector<1250x128xf32>
    %get3A_105 = arith.constant 0 : index
    %get3A_106 = arith.constant 0 : index
    %get3A_107 = vector.load %arg1[%get3A_105, %get3A_106] : memref<128x16xf32, #tpu.memory_space<vmem>>, vector<128x16xf32>
    %dot_general3A_108 = arith.constant dense<0.000000e+00> : vector<1250x16xf32>
    %dot_general3A_109 = tpu.matmul %squeeze3A_104, %get3A_107, %dot_general3A_108 {dimension_numbers = #tpu.dot_dimension_numbers<[1], [0], [0], [1], [0, 0, 1, 1], [], []>, transpose_lhs_hint = false} : vector<1250x128xf32>, vector<128x16xf32>, vector<1250x16xf32> -> vector<1250x16xf32>
    %get3A_110 = arith.constant 0 : index
    %get3A_111 = arith.constant 0 : index
    %get3A_112 = vector.load %arg2[%get3A_110, %get3A_111] : memref<1x16xf32, #tpu.memory_space<vmem>>, vector<1x16xf32>
    %add3A_113 = vector.broadcast %get3A_112 : vector<1x16xf32> to vector<1250x16xf32>
    %add3A_114 = arith.addf %dot_general3A_109, %add3A_113 : vector<1250x16xf32>
    %max3A_115 = arith.constant 0.000000e+00 : f32
    %max3A_116 = vector.broadcast %max3A_115 : f32 to vector<1250x16xf32>
    %max3A_117 = arith.maximumf %add3A_114, %max3A_116 : vector<1250x16xf32>
    %concatenate3A = tpu.concatenate %max3A_12, %max3A_27, %max3A_42, %max3A_57, %max3A_72, %max3A_87, %max3A_102, %max3A_117 in 1 : vector<1250x16xf32>, vector<1250x16xf32>, vector<1250x16xf32>, vector<1250x16xf32>, vector<1250x16xf32>, vector<1250x16xf32>, vector<1250x16xf32>, vector<1250x16xf32> -> vector<1250x128xf32>
    %swap3A = arith.constant 0 : index
    %swap3A_118 = arith.constant 0 : index
    %swap3A_119 = vector.load %arg3[%swap3A, %swap3A_118] : memref<1250x128xf32, #tpu.memory_space<vmem>>, vector<1250x128xf32>
    tpu.vector_store %arg3[%swap3A, %swap3A_118], %concatenate3A {strides = array<i32>} : memref<1250x128xf32, #tpu.memory_space<vmem>>, vector<1250x128xf32>,
    return
  }
}

module attributes {stable_mosaic.version = 14 : i64} {
  func.func @_msg_emb_body(%arg0: i32, %arg1: memref<400x128xf32, #tpu.memory_space<vmem>>, %arg2: memref<400x128xf32, #tpu.memory_space<vmem>>, %arg3: memref<400x128xf32, #tpu.memory_space<vmem>>, %arg4: memref<128x1024xf32, #tpu.memory_space<vmem>>, %arg5: memref<1x1024xf32, #tpu.memory_space<vmem>>, %arg6: memref<128x512xbf16, #tpu.memory_space<vmem>>, %arg7: memref<1x512xf32, #tpu.memory_space<vmem>>, %arg8: memref<32x512xbf16, #tpu.memory_space<vmem>>, %arg9: memref<128x16xf32, #tpu.memory_space<vmem>>, %arg10: memref<128x128xf32, #tpu.memory_space<vmem>>, %arg11: memref<1x128xf32, #tpu.memory_space<vmem>>, %arg12: memref<128x8xf32, #tpu.memory_space<vmem>>, %arg13: memref<8x128xf32, #tpu.memory_space<vmem>>, %arg14: memref<400x128xf32, #tpu.memory_space<vmem>>, %arg15: memref<400x128xf32, #tpu.memory_space<vmem>>, %arg16: memref<400x128xf32, #tpu.memory_space<vmem>>) attributes {dimension_semantics = [#tpu.dimension_semantics<arbitrary>], iteration_bounds = array<i64: 50>, scalar_prefetch = 0 : i64, scratch_operands = 0 : i64, tpu.core_type = #tpu.core_type<tc>, window_params = [{transform_indices = @transform_0, window_bounds = array<i64: 400, 128>}, {transform_indices = @transform_1, window_bounds = array<i64: 400, 128>}, {transform_indices = @transform_2, window_bounds = array<i64: 400, 128>}, {pipeline_mode = #tpu.pipeline_mode<synchronous>, transform_indices = @transform_3, window_bounds = array<i64: 128, 1024>}, {pipeline_mode = #tpu.pipeline_mode<synchronous>, transform_indices = @transform_4, window_bounds = array<i64: 1, 1024>}, {pipeline_mode = #tpu.pipeline_mode<synchronous>, transform_indices = @transform_5, window_bounds = array<i64: 128, 512>}, {pipeline_mode = #tpu.pipeline_mode<synchronous>, transform_indices = @transform_6, window_bounds = array<i64: 1, 512>}, {pipeline_mode = #tpu.pipeline_mode<synchronous>, transform_indices = @transform_7, window_bounds = array<i64: 32, 512>}, {pipeline_mode = #tpu.pipeline_mode<synchronous>, transform_indices = @transform_8, window_bounds = array<i64: 128, 16>}, {pipeline_mode = #tpu.pipeline_mode<synchronous>, transform_indices = @transform_9, window_bounds = array<i64: 128, 128>}, {pipeline_mode = #tpu.pipeline_mode<synchronous>, transform_indices = @transform_10, window_bounds = array<i64: 1, 128>}, {pipeline_mode = #tpu.pipeline_mode<synchronous>, transform_indices = @transform_11, window_bounds = array<i64: 128, 8>}, {pipeline_mode = #tpu.pipeline_mode<synchronous>, transform_indices = @transform_12, window_bounds = array<i64: 8, 128>}, {transform_indices = @transform_13, window_bounds = array<i64: 400, 128>}, {transform_indices = @transform_14, window_bounds = array<i64: 400, 128>}, {transform_indices = @transform_15, window_bounds = array<i64: 400, 128>}]} {
    %get3A = arith.constant 0 : index
    %get3A_0 = arith.constant 0 : index
    %get3A_1 = vector.load %arg1[%get3A, %get3A_0] : memref<400x128xf32, #tpu.memory_space<vmem>>, vector<400x128xf32>
    %get3A_2 = arith.constant 0 : index
    %get3A_3 = arith.constant 0 : index
    %get3A_4 = vector.load %arg4[%get3A_2, %get3A_3] : memref<128x1024xf32, #tpu.memory_space<vmem>>, vector<128x1024xf32>
    %dot_general3A = arith.constant dense<0.000000e+00> : vector<400x1024xf32>
    %dot_general3A_5 = tpu.matmul %get3A_1, %get3A_4, %dot_general3A {dimension_numbers = #tpu.dot_dimension_numbers<[1], [0], [0], [1], [0, 0, 1, 1], [], []>, transpose_lhs_hint = false} : vector<400x128xf32>, vector<128x1024xf32>, vector<400x1024xf32> -> vector<400x1024xf32>
    %get3A_6 = arith.constant 0 : index
    %get3A_7 = arith.constant 0 : index
    %get3A_8 = vector.load %arg5[%get3A_6, %get3A_7] : memref<1x1024xf32, #tpu.memory_space<vmem>>, vector<1x1024xf32>
    %add3A = vector.broadcast %get3A_8 : vector<1x1024xf32> to vector<400x1024xf32>
    %add3A_9 = arith.addf %dot_general3A_5, %add3A : vector<400x1024xf32>
    %max3A = arith.constant 0.000000e+00 : f32
    %max3A_10 = vector.broadcast %max3A : f32 to vector<400x1024xf32>
    %max3A_11 = arith.maximumf %add3A_9, %max3A_10 : vector<400x1024xf32>
    %slice3A = vector.extract_strided_slice %max3A_11 {offsets = [0, 0], sizes = [400, 128], strides = [1, 1]} : vector<400x1024xf32> to vector<400x128xf32>
    %slice3A_12 = vector.extract_strided_slice %max3A_11 {offsets = [0, 128], sizes = [400, 128], strides = [1, 1]} : vector<400x1024xf32> to vector<400x128xf32>
    %slice3A_13 = vector.extract_strided_slice %max3A_11 {offsets = [0, 256], sizes = [400, 128], strides = [1, 1]} : vector<400x1024xf32> to vector<400x128xf32>
    %slice3A_14 = vector.extract_strided_slice %max3A_11 {offsets = [0, 384], sizes = [400, 128], strides = [1, 1]} : vector<400x1024xf32> to vector<400x128xf32>
    %slice3A_15 = vector.extract_strided_slice %max3A_11 {offsets = [0, 512], sizes = [400, 128], strides = [1, 1]} : vector<400x1024xf32> to vector<400x128xf32>
    %slice3A_16 = vector.extract_strided_slice %max3A_11 {offsets = [0, 640], sizes = [400, 128], strides = [1, 1]} : vector<400x1024xf32> to vector<400x128xf32>
    %slice3A_17 = vector.extract_strided_slice %max3A_11 {offsets = [0, 768], sizes = [400, 128], strides = [1, 1]} : vector<400x1024xf32> to vector<400x128xf32>
    %slice3A_18 = vector.extract_strided_slice %max3A_11 {offsets = [0, 896], sizes = [400, 128], strides = [1, 1]} : vector<400x1024xf32> to vector<400x128xf32>
    %concatenate3A = tpu.concatenate %slice3A, %slice3A_12, %slice3A_13, %slice3A_14, %slice3A_15, %slice3A_16, %slice3A_17, %slice3A_18 in 0 : vector<400x128xf32>, vector<400x128xf32>, vector<400x128xf32>, vector<400x128xf32>, vector<400x128xf32>, vector<400x128xf32>, vector<400x128xf32>, vector<400x128xf32> -> vector<3200x128xf32>
    %convert_element_type3A = arith.truncf %concatenate3A : vector<3200x128xf32> to vector<3200x128xbf16>
    %get3A_19 = arith.constant 0 : index
    %get3A_20 = arith.constant 0 : index
    %get3A_21 = vector.load %arg6[%get3A_19, %get3A_20] : memref<128x512xbf16, #tpu.memory_space<vmem>>, vector<128x512xbf16>
    %dot_general3A_22 = arith.constant dense<0.000000e+00> : vector<3200x512xf32>
    %dot_general3A_23 = tpu.matmul %convert_element_type3A, %get3A_21, %dot_general3A_22 {dimension_numbers = #tpu.dot_dimension_numbers<[1], [0], [0], [1], [0, 0, 1, 1], [], []>, transpose_lhs_hint = false} : vector<3200x128xbf16>, vector<128x512xbf16>, vector<3200x512xf32> -> vector<3200x512xf32>
    %get3A_24 = arith.constant 0 : index
    %get3A_25 = arith.constant 0 : index
    %get3A_26 = vector.load %arg7[%get3A_24, %get3A_25] : memref<1x512xf32, #tpu.memory_space<vmem>>, vector<1x512xf32>
    %add3A_27 = vector.broadcast %get3A_26 : vector<1x512xf32> to vector<3200x512xf32>
    %add3A_28 = arith.addf %dot_general3A_23, %add3A_27 : vector<3200x512xf32>
    %get3A_29 = arith.constant 0 : index
    %get3A_30 = arith.constant 0 : index
    %get3A_31 = vector.load %arg2[%get3A_29, %get3A_30] : memref<400x128xf32, #tpu.memory_space<vmem>>, vector<400x128xf32>
    %slice3A_32 = vector.extract_strided_slice %get3A_31 {offsets = [0, 0], sizes = [400, 16], strides = [1, 1]} : vector<400x128xf32> to vector<400x16xf32>
    %slice3A_33 = vector.extract_strided_slice %get3A_31 {offsets = [0, 16], sizes = [400, 16], strides = [1, 1]} : vector<400x128xf32> to vector<400x16xf32>
    %slice3A_34 = vector.extract_strided_slice %get3A_31 {offsets = [0, 32], sizes = [400, 16], strides = [1, 1]} : vector<400x128xf32> to vector<400x16xf32>
    %slice3A_35 = vector.extract_strided_slice %get3A_31 {offsets = [0, 48], sizes = [400, 16], strides = [1, 1]} : vector<400x128xf32> to vector<400x16xf32>
    %slice3A_36 = vector.extract_strided_slice %get3A_31 {offsets = [0, 64], sizes = [400, 16], strides = [1, 1]} : vector<400x128xf32> to vector<400x16xf32>
    %slice3A_37 = vector.extract_strided_slice %get3A_31 {offsets = [0, 80], sizes = [400, 16], strides = [1, 1]} : vector<400x128xf32> to vector<400x16xf32>
    %slice3A_38 = vector.extract_strided_slice %get3A_31 {offsets = [0, 96], sizes = [400, 16], strides = [1, 1]} : vector<400x128xf32> to vector<400x16xf32>
    %slice3A_39 = vector.extract_strided_slice %get3A_31 {offsets = [0, 112], sizes = [400, 16], strides = [1, 1]} : vector<400x128xf32> to vector<400x16xf32>
    %concatenate3A_40 = tpu.concatenate %slice3A_32, %slice3A_33, %slice3A_34, %slice3A_35, %slice3A_36, %slice3A_37, %slice3A_38, %slice3A_39 in 0 : vector<400x16xf32>, vector<400x16xf32>, vector<400x16xf32>, vector<400x16xf32>, vector<400x16xf32>, vector<400x16xf32>, vector<400x16xf32>, vector<400x16xf32> -> vector<3200x16xf32>
    %get3A_41 = arith.constant 0 : index
    %get3A_42 = arith.constant 0 : index
    %get3A_43 = vector.load %arg3[%get3A_41, %get3A_42] : memref<400x128xf32, #tpu.memory_space<vmem>>, vector<400x128xf32>
    %slice3A_44 = vector.extract_strided_slice %get3A_43 {offsets = [0, 0], sizes = [400, 16], strides = [1, 1]} : vector<400x128xf32> to vector<400x16xf32>
    %slice3A_45 = vector.extract_strided_slice %get3A_43 {offsets = [0, 16], sizes = [400, 16], strides = [1, 1]} : vector<400x128xf32> to vector<400x16xf32>
    %slice3A_46 = vector.extract_strided_slice %get3A_43 {offsets = [0, 32], sizes = [400, 16], strides = [1, 1]} : vector<400x128xf32> to vector<400x16xf32>
    %slice3A_47 = vector.extract_strided_slice %get3A_43 {offsets = [0, 48], sizes = [400, 16], strides = [1, 1]} : vector<400x128xf32> to vector<400x16xf32>
    %slice3A_48 = vector.extract_strided_slice %get3A_43 {offsets = [0, 64], sizes = [400, 16], strides = [1, 1]} : vector<400x128xf32> to vector<400x16xf32>
    %slice3A_49 = vector.extract_strided_slice %get3A_43 {offsets = [0, 80], sizes = [400, 16], strides = [1, 1]} : vector<400x128xf32> to vector<400x16xf32>
    %slice3A_50 = vector.extract_strided_slice %get3A_43 {offsets = [0, 96], sizes = [400, 16], strides = [1, 1]} : vector<400x128xf32> to vector<400x16xf32>
    %slice3A_51 = vector.extract_strided_slice %get3A_43 {offsets = [0, 112], sizes = [400, 16], strides = [1, 1]} : vector<400x128xf32> to vector<400x16xf32>
    %concatenate3A_52 = tpu.concatenate %slice3A_44, %slice3A_45, %slice3A_46, %slice3A_47, %slice3A_48, %slice3A_49, %slice3A_50, %slice3A_51 in 0 : vector<400x16xf32>, vector<400x16xf32>, vector<400x16xf32>, vector<400x16xf32>, vector<400x16xf32>, vector<400x16xf32>, vector<400x16xf32>, vector<400x16xf32> -> vector<3200x16xf32>
    %concatenate3A_53 = tpu.concatenate %concatenate3A_40, %concatenate3A_52 in 1 : vector<3200x16xf32>, vector<3200x16xf32> -> vector<3200x32xf32>
    %convert_element_type3A_54 = arith.truncf %concatenate3A_53 : vector<3200x32xf32> to vector<3200x32xbf16>
    %get3A_55 = arith.constant 0 : index
    %get3A_56 = arith.constant 0 : index
    %get3A_57 = vector.load %arg8[%get3A_55, %get3A_56] : memref<32x512xbf16, #tpu.memory_space<vmem>>, vector<32x512xbf16>
    %dot_general3A_58 = arith.constant dense<0.000000e+00> : vector<3200x512xf32>
    %dot_general3A_59 = tpu.matmul %convert_element_type3A_54, %get3A_57, %dot_general3A_58 {dimension_numbers = #tpu.dot_dimension_numbers<[1], [0], [0], [1], [0, 0, 1, 1], [], []>, transpose_lhs_hint = false} : vector<3200x32xbf16>, vector<32x512xbf16>, vector<3200x512xf32> -> vector<3200x512xf32>
    %mul3A = arith.mulf %dot_general3A_59, %add3A_28 : vector<3200x512xf32>
    %slice3A_60 = vector.extract_strided_slice %mul3A {offsets = [0, 0], sizes = [3200, 256], strides = [1, 1]} : vector<3200x512xf32> to vector<3200x256xf32>
    %slice3A_61 = vector.extract_strided_slice %mul3A {offsets = [0, 256], sizes = [3200, 256], strides = [1, 1]} : vector<3200x512xf32> to vector<3200x256xf32>
    %add3A_62 = arith.addf %slice3A_60, %slice3A_61 : vector<3200x256xf32>
    %slice3A_63 = vector.extract_strided_slice %add3A_62 {offsets = [0, 0], sizes = [3200, 128], strides = [1, 1]} : vector<3200x256xf32> to vector<3200x128xf32>
    %slice3A_64 = vector.extract_strided_slice %add3A_62 {offsets = [0, 128], sizes = [3200, 128], strides = [1, 1]} : vector<3200x256xf32> to vector<3200x128xf32>
    %add3A_65 = arith.addf %slice3A_63, %slice3A_64 : vector<3200x128xf32>
    %get3A_66 = arith.constant 0 : index
    %get3A_67 = arith.constant 0 : index
    %get3A_68 = vector.load %arg9[%get3A_66, %get3A_67] : memref<128x16xf32, #tpu.memory_space<vmem>>, vector<128x16xf32>
    %dot_general3A_69 = arith.constant dense<0.000000e+00> : vector<3200x16xf32>
    %dot_general3A_70 = tpu.matmul %add3A_65, %get3A_68, %dot_general3A_69 {dimension_numbers = #tpu.dot_dimension_numbers<[1], [0], [0], [1], [0, 0, 1, 1], [], []>, transpose_lhs_hint = false} : vector<3200x128xf32>, vector<128x16xf32>, vector<3200x16xf32> -> vector<3200x16xf32>
    %slice3A_71 = vector.extract_strided_slice %dot_general3A_70 {offsets = [0, 0], sizes = [400, 16], strides = [1, 1]} : vector<3200x16xf32> to vector<400x16xf32>
    %slice3A_72 = vector.extract_strided_slice %dot_general3A_70 {offsets = [400, 0], sizes = [400, 16], strides = [1, 1]} : vector<3200x16xf32> to vector<400x16xf32>
    %slice3A_73 = vector.extract_strided_slice %dot_general3A_70 {offsets = [800, 0], sizes = [400, 16], strides = [1, 1]} : vector<3200x16xf32> to vector<400x16xf32>
    %slice3A_74 = vector.extract_strided_slice %dot_general3A_70 {offsets = [1200, 0], sizes = [400, 16], strides = [1, 1]} : vector<3200x16xf32> to vector<400x16xf32>
    %slice3A_75 = vector.extract_strided_slice %dot_general3A_70 {offsets = [1600, 0], sizes = [400, 16], strides = [1, 1]} : vector<3200x16xf32> to vector<400x16xf32>
    %slice3A_76 = vector.extract_strided_slice %dot_general3A_70 {offsets = [2000, 0], sizes = [400, 16], strides = [1, 1]} : vector<3200x16xf32> to vector<400x16xf32>
    %slice3A_77 = vector.extract_strided_slice %dot_general3A_70 {offsets = [2400, 0], sizes = [400, 16], strides = [1, 1]} : vector<3200x16xf32> to vector<400x16xf32>
    %slice3A_78 = vector.extract_strided_slice %dot_general3A_70 {offsets = [2800, 0], sizes = [400, 16], strides = [1, 1]} : vector<3200x16xf32> to vector<400x16xf32>
    %concatenate3A_79 = tpu.concatenate %slice3A_71, %slice3A_72, %slice3A_73, %slice3A_74, %slice3A_75, %slice3A_76, %slice3A_77, %slice3A_78 in 1 : vector<400x16xf32>, vector<400x16xf32>, vector<400x16xf32>, vector<400x16xf32>, vector<400x16xf32>, vector<400x16xf32>, vector<400x16xf32>, vector<400x16xf32> -> vector<400x128xf32>
    %swap3A = arith.constant 0 : index
    %swap3A_80 = arith.constant 0 : index
    %swap3A_81 = vector.load %arg14[%swap3A, %swap3A_80] : memref<400x128xf32, #tpu.memory_space<vmem>>, vector<400x128xf32>
    tpu.vector_store %arg14[%swap3A, %swap3A_80], %concatenate3A_79 {strides = array<i32>} : memref<400x128xf32, #tpu.memory_space<vmem>>, vector<400x128xf32>,
    %get3A_82 = arith.constant 0 : index
    %get3A_83 = arith.constant 0 : index
    %get3A_84 = vector.load %arg1[%get3A_82, %get3A_83] : memref<400x128xf32, #tpu.memory_space<vmem>>, vector<400x128xf32>
    %get3A_85 = arith.constant 0 : index
    %get3A_86 = arith.constant 0 : index
    %get3A_87 = vector.load %arg10[%get3A_85, %get3A_86] : memref<128x128xf32, #tpu.memory_space<vmem>>, vector<128x128xf32>
    %dot_general3A_88 = arith.constant dense<0.000000e+00> : vector<400x128xf32>
    %dot_general3A_89 = tpu.matmul %get3A_84, %get3A_87, %dot_general3A_88 {dimension_numbers = #tpu.dot_dimension_numbers<[1], [0], [0], [1], [0, 0, 1, 1], [], []>, transpose_lhs_hint = false} : vector<400x128xf32>, vector<128x128xf32>, vector<400x128xf32> -> vector<400x128xf32>
    %get3A_90 = arith.constant 0 : index
    %get3A_91 = arith.constant 0 : index
    %get3A_92 = vector.load %arg11[%get3A_90, %get3A_91] : memref<1x128xf32, #tpu.memory_space<vmem>>, vector<1x128xf32>
    %add3A_93 = vector.broadcast %get3A_92 : vector<1x128xf32> to vector<400x128xf32>
    %add3A_94 = arith.addf %dot_general3A_89, %add3A_93 : vector<400x128xf32>
    %max3A_95 = arith.constant 0.000000e+00 : f32
    %max3A_96 = vector.broadcast %max3A_95 : f32 to vector<400x128xf32>
    %max3A_97 = arith.maximumf %add3A_94, %max3A_96 : vector<400x128xf32>
    %exp3A = math.exp %max3A_97 : vector<400x128xf32>
    %get3A_98 = arith.constant 0 : index
    %get3A_99 = arith.constant 0 : index
    %get3A_100 = vector.load %arg12[%get3A_98, %get3A_99] : memref<128x8xf32, #tpu.memory_space<vmem>>, vector<128x8xf32>
    %dot_general3A_101 = arith.constant dense<0.000000e+00> : vector<400x8xf32>
    %dot_general3A_102 = tpu.matmul %exp3A, %get3A_100, %dot_general3A_101 {dimension_numbers = #tpu.dot_dimension_numbers<[1], [0], [0], [1], [0, 0, 1, 1], [], []>, transpose_lhs_hint = false} : vector<400x128xf32>, vector<128x8xf32>, vector<400x8xf32> -> vector<400x8xf32>
    %log3A = math.log %dot_general3A_102 : vector<400x8xf32>
    %get3A_103 = arith.constant 0 : index
    %get3A_104 = arith.constant 0 : index
    %get3A_105 = vector.load %arg13[%get3A_103, %get3A_104] : memref<8x128xf32, #tpu.memory_space<vmem>>, vector<8x128xf32>
    %dot_general3A_106 = arith.constant dense<0.000000e+00> : vector<400x128xf32>
    %dot_general3A_107 = tpu.matmul %log3A, %get3A_105, %dot_general3A_106 {dimension_numbers = #tpu.dot_dimension_numbers<[1], [0], [0], [1], [0, 0, 1, 1], [], []>, transpose_lhs_hint = false} : vector<400x8xf32>, vector<8x128xf32>, vector<400x128xf32> -> vector<400x128xf32>
    %swap3A_108 = arith.constant 0 : index
    %swap3A_109 = arith.constant 0 : index
    %swap3A_110 = vector.load %arg15[%swap3A_108, %swap3A_109] : memref<400x128xf32, #tpu.memory_space<vmem>>, vector<400x128xf32>
    tpu.vector_store %arg15[%swap3A_108, %swap3A_109], %max3A_97 {strides = array<i32>} : memref<400x128xf32, #tpu.memory_space<vmem>>, vector<400x128xf32>,
    %sub3A = arith.subf %max3A_97, %dot_general3A_107 : vector<400x128xf32>
    %swap3A_111 = arith.constant 0 : index
    %swap3A_112 = arith.constant 0 : index
    %swap3A_113 = vector.load %arg16[%swap3A_111, %swap3A_112] : memref<400x128xf32, #tpu.memory_space<vmem>>, vector<400x128xf32>
    tpu.vector_store %arg16[%swap3A_111, %swap3A_112], %sub3A {strides = array<i32>} : memref<400x128xf32, #tpu.memory_space<vmem>>, vector<400x128xf32>,
    return
  }
  func.func @transform_0(%arg0: i32) -> (i32, i32) {
    %c0_i32 = arith.constant 0 : i32
    %c0_i32_0 = arith.constant 0 : i32
    return %arg0, %c0_i32 : i32, i32
  }
  func.func @transform_1(%arg0: i32) -> (i32, i32) {
    %c0_i32 = arith.constant 0 : i32
    %c0_i32_0 = arith.constant 0 : i32
    return %arg0, %c0_i32 : i32, i32
  }
  func.func @transform_2(%arg0: i32) -> (i32, i32) {
    %c0_i32 = arith.constant 0 : i32
    %c0_i32_0 = arith.constant 0 : i32
    return %arg0, %c0_i32 : i32, i32
  }
  func.func @transform_3(%arg0: i32) -> (i32, i32) {
    %c0_i32 = arith.constant 0 : i32
    %c0_i32_0 = arith.constant 0 : i32
    %c0_i32_1 = arith.constant 0 : i32
    return %c0_i32, %c0_i32_0 : i32, i32
  }
  func.func @transform_4(%arg0: i32) -> (i32, i32) {
    %c0_i32 = arith.constant 0 : i32
    %c0_i32_0 = arith.constant 0 : i32
    %c0_i32_1 = arith.constant 0 : i32
    return %c0_i32, %c0_i32_0 : i32, i32
  }
  func.func @transform_5(%arg0: i32) -> (i32, i32) {
    %c0_i32 = arith.constant 0 : i32
    %c0_i32_0 = arith.constant 0 : i32
    %c0_i32_1 = arith.constant 0 : i32
    return %c0_i32, %c0_i32_0 : i32, i32
  }
  func.func @transform_6(%arg0: i32) -> (i32, i32) {
    %c0_i32 = arith.constant 0 : i32
    %c0_i32_0 = arith.constant 0 : i32
    %c0_i32_1 = arith.constant 0 : i32
    return %c0_i32, %c0_i32_0 : i32, i32
  }
  func.func @transform_7(%arg0: i32) -> (i32, i32) {
    %c0_i32 = arith.constant 0 : i32
    %c0_i32_0 = arith.constant 0 : i32
    %c0_i32_1 = arith.constant 0 : i32
    return %c0_i32, %c0_i32_0 : i32, i32
  }
  func.func @transform_8(%arg0: i32) -> (i32, i32) {
    %c0_i32 = arith.constant 0 : i32
    %c0_i32_0 = arith.constant 0 : i32
    %c0_i32_1 = arith.constant 0 : i32
    return %c0_i32, %c0_i32_0 : i32, i32
  }
  func.func @transform_9(%arg0: i32) -> (i32, i32) {
    %c0_i32 = arith.constant 0 : i32
    %c0_i32_0 = arith.constant 0 : i32
    %c0_i32_1 = arith.constant 0 : i32
    return %c0_i32, %c0_i32_0 : i32, i32
  }
  func.func @transform_10(%arg0: i32) -> (i32, i32) {
    %c0_i32 = arith.constant 0 : i32
    %c0_i32_0 = arith.constant 0 : i32
    %c0_i32_1 = arith.constant 0 : i32
    return %c0_i32, %c0_i32_0 : i32, i32
  }
  func.func @transform_11(%arg0: i32) -> (i32, i32) {
    %c0_i32 = arith.constant 0 : i32
    %c0_i32_0 = arith.constant 0 : i32
    %c0_i32_1 = arith.constant 0 : i32
    return %c0_i32, %c0_i32_0 : i32, i32
  }
  func.func @transform_12(%arg0: i32) -> (i32, i32) {
    %c0_i32 = arith.constant 0 : i32
    %c0_i32_0 = arith.constant 0 : i32
    %c0_i32_1 = arith.constant 0 : i32
    return %c0_i32, %c0_i32_0 : i32, i32
  }
  func.func @transform_13(%arg0: i32) -> (i32, i32) {
    %c0_i32 = arith.constant 0 : i32
    %c0_i32_0 = arith.constant 0 : i32
    return %arg0, %c0_i32 : i32, i32
  }
  func.func @transform_14(%arg0: i32) -> (i32, i32) {
    %c0_i32 = arith.constant 0 : i32
    %c0_i32_0 = arith.constant 0 : i32
    return %arg0, %c0_i32 : i32, i32
  }
  func.func @transform_15(%arg0: i32) -> (i32, i32) {
    %c0_i32 = arith.constant 0 : i32
    %c0_i32_0 = arith.constant 0 : i32
    return %arg0, %c0_i32 : i32, i32
  }
}

module attributes {stable_mosaic.version = 14 : i64} {
  func.func @_upd_body(%arg0: memref<2x1250x128xf32, #tpu.memory_space<vmem>>, %arg1: memref<1250x128xf32, #tpu.memory_space<vmem>>, %arg2: memref<128x128xf32, #tpu.memory_space<vmem>>, %arg3: memref<1x128xf32, #tpu.memory_space<vmem>>, %arg4: memref<1250x128xf32, #tpu.memory_space<vmem>>) attributes {dimension_semantics = [], scalar_prefetch = 0 : i64, scratch_operands = 0 : i64, tpu.core_type = #tpu.core_type<tc>} {
    %get3A = arith.constant 0 : index
    %get3A_0 = arith.constant 0 : index
    %get3A_1 = arith.constant 0 : index
    %get3A_2 = vector.load %arg0[%get3A, %get3A_0, %get3A_1] : memref<2x1250x128xf32, #tpu.memory_space<vmem>>, vector<1x1250x128xf32>
    %get3A_3 = vector.shape_cast %get3A_2 : vector<1x1250x128xf32> to vector<1250x128xf32>
    %get3A_4 = arith.constant 1 : index
    %get3A_5 = arith.constant 0 : index
    %get3A_6 = arith.constant 0 : index
    %get3A_7 = vector.load %arg0[%get3A_4, %get3A_5, %get3A_6] : memref<2x1250x128xf32, #tpu.memory_space<vmem>>, vector<1x1250x128xf32>
    %get3A_8 = vector.shape_cast %get3A_7 : vector<1x1250x128xf32> to vector<1250x128xf32>
    %add3A = arith.addf %get3A_3, %get3A_8 : vector<1250x128xf32>
    %get3A_9 = arith.constant 0 : index
    %get3A_10 = arith.constant 0 : index
    %get3A_11 = vector.load %arg1[%get3A_9, %get3A_10] : memref<1250x128xf32, #tpu.memory_space<vmem>>, vector<1250x128xf32>
    %get3A_12 = arith.constant 0 : index
    %get3A_13 = arith.constant 0 : index
    %get3A_14 = vector.load %arg2[%get3A_12, %get3A_13] : memref<128x128xf32, #tpu.memory_space<vmem>>, vector<128x128xf32>
    %dot_general3A = arith.constant dense<0.000000e+00> : vector<1250x128xf32>
    %dot_general3A_15 = tpu.matmul %get3A_11, %get3A_14, %dot_general3A {dimension_numbers = #tpu.dot_dimension_numbers<[1], [0], [0], [1], [0, 0, 1, 1], [], []>, transpose_lhs_hint = false} : vector<1250x128xf32>, vector<128x128xf32>, vector<1250x128xf32> -> vector<1250x128xf32>
    %add3A_16 = arith.addf %add3A, %dot_general3A_15 : vector<1250x128xf32>
    %get3A_17 = arith.constant 0 : index
    %get3A_18 = arith.constant 0 : index
    %get3A_19 = vector.load %arg3[%get3A_17, %get3A_18] : memref<1x128xf32, #tpu.memory_space<vmem>>, vector<1x128xf32>
    %add3A_20 = vector.broadcast %get3A_19 : vector<1x128xf32> to vector<1250x128xf32>
    %add3A_21 = arith.addf %add3A_16, %add3A_20 : vector<1250x128xf32>
    %swap3A = arith.constant 0 : index
    %swap3A_22 = arith.constant 0 : index
    %swap3A_23 = vector.load %arg4[%swap3A, %swap3A_22] : memref<1250x128xf32, #tpu.memory_space<vmem>>, vector<1250x128xf32>
    tpu.vector_store %arg4[%swap3A, %swap3A_22], %add3A_21 {strides = array<i32>} : memref<1250x128xf32, #tpu.memory_space<vmem>>, vector<1250x128xf32>,
    return
  }
}

module attributes {stable_mosaic.version = 14 : i64} {
  func.func @_msg_body(%arg0: i32, %arg1: memref<400x128xf32, #tpu.memory_space<vmem>>, %arg2: memref<400x128xf32, #tpu.memory_space<vmem>>, %arg3: memref<400x128xf32, #tpu.memory_space<vmem>>, %arg4: memref<128x1024xf32, #tpu.memory_space<vmem>>, %arg5: memref<1x1024xf32, #tpu.memory_space<vmem>>, %arg6: memref<128x512xbf16, #tpu.memory_space<vmem>>, %arg7: memref<1x512xf32, #tpu.memory_space<vmem>>, %arg8: memref<32x512xbf16, #tpu.memory_space<vmem>>, %arg9: memref<128x16xf32, #tpu.memory_space<vmem>>, %arg10: memref<400x128xf32, #tpu.memory_space<vmem>>) attributes {dimension_semantics = [#tpu.dimension_semantics<arbitrary>], iteration_bounds = array<i64: 50>, scalar_prefetch = 0 : i64, scratch_operands = 0 : i64, tpu.core_type = #tpu.core_type<tc>, window_params = [{transform_indices = @transform_0, window_bounds = array<i64: 400, 128>}, {transform_indices = @transform_1, window_bounds = array<i64: 400, 128>}, {transform_indices = @transform_2, window_bounds = array<i64: 400, 128>}, {pipeline_mode = #tpu.pipeline_mode<synchronous>, transform_indices = @transform_3, window_bounds = array<i64: 128, 1024>}, {pipeline_mode = #tpu.pipeline_mode<synchronous>, transform_indices = @transform_4, window_bounds = array<i64: 1, 1024>}, {pipeline_mode = #tpu.pipeline_mode<synchronous>, transform_indices = @transform_5, window_bounds = array<i64: 128, 512>}, {pipeline_mode = #tpu.pipeline_mode<synchronous>, transform_indices = @transform_6, window_bounds = array<i64: 1, 512>}, {pipeline_mode = #tpu.pipeline_mode<synchronous>, transform_indices = @transform_7, window_bounds = array<i64: 32, 512>}, {pipeline_mode = #tpu.pipeline_mode<synchronous>, transform_indices = @transform_8, window_bounds = array<i64: 128, 16>}, {transform_indices = @transform_9, window_bounds = array<i64: 400, 128>}]} {
    %get3A = arith.constant 0 : index
    %get3A_0 = arith.constant 0 : index
    %get3A_1 = vector.load %arg1[%get3A, %get3A_0] : memref<400x128xf32, #tpu.memory_space<vmem>>, vector<400x128xf32>
    %get3A_2 = arith.constant 0 : index
    %get3A_3 = arith.constant 0 : index
    %get3A_4 = vector.load %arg4[%get3A_2, %get3A_3] : memref<128x1024xf32, #tpu.memory_space<vmem>>, vector<128x1024xf32>
    %dot_general3A = arith.constant dense<0.000000e+00> : vector<400x1024xf32>
    %dot_general3A_5 = tpu.matmul %get3A_1, %get3A_4, %dot_general3A {dimension_numbers = #tpu.dot_dimension_numbers<[1], [0], [0], [1], [0, 0, 1, 1], [], []>, transpose_lhs_hint = false} : vector<400x128xf32>, vector<128x1024xf32>, vector<400x1024xf32> -> vector<400x1024xf32>
    %get3A_6 = arith.constant 0 : index
    %get3A_7 = arith.constant 0 : index
    %get3A_8 = vector.load %arg5[%get3A_6, %get3A_7] : memref<1x1024xf32, #tpu.memory_space<vmem>>, vector<1x1024xf32>
    %add3A = vector.broadcast %get3A_8 : vector<1x1024xf32> to vector<400x1024xf32>
    %add3A_9 = arith.addf %dot_general3A_5, %add3A : vector<400x1024xf32>
    %max3A = arith.constant 0.000000e+00 : f32
    %max3A_10 = vector.broadcast %max3A : f32 to vector<400x1024xf32>
    %max3A_11 = arith.maximumf %add3A_9, %max3A_10 : vector<400x1024xf32>
    %slice3A = vector.extract_strided_slice %max3A_11 {offsets = [0, 0], sizes = [400, 128], strides = [1, 1]} : vector<400x1024xf32> to vector<400x128xf32>
    %slice3A_12 = vector.extract_strided_slice %max3A_11 {offsets = [0, 128], sizes = [400, 128], strides = [1, 1]} : vector<400x1024xf32> to vector<400x128xf32>
    %slice3A_13 = vector.extract_strided_slice %max3A_11 {offsets = [0, 256], sizes = [400, 128], strides = [1, 1]} : vector<400x1024xf32> to vector<400x128xf32>
    %slice3A_14 = vector.extract_strided_slice %max3A_11 {offsets = [0, 384], sizes = [400, 128], strides = [1, 1]} : vector<400x1024xf32> to vector<400x128xf32>
    %slice3A_15 = vector.extract_strided_slice %max3A_11 {offsets = [0, 512], sizes = [400, 128], strides = [1, 1]} : vector<400x1024xf32> to vector<400x128xf32>
    %slice3A_16 = vector.extract_strided_slice %max3A_11 {offsets = [0, 640], sizes = [400, 128], strides = [1, 1]} : vector<400x1024xf32> to vector<400x128xf32>
    %slice3A_17 = vector.extract_strided_slice %max3A_11 {offsets = [0, 768], sizes = [400, 128], strides = [1, 1]} : vector<400x1024xf32> to vector<400x128xf32>
    %slice3A_18 = vector.extract_strided_slice %max3A_11 {offsets = [0, 896], sizes = [400, 128], strides = [1, 1]} : vector<400x1024xf32> to vector<400x128xf32>
    %concatenate3A = tpu.concatenate %slice3A, %slice3A_12, %slice3A_13, %slice3A_14, %slice3A_15, %slice3A_16, %slice3A_17, %slice3A_18 in 0 : vector<400x128xf32>, vector<400x128xf32>, vector<400x128xf32>, vector<400x128xf32>, vector<400x128xf32>, vector<400x128xf32>, vector<400x128xf32>, vector<400x128xf32> -> vector<3200x128xf32>
    %convert_element_type3A = arith.truncf %concatenate3A : vector<3200x128xf32> to vector<3200x128xbf16>
    %get3A_19 = arith.constant 0 : index
    %get3A_20 = arith.constant 0 : index
    %get3A_21 = vector.load %arg6[%get3A_19, %get3A_20] : memref<128x512xbf16, #tpu.memory_space<vmem>>, vector<128x512xbf16>
    %dot_general3A_22 = arith.constant dense<0.000000e+00> : vector<3200x512xf32>
    %dot_general3A_23 = tpu.matmul %convert_element_type3A, %get3A_21, %dot_general3A_22 {dimension_numbers = #tpu.dot_dimension_numbers<[1], [0], [0], [1], [0, 0, 1, 1], [], []>, transpose_lhs_hint = false} : vector<3200x128xbf16>, vector<128x512xbf16>, vector<3200x512xf32> -> vector<3200x512xf32>
    %get3A_24 = arith.constant 0 : index
    %get3A_25 = arith.constant 0 : index
    %get3A_26 = vector.load %arg7[%get3A_24, %get3A_25] : memref<1x512xf32, #tpu.memory_space<vmem>>, vector<1x512xf32>
    %add3A_27 = vector.broadcast %get3A_26 : vector<1x512xf32> to vector<3200x512xf32>
    %add3A_28 = arith.addf %dot_general3A_23, %add3A_27 : vector<3200x512xf32>
    %get3A_29 = arith.constant 0 : index
    %get3A_30 = arith.constant 0 : index
    %get3A_31 = vector.load %arg2[%get3A_29, %get3A_30] : memref<400x128xf32, #tpu.memory_space<vmem>>, vector<400x128xf32>
    %slice3A_32 = vector.extract_strided_slice %get3A_31 {offsets = [0, 0], sizes = [400, 16], strides = [1, 1]} : vector<400x128xf32> to vector<400x16xf32>
    %slice3A_33 = vector.extract_strided_slice %get3A_31 {offsets = [0, 16], sizes = [400, 16], strides = [1, 1]} : vector<400x128xf32> to vector<400x16xf32>
    %slice3A_34 = vector.extract_strided_slice %get3A_31 {offsets = [0, 32], sizes = [400, 16], strides = [1, 1]} : vector<400x128xf32> to vector<400x16xf32>
    %slice3A_35 = vector.extract_strided_slice %get3A_31 {offsets = [0, 48], sizes = [400, 16], strides = [1, 1]} : vector<400x128xf32> to vector<400x16xf32>
    %slice3A_36 = vector.extract_strided_slice %get3A_31 {offsets = [0, 64], sizes = [400, 16], strides = [1, 1]} : vector<400x128xf32> to vector<400x16xf32>
    %slice3A_37 = vector.extract_strided_slice %get3A_31 {offsets = [0, 80], sizes = [400, 16], strides = [1, 1]} : vector<400x128xf32> to vector<400x16xf32>
    %slice3A_38 = vector.extract_strided_slice %get3A_31 {offsets = [0, 96], sizes = [400, 16], strides = [1, 1]} : vector<400x128xf32> to vector<400x16xf32>
    %slice3A_39 = vector.extract_strided_slice %get3A_31 {offsets = [0, 112], sizes = [400, 16], strides = [1, 1]} : vector<400x128xf32> to vector<400x16xf32>
    %concatenate3A_40 = tpu.concatenate %slice3A_32, %slice3A_33, %slice3A_34, %slice3A_35, %slice3A_36, %slice3A_37, %slice3A_38, %slice3A_39 in 0 : vector<400x16xf32>, vector<400x16xf32>, vector<400x16xf32>, vector<400x16xf32>, vector<400x16xf32>, vector<400x16xf32>, vector<400x16xf32>, vector<400x16xf32> -> vector<3200x16xf32>
    %get3A_41 = arith.constant 0 : index
    %get3A_42 = arith.constant 0 : index
    %get3A_43 = vector.load %arg3[%get3A_41, %get3A_42] : memref<400x128xf32, #tpu.memory_space<vmem>>, vector<400x128xf32>
    %slice3A_44 = vector.extract_strided_slice %get3A_43 {offsets = [0, 0], sizes = [400, 16], strides = [1, 1]} : vector<400x128xf32> to vector<400x16xf32>
    %slice3A_45 = vector.extract_strided_slice %get3A_43 {offsets = [0, 16], sizes = [400, 16], strides = [1, 1]} : vector<400x128xf32> to vector<400x16xf32>
    %slice3A_46 = vector.extract_strided_slice %get3A_43 {offsets = [0, 32], sizes = [400, 16], strides = [1, 1]} : vector<400x128xf32> to vector<400x16xf32>
    %slice3A_47 = vector.extract_strided_slice %get3A_43 {offsets = [0, 48], sizes = [400, 16], strides = [1, 1]} : vector<400x128xf32> to vector<400x16xf32>
    %slice3A_48 = vector.extract_strided_slice %get3A_43 {offsets = [0, 64], sizes = [400, 16], strides = [1, 1]} : vector<400x128xf32> to vector<400x16xf32>
    %slice3A_49 = vector.extract_strided_slice %get3A_43 {offsets = [0, 80], sizes = [400, 16], strides = [1, 1]} : vector<400x128xf32> to vector<400x16xf32>
    %slice3A_50 = vector.extract_strided_slice %get3A_43 {offsets = [0, 96], sizes = [400, 16], strides = [1, 1]} : vector<400x128xf32> to vector<400x16xf32>
    %slice3A_51 = vector.extract_strided_slice %get3A_43 {offsets = [0, 112], sizes = [400, 16], strides = [1, 1]} : vector<400x128xf32> to vector<400x16xf32>
    %concatenate3A_52 = tpu.concatenate %slice3A_44, %slice3A_45, %slice3A_46, %slice3A_47, %slice3A_48, %slice3A_49, %slice3A_50, %slice3A_51 in 0 : vector<400x16xf32>, vector<400x16xf32>, vector<400x16xf32>, vector<400x16xf32>, vector<400x16xf32>, vector<400x16xf32>, vector<400x16xf32>, vector<400x16xf32> -> vector<3200x16xf32>
    %concatenate3A_53 = tpu.concatenate %concatenate3A_40, %concatenate3A_52 in 1 : vector<3200x16xf32>, vector<3200x16xf32> -> vector<3200x32xf32>
    %convert_element_type3A_54 = arith.truncf %concatenate3A_53 : vector<3200x32xf32> to vector<3200x32xbf16>
    %get3A_55 = arith.constant 0 : index
    %get3A_56 = arith.constant 0 : index
    %get3A_57 = vector.load %arg8[%get3A_55, %get3A_56] : memref<32x512xbf16, #tpu.memory_space<vmem>>, vector<32x512xbf16>
    %dot_general3A_58 = arith.constant dense<0.000000e+00> : vector<3200x512xf32>
    %dot_general3A_59 = tpu.matmul %convert_element_type3A_54, %get3A_57, %dot_general3A_58 {dimension_numbers = #tpu.dot_dimension_numbers<[1], [0], [0], [1], [0, 0, 1, 1], [], []>, transpose_lhs_hint = false} : vector<3200x32xbf16>, vector<32x512xbf16>, vector<3200x512xf32> -> vector<3200x512xf32>
    %mul3A = arith.mulf %dot_general3A_59, %add3A_28 : vector<3200x512xf32>
    %slice3A_60 = vector.extract_strided_slice %mul3A {offsets = [0, 0], sizes = [3200, 256], strides = [1, 1]} : vector<3200x512xf32> to vector<3200x256xf32>
    %slice3A_61 = vector.extract_strided_slice %mul3A {offsets = [0, 256], sizes = [3200, 256], strides = [1, 1]} : vector<3200x512xf32> to vector<3200x256xf32>
    %add3A_62 = arith.addf %slice3A_60, %slice3A_61 : vector<3200x256xf32>
    %slice3A_63 = vector.extract_strided_slice %add3A_62 {offsets = [0, 0], sizes = [3200, 128], strides = [1, 1]} : vector<3200x256xf32> to vector<3200x128xf32>
    %slice3A_64 = vector.extract_strided_slice %add3A_62 {offsets = [0, 128], sizes = [3200, 128], strides = [1, 1]} : vector<3200x256xf32> to vector<3200x128xf32>
    %add3A_65 = arith.addf %slice3A_63, %slice3A_64 : vector<3200x128xf32>
    %get3A_66 = arith.constant 0 : index
    %get3A_67 = arith.constant 0 : index
    %get3A_68 = vector.load %arg9[%get3A_66, %get3A_67] : memref<128x16xf32, #tpu.memory_space<vmem>>, vector<128x16xf32>
    %dot_general3A_69 = arith.constant dense<0.000000e+00> : vector<3200x16xf32>
    %dot_general3A_70 = tpu.matmul %add3A_65, %get3A_68, %dot_general3A_69 {dimension_numbers = #tpu.dot_dimension_numbers<[1], [0], [0], [1], [0, 0, 1, 1], [], []>, transpose_lhs_hint = false} : vector<3200x128xf32>, vector<128x16xf32>, vector<3200x16xf32> -> vector<3200x16xf32>
    %slice3A_71 = vector.extract_strided_slice %dot_general3A_70 {offsets = [0, 0], sizes = [400, 16], strides = [1, 1]} : vector<3200x16xf32> to vector<400x16xf32>
    %slice3A_72 = vector.extract_strided_slice %dot_general3A_70 {offsets = [400, 0], sizes = [400, 16], strides = [1, 1]} : vector<3200x16xf32> to vector<400x16xf32>
    %slice3A_73 = vector.extract_strided_slice %dot_general3A_70 {offsets = [800, 0], sizes = [400, 16], strides = [1, 1]} : vector<3200x16xf32> to vector<400x16xf32>
    %slice3A_74 = vector.extract_strided_slice %dot_general3A_70 {offsets = [1200, 0], sizes = [400, 16], strides = [1, 1]} : vector<3200x16xf32> to vector<400x16xf32>
    %slice3A_75 = vector.extract_strided_slice %dot_general3A_70 {offsets = [1600, 0], sizes = [400, 16], strides = [1, 1]} : vector<3200x16xf32> to vector<400x16xf32>
    %slice3A_76 = vector.extract_strided_slice %dot_general3A_70 {offsets = [2000, 0], sizes = [400, 16], strides = [1, 1]} : vector<3200x16xf32> to vector<400x16xf32>
    %slice3A_77 = vector.extract_strided_slice %dot_general3A_70 {offsets = [2400, 0], sizes = [400, 16], strides = [1, 1]} : vector<3200x16xf32> to vector<400x16xf32>
    %slice3A_78 = vector.extract_strided_slice %dot_general3A_70 {offsets = [2800, 0], sizes = [400, 16], strides = [1, 1]} : vector<3200x16xf32> to vector<400x16xf32>
    %concatenate3A_79 = tpu.concatenate %slice3A_71, %slice3A_72, %slice3A_73, %slice3A_74, %slice3A_75, %slice3A_76, %slice3A_77, %slice3A_78 in 1 : vector<400x16xf32>, vector<400x16xf32>, vector<400x16xf32>, vector<400x16xf32>, vector<400x16xf32>, vector<400x16xf32>, vector<400x16xf32>, vector<400x16xf32> -> vector<400x128xf32>
    %swap3A = arith.constant 0 : index
    %swap3A_80 = arith.constant 0 : index
    %swap3A_81 = vector.load %arg10[%swap3A, %swap3A_80] : memref<400x128xf32, #tpu.memory_space<vmem>>, vector<400x128xf32>
    tpu.vector_store %arg10[%swap3A, %swap3A_80], %concatenate3A_79 {strides = array<i32>} : memref<400x128xf32, #tpu.memory_space<vmem>>, vector<400x128xf32>,
    return
  }
  func.func @transform_0(%arg0: i32) -> (i32, i32) {
    %c0_i32 = arith.constant 0 : i32
    %c0_i32_0 = arith.constant 0 : i32
    return %arg0, %c0_i32 : i32, i32
  }
  func.func @transform_1(%arg0: i32) -> (i32, i32) {
    %c0_i32 = arith.constant 0 : i32
    %c0_i32_0 = arith.constant 0 : i32
    return %arg0, %c0_i32 : i32, i32
  }
  func.func @transform_2(%arg0: i32) -> (i32, i32) {
    %c0_i32 = arith.constant 0 : i32
    %c0_i32_0 = arith.constant 0 : i32
    return %arg0, %c0_i32 : i32, i32
  }
  func.func @transform_3(%arg0: i32) -> (i32, i32) {
    %c0_i32 = arith.constant 0 : i32
    %c0_i32_0 = arith.constant 0 : i32
    %c0_i32_1 = arith.constant 0 : i32
    return %c0_i32, %c0_i32_0 : i32, i32
  }
  func.func @transform_4(%arg0: i32) -> (i32, i32) {
    %c0_i32 = arith.constant 0 : i32
    %c0_i32_0 = arith.constant 0 : i32
    %c0_i32_1 = arith.constant 0 : i32
    return %c0_i32, %c0_i32_0 : i32, i32
  }
  func.func @transform_5(%arg0: i32) -> (i32, i32) {
    %c0_i32 = arith.constant 0 : i32
    %c0_i32_0 = arith.constant 0 : i32
    %c0_i32_1 = arith.constant 0 : i32
    return %c0_i32, %c0_i32_0 : i32, i32
  }
  func.func @transform_6(%arg0: i32) -> (i32, i32) {
    %c0_i32 = arith.constant 0 : i32
    %c0_i32_0 = arith.constant 0 : i32
    %c0_i32_1 = arith.constant 0 : i32
    return %c0_i32, %c0_i32_0 : i32, i32
  }
  func.func @transform_7(%arg0: i32) -> (i32, i32) {
    %c0_i32 = arith.constant 0 : i32
    %c0_i32_0 = arith.constant 0 : i32
    %c0_i32_1 = arith.constant 0 : i32
    return %c0_i32, %c0_i32_0 : i32, i32
  }
  func.func @transform_8(%arg0: i32) -> (i32, i32) {
    %c0_i32 = arith.constant 0 : i32
    %c0_i32_0 = arith.constant 0 : i32
    %c0_i32_1 = arith.constant 0 : i32
    return %c0_i32, %c0_i32_0 : i32, i32
  }
  func.func @transform_9(%arg0: i32) -> (i32, i32) {
    %c0_i32 = arith.constant 0 : i32
    %c0_i32_0 = arith.constant 0 : i32
    return %arg0, %c0_i32 : i32, i32
  }
}

</mosaic_0001>

<sc_bundles>
// kernel: kernel.11.cloned.1.call-start
scs
__scs_entry_jumppad:
0x0: {  	(pc) =	sbr.rel $0x88, $3  }
0x1: {  	(tag) =	ssettag $0x0;
	lr =	simm.s32 $0x1  }
0x2: {  	[smem:$0x3F92] =	sst lr;
	_ =	strace $0xD0000000  }
0x3: {  	_ = 	snop  }
0x4: {  	_ = 	snop  }
0x5: {  	_ = 	snop  }
0x6: {  	_ = 	snop  }
0x7: {  	_ = 	snop  }
__scs_overlays_trampoline_lowered:
0x8: {  	[smem:$0x3FA1] =	sst s0  }
0x9: {  	[smem:$0x3FA2] =	sst s1  }
0xa: {  	[smem:$0x3FA3] =	sst s2  }
0xb: {  	[smem:$0x3FA4] =	sst s3  }
0xc: {  	[smem:$0x3FA5] =	sst s4  }
0xd: {  	[smem:$0x3FA6] =	sst s5  }
0xe: {  	[smem:$0x3FA7] =	sst s6  }
0xf: {  	[smem:$0x3FA8] =	sst s7  }
0x10: {  	[smem:$0x3FA9] =	sst s8  }
0x11: {  	[smem:$0x3FAA] =	sst s9;
	s0 =	simm.s32 @!p0 $0x0  }
0x12: {  	s1 =	sld [smem:$0x3F90];
	s0 =	simm.s32 @p0 $0x1  }
0x13: {  	[smem:$0x3FAB] =	sst s0;
	s0 =	simm.s32 @!p1 $0x0  }
0x14: {  	s2 =	sld [smem:$0x3F8F];
	s0 =	simm.s32 @p1 $0x1  }
0x15: {  	[smem:$0x3FAC] =	sst s0;
	s0 =	simm.s32 @!p2 $0x0  }
0x16: {  	s3 =	sld [smem:$0x3FDB];
	s0 =	simm.s32 @p2 $0x1  }
0x17: {  	s4 =	simm.s32 $0x1BF5;
	[smem:$0x3FAE] =	sst s0  }
0x18: {  	s0 =	sld [smem:$0x3F91];
	_ =	swait.ge [sflag:s4], $0x0  }
0x19: {  	s7 =	sld [smem:$0x3F92]  }
0x1a: {  	s8 =	sadd.s32 $0xFFFFE003, lr  }
0x1b: {  	s9 =	sadd.s32 $0xFFFFFEF7, lr;
	s5 =	simm.s32 $0xFFFFFFFF;
	p2 =	slt.u32 s8, $0xFFFFF086  }
0x1c: {  	p1 =	slt.u32 s9, $0xF7A;
	s5 =	simm.s32 @!p2 $0x0  }
0x1d: {  	s5 =	simm.s32 @p1 $0x1;
	p0 =	seq.s32 s7, s2  }
0x1e: {  	s7 =	smul.u32 @!p0 $0xF7A, s2;
	p2 =	seq.s32 @!p0 s5, $0x0  }
0x1f: {  	s9 =	smul.u32 $0xF7A, s1;
	s8 =	simm.s32 @!p0 $0x1BF5;
	p2 =	por !p2, p0  }
0x20: {  	[sflag:s8] =	ssyncset.s32 @!p0 $0xFFFFF086;
	s6 =	sadd.s32 @!p0 s3, s7;
	s7 =	simm.s32 @!p0 $0x108  }
0x21: {  	s3 =	sadd.s32 s3, s9;
	s6 =	sadd.s32 @!p0 $0x88, s6;
	s7 =	simm.s32 @p2 $0x1082  }
0x22: {  	[simem:s7], [sflag:s8] =	dma.local @!p0 [hbm:s6], $0xF7A  }
0x23: {  	s9 =	sor.u32 $0xD0000000, s2;
	s6 =	simm.s32 $0x108;
	_ =	swait.ge @!p0 [sflag:s8], $0x0  }
0x24: {  	s3 =	sadd.s32 $0x88, s3;
	s6 =	simm.s32 @!p1 $0x1082;
	[sflag:s4] =	ssyncset.s32 $0xFFFFF086  }
0x25: {  	[simem:s6], [sflag:s4] =	dma.local [hbm:s3], $0xF7A  }
0x26: {  	[smem:$0x3F92] =	sst s1;
	(tag) =	ssettag s2;
	_ =	strace s9  }
0x27: {  	s1 =	sld [smem:$0x3FA2]  }
0x28: {  	s2 =	sld [smem:$0x3FA3]  }
0x29: {  	s4 =	sld [smem:$0x3FA5]  }
0x2a: {  	p0 =	seq.s32 s5, $0x0;
	s5 =	sld [smem:$0x3FA6]  }
0x2b: {  	s6 =	sld [smem:$0x3FA7]  }
0x2c: {  	s7 =	sld [smem:$0x3FA8]  }
0x2d: {  	s3 =	simm.s32 $0x108;
	s8 =	sld [smem:$0x3FA9]  }
0x2e: {  	s3 =	simm.s32 @!p0 $0x1082;
	s9 =	sld [smem:$0x3FAA]  }
0x2f: {  	lr =	sadd.s32 s0, s3;
	s0 =	sld [smem:$0x3FA1]  }
0x30: {  	s3 =	sld [smem:$0x3FA4]  }
0x31: {  	[smem:$0x3FAD] =	sst s10  }
0x32: {  	s10 =	sld [smem:$0x3FAB];
	_ =	sdelay $0x3  }
0x33: {  	p0 =	seq.s32 s10, $0x1;
	s10 =	sld [smem:$0x3FAD];
	_ =	sdelay $0x3  }
0x34: {  	[smem:$0x3FAD] =	sst s10  }
0x35: {  	s10 =	sld [smem:$0x3FAC];
	_ =	sdelay $0x3  }
0x36: {  	p1 =	seq.s32 s10, $0x1;
	s10 =	sld [smem:$0x3FAD];
	_ =	sdelay $0x3  }
0x37: {  	[smem:$0x3FAD] =	sst s10  }
0x38: {  	s10 =	sld [smem:$0x3FAE]  }
0x39: {  	_ = 	snop;
	(pc) =	sbr.ind lr, $3  }
0x3a: {  	_ = 	snop  }
0x3b: {  	_ = 	snop  }
0x3c: {  	p2 =	seq.s32 s10, $0x1;
	s10 =	sld [smem:$0x3FAD]  }
0x3d: {  	_ =	shalt  }
0x3e: {  	_ =	shalt  }
0x3f: {  	_ =	shalt  }
0x40: {  	_ =	shalt  }
0x41: {  	_ =	shalt  }
0x42: {  	_ =	shalt  }
0x43: {  	_ =	shalt  }
0x44: {  	_ =	shalt  }
0x45: {  	_ =	shalt  }
0x46: {  	_ =	shalt  }
0x47: {  	_ =	shalt  }
0x48: {  	_ =	shalt  }
0x49: {  	_ =	shalt  }
0x4a: {  	_ =	shalt  }
0x4b: {  	_ =	shalt  }
0x4c: {  	_ =	shalt  }
0x4d: {  	_ =	shalt  }
0x4e: {  	_ =	shalt  }
0x4f: {  	_ =	shalt  }
0x50: {  	_ =	shalt  }
0x51: {  	_ =	shalt  }
0x52: {  	_ =	shalt  }
0x53: {  	_ =	shalt  }
0x54: {  	_ =	shalt  }
0x55: {  	_ =	shalt  }
0x56: {  	_ =	shalt  }
0x57: {  	_ =	shalt  }
0x58: {  	_ =	shalt  }
0x59: {  	_ =	shalt  }
0x5a: {  	_ =	shalt  }
0x5b: {  	_ =	shalt  }
0x5c: {  	_ =	shalt  }
0x5d: {  	_ =	shalt  }
0x5e: {  	_ =	shalt  }
0x5f: {  	_ =	shalt  }
0x60: {  	_ =	shalt  }
0x61: {  	_ =	shalt  }
0x62: {  	_ =	shalt  }
0x63: {  	_ =	shalt  }
0x64: {  	_ =	shalt  }
0x65: {  	_ =	shalt  }
0x66: {  	_ =	shalt  }
0x67: {  	_ =	shalt  }
0x68: {  	_ =	shalt  }
0x69: {  	_ =	shalt  }
0x6a: {  	_ =	shalt  }
0x6b: {  	_ =	shalt  }
0x6c: {  	_ =	shalt  }
0x6d: {  	_ =	shalt  }
0x6e: {  	_ =	shalt  }
0x6f: {  	_ =	shalt  }
0x70: {  	_ =	shalt  }
0x71: {  	_ =	shalt  }
0x72: {  	_ =	shalt  }
0x73: {  	_ =	shalt  }
0x74: {  	_ =	shalt  }
0x75: {  	_ =	shalt  }
0x76: {  	_ =	shalt  }
0x77: {  	_ =	shalt  }
0x78: {  	_ =	shalt  }
0x79: {  	_ =	shalt  }
0x7a: {  	_ =	shalt  }
0x7b: {  	_ =	shalt  }
0x7c: {  	_ =	shalt  }
0x7d: {  	_ =	shalt  }
0x7e: {  	_ =	shalt  }
0x7f: {  	_ =	shalt  }
0x80: {  	_ =	shalt  }
0x81: {  	_ =	shalt  }
0x82: {  	_ =	shalt  }
0x83: {  	_ =	shalt  }
0x84: {  	_ =	shalt  }
0x85: {  	_ =	shalt  }
0x86: {  	_ =	shalt  }
0x87: {  	_ =	shalt  }
.Lfunc_end0:
.L_simem_size_0:
called_computation_lowered:
.L_overlay_start_0:
0x88: {  	s2 =	sld [smem:$0x3FD9]  }
0x89: {  	s3 =	sld [smem:$0x3FFE];
	_ =	sdelay $0x1  }
0x8a: {  	s1 =	srdreg.scid  }
0x8b: {  	s0 =	sand.u32 $0x1, s1  }
0x8c: {  	s14 =	sshll.u32 s0, $0xA;
	s2 =	sadd.s32 s3, s2  }
0x8d: {  	s2 =	sadd.s32 s2, s14  }
0x8e: {  	[smem:$0x3FB9] =	sst s2  }
0x8f: {  	_ = 	snop  }
0x90: {  	s2 =	sld [smem:$0x3FD0];
	_ =	sdelay $0x2  }
0x91: {  	s15 =	simm.s32 $0xA;
	s4 =	simm.s32 $0x10  }
0x92: {  	[smem:s4], [sflag:s15] =	dma.local [hbm:s2], $0x1  }
0x93: {  	_ =	swait.eq [sflag:s15], $0x1  }
0x94: {  	[sflag:s15] =	ssyncset.done $0x0  }
0x95: {  	s16 =	sld [smem:$0x10];
	[sflag:s15] =	ssyncadd.s32 $0xFFFFFFFF  }
0x96: {  	s17 =	sld [smem:$0x11];
	(tm) =	ssettm $0x1  }
0x97: {  	s18 =	sld [smem:$0x3FFB];
	_ =	sdelay $0x3  }
0x98: {  	_ =	strace s18  }
0x99: {  	s4 =	sld [smem:$0x3FFC];
	_ =	sdelay $0x3  }
0x9a: {  	_ =	strace s4  }
0x9b: {  	s4 =	sld [smem:$0x3FFD];
	_ =	sdelay $0x3  }
0x9c: {  	_ =	strace s4  }
0x9d: {  	_ =	strace $0x8FFFFFFF  }
0x9e: {  	s19 =	sld [smem:$0x3FDB];
	_ =	sdelay $0x1  }
0x9f: {  	s5 =	simm.s32 $_scs_section_size  }
0xa0: {  	s6 =	simm.s32 $_size__tile_overlayer_lowered;
	s7 =	simm.s32 $_tile_overlayer_lowered  }
0xa1: {  	s22 =	simm.s32 $0x1BFF;
	s21 =	sshll.u32 s7, $0x1;
	s4 =	sadd.s32 s5, s19  }
0xa2: {  	s8 =	simm.s32 $0x0;
	s20 =	sshll.u32 s6, $0x1;
	s6 =	sadd.s32 s21, s4  }
0xa3: {  	[timem:s8], [sflag:s22] =	dma.local [hbm:s6], s20  }
0xa4: {  	_ =	swait.ge [sflag:s22], s20  }
0xa5: {  	s5 =	ssub.s32 $0x0, s20;
	[sflag:s22] =	ssyncset.done $0x0  }
0xa6: {  	[sflag:s22] =	ssyncadd.s32 s5;
	_ =	sdelay $0x1  }
0xa7: {  	s23 =	simm.s32 $0x1B8B  }
0xa8: {  	_ =	swait.ge [sflag:s23], $0x1  }
0xa9: {  	[sflag:s23] =	ssyncset.done $0x0  }
0xaa: {  	s25 =	simm.s32 $0x1B8E;
	s24 =	sld [smem:$0x3FFE];
	[sflag:s23] =	ssyncadd.s32 $0xFFFFFFFF  }
0xab: {  	s26 =	simm.s32 $execute0_lowered;
	[smem:$0x3FD2] =	sst s25  }
0xac: {  	s6 =	sshll.u32 s26, $0x1;
	_ =	strace $0x80000046;
	[dreg:$0x1] =	wrdreg $0xFFFFFFFF  }
0xad: {  	s28 =	simm.s32 $_size_execute0_lowered;
	s4 =	sadd.s32 s4, s6;
	[dreg:$0x0] =	wrdreg $0x0  }
0xae: {  	s6 =	sshll.u32 s28, $0x1;
	[dreg:$0x2] =	wrdreg s4  }
0xaf: {  	[dreg:$0x3] =	wrdreg s6  }
0xb0: {  	[dreg:$0x4] =	wrdreg $0xC0  }
0xb1: {  	_ =	task [dreg:s8], $0x5FFFF  }
0xb2: {  	[dreg:$0x1] =	wrdreg $0xFFFFFFFF  }
0xb3: {  	[dreg:$0x0] =	wrdreg $0x60  }
0xb4: {  	[dreg:$0x2] =	wrdreg s16  }
0xb5: {  	[dreg:$0x3] =	wrdreg s17  }
0xb6: {  	[dreg:$0x4] =	wrdreg s24  }
0xb7: {  	[dreg:$0x5] =	wrdreg $0x9  }
0xb8: {  	_ =	task.clear_ibuf [dreg:s8], $0x6FFFF;
	_ =	strace $0x90000046  }
0xb9: {  	s29 =	simm.s32 $0x9;
	_ =	strace $0x80000048  }
0xba: {  	_ =	swait.ge [sflag:s29], $0x1  }
0xbb: {  	[sflag:s29] =	ssyncadd.s32 $0xFFFFFFFF  }
0xbc: {  	_ =	strace $0x90000048  }
0xbd: {  	_ =	sfence  }
0xbe: {  	s30 =	sld [smem:$0x0];
	_ =	sdelay $0x2  }
0xbf: {  	s31 =	sshll.u32 s1, $0xD;
	s1 =	sshrl.u32 s1, $0x2  }
0xc0: {  	s3 =	sand.u32 $0x4000, s31;
	s1 =	sadd.s32 s1, s30  }
0xc1: {  	s0 =	sor.u32 s3, s0;
	s1 =	sshll.u32 s1, $0x11  }
0xc2: {  	s0 =	sor.u32 s1, s0  }
0xc3: {  	s0 =	sadd.s32 $0x8F2B, s0  }
0xc4: {  	[sflag:s0] =	ssyncadd.remote.s32 $0x1  }
0xc5: {  	_ =	sfence.sel $0xFFFF  }
0xc6: {  	[dreg:$0x0] =	wrdreg $0xFFFFFFFF;
	(pc) =	sbr.abs _section_cstart, $3  }
0xc7: {  	[dreg:$0x1] =	wrdreg $0xFFFFFFFF  }
0xc8: {  	_ =	task.clear_ibuf [dreg:s8], $0x2FFFF;
	_ =	strace $0x9FFFFFFF  }
0xc9: {  	(tm) =	ssettm $0x7FFFFFFF  }
tec
execute0_lowered:
.L_overlay_start_1:
0x0: {  	(tag) =	ssettag $0x1  }
0x1: {  	s1 =	rddreg [dreg:$0x0]  }
0x2: {  	s0 =	rddreg [dreg:$0x1]  }
0x3: {  	s2 =	srdreg.scid;
	s9 =	stileid.u32  }
0x4: {  	s4 =	rddreg [dreg:$0x2];
	s3 =	simm.s32 $0x0;
	s13 =	simm.s32 $0x80  }
0x5: {  	s14 =	simm.s32 $0x2800;
	s15 =	simm.s32 $0x6800;
	s16 =	simm.s32 $0x3000  }
0x6: {  	s17 =	simm.s32 $0x7000;
	s18 =	simm.s32 $0x3800;
	s19 =	simm.s32 $0x7800  }
0x7: {  	s20 =	simm.s32 $0x4000;
	s21 =	simm.s32 $0x8000;
	s22 =	simm.s32 $0x4800  }
0x8: {  	s28 =	simm.s32 $0x9800;
	s29 =	simm.s32 $0x6000;
	s30 =	simm.s32 $0xA000  }
0x9: {  	s31 =	simm.s32 $0x1;
	s2 =	sand.u32 $0x1, s2;
	s5 =	sshll.u32 s9, $0x1  }
0xa: {  	[smem:$0x7FF] =	sst s3;
	s9 =	smul.u32 $0x27100, s9;
	s10 =	sadd.s32 $0xB000, s4  }
0xb: {  	s5 =	sor.u32 s2, s5;
	s8 =	ssub.s32 $0x2, s2;
	s2 =	smul.u32 $0x13880, s2  }
0xc: {  	_ =	strace $0x80000047;
	s6 =	smul.u32 $0x280, s5;
	s11 =	sshrl.u32 s8, $0x1  }
0xd: {  	s5 =	smul.u32 $0x13880, s5;
	s8 =	ssub.s32 s8, s11;
	s2 =	sadd.s32 s2, s9  }
0xe: {  	s11 =	simm.s32 $0x3;
	s7 =	sadd.s32 s6, s4;
	s4 =	sadd.s32 $0x59200, s4  }
0xf: {  	s5 =	sshrl.u32 s5, $0x3;
	s0 =	sadd.s32 s0, s6;
	s2 =	sshrl.u32 s2, $0x3  }
0x10: {  	s26 =	smax.u32 s8, $0x1;
	[dreg:$0x4] =	wrdreg s0;
	s23 =	sadd.s32 $0x2000, s5  }
0x11: {  	s24 =	sadd.s32 $0x6000, s7;
	[dreg:$0x8] =	wrdreg s26;
	s9 =	sadd.s32 s2, s4  }
0x12: {  	s26 =	simm.s32 $0x5800;
	[dreg:$0x5] =	wrdreg s24;
	s25 =	sadd.s32 s10, s23  }
0x13: {  	s0 =	sadd.s32 s4, s23;
	s10 =	sadd.s32 s2, s10;
	s23 =	simm.s32 $0x8800  }
0x14: {  	s24 =	simm.s32 $0x5000;
	s2 =	simm.s32 $0x2;
	[dreg:$0x6] =	wrdreg s25  }
0x15: {  	[dreg:$0x7] =	wrdreg s0;
	s25 =	simm.s32 $0x9000;
	s0 =	simm.s32 $0x0  }
.LBB2_1:
0x16: {  	s4 =	rddreg [dreg:$0x4]  }
0x17: {  	[tilespmem:s3], [sflag:$0x3] =	stream.linear.gather [hbm4b:s4+s3], $0x1400, $0x38;
	[tilespmem:$0xA800] =	vst v63  }
0x18: {  	_ =	swait.ge [sflag:s11], $0x1400  }
0x19: {  	[sflag:s11] =	ssyncset.done $0x0  }
0x1a: {  	s5 =	simm.s32 $0x1400;
	s8 =	rddreg [dreg:$0x5];
	[sflag:s11] =	ssyncadd.s32 $0xFFFFEC00  }
0x1b: {  	[tilespmem:s5], [sflag:$0x3] =	stream.linear.gather [hbm4b:s8+s3], $0x1400, $0x38;
	[tilespmem:$0xA800] =	vst v63  }
0x1c: {  	_ =	swait.ge [sflag:s11], $0x1400  }
0x1d: {  	[sflag:s11] =	ssyncset.done $0x0  }
0x1e: {  	s12 =	simm.s32 $0x0;
	[sflag:s11] =	ssyncadd.s32 $0xFFFFEC00  }
0x1f: {  	[tilespmem:s14], [sflag:$0x1] =	stream.indirect.gather [hbm4b:s1+s13], $0x10, s12, s13, $0xb8;
	[tilespmem:$0xA800] =	vst v63  }
0x20: {  	s5 =	simm.s32 $0x1400  }
0x21: {  	[tilespmem:s15], [sflag:$0x2] =	stream.indirect.gather [hbm4b:s1+s13], $0x10, s5, s13, $0xb8;
	[tilespmem:$0xA800] =	vst v63  }
0x22: {  	s6 =	simm.s32 $0x80  }
0x23: {  	[tilespmem:s16], [sflag:$0x1] =	stream.indirect.gather [hbm4b:s1+s13], $0x10, s6, s13, $0xb8;
	[tilespmem:$0xA800] =	vst v63  }
0x24: {  	s7 =	simm.s32 $0x1480  }
0x25: {  	[tilespmem:s17], [sflag:$0x2] =	stream.indirect.gather [hbm4b:s1+s13], $0x10, s7, s13, $0xb8;
	[tilespmem:$0xA800] =	vst v63  }
0x26: {  	s8 =	simm.s32 $0x100  }
0x27: {  	[tilespmem:s18], [sflag:$0x1] =	stream.indirect.gather [hbm4b:s1+s13], $0x10, s8, s13, $0xb8;
	[tilespmem:$0xA800] =	vst v63  }
0x28: {  	s12 =	simm.s32 $0x1500  }
0x29: {  	[tilespmem:s19], [sflag:$0x2] =	stream.indirect.gather [hbm4b:s1+s13], $0x10, s12, s13, $0xb8;
	[tilespmem:$0xA800] =	vst v63  }
0x2a: {  	s5 =	simm.s32 $0x180  }
0x2b: {  	[tilespmem:s20], [sflag:$0x1] =	stream.indirect.gather [hbm4b:s1+s13], $0x10, s5, s13, $0xb8;
	[tilespmem:$0xA800] =	vst v63  }
0x2c: {  	s6 =	simm.s32 $0x1580  }
0x2d: {  	[tilespmem:s21], [sflag:$0x2] =	stream.indirect.gather [hbm4b:s1+s13], $0x10, s6, s13, $0xb8;
	[tilespmem:$0xA800] =	vst v63  }
0x2e: {  	s7 =	simm.s32 $0x200  }
0x2f: {  	[tilespmem:s22], [sflag:$0x1] =	stream.indirect.gather [hbm4b:s1+s13], $0x10, s7, s13, $0xb8;
	[tilespmem:$0xA800] =	vst v63  }
0x30: {  	s8 =	simm.s32 $0x1600  }
0x31: {  	[tilespmem:s23], [sflag:$0x2] =	stream.indirect.gather [hbm4b:s1+s13], $0x10, s8, s13, $0xb8;
	[tilespmem:$0xA800] =	vst v63  }
0x32: {  	s12 =	simm.s32 $0x280  }
0x33: {  	[tilespmem:s24], [sflag:$0x1] =	stream.indirect.gather [hbm4b:s1+s13], $0x10, s12, s13, $0xb8;
	[tilespmem:$0xA800] =	vst v63  }
0x34: {  	s5 =	simm.s32 $0x1680  }
0x35: {  	[tilespmem:s25], [sflag:$0x2] =	stream.indirect.gather [hbm4b:s1+s13], $0x10, s5, s13, $0xb8;
	[tilespmem:$0xA800] =	vst v63  }
0x36: {  	s6 =	simm.s32 $0x300  }
0x37: {  	[tilespmem:s26], [sflag:$0x1] =	stream.indirect.gather [hbm4b:s1+s13], $0x10, s6, s13, $0xb8;
	[tilespmem:$0xA800] =	vst v63  }
0x38: {  	s7 =	simm.s32 $0x1700  }
0x39: {  	[tilespmem:s28], [sflag:$0x2] =	stream.indirect.gather [hbm4b:s1+s13], $0x10, s7, s13, $0xb8;
	[tilespmem:$0xA800] =	vst v63  }
0x3a: {  	s8 =	simm.s32 $0x380  }
0x3b: {  	[tilespmem:s29], [sflag:$0x1] =	stream.indirect.gather [hbm4b:s1+s13], $0x10, s8, s13, $0xb8;
	[tilespmem:$0xA800] =	vst v63  }
0x3c: {  	s12 =	simm.s32 $0x1780  }
0x3d: {  	[tilespmem:s30], [sflag:$0x2] =	stream.indirect.gather [hbm4b:s1+s13], $0x10, s12, s13, $0xb8;
	[tilespmem:$0xA800] =	vst v63  }
0x3e: {  	_ =	swait.ge [sflag:s31], $0x800  }
0x3f: {  	[sflag:s31] =	ssyncset.done $0x0  }
0x40: {  	[sflag:s31] =	ssyncadd.s32 $0xFFFFF800  }
0x41: {  	_ =	swait.ge [sflag:s2], $0x800  }
0x42: {  	[sflag:s2] =	ssyncset.done $0x0  }
0x43: {  	[sflag:s2] =	ssyncadd.s32 $0xFFFFF800  }
0x44: {  	_ =	swait.ge [sflag:s31], $0x800  }
0x45: {  	[sflag:s31] =	ssyncset.done $0x0  }
0x46: {  	[sflag:s31] =	ssyncadd.s32 $0xFFFFF800  }
0x47: {  	_ =	swait.ge [sflag:s2], $0x800  }
0x48: {  	[sflag:s2] =	ssyncset.done $0x0  }
0x49: {  	[sflag:s2] =	ssyncadd.s32 $0xFFFFF800  }
0x4a: {  	_ =	swait.ge [sflag:s31], $0x800  }
0x4b: {  	[sflag:s31] =	ssyncset.done $0x0  }
0x4c: {  	[sflag:s31] =	ssyncadd.s32 $0xFFFFF800  }
0x4d: {  	_ =	swait.ge [sflag:s2], $0x800  }
0x4e: {  	[sflag:s2] =	ssyncset.done $0x0  }
0x4f: {  	[sflag:s2] =	ssyncadd.s32 $0xFFFFF800  }
0x50: {  	_ =	swait.ge [sflag:s31], $0x800  }
0x51: {  	[sflag:s31] =	ssyncset.done $0x0  }
0x52: {  	[sflag:s31] =	ssyncadd.s32 $0xFFFFF800  }
0x53: {  	_ =	swait.ge [sflag:s2], $0x800  }
0x54: {  	[sflag:s2] =	ssyncset.done $0x0  }
0x55: {  	[sflag:s2] =	ssyncadd.s32 $0xFFFFF800  }
0x56: {  	_ =	swait.ge [sflag:s31], $0x800  }
0x57: {  	[sflag:s31] =	ssyncset.done $0x0  }
0x58: {  	[sflag:s31] =	ssyncadd.s32 $0xFFFFF800  }
0x59: {  	_ =	swait.ge [sflag:s2], $0x800  }
0x5a: {  	[sflag:s2] =	ssyncset.done $0x0  }
0x5b: {  	[sflag:s2] =	ssyncadd.s32 $0xFFFFF800  }
0x5c: {  	_ =	swait.ge [sflag:s31], $0x800  }
0x5d: {  	[sflag:s31] =	ssyncset.done $0x0  }
0x5e: {  	[sflag:s31] =	ssyncadd.s32 $0xFFFFF800  }
0x5f: {  	_ =	swait.ge [sflag:s2], $0x800  }
0x60: {  	[sflag:s2] =	ssyncset.done $0x0  }
0x61: {  	[sflag:s2] =	ssyncadd.s32 $0xFFFFF800  }
0x62: {  	_ =	swait.ge [sflag:s31], $0x800  }
0x63: {  	[sflag:s31] =	ssyncset.done $0x0  }
0x64: {  	[sflag:s31] =	ssyncadd.s32 $0xFFFFF800  }
0x65: {  	_ =	swait.ge [sflag:s2], $0x800  }
0x66: {  	[sflag:s2] =	ssyncset.done $0x0  }
0x67: {  	[sflag:s2] =	ssyncadd.s32 $0xFFFFF800  }
0x68: {  	_ =	swait.ge [sflag:s31], $0x800  }
0x69: {  	[sflag:s31] =	ssyncset.done $0x0  }
0x6a: {  	[sflag:s31] =	ssyncadd.s32 $0xFFFFF800  }
0x6b: {  	_ =	swait.ge [sflag:s2], $0x800  }
0x6c: {  	[sflag:s2] =	ssyncset.done $0x0  }
0x6d: {  	[sflag:s2] =	ssyncadd.s32 $0xFFFFF800  }
0x6e: {  	[hbm4b:s10+s3] =	stream.linear.scatter [tilespmem:s14], [sflag:$0x3], $0x4000, $0x38;
	[tilespmem:$0xA800] =	vst v63  }
0x6f: {  	_ =	swait.ge [sflag:s11], $0x4000  }
0x70: {  	[sflag:s11] =	ssyncset.done $0x0  }
0x71: {  	[sflag:s11] =	ssyncadd.s32 $0xFFFFC000  }
0x72: {  	[hbm4b:s9+s3] =	stream.linear.scatter [tilespmem:s15], [sflag:$0x3], $0x4000, $0x38;
	[tilespmem:$0xA800] =	vst v63  }
0x73: {  	s4 =	sadd.s32 $0x800, s10;
	s5 =	simm.s32 $0x1000;
	_ =	swait.ge [sflag:s11], $0x4000  }
0x74: {  	s6 =	simm.s32 $0x2000;
	s12 =	sadd.s32 $0x800, s9;
	[sflag:s11] =	ssyncset.done $0x0  }
.LBB2_2:
0x75: {  	s7 =	sshra.s32 s5, $0x2  }
0x76: {  	[sflag:s11] =	ssyncadd.s32 $0xFFFFC000;
	s5 =	smov.u32 s6;
	s8 =	sadd.s32 $0x1000, s6  }
0x77: {  	[tilespmem:s14], [sflag:$0x1] =	stream.indirect.gather [hbm4b:s1+s13], $0x10, s7, s13, $0xb8;
	[tilespmem:$0xA800] =	vst v63  }
0x78: {  	p0 =	sne.s32 s6, $0x3000;
	s6 =	sadd.s32 $0x1400, s7  }
0x79: {  	[tilespmem:s15], [sflag:$0x2] =	stream.indirect.gather [hbm4b:s1+s13], $0x10, s6, s13, $0xb8;
	[tilespmem:$0xA800] =	vst v63  }
0x7a: {  	s6 =	sadd.s32 $0x80, s7  }
0x7b: {  	[tilespmem:s16], [sflag:$0x1] =	stream.indirect.gather [hbm4b:s1+s13], $0x10, s6, s13, $0xb8;
	[tilespmem:$0xA800] =	vst v63  }
0x7c: {  	s6 =	sadd.s32 $0x1480, s7  }
0x7d: {  	[tilespmem:s17], [sflag:$0x2] =	stream.indirect.gather [hbm4b:s1+s13], $0x10, s6, s13, $0xb8;
	[tilespmem:$0xA800] =	vst v63  }
0x7e: {  	s6 =	sadd.s32 $0x100, s7  }
0x7f: {  	[tilespmem:s18], [sflag:$0x1] =	stream.indirect.gather [hbm4b:s1+s13], $0x10, s6, s13, $0xb8;
	[tilespmem:$0xA800] =	vst v63  }
0x80: {  	s6 =	sadd.s32 $0x1500, s7  }
0x81: {  	[tilespmem:s19], [sflag:$0x2] =	stream.indirect.gather [hbm4b:s1+s13], $0x10, s6, s13, $0xb8;
	[tilespmem:$0xA800] =	vst v63  }
0x82: {  	s6 =	sadd.s32 $0x180, s7  }
0x83: {  	[tilespmem:s20], [sflag:$0x1] =	stream.indirect.gather [hbm4b:s1+s13], $0x10, s6, s13, $0xb8;
	[tilespmem:$0xA800] =	vst v63  }
0x84: {  	s6 =	sadd.s32 $0x1580, s7  }
0x85: {  	[tilespmem:s21], [sflag:$0x2] =	stream.indirect.gather [hbm4b:s1+s13], $0x10, s6, s13, $0xb8;
	[tilespmem:$0xA800] =	vst v63  }
0x86: {  	s6 =	sadd.s32 $0x200, s7  }
0x87: {  	[tilespmem:s22], [sflag:$0x1] =	stream.indirect.gather [hbm4b:s1+s13], $0x10, s6, s13, $0xb8;
	[tilespmem:$0xA800] =	vst v63  }
0x88: {  	s6 =	sadd.s32 $0x1600, s7  }
0x89: {  	[tilespmem:s23], [sflag:$0x2] =	stream.indirect.gather [hbm4b:s1+s13], $0x10, s6, s13, $0xb8;
	[tilespmem:$0xA800] =	vst v63  }
0x8a: {  	s6 =	sadd.s32 $0x280, s7  }
0x8b: {  	[tilespmem:s24], [sflag:$0x1] =	stream.indirect.gather [hbm4b:s1+s13], $0x10, s6, s13, $0xb8;
	[tilespmem:$0xA800] =	vst v63  }
0x8c: {  	s6 =	sadd.s32 $0x1680, s7  }
0x8d: {  	[tilespmem:s25], [sflag:$0x2] =	stream.indirect.gather [hbm4b:s1+s13], $0x10, s6, s13, $0xb8;
	[tilespmem:$0xA800] =	vst v63  }
0x8e: {  	s6 =	sadd.s32 $0x300, s7  }
0x8f: {  	[tilespmem:s26], [sflag:$0x1] =	stream.indirect.gather [hbm4b:s1+s13], $0x10, s6, s13, $0xb8;
	[tilespmem:$0xA800] =	vst v63  }
0x90: {  	s6 =	sadd.s32 $0x1700, s7  }
0x91: {  	[tilespmem:s28], [sflag:$0x2] =	stream.indirect.gather [hbm4b:s1+s13], $0x10, s6, s13, $0xb8;
	[tilespmem:$0xA800] =	vst v63  }
0x92: {  	s6 =	sadd.s32 $0x380, s7  }
0x93: {  	[tilespmem:s29], [sflag:$0x1] =	stream.indirect.gather [hbm4b:s1+s13], $0x10, s6, s13, $0xb8;
	[tilespmem:$0xA800] =	vst v63  }
0x94: {  	s6 =	sadd.s32 $0x1780, s7  }
0x95: {  	[tilespmem:s30], [sflag:$0x2] =	stream.indirect.gather [hbm4b:s1+s13], $0x10, s6, s13, $0xb8;
	[tilespmem:$0xA800] =	vst v63  }
0x96: {  	_ =	swait.ge [sflag:s31], $0x800  }
0x97: {  	[sflag:s31] =	ssyncset.done $0x0  }
0x98: {  	[sflag:s31] =	ssyncadd.s32 $0xFFFFF800  }
0x99: {  	_ =	swait.ge [sflag:s2], $0x800  }
0x9a: {  	[sflag:s2] =	ssyncset.done $0x0  }
0x9b: {  	[sflag:s2] =	ssyncadd.s32 $0xFFFFF800  }
0x9c: {  	_ =	swait.ge [sflag:s31], $0x800  }
0x9d: {  	[sflag:s31] =	ssyncset.done $0x0  }
0x9e: {  	[sflag:s31] =	ssyncadd.s32 $0xFFFFF800  }
0x9f: {  	_ =	swait.ge [sflag:s2], $0x800  }
0xa0: {  	[sflag:s2] =	ssyncset.done $0x0  }
0xa1: {  	[sflag:s2] =	ssyncadd.s32 $0xFFFFF800  }
0xa2: {  	_ =	swait.ge [sflag:s31], $0x800  }
0xa3: {  	[sflag:s31] =	ssyncset.done $0x0  }
0xa4: {  	[sflag:s31] =	ssyncadd.s32 $0xFFFFF800  }
0xa5: {  	_ =	swait.ge [sflag:s2], $0x800  }
0xa6: {  	[sflag:s2] =	ssyncset.done $0x0  }
0xa7: {  	[sflag:s2] =	ssyncadd.s32 $0xFFFFF800  }
0xa8: {  	_ =	swait.ge [sflag:s31], $0x800  }
0xa9: {  	[sflag:s31] =	ssyncset.done $0x0  }
0xaa: {  	[sflag:s31] =	ssyncadd.s32 $0xFFFFF800  }
0xab: {  	_ =	swait.ge [sflag:s2], $0x800  }
0xac: {  	[sflag:s2] =	ssyncset.done $0x0  }
0xad: {  	[sflag:s2] =	ssyncadd.s32 $0xFFFFF800  }
0xae: {  	_ =	swait.ge [sflag:s31], $0x800  }
0xaf: {  	[sflag:s31] =	ssyncset.done $0x0  }
0xb0: {  	[sflag:s31] =	ssyncadd.s32 $0xFFFFF800  }
0xb1: {  	_ =	swait.ge [sflag:s2], $0x800  }
0xb2: {  	[sflag:s2] =	ssyncset.done $0x0  }
0xb3: {  	[sflag:s2] =	ssyncadd.s32 $0xFFFFF800  }
0xb4: {  	_ =	swait.ge [sflag:s31], $0x800  }
0xb5: {  	[sflag:s31] =	ssyncset.done $0x0  }
0xb6: {  	[sflag:s31] =	ssyncadd.s32 $0xFFFFF800  }
0xb7: {  	_ =	swait.ge [sflag:s2], $0x800  }
0xb8: {  	[sflag:s2] =	ssyncset.done $0x0  }
0xb9: {  	[sflag:s2] =	ssyncadd.s32 $0xFFFFF800  }
0xba: {  	_ =	swait.ge [sflag:s31], $0x800  }
0xbb: {  	[sflag:s31] =	ssyncset.done $0x0  }
0xbc: {  	[sflag:s31] =	ssyncadd.s32 $0xFFFFF800  }
0xbd: {  	_ =	swait.ge [sflag:s2], $0x800  }
0xbe: {  	[sflag:s2] =	ssyncset.done $0x0  }
0xbf: {  	[sflag:s2] =	ssyncadd.s32 $0xFFFFF800  }
0xc0: {  	_ =	swait.ge [sflag:s31], $0x800  }
0xc1: {  	[sflag:s31] =	ssyncset.done $0x0  }
0xc2: {  	[sflag:s31] =	ssyncadd.s32 $0xFFFFF800  }
0xc3: {  	_ =	swait.ge [sflag:s2], $0x800  }
0xc4: {  	[sflag:s2] =	ssyncset.done $0x0  }
0xc5: {  	[sflag:s2] =	ssyncadd.s32 $0xFFFFF800  }
0xc6: {  	[hbm4b:s4+s3] =	stream.linear.scatter [tilespmem:s14], [sflag:$0x3], $0x4000, $0x38;
	[tilespmem:$0xA800] =	vst v63  }
0xc7: {  	_ =	swait.ge [sflag:s11], $0x4000  }
.Ltmp0:
0xc8: {  	[sflag:s11] =	ssyncset.done $0x0;
	(pc) =	sbr.rel @p0 .LBB2_2-.Ltmp0, $4  }
0xc9: {  	[sflag:s11] =	ssyncadd.s32 $0xFFFFC000  }
0xca: {  	[hbm4b:s12+s3] =	stream.linear.scatter [tilespmem:s15], [sflag:$0x3], $0x4000, $0x38;
	[tilespmem:$0xA800] =	vst v63  }
0xcb: {  	s6 =	smov.u32 s8;
	_ =	swait.ge [sflag:s11], $0x4000  }
0xcc: {  	s4 =	sadd.s32 $0x800, s4;
	s12 =	sadd.s32 $0x800, s12;
	[sflag:s11] =	ssyncset.done $0x0  }
0xcd: {  	s5 =	sshra.s32 s5, $0x2;
	[sflag:s11] =	ssyncadd.s32 $0xFFFFC000  }
0xce: {  	[tilespmem:s14], [sflag:$0x1] =	stream.indirect.gather [hbm4b:s1+s13], $0x10, s5, s13, $0xb8;
	[tilespmem:$0xA800] =	vst v63  }
0xcf: {  	s6 =	sadd.s32 $0x1400, s5  }
0xd0: {  	[tilespmem:s15], [sflag:$0x2] =	stream.indirect.gather [hbm4b:s1+s13], $0x10, s6, s13, $0xb8;
	[tilespmem:$0xA800] =	vst v63  }
0xd1: {  	s8 =	sadd.s32 $0x80, s5  }
0xd2: {  	[tilespmem:s16], [sflag:$0x1] =	stream.indirect.gather [hbm4b:s1+s13], $0x10, s8, s13, $0xb8;
	[tilespmem:$0xA800] =	vst v63  }
0xd3: {  	s7 =	sadd.s32 $0x1480, s5  }
0xd4: {  	[tilespmem:s17], [sflag:$0x2] =	stream.indirect.gather [hbm4b:s1+s13], $0x10, s7, s13, $0xb8;
	[tilespmem:$0xA800] =	vst v63  }
0xd5: {  	s8 =	sadd.s32 $0x100, s5  }
0xd6: {  	[tilespmem:s18], [sflag:$0x1] =	stream.indirect.gather [hbm4b:s1+s13], $0x10, s8, s13, $0xb8;
	[tilespmem:$0xA800] =	vst v63  }
0xd7: {  	s7 =	sadd.s32 $0x1500, s5  }
0xd8: {  	[tilespmem:s19], [sflag:$0x2] =	stream.indirect.gather [hbm4b:s1+s13], $0x10, s7, s13, $0xb8;
	[tilespmem:$0xA800] =	vst v63  }
0xd9: {  	s8 =	sadd.s32 $0x180, s5  }
0xda: {  	[tilespmem:s20], [sflag:$0x1] =	stream.indirect.gather [hbm4b:s1+s13], $0x10, s8, s13, $0xb8;
	[tilespmem:$0xA800] =	vst v63  }
0xdb: {  	s7 =	sadd.s32 $0x1580, s5  }
0xdc: {  	[tilespmem:s21], [sflag:$0x2] =	stream.indirect.gather [hbm4b:s1+s13], $0x10, s7, s13, $0xb8;
	[tilespmem:$0xA800] =	vst v63  }
0xdd: {  	s8 =	sadd.s32 $0x200, s5  }
0xde: {  	[tilespmem:s22], [sflag:$0x1] =	stream.indirect.gather [hbm4b:s1+s13], $0x10, s8, s13, $0xb8;
	[tilespmem:$0xA800] =	vst v63  }
0xdf: {  	s7 =	sadd.s32 $0x1600, s5  }
0xe0: {  	[tilespmem:s23], [sflag:$0x2] =	stream.indirect.gather [hbm4b:s1+s13], $0x10, s7, s13, $0xb8;
	[tilespmem:$0xA800] =	vst v63  }
0xe1: {  	s8 =	sadd.s32 $0x280, s5  }
0xe2: {  	[tilespmem:s24], [sflag:$0x1] =	stream.indirect.gather [hbm4b:s1+s13], $0x10, s8, s13, $0xb8;
	[tilespmem:$0xA800] =	vst v63  }
0xe3: {  	s7 =	sadd.s32 $0x1680, s5  }
0xe4: {  	[tilespmem:s25], [sflag:$0x2] =	stream.indirect.gather [hbm4b:s1+s13], $0x10, s7, s13, $0xb8;
	[tilespmem:$0xA800] =	vst v63  }
0xe5: {  	s8 =	sadd.s32 $0x300, s5  }
0xe6: {  	[tilespmem:s26], [sflag:$0x1] =	stream.indirect.gather [hbm4b:s1+s13], $0x10, s8, s13, $0xb8;
	[tilespmem:$0xA800] =	vst v63  }
0xe7: {  	s7 =	sadd.s32 $0x1700, s5  }
0xe8: {  	[tilespmem:s28], [sflag:$0x2] =	stream.indirect.gather [hbm4b:s1+s13], $0x10, s7, s13, $0xb8;
	[tilespmem:$0xA800] =	vst v63  }
0xe9: {  	s8 =	sadd.s32 $0x380, s5  }
0xea: {  	[tilespmem:s29], [sflag:$0x1] =	stream.indirect.gather [hbm4b:s1+s13], $0x10, s8, s13, $0xb8;
	[tilespmem:$0xA800] =	vst v63  }
0xeb: {  	s5 =	sadd.s32 $0x1780, s5  }
0xec: {  	[tilespmem:s30], [sflag:$0x2] =	stream.indirect.gather [hbm4b:s1+s13], $0x10, s5, s13, $0xb8;
	[tilespmem:$0xA800] =	vst v63  }
0xed: {  	_ =	swait.ge [sflag:s31], $0x800  }
0xee: {  	[sflag:s31] =	ssyncset.done $0x0  }
0xef: {  	[sflag:s31] =	ssyncadd.s32 $0xFFFFF800  }
0xf0: {  	_ =	swait.ge [sflag:s2], $0x800  }
0xf1: {  	[sflag:s2] =	ssyncset.done $0x0  }
0xf2: {  	[sflag:s2] =	ssyncadd.s32 $0xFFFFF800  }
0xf3: {  	_ =	swait.ge [sflag:s31], $0x800  }
0xf4: {  	[sflag:s31] =	ssyncset.done $0x0  }
0xf5: {  	[sflag:s31] =	ssyncadd.s32 $0xFFFFF800  }
0xf6: {  	_ =	swait.ge [sflag:s2], $0x800  }
0xf7: {  	[sflag:s2] =	ssyncset.done $0x0  }
0xf8: {  	[sflag:s2] =	ssyncadd.s32 $0xFFFFF800  }
0xf9: {  	_ =	swait.ge [sflag:s31], $0x800  }
0xfa: {  	[sflag:s31] =	ssyncset.done $0x0  }
0xfb: {  	[sflag:s31] =	ssyncadd.s32 $0xFFFFF800  }
0xfc: {  	_ =	swait.ge [sflag:s2], $0x800  }
0xfd: {  	[sflag:s2] =	ssyncset.done $0x0  }
0xfe: {  	[sflag:s2] =	ssyncadd.s32 $0xFFFFF800  }
0xff: {  	_ =	swait.ge [sflag:s31], $0x800  }
0x100: {  	[sflag:s31] =	ssyncset.done $0x0  }
0x101: {  	[sflag:s31] =	ssyncadd.s32 $0xFFFFF800  }
0x102: {  	_ =	swait.ge [sflag:s2], $0x800  }
0x103: {  	[sflag:s2] =	ssyncset.done $0x0  }
0x104: {  	[sflag:s2] =	ssyncadd.s32 $0xFFFFF800  }
0x105: {  	_ =	swait.ge [sflag:s31], $0x800  }
0x106: {  	[sflag:s31] =	ssyncset.done $0x0  }
0x107: {  	[sflag:s31] =	ssyncadd.s32 $0xFFFFF800  }
0x108: {  	_ =	swait.ge [sflag:s2], $0x800  }
0x109: {  	[sflag:s2] =	ssyncset.done $0x0  }
0x10a: {  	[sflag:s2] =	ssyncadd.s32 $0xFFFFF800  }
0x10b: {  	_ =	swait.ge [sflag:s31], $0x800  }
0x10c: {  	[sflag:s31] =	ssyncset.done $0x0  }
0x10d: {  	[sflag:s31] =	ssyncadd.s32 $0xFFFFF800  }
0x10e: {  	_ =	swait.ge [sflag:s2], $0x800  }
0x10f: {  	[sflag:s2] =	ssyncset.done $0x0  }
0x110: {  	[sflag:s2] =	ssyncadd.s32 $0xFFFFF800  }
0x111: {  	_ =	swait.ge [sflag:s31], $0x800  }
0x112: {  	[sflag:s31] =	ssyncset.done $0x0  }
0x113: {  	[sflag:s31] =	ssyncadd.s32 $0xFFFFF800  }
0x114: {  	_ =	swait.ge [sflag:s2], $0x800  }
0x115: {  	[sflag:s2] =	ssyncset.done $0x0  }
0x116: {  	[sflag:s2] =	ssyncadd.s32 $0xFFFFF800  }
0x117: {  	_ =	swait.ge [sflag:s31], $0x800  }
0x118: {  	[sflag:s31] =	ssyncset.done $0x0  }
0x119: {  	[sflag:s31] =	ssyncadd.s32 $0xFFFFF800  }
0x11a: {  	_ =	swait.ge [sflag:s2], $0x800  }
0x11b: {  	[sflag:s2] =	ssyncset.done $0x0  }
0x11c: {  	[sflag:s2] =	ssyncadd.s32 $0xFFFFF800  }
0x11d: {  	[hbm4b:s4+s3] =	stream.linear.scatter [tilespmem:s14], [sflag:$0x3], $0x4000, $0x38;
	[tilespmem:$0xA800] =	vst v63  }
0x11e: {  	_ =	swait.ge [sflag:s11], $0x4000  }
0x11f: {  	[sflag:s11] =	ssyncset.done $0x0  }
0x120: {  	[sflag:s11] =	ssyncadd.s32 $0xFFFFC000  }
0x121: {  	[hbm4b:s12+s3] =	stream.linear.scatter [tilespmem:s15], [sflag:$0x3], $0x4000, $0x38;
	[tilespmem:$0xA800] =	vst v63  }
0x122: {  	_ =	swait.ge [sflag:s11], $0x4000  }
0x123: {  	[sflag:s11] =	ssyncset.done $0x0  }
0x124: {  	s6 =	simm.s32 $0x1000;
	[sflag:s11] =	ssyncadd.s32 $0xFFFFC000  }
0x125: {  	[tilespmem:s14], [sflag:$0x1] =	stream.indirect.gather [hbm4b:s1+s13], $0x10, s6, s13, $0xb8;
	[tilespmem:$0xA800] =	vst v63  }
0x126: {  	s7 =	simm.s32 $0x2400  }
0x127: {  	[tilespmem:s15], [sflag:$0x2] =	stream.indirect.gather [hbm4b:s1+s13], $0x10, s7, s13, $0xb8;
	[tilespmem:$0xA800] =	vst v63  }
0x128: {  	s8 =	simm.s32 $0x1080  }
0x129: {  	[tilespmem:s16], [sflag:$0x1] =	stream.indirect.gather [hbm4b:s1+s13], $0x10, s8, s13, $0xb8;
	[tilespmem:$0xA800] =	vst v63  }
0x12a: {  	s12 =	simm.s32 $0x2480  }
0x12b: {  	[tilespmem:s17], [sflag:$0x2] =	stream.indirect.gather [hbm4b:s1+s13], $0x10, s12, s13, $0xb8;
	[tilespmem:$0xA800] =	vst v63  }
0x12c: {  	s5 =	simm.s32 $0x1100  }
0x12d: {  	[tilespmem:s18], [sflag:$0x1] =	stream.indirect.gather [hbm4b:s1+s13], $0x10, s5, s13, $0xb8;
	[tilespmem:$0xA800] =	vst v63  }
0x12e: {  	s6 =	simm.s32 $0x2500  }
0x12f: {  	[tilespmem:s19], [sflag:$0x2] =	stream.indirect.gather [hbm4b:s1+s13], $0x10, s6, s13, $0xb8;
	[tilespmem:$0xA800] =	vst v63  }
0x130: {  	s7 =	simm.s32 $0x1180  }
0x131: {  	[tilespmem:s20], [sflag:$0x1] =	stream.indirect.gather [hbm4b:s1+s13], $0x10, s7, s13, $0xb8;
	[tilespmem:$0xA800] =	vst v63  }
0x132: {  	s8 =	simm.s32 $0x2580  }
0x133: {  	[tilespmem:s21], [sflag:$0x2] =	stream.indirect.gather [hbm4b:s1+s13], $0x10, s8, s13, $0xb8;
	[tilespmem:$0xA800] =	vst v63  }
0x134: {  	s12 =	simm.s32 $0x1200  }
0x135: {  	[tilespmem:s22], [sflag:$0x1] =	stream.indirect.gather [hbm4b:s1+s13], $0x10, s12, s13, $0xb8;
	[tilespmem:$0xA800] =	vst v63  }
0x136: {  	s5 =	simm.s32 $0x2600  }
0x137: {  	[tilespmem:s23], [sflag:$0x2] =	stream.indirect.gather [hbm4b:s1+s13], $0x10, s5, s13, $0xb8;
	[tilespmem:$0xA800] =	vst v63  }
0x138: {  	s6 =	simm.s32 $0x1280  }
0x139: {  	[tilespmem:s24], [sflag:$0x1] =	stream.indirect.gather [hbm4b:s1+s13], $0x10, s6, s13, $0xb8;
	[tilespmem:$0xA800] =	vst v63  }
0x13a: {  	s7 =	simm.s32 $0x2680  }
0x13b: {  	[tilespmem:s25], [sflag:$0x2] =	stream.indirect.gather [hbm4b:s1+s13], $0x10, s7, s13, $0xb8;
	[tilespmem:$0xA800] =	vst v63  }
0x13c: {  	s8 =	simm.s32 $0x1300  }
0x13d: {  	[tilespmem:s26], [sflag:$0x1] =	stream.indirect.gather [hbm4b:s1+s13], $0x10, s8, s13, $0xb8;
	[tilespmem:$0xA800] =	vst v63  }
0x13e: {  	s12 =	simm.s32 $0x2700  }
0x13f: {  	[tilespmem:s28], [sflag:$0x2] =	stream.indirect.gather [hbm4b:s1+s13], $0x10, s12, s13, $0xb8;
	[tilespmem:$0xA800] =	vst v63  }
0x140: {  	s5 =	simm.s32 $0x1380  }
0x141: {  	[tilespmem:s29], [sflag:$0x1] =	stream.indirect.gather [hbm4b:s1+s13], $0x10, s5, s13, $0xb8;
	[tilespmem:$0xA800] =	vst v63  }
0x142: {  	s6 =	simm.s32 $0x2780  }
0x143: {  	[tilespmem:s30], [sflag:$0x2] =	stream.indirect.gather [hbm4b:s1+s13], $0x10, s6, s13, $0xb8;
	[tilespmem:$0xA800] =	vst v63  }
0x144: {  	_ =	swait.ge [sflag:s31], $0x800  }
0x145: {  	[sflag:s31] =	ssyncset.done $0x0  }
0x146: {  	[sflag:s31] =	ssyncadd.s32 $0xFFFFF800  }
0x147: {  	_ =	swait.ge [sflag:s2], $0x800  }
0x148: {  	[sflag:s2] =	ssyncset.done $0x0  }
0x149: {  	[sflag:s2] =	ssyncadd.s32 $0xFFFFF800  }
0x14a: {  	_ =	swait.ge [sflag:s31], $0x800  }
0x14b: {  	[sflag:s31] =	ssyncset.done $0x0  }
0x14c: {  	[sflag:s31] =	ssyncadd.s32 $0xFFFFF800  }
0x14d: {  	_ =	swait.ge [sflag:s2], $0x800  }
0x14e: {  	[sflag:s2] =	ssyncset.done $0x0  }
0x14f: {  	[sflag:s2] =	ssyncadd.s32 $0xFFFFF800  }
0x150: {  	_ =	swait.ge [sflag:s31], $0x800  }
0x151: {  	[sflag:s31] =	ssyncset.done $0x0  }
0x152: {  	[sflag:s31] =	ssyncadd.s32 $0xFFFFF800  }
0x153: {  	_ =	swait.ge [sflag:s2], $0x800  }
0x154: {  	[sflag:s2] =	ssyncset.done $0x0  }
0x155: {  	[sflag:s2] =	ssyncadd.s32 $0xFFFFF800  }
0x156: {  	_ =	swait.ge [sflag:s31], $0x800  }
0x157: {  	[sflag:s31] =	ssyncset.done $0x0  }
0x158: {  	[sflag:s31] =	ssyncadd.s32 $0xFFFFF800  }
0x159: {  	_ =	swait.ge [sflag:s2], $0x800  }
0x15a: {  	[sflag:s2] =	ssyncset.done $0x0  }
0x15b: {  	[sflag:s2] =	ssyncadd.s32 $0xFFFFF800  }
0x15c: {  	_ =	swait.ge [sflag:s31], $0x800  }
0x15d: {  	[sflag:s31] =	ssyncset.done $0x0  }
0x15e: {  	[sflag:s31] =	ssyncadd.s32 $0xFFFFF800  }
0x15f: {  	_ =	swait.ge [sflag:s2], $0x800  }
0x160: {  	[sflag:s2] =	ssyncset.done $0x0  }
0x161: {  	[sflag:s2] =	ssyncadd.s32 $0xFFFFF800  }
0x162: {  	_ =	swait.ge [sflag:s31], $0x800  }
0x163: {  	[sflag:s31] =	ssyncset.done $0x0  }
0x164: {  	[sflag:s31] =	ssyncadd.s32 $0xFFFFF800  }
0x165: {  	_ =	swait.ge [sflag:s2], $0x800  }
0x166: {  	[sflag:s2] =	ssyncset.done $0x0  }
0x167: {  	[sflag:s2] =	ssyncadd.s32 $0xFFFFF800  }
0x168: {  	_ =	swait.ge [sflag:s31], $0x800  }
0x169: {  	[sflag:s31] =	ssyncset.done $0x0  }
0x16a: {  	[sflag:s31] =	ssyncadd.s32 $0xFFFFF800  }
0x16b: {  	_ =	swait.ge [sflag:s2], $0x800  }
0x16c: {  	[sflag:s2] =	ssyncset.done $0x0  }
0x16d: {  	[sflag:s2] =	ssyncadd.s32 $0xFFFFF800  }
0x16e: {  	_ =	swait.ge [sflag:s31], $0x800  }
0x16f: {  	[sflag:s31] =	ssyncset.done $0x0  }
0x170: {  	[sflag:s31] =	ssyncadd.s32 $0xFFFFF800  }
0x171: {  	_ =	swait.ge [sflag:s2], $0x800  }
0x172: {  	[sflag:s2] =	ssyncset.done $0x0  }
0x173: {  	s7 =	rddreg [dreg:$0x6];
	[sflag:s2] =	ssyncadd.s32 $0xFFFFF800  }
0x174: {  	[hbm4b:s7+s3] =	stream.linear.scatter [tilespmem:s14], [sflag:$0x3], $0x3880, $0x38;
	[tilespmem:$0xA800] =	vst v63  }
0x175: {  	_ =	swait.ge [sflag:s11], $0x3880  }
0x176: {  	[sflag:s11] =	ssyncset.done $0x0  }
0x177: {  	s8 =	rddreg [dreg:$0x7];
	[sflag:s11] =	ssyncadd.s32 $0xFFFFC780  }
0x178: {  	[hbm4b:s8+s3] =	stream.linear.scatter [tilespmem:s15], [sflag:$0x3], $0x3880, $0x38;
	[tilespmem:$0xA800] =	vst v63  }
0x179: {  	_ =	swait.ge [sflag:s11], $0x3880  }
0x17a: {  	s0 =	sadd.s32 $0x1, s0;
	s12 =	rddreg [dreg:$0x8]  }
0x17b: {  	p0 =	sne.s32 s0, s12  }
.Ltmp1:
0x17c: {  	_ = 	snop;
	(pc) =	sbr.rel @p0 .LBB2_1-.Ltmp1, $3  }
0x17d: {  	_ =	sdelay $0x1  }
0x17e: {  	[sflag:s11] =	ssyncset.done $0x0  }
0x17f: {  	[sflag:s11] =	ssyncadd.s32 $0xFFFFC780  }
0x180: {  	_ =	sfence.sel $0x180000  }
0x181: {  	[bflag:$0x0] =	sbarrier.arrive $0xFFFF  }
0x182: {  	_ =	strace $0x90000047  }
0x183: {  	s0 =	stileid.u32;
	[bflag:$0x2] =	sbarrier.arrive $0xFFFF  }
0x184: {  	p0 =	sne.s32 s0, $0x0;
	s0 =	rddreg [dreg:$0x3]  }
0x185: {  	s0 =	sadd.s32 @!p0 $0x100000, s0  }
0x186: {  	[sflag:s0] =	ssyncadd.tile.s32 @!p0 $0x1;
	_ =	shalt  }
.Lfunc_end2:
_tile_overlayer_lowered:
.L_overlay_start_2:
0x187: {  	(tag) =	ssettag $0x2  }
0x188: {  	s0 =	rddreg [dreg:$0x0];
	s2 =	stileid.u32  }
0x189: {  	s1 =	rddreg [dreg:$0x1];
	p0 =	sne.s32 s2, $0x0  }
0x18a: {  	s3 =	rddreg [dreg:$0x2];
	[bflag:$0x3] =	sbarrier.arrive $0xFFFF;
	s2 =	simm.s32 @!p0 $0x1C03  }
0x18b: {  	[timem:s3], [sflag:s2] =	dma.local @!p0 [hbm:s0], s1  }
0x18c: {  	s0 =	simm.s32 @!p0 $0x3  }
0x18d: {  	_ =	swait.ge @!p0 [sflag:s0], s1  }
0x18e: {  	s1 =	ssub.s32 @!p0 $0x0, s1;
	[sflag:s0] =	ssyncset.done @!p0 $0x0  }
0x18f: {  	[sflag:s0] =	ssyncadd.s32 @!p0 s1  }
0x190: {  	[bflag:$0x3] =	sbarrier.arrive $0xFFFF  }
0x191: {  	_ =	shalt  }

// kernel: kernel.14.cloned.1.call-start
scs
__scs_entry_jumppad:
0x0: {  	(pc) =	sbr.rel $0x88, $3  }
0x1: {  	(tag) =	ssettag $0x0;
	lr =	simm.s32 $0x1  }
0x2: {  	[smem:$0x3F92] =	sst lr;
	_ =	strace $0xD0000000  }
0x3: {  	_ = 	snop  }
0x4: {  	_ = 	snop  }
0x5: {  	_ = 	snop  }
0x6: {  	_ = 	snop  }
0x7: {  	_ = 	snop  }
__scs_overlays_trampoline_lowered:
0x8: {  	[smem:$0x3FA1] =	sst s0  }
0x9: {  	[smem:$0x3FA2] =	sst s1  }
0xa: {  	[smem:$0x3FA3] =	sst s2  }
0xb: {  	[smem:$0x3FA4] =	sst s3  }
0xc: {  	[smem:$0x3FA5] =	sst s4  }
0xd: {  	[smem:$0x3FA6] =	sst s5  }
0xe: {  	[smem:$0x3FA7] =	sst s6  }
0xf: {  	[smem:$0x3FA8] =	sst s7  }
0x10: {  	[smem:$0x3FA9] =	sst s8  }
0x11: {  	[smem:$0x3FAA] =	sst s9;
	s0 =	simm.s32 @!p0 $0x0  }
0x12: {  	s1 =	sld [smem:$0x3F90];
	s0 =	simm.s32 @p0 $0x1  }
0x13: {  	[smem:$0x3FAB] =	sst s0;
	s0 =	simm.s32 @!p1 $0x0  }
0x14: {  	s2 =	sld [smem:$0x3F8F];
	s0 =	simm.s32 @p1 $0x1  }
0x15: {  	[smem:$0x3FAC] =	sst s0;
	s0 =	simm.s32 @!p2 $0x0  }
0x16: {  	s3 =	sld [smem:$0x3FDB];
	s0 =	simm.s32 @p2 $0x1  }
0x17: {  	s4 =	simm.s32 $0x1BF5;
	[smem:$0x3FAE] =	sst s0  }
0x18: {  	s0 =	sld [smem:$0x3F91];
	_ =	swait.ge [sflag:s4], $0x0  }
0x19: {  	s7 =	sld [smem:$0x3F92]  }
0x1a: {  	s8 =	sadd.s32 $0xFFFFE003, lr  }
0x1b: {  	s9 =	sadd.s32 $0xFFFFFEF7, lr;
	s5 =	simm.s32 $0xFFFFFFFF;
	p2 =	slt.u32 s8, $0xFFFFF086  }
0x1c: {  	p1 =	slt.u32 s9, $0xF7A;
	s5 =	simm.s32 @!p2 $0x0  }
0x1d: {  	s5 =	simm.s32 @p1 $0x1;
	p0 =	seq.s32 s7, s2  }
0x1e: {  	s7 =	smul.u32 @!p0 $0xF7A, s2;
	p2 =	seq.s32 @!p0 s5, $0x0  }
0x1f: {  	s9 =	smul.u32 $0xF7A, s1;
	s8 =	simm.s32 @!p0 $0x1BF5;
	p2 =	por !p2, p0  }
0x20: {  	[sflag:s8] =	ssyncset.s32 @!p0 $0xFFFFF086;
	s6 =	sadd.s32 @!p0 s3, s7;
	s7 =	simm.s32 @!p0 $0x108  }
0x21: {  	s3 =	sadd.s32 s3, s9;
	s6 =	sadd.s32 @!p0 $0x88, s6;
	s7 =	simm.s32 @p2 $0x1082  }
0x22: {  	[simem:s7], [sflag:s8] =	dma.local @!p0 [hbm:s6], $0xF7A  }
0x23: {  	s9 =	sor.u32 $0xD0000000, s2;
	s6 =	simm.s32 $0x108;
	_ =	swait.ge @!p0 [sflag:s8], $0x0  }
0x24: {  	s3 =	sadd.s32 $0x88, s3;
	s6 =	simm.s32 @!p1 $0x1082;
	[sflag:s4] =	ssyncset.s32 $0xFFFFF086  }
0x25: {  	[simem:s6], [sflag:s4] =	dma.local [hbm:s3], $0xF7A  }
0x26: {  	[smem:$0x3F92] =	sst s1;
	(tag) =	ssettag s2;
	_ =	strace s9  }
0x27: {  	s1 =	sld [smem:$0x3FA2]  }
0x28: {  	s2 =	sld [smem:$0x3FA3]  }
0x29: {  	s4 =	sld [smem:$0x3FA5]  }
0x2a: {  	p0 =	seq.s32 s5, $0x0;
	s5 =	sld [smem:$0x3FA6]  }
0x2b: {  	s6 =	sld [smem:$0x3FA7]  }
0x2c: {  	s7 =	sld [smem:$0x3FA8]  }
0x2d: {  	s3 =	simm.s32 $0x108;
	s8 =	sld [smem:$0x3FA9]  }
0x2e: {  	s3 =	simm.s32 @!p0 $0x1082;
	s9 =	sld [smem:$0x3FAA]  }
0x2f: {  	lr =	sadd.s32 s0, s3;
	s0 =	sld [smem:$0x3FA1]  }
0x30: {  	s3 =	sld [smem:$0x3FA4]  }
0x31: {  	[smem:$0x3FAD] =	sst s10  }
0x32: {  	s10 =	sld [smem:$0x3FAB];
	_ =	sdelay $0x3  }
0x33: {  	p0 =	seq.s32 s10, $0x1;
	s10 =	sld [smem:$0x3FAD];
	_ =	sdelay $0x3  }
0x34: {  	[smem:$0x3FAD] =	sst s10  }
0x35: {  	s10 =	sld [smem:$0x3FAC];
	_ =	sdelay $0x3  }
0x36: {  	p1 =	seq.s32 s10, $0x1;
	s10 =	sld [smem:$0x3FAD];
	_ =	sdelay $0x3  }
0x37: {  	[smem:$0x3FAD] =	sst s10  }
0x38: {  	s10 =	sld [smem:$0x3FAE]  }
0x39: {  	_ = 	snop;
	(pc) =	sbr.ind lr, $3  }
0x3a: {  	_ = 	snop  }
0x3b: {  	_ = 	snop  }
0x3c: {  	p2 =	seq.s32 s10, $0x1;
	s10 =	sld [smem:$0x3FAD]  }
0x3d: {  	_ =	shalt  }
0x3e: {  	_ =	shalt  }
0x3f: {  	_ =	shalt  }
0x40: {  	_ =	shalt  }
0x41: {  	_ =	shalt  }
0x42: {  	_ =	shalt  }
0x43: {  	_ =	shalt  }
0x44: {  	_ =	shalt  }
0x45: {  	_ =	shalt  }
0x46: {  	_ =	shalt  }
0x47: {  	_ =	shalt  }
0x48: {  	_ =	shalt  }
0x49: {  	_ =	shalt  }
0x4a: {  	_ =	shalt  }
0x4b: {  	_ =	shalt  }
0x4c: {  	_ =	shalt  }
0x4d: {  	_ =	shalt  }
0x4e: {  	_ =	shalt  }
0x4f: {  	_ =	shalt  }
0x50: {  	_ =	shalt  }
0x51: {  	_ =	shalt  }
0x52: {  	_ =	shalt  }
0x53: {  	_ =	shalt  }
0x54: {  	_ =	shalt  }
0x55: {  	_ =	shalt  }
0x56: {  	_ =	shalt  }
0x57: {  	_ =	shalt  }
0x58: {  	_ =	shalt  }
0x59: {  	_ =	shalt  }
0x5a: {  	_ =	shalt  }
0x5b: {  	_ =	shalt  }
0x5c: {  	_ =	shalt  }
0x5d: {  	_ =	shalt  }
0x5e: {  	_ =	shalt  }
0x5f: {  	_ =	shalt  }
0x60: {  	_ =	shalt  }
0x61: {  	_ =	shalt  }
0x62: {  	_ =	shalt  }
0x63: {  	_ =	shalt  }
0x64: {  	_ =	shalt  }
0x65: {  	_ =	shalt  }
0x66: {  	_ =	shalt  }
0x67: {  	_ =	shalt  }
0x68: {  	_ =	shalt  }
0x69: {  	_ =	shalt  }
0x6a: {  	_ =	shalt  }
0x6b: {  	_ =	shalt  }
0x6c: {  	_ =	shalt  }
0x6d: {  	_ =	shalt  }
0x6e: {  	_ =	shalt  }
0x6f: {  	_ =	shalt  }
0x70: {  	_ =	shalt  }
0x71: {  	_ =	shalt  }
0x72: {  	_ =	shalt  }
0x73: {  	_ =	shalt  }
0x74: {  	_ =	shalt  }
0x75: {  	_ =	shalt  }
0x76: {  	_ =	shalt  }
0x77: {  	_ =	shalt  }
0x78: {  	_ =	shalt  }
0x79: {  	_ =	shalt  }
0x7a: {  	_ =	shalt  }
0x7b: {  	_ =	shalt  }
0x7c: {  	_ =	shalt  }
0x7d: {  	_ =	shalt  }
0x7e: {  	_ =	shalt  }
0x7f: {  	_ =	shalt  }
0x80: {  	_ =	shalt  }
0x81: {  	_ =	shalt  }
0x82: {  	_ =	shalt  }
0x83: {  	_ =	shalt  }
0x84: {  	_ =	shalt  }
0x85: {  	_ =	shalt  }
0x86: {  	_ =	shalt  }
0x87: {  	_ =	shalt  }
.Lfunc_end0:
.L_simem_size_0:
called_computation.1_lowered:
.L_overlay_start_0:
0x88: {  	s2 =	sld [smem:$0x3FD9]  }
0x89: {  	s3 =	sld [smem:$0x3FFE];
	_ =	sdelay $0x1  }
0x8a: {  	s1 =	srdreg.scid  }
0x8b: {  	s0 =	sand.u32 $0x1, s1  }
0x8c: {  	s14 =	sshll.u32 s0, $0xA;
	s2 =	sadd.s32 s3, s2  }
0x8d: {  	s2 =	sadd.s32 s2, s14  }
0x8e: {  	[smem:$0x3FB9] =	sst s2  }
0x8f: {  	_ = 	snop  }
0x90: {  	s2 =	sld [smem:$0x3FD0];
	_ =	sdelay $0x2  }
0x91: {  	s15 =	simm.s32 $0xA;
	s4 =	simm.s32 $0x10  }
0x92: {  	[smem:s4], [sflag:s15] =	dma.local [hbm:s2], $0x1  }
0x93: {  	_ =	swait.eq [sflag:s15], $0x1  }
0x94: {  	[sflag:s15] =	ssyncset.done $0x0  }
0x95: {  	[sflag:s15] =	ssyncadd.s32 $0xFFFFFFFF  }
0x96: {  	s16 =	sld [smem:$0x11];
	(tm) =	ssettm $0x1  }
0x97: {  	s17 =	sld [smem:$0x3FFB];
	_ =	sdelay $0x3  }
0x98: {  	_ =	strace s17  }
0x99: {  	s3 =	sld [smem:$0x3FFC];
	_ =	sdelay $0x3  }
0x9a: {  	_ =	strace s3  }
0x9b: {  	s3 =	sld [smem:$0x3FFD];
	_ =	sdelay $0x3  }
0x9c: {  	_ =	strace s3  }
0x9d: {  	_ =	strace $0x8FFFFFFF  }
0x9e: {  	s18 =	sld [smem:$0x3FDB];
	_ =	sdelay $0x1  }
0x9f: {  	s19 =	simm.s32 $_scs_section_size  }
0xa0: {  	s5 =	simm.s32 $_size__tile_overlayer_lowered;
	s6 =	simm.s32 $_tile_overlayer_lowered  }
0xa1: {  	s22 =	simm.s32 $0x1BFF;
	s21 =	sshll.u32 s6, $0x1;
	s3 =	sadd.s32 s19, s18  }
0xa2: {  	s7 =	simm.s32 $0x0;
	s20 =	sshll.u32 s5, $0x1;
	s5 =	sadd.s32 s21, s3  }
0xa3: {  	[timem:s7], [sflag:s22] =	dma.local [hbm:s5], s20  }
0xa4: {  	_ =	swait.ge [sflag:s22], s20  }
0xa5: {  	s4 =	ssub.s32 $0x0, s20;
	[sflag:s22] =	ssyncset.done $0x0  }
0xa6: {  	[sflag:s22] =	ssyncadd.s32 s4;
	_ =	sdelay $0x1  }
0xa7: {  	s23 =	simm.s32 $0x1B8B  }
0xa8: {  	_ =	swait.ge [sflag:s23], $0x1  }
0xa9: {  	[sflag:s23] =	ssyncset.done $0x0  }
0xaa: {  	s25 =	simm.s32 $0x1B8E;
	s24 =	sld [smem:$0x3FFE];
	[sflag:s23] =	ssyncadd.s32 $0xFFFFFFFF  }
0xab: {  	s26 =	simm.s32 $execute0_lowered;
	[smem:$0x3FD2] =	sst s25  }
0xac: {  	s5 =	sshll.u32 s26, $0x1;
	_ =	strace $0x80000049;
	[dreg:$0x1] =	wrdreg $0xFFFFFFFF  }
0xad: {  	s28 =	simm.s32 $_size_execute0_lowered;
	s3 =	sadd.s32 s3, s5;
	[dreg:$0x0] =	wrdreg $0x0  }
0xae: {  	s5 =	sshll.u32 s28, $0x1;
	[dreg:$0x2] =	wrdreg s3  }
0xaf: {  	[dreg:$0x3] =	wrdreg s5  }
0xb0: {  	[dreg:$0x4] =	wrdreg $0xC0  }
0xb1: {  	_ =	task [dreg:s7], $0x5FFFF  }
0xb2: {  	[dreg:$0x1] =	wrdreg $0xFFFFFFFF  }
0xb3: {  	[dreg:$0x0] =	wrdreg $0x60  }
0xb4: {  	[dreg:$0x2] =	wrdreg s24  }
0xb5: {  	[dreg:$0x3] =	wrdreg s16  }
0xb6: {  	[dreg:$0x4] =	wrdreg $0x17B100  }
0xb7: {  	[dreg:$0x5] =	wrdreg $0x9  }
0xb8: {  	_ =	task.clear_ibuf [dreg:s7], $0x6FFFF;
	_ =	strace $0x90000049  }
0xb9: {  	s29 =	simm.s32 $0x9;
	_ =	strace $0x8000004B  }
0xba: {  	_ =	swait.ge [sflag:s29], $0x1  }
0xbb: {  	[sflag:s29] =	ssyncadd.s32 $0xFFFFFFFF  }
0xbc: {  	_ =	strace $0x9000004B  }
0xbd: {  	_ =	sfence  }
0xbe: {  	s30 =	sld [smem:$0x0];
	_ =	sdelay $0x2  }
0xbf: {  	s31 =	sshll.u32 s1, $0xD;
	s1 =	sshrl.u32 s1, $0x2  }
0xc0: {  	s3 =	sand.u32 $0x4000, s31;
	s1 =	sadd.s32 s1, s30  }
0xc1: {  	s0 =	sor.u32 s3, s0;
	s1 =	sshll.u32 s1, $0x11  }
0xc2: {  	s0 =	sor.u32 s1, s0  }
0xc3: {  	s0 =	sadd.s32 $0x8F2B, s0  }
0xc4: {  	[sflag:s0] =	ssyncadd.remote.s32 $0x1  }
0xc5: {  	_ =	sfence.sel $0xFFFF  }
0xc6: {  	[dreg:$0x0] =	wrdreg $0xFFFFFFFF;
	(pc) =	sbr.abs _section_cstart, $3  }
0xc7: {  	[dreg:$0x1] =	wrdreg $0xFFFFFFFF  }
0xc8: {  	_ =	task.clear_ibuf [dreg:s7], $0x2FFFF;
	_ =	strace $0x9FFFFFFF  }
0xc9: {  	(tm) =	ssettm $0x7FFFFFFF  }
tec
execute0_lowered:
.L_overlay_start_1:
0x0: {  	(tag) =	ssettag $0x1  }
0x1: {  	s4 =	rddreg [dreg:$0x0]  }
0x2: {  	s5 =	rddreg [dreg:$0x1]  }
0x3: {  	s2 =	rddreg [dreg:$0x2];
	s3 =	srdreg.scid  }
0x4: {  	s1 =	stileid.u32;
	s0 =	rddreg [dreg:$0x3];
	s6 =	sand.u32 $0x1, s3  }
0x5: {  	s7 =	smul.u32 $0x2710, s1;
	s3 =	simm.s32 $0x0;
	s8 =	sshll.u32 s1, $0x1  }
0x6: {  	s12 =	sshll.u32 s1, $0x6;
	s9 =	smul.u32 $0x27100, s6;
	s8 =	sor.u32 s6, s8  }
0x7: {  	[smem:$0x7FF] =	sst s3;
	s6 =	ssub.s32 $0x2, s6;
	s10 =	smul.u32 $0x2710, s8  }
0x8: {  	s12 =	sor.u32 $0x1C01, s12;
	s8 =	smul.u32 $0x280, s8;
	s31 =	sshrl.u32 s6, $0x1  }
0x9: {  	_ =	strace $0x8000004A;
	s9 =	sadd.s32 s7, s9;
	s11 =	ssub.s32 s6, s31  }
0xa: {  	s9 =	sshrl.u32 s9, $0x3;
	s10 =	sadd.s32 s10, s4;
	s5 =	sadd.s32 s5, s8  }
0xb: {  	s8 =	smax.u32 s11, $0x1;
	s11 =	simm.s32 $0x80;
	s9 =	sadd.s32 s9, s4  }
0xc: {  	s4 =	sadd.s32 s7, s2;
	s6 =	sadd.s32 $0xB000, s10;
	s10 =	simm.s32 $0x1  }
0xd: {  	v0 =	vimm.f32 $0.0e+00;
	s7 =	sadd.s32 $0x59200, s9;
	s9 =	simm.s32 $0x15400;
	s13 =	sshrl.u32 s4, $0x3  }
.LBB2_1:
0xe: {  	s14 =	simm.s32 $0x40;
	s15 =	simm.s32 $0x0  }
.LBB2_2:
0xf: {  	p0 =	sne.s32 s14, $0x9C00;
	[tilespmem:s15+$0x15400] =	vst v0;
	s15 =	smov.u32 s14;
	s14 =	sadd.s32 $0x40, s14  }
.Ltmp0:
0x10: {  	(pc) =	sbr.rel @p0 .LBB2_2-.Ltmp0, $2  }
0x11: {  	_ =	sdelay $0x2  }
0x12: {  	s15 =	sshra.s32 s15, $0x2  }
0x13: {  	[tilespmem:s15+$0x15400] =	vst v0  }
0x14: {  	[spmem:s4] =	stream.linear.scatter [tilespmem:s9], [sflag:$0x1], $0x2710, $0x38;
	[tilespmem:$0x1A220] =	vst v63  }
0x15: {  	_ =	swait.ge [sflag:s10], $0x2710  }
0x16: {  	[sflag:s10] =	ssyncset.done $0x0  }
0x17: {  	s14 =	simm.s32 $0x40;
	s15 =	simm.s32 $0x0;
	[sflag:s10] =	ssyncadd.s32 $0xFFFFD8F0  }
.LBB2_4:
0x18: {  	p0 =	sne.s32 s14, $0x1DC0;
	[tilespmem:s15+$0x14C80] =	vst v0;
	s15 =	smov.u32 s14;
	s14 =	sadd.s32 $0x40, s14  }
.Ltmp1:
0x19: {  	(pc) =	sbr.rel @p0 .LBB2_4-.Ltmp1, $2  }
0x1a: {  	_ =	sdelay $0x2  }
0x1b: {  	s15 =	sshra.s32 s15, $0x2  }
0x1c: {  	[tilespmem:s15+$0x14C80] =	vst v0  }
0x1d: {  	s30 =	simm.s32 $0x0;
	[bflag:$0x0] =	sbarrier.arrive $0xFFFF  }
0x1e: {  	[tilespmem:s30], [sflag:$0x1] =	stream.linear.gather [hbm4b:s5+s30], $0x1400, $0x38;
	[tilespmem:$0x1A220] =	vst v63  }
0x1f: {  	_ =	swait.ge [sflag:s10], $0x1400  }
0x20: {  	[sflag:s10] =	ssyncset.done $0x0  }
0x21: {  	s14 =	simm.s32 $0x1400;
	[sflag:s10] =	ssyncadd.s32 $0xFFFFEC00  }
0x22: {  	[tilespmem:s14], [sflag:$0x1] =	stream.linear.gather [hbm4b:s6+s30], $0x13880, $0x38;
	[tilespmem:$0x1A220] =	vst v63  }
0x23: {  	_ =	swait.ge [sflag:s10], $0x13880  }
0x24: {  	[sflag:s10] =	ssyncset.done $0x0  }
0x25: {  	s31 =	simm.s32 $0x0;
	[sflag:s10] =	ssyncadd.s32 $0xFFFEC780  }
0x26: {  	[spmem:s2] =	stream.indirect.scatter.add.f32 [tilespmem:s14], [sflag:$0x1], $0x10, s31, s11, $0xb8;
	[tilespmem:$0x1A220] =	vst v63  }
0x27: {  	_ =	swait.ge [sflag:s10], $0x800  }
0x28: {  	s15 =	simm.s32 $0x200;
	[sflag:s10] =	ssyncset.done $0x0  }
.LBB2_6:
0x29: {  	s16 =	sshra.s32 s15, $0x2  }
0x2a: {  	[sflag:s10] =	ssyncadd.s32 $0xFFFFF800;
	s14 =	sadd.s32 $0x800, s14;
	p0 =	sne.s32 s15, $0x4E00  }
0x2b: {  	[spmem:s2] =	stream.indirect.scatter.add.f32 [tilespmem:s14], [sflag:$0x1], $0x10, s16, s11, $0xb8;
	[tilespmem:$0x1A220] =	vst v63  }
.Ltmp2:
0x2c: {  	_ = 	snop;
	(pc) =	sbr.rel @p0 .LBB2_6-.Ltmp2, $4  }
0x2d: {  	_ = 	snop  }
0x2e: {  	s15 =	sadd.s32 $0x200, s15  }
0x2f: {  	_ =	swait.ge [sflag:s10], $0x800  }
0x30: {  	[sflag:s10] =	ssyncset.done $0x0  }
0x31: {  	s3 =	sadd.s32 $0x1, s3  }
0x32: {  	[sflag:s10] =	ssyncadd.s32 $0xFFFFF800;
	p0 =	sne.s32 s3, s8  }
.Ltmp3:
0x33: {  	[bflag:$0x0] =	sbarrier.arrive $0xFFFF;
	(pc) =	sbr.rel @p0 .LBB2_1-.Ltmp3, $4  }
0x34: {  	[hbm:s7], [sflag:s12] =	dma.local [spmem:s13], $0x4E2  }
0x35: {  	_ =	swait.ge [sflag:s10], $0x4E2  }
0x36: {  	[sflag:s10] =	ssyncset.done $0x0  }
0x37: {  	[sflag:s10] =	ssyncadd.s32 $0xFFFFFB1E  }
0x38: {  	_ =	sfence.sel $0x180000  }
0x39: {  	[bflag:$0x0] =	sbarrier.arrive $0xFFFF  }
0x3a: {  	p0 =	sne.s32 s1, $0x0;
	_ =	strace $0x9000004A  }
0x3b: {  	s0 =	sadd.s32 @!p0 $0x100000, s0;
	[bflag:$0x2] =	sbarrier.arrive $0xFFFF  }
0x3c: {  	[sflag:s0] =	ssyncadd.tile.s32 @!p0 $0x1;
	_ =	shalt  }
.Lfunc_end2:
_tile_overlayer_lowered:
.L_overlay_start_2:
0x3d: {  	(tag) =	ssettag $0x2  }
0x3e: {  	s0 =	rddreg [dreg:$0x0];
	s2 =	stileid.u32  }
0x3f: {  	s1 =	rddreg [dreg:$0x1];
	p0 =	sne.s32 s2, $0x0  }
0x40: {  	s3 =	rddreg [dreg:$0x2];
	[bflag:$0x3] =	sbarrier.arrive $0xFFFF;
	s2 =	simm.s32 @!p0 $0x1C01  }
0x41: {  	[timem:s3], [sflag:s2] =	dma.local @!p0 [hbm:s0], s1  }
0x42: {  	s0 =	simm.s32 @!p0 $0x1  }
0x43: {  	_ =	swait.ge @!p0 [sflag:s0], s1  }
0x44: {  	s1 =	ssub.s32 @!p0 $0x0, s1;
	[sflag:s0] =	ssyncset.done @!p0 $0x0  }
0x45: {  	[sflag:s0] =	ssyncadd.s32 @!p0 s1  }
0x46: {  	[bflag:$0x3] =	sbarrier.arrive $0xFFFF  }
0x47: {  	_ =	shalt  }

// kernel: kernel.17.cloned.1.call-start
scs
__scs_entry_jumppad:
0x0: {  	(pc) =	sbr.rel $0x88, $3  }
0x1: {  	(tag) =	ssettag $0x0;
	lr =	simm.s32 $0x1  }
0x2: {  	[smem:$0x3F92] =	sst lr;
	_ =	strace $0xD0000000  }
0x3: {  	_ = 	snop  }
0x4: {  	_ = 	snop  }
0x5: {  	_ = 	snop  }
0x6: {  	_ = 	snop  }
0x7: {  	_ = 	snop  }
__scs_overlays_trampoline_lowered:
0x8: {  	[smem:$0x3FA1] =	sst s0  }
0x9: {  	[smem:$0x3FA2] =	sst s1  }
0xa: {  	[smem:$0x3FA3] =	sst s2  }
0xb: {  	[smem:$0x3FA4] =	sst s3  }
0xc: {  	[smem:$0x3FA5] =	sst s4  }
0xd: {  	[smem:$0x3FA6] =	sst s5  }
0xe: {  	[smem:$0x3FA7] =	sst s6  }
0xf: {  	[smem:$0x3FA8] =	sst s7  }
0x10: {  	[smem:$0x3FA9] =	sst s8  }
0x11: {  	[smem:$0x3FAA] =	sst s9;
	s0 =	simm.s32 @!p0 $0x0  }
0x12: {  	s1 =	sld [smem:$0x3F90];
	s0 =	simm.s32 @p0 $0x1  }
0x13: {  	[smem:$0x3FAB] =	sst s0;
	s0 =	simm.s32 @!p1 $0x0  }
0x14: {  	s2 =	sld [smem:$0x3F8F];
	s0 =	simm.s32 @p1 $0x1  }
0x15: {  	[smem:$0x3FAC] =	sst s0;
	s0 =	simm.s32 @!p2 $0x0  }
0x16: {  	s3 =	sld [smem:$0x3FDB];
	s0 =	simm.s32 @p2 $0x1  }
0x17: {  	s4 =	simm.s32 $0x1BF5;
	[smem:$0x3FAE] =	sst s0  }
0x18: {  	s0 =	sld [smem:$0x3F91];
	_ =	swait.ge [sflag:s4], $0x0  }
0x19: {  	s7 =	sld [smem:$0x3F92]  }
0x1a: {  	s8 =	sadd.s32 $0xFFFFE003, lr  }
0x1b: {  	s9 =	sadd.s32 $0xFFFFFEF7, lr;
	s5 =	simm.s32 $0xFFFFFFFF;
	p2 =	slt.u32 s8, $0xFFFFF086  }
0x1c: {  	p1 =	slt.u32 s9, $0xF7A;
	s5 =	simm.s32 @!p2 $0x0  }
0x1d: {  	s5 =	simm.s32 @p1 $0x1;
	p0 =	seq.s32 s7, s2  }
0x1e: {  	s7 =	smul.u32 @!p0 $0xF7A, s2;
	p2 =	seq.s32 @!p0 s5, $0x0  }
0x1f: {  	s9 =	smul.u32 $0xF7A, s1;
	s8 =	simm.s32 @!p0 $0x1BF5;
	p2 =	por !p2, p0  }
0x20: {  	[sflag:s8] =	ssyncset.s32 @!p0 $0xFFFFF086;
	s6 =	sadd.s32 @!p0 s3, s7;
	s7 =	simm.s32 @!p0 $0x108  }
0x21: {  	s3 =	sadd.s32 s3, s9;
	s6 =	sadd.s32 @!p0 $0x88, s6;
	s7 =	simm.s32 @p2 $0x1082  }
0x22: {  	[simem:s7], [sflag:s8] =	dma.local @!p0 [hbm:s6], $0xF7A  }
0x23: {  	s9 =	sor.u32 $0xD0000000, s2;
	s6 =	simm.s32 $0x108;
	_ =	swait.ge @!p0 [sflag:s8], $0x0  }
0x24: {  	s3 =	sadd.s32 $0x88, s3;
	s6 =	simm.s32 @!p1 $0x1082;
	[sflag:s4] =	ssyncset.s32 $0xFFFFF086  }
0x25: {  	[simem:s6], [sflag:s4] =	dma.local [hbm:s3], $0xF7A  }
0x26: {  	[smem:$0x3F92] =	sst s1;
	(tag) =	ssettag s2;
	_ =	strace s9  }
0x27: {  	s1 =	sld [smem:$0x3FA2]  }
0x28: {  	s2 =	sld [smem:$0x3FA3]  }
0x29: {  	s4 =	sld [smem:$0x3FA5]  }
0x2a: {  	p0 =	seq.s32 s5, $0x0;
	s5 =	sld [smem:$0x3FA6]  }
0x2b: {  	s6 =	sld [smem:$0x3FA7]  }
0x2c: {  	s7 =	sld [smem:$0x3FA8]  }
0x2d: {  	s3 =	simm.s32 $0x108;
	s8 =	sld [smem:$0x3FA9]  }
0x2e: {  	s3 =	simm.s32 @!p0 $0x1082;
	s9 =	sld [smem:$0x3FAA]  }
0x2f: {  	lr =	sadd.s32 s0, s3;
	s0 =	sld [smem:$0x3FA1]  }
0x30: {  	s3 =	sld [smem:$0x3FA4]  }
0x31: {  	[smem:$0x3FAD] =	sst s10  }
0x32: {  	s10 =	sld [smem:$0x3FAB];
	_ =	sdelay $0x3  }
0x33: {  	p0 =	seq.s32 s10, $0x1;
	s10 =	sld [smem:$0x3FAD];
	_ =	sdelay $0x3  }
0x34: {  	[smem:$0x3FAD] =	sst s10  }
0x35: {  	s10 =	sld [smem:$0x3FAC];
	_ =	sdelay $0x3  }
0x36: {  	p1 =	seq.s32 s10, $0x1;
	s10 =	sld [smem:$0x3FAD];
	_ =	sdelay $0x3  }
0x37: {  	[smem:$0x3FAD] =	sst s10  }
0x38: {  	s10 =	sld [smem:$0x3FAE]  }
0x39: {  	_ = 	snop;
	(pc) =	sbr.ind lr, $3  }
0x3a: {  	_ = 	snop  }
0x3b: {  	_ = 	snop  }
0x3c: {  	p2 =	seq.s32 s10, $0x1;
	s10 =	sld [smem:$0x3FAD]  }
0x3d: {  	_ =	shalt  }
0x3e: {  	_ =	shalt  }
0x3f: {  	_ =	shalt  }
0x40: {  	_ =	shalt  }
0x41: {  	_ =	shalt  }
0x42: {  	_ =	shalt  }
0x43: {  	_ =	shalt  }
0x44: {  	_ =	shalt  }
0x45: {  	_ =	shalt  }
0x46: {  	_ =	shalt  }
0x47: {  	_ =	shalt  }
0x48: {  	_ =	shalt  }
0x49: {  	_ =	shalt  }
0x4a: {  	_ =	shalt  }
0x4b: {  	_ =	shalt  }
0x4c: {  	_ =	shalt  }
0x4d: {  	_ =	shalt  }
0x4e: {  	_ =	shalt  }
0x4f: {  	_ =	shalt  }
0x50: {  	_ =	shalt  }
0x51: {  	_ =	shalt  }
0x52: {  	_ =	shalt  }
0x53: {  	_ =	shalt  }
0x54: {  	_ =	shalt  }
0x55: {  	_ =	shalt  }
0x56: {  	_ =	shalt  }
0x57: {  	_ =	shalt  }
0x58: {  	_ =	shalt  }
0x59: {  	_ =	shalt  }
0x5a: {  	_ =	shalt  }
0x5b: {  	_ =	shalt  }
0x5c: {  	_ =	shalt  }
0x5d: {  	_ =	shalt  }
0x5e: {  	_ =	shalt  }
0x5f: {  	_ =	shalt  }
0x60: {  	_ =	shalt  }
0x61: {  	_ =	shalt  }
0x62: {  	_ =	shalt  }
0x63: {  	_ =	shalt  }
0x64: {  	_ =	shalt  }
0x65: {  	_ =	shalt  }
0x66: {  	_ =	shalt  }
0x67: {  	_ =	shalt  }
0x68: {  	_ =	shalt  }
0x69: {  	_ =	shalt  }
0x6a: {  	_ =	shalt  }
0x6b: {  	_ =	shalt  }
0x6c: {  	_ =	shalt  }
0x6d: {  	_ =	shalt  }
0x6e: {  	_ =	shalt  }
0x6f: {  	_ =	shalt  }
0x70: {  	_ =	shalt  }
0x71: {  	_ =	shalt  }
0x72: {  	_ =	shalt  }
0x73: {  	_ =	shalt  }
0x74: {  	_ =	shalt  }
0x75: {  	_ =	shalt  }
0x76: {  	_ =	shalt  }
0x77: {  	_ =	shalt  }
0x78: {  	_ =	shalt  }
0x79: {  	_ =	shalt  }
0x7a: {  	_ =	shalt  }
0x7b: {  	_ =	shalt  }
0x7c: {  	_ =	shalt  }
0x7d: {  	_ =	shalt  }
0x7e: {  	_ =	shalt  }
0x7f: {  	_ =	shalt  }
0x80: {  	_ =	shalt  }
0x81: {  	_ =	shalt  }
0x82: {  	_ =	shalt  }
0x83: {  	_ =	shalt  }
0x84: {  	_ =	shalt  }
0x85: {  	_ =	shalt  }
0x86: {  	_ =	shalt  }
0x87: {  	_ =	shalt  }
.Lfunc_end0:
.L_simem_size_0:
called_computation.2_lowered:
.L_overlay_start_0:
0x88: {  	s2 =	sld [smem:$0x3FD9]  }
0x89: {  	s3 =	sld [smem:$0x3FFE];
	_ =	sdelay $0x1  }
0x8a: {  	s1 =	srdreg.scid  }
0x8b: {  	s0 =	sand.u32 $0x1, s1  }
0x8c: {  	s14 =	sshll.u32 s0, $0xA;
	s2 =	sadd.s32 s3, s2  }
0x8d: {  	s2 =	sadd.s32 s2, s14  }
0x8e: {  	[smem:$0x3FB9] =	sst s2  }
0x8f: {  	_ = 	snop  }
0x90: {  	s2 =	sld [smem:$0x3FD0];
	_ =	sdelay $0x2  }
0x91: {  	s15 =	simm.s32 $0xA;
	s4 =	simm.s32 $0x10  }
0x92: {  	[smem:s4], [sflag:s15] =	dma.local [hbm:s2], $0x1  }
0x93: {  	_ =	swait.eq [sflag:s15], $0x1  }
0x94: {  	[sflag:s15] =	ssyncset.done $0x0  }
0x95: {  	s16 =	sld [smem:$0x10];
	[sflag:s15] =	ssyncadd.s32 $0xFFFFFFFF  }
0x96: {  	s17 =	sld [smem:$0x11];
	(tm) =	ssettm $0x1  }
0x97: {  	s18 =	sld [smem:$0x3FFB];
	_ =	sdelay $0x3  }
0x98: {  	_ =	strace s18  }
0x99: {  	s4 =	sld [smem:$0x3FFC];
	_ =	sdelay $0x3  }
0x9a: {  	_ =	strace s4  }
0x9b: {  	s4 =	sld [smem:$0x3FFD];
	_ =	sdelay $0x3  }
0x9c: {  	_ =	strace s4  }
0x9d: {  	_ =	strace $0x8FFFFFFF  }
0x9e: {  	s19 =	sld [smem:$0x3FDB];
	_ =	sdelay $0x1  }
0x9f: {  	s5 =	simm.s32 $_scs_section_size  }
0xa0: {  	s6 =	simm.s32 $_size__tile_overlayer_lowered;
	s7 =	simm.s32 $_tile_overlayer_lowered  }
0xa1: {  	s22 =	simm.s32 $0x1BFF;
	s21 =	sshll.u32 s7, $0x1;
	s4 =	sadd.s32 s5, s19  }
0xa2: {  	s8 =	simm.s32 $0x0;
	s20 =	sshll.u32 s6, $0x1;
	s6 =	sadd.s32 s21, s4  }
0xa3: {  	[timem:s8], [sflag:s22] =	dma.local [hbm:s6], s20  }
0xa4: {  	_ =	swait.ge [sflag:s22], s20  }
0xa5: {  	s5 =	ssub.s32 $0x0, s20;
	[sflag:s22] =	ssyncset.done $0x0  }
0xa6: {  	[sflag:s22] =	ssyncadd.s32 s5;
	_ =	sdelay $0x1  }
0xa7: {  	s23 =	simm.s32 $0x1B8B  }
0xa8: {  	_ =	swait.ge [sflag:s23], $0x1  }
0xa9: {  	[sflag:s23] =	ssyncset.done $0x0  }
0xaa: {  	s25 =	simm.s32 $0x1B8E;
	s24 =	sld [smem:$0x3FFE];
	[sflag:s23] =	ssyncadd.s32 $0xFFFFFFFF  }
0xab: {  	s26 =	simm.s32 $execute0_lowered;
	[smem:$0x3FD2] =	sst s25  }
0xac: {  	s6 =	sshll.u32 s26, $0x1;
	_ =	strace $0x8000004C;
	[dreg:$0x1] =	wrdreg $0xFFFFFFFF  }
0xad: {  	s28 =	simm.s32 $_size_execute0_lowered;
	s4 =	sadd.s32 s4, s6;
	[dreg:$0x0] =	wrdreg $0x0  }
0xae: {  	s6 =	sshll.u32 s28, $0x1;
	[dreg:$0x2] =	wrdreg s4  }
0xaf: {  	[dreg:$0x3] =	wrdreg s6  }
0xb0: {  	[dreg:$0x4] =	wrdreg $0xC0  }
0xb1: {  	_ =	task [dreg:s8], $0x5FFFF  }
0xb2: {  	[dreg:$0x1] =	wrdreg $0xFFFFFFFF  }
0xb3: {  	[dreg:$0x0] =	wrdreg $0x60  }
0xb4: {  	[dreg:$0x2] =	wrdreg s16  }
0xb5: {  	[dreg:$0x3] =	wrdreg s17  }
0xb6: {  	[dreg:$0x4] =	wrdreg s24  }
0xb7: {  	[dreg:$0x5] =	wrdreg $0x9  }
0xb8: {  	_ =	task.clear_ibuf [dreg:s8], $0x6FFFF;
	_ =	strace $0x9000004C  }
0xb9: {  	s29 =	simm.s32 $0x9;
	_ =	strace $0x8000004E  }
0xba: {  	_ =	swait.ge [sflag:s29], $0x1  }
0xbb: {  	[sflag:s29] =	ssyncadd.s32 $0xFFFFFFFF  }
0xbc: {  	_ =	strace $0x9000004E  }
0xbd: {  	_ =	sfence  }
0xbe: {  	s30 =	sld [smem:$0x0];
	_ =	sdelay $0x2  }
0xbf: {  	s31 =	sshll.u32 s1, $0xD;
	s1 =	sshrl.u32 s1, $0x2  }
0xc0: {  	s3 =	sand.u32 $0x4000, s31;
	s1 =	sadd.s32 s1, s30  }
0xc1: {  	s0 =	sor.u32 s3, s0;
	s1 =	sshll.u32 s1, $0x11  }
0xc2: {  	s0 =	sor.u32 s1, s0  }
0xc3: {  	s0 =	sadd.s32 $0x8F2B, s0  }
0xc4: {  	[sflag:s0] =	ssyncadd.remote.s32 $0x1  }
0xc5: {  	_ =	sfence.sel $0xFFFF  }
0xc6: {  	[dreg:$0x0] =	wrdreg $0xFFFFFFFF;
	(pc) =	sbr.abs _section_cstart, $3  }
0xc7: {  	[dreg:$0x1] =	wrdreg $0xFFFFFFFF  }
0xc8: {  	_ =	task.clear_ibuf [dreg:s8], $0x2FFFF;
	_ =	strace $0x9FFFFFFF  }
0xc9: {  	(tm) =	ssettm $0x7FFFFFFF  }
tec
execute0_lowered:
.L_overlay_start_1:
0x0: {  	(tag) =	ssettag $0x1  }
0x1: {  	s1 =	rddreg [dreg:$0x0]  }
0x2: {  	s0 =	rddreg [dreg:$0x1]  }
0x3: {  	s2 =	srdreg.scid;
	s9 =	stileid.u32  }
0x4: {  	s4 =	rddreg [dreg:$0x2];
	s3 =	simm.s32 $0x0;
	s13 =	simm.s32 $0x80  }
0x5: {  	s14 =	simm.s32 $0x2800;
	s15 =	simm.s32 $0x6800;
	s16 =	simm.s32 $0x3000  }
0x6: {  	s17 =	simm.s32 $0x7000;
	s18 =	simm.s32 $0x3800;
	s19 =	simm.s32 $0x7800  }
0x7: {  	s20 =	simm.s32 $0x4000;
	s21 =	simm.s32 $0x8000;
	s22 =	simm.s32 $0x4800  }
0x8: {  	s28 =	simm.s32 $0x9800;
	s29 =	simm.s32 $0x6000;
	s30 =	simm.s32 $0xA000  }
0x9: {  	s31 =	simm.s32 $0x1;
	s2 =	sand.u32 $0x1, s2;
	s5 =	sshll.u32 s9, $0x1  }
0xa: {  	[smem:$0x7FF] =	sst s3;
	s9 =	smul.u32 $0x27100, s9;
	s10 =	sadd.s32 $0xB000, s4  }
0xb: {  	s5 =	sor.u32 s2, s5;
	s8 =	ssub.s32 $0x2, s2;
	s2 =	smul.u32 $0x13880, s2  }
0xc: {  	_ =	strace $0x8000004D;
	s6 =	smul.u32 $0x280, s5;
	s11 =	sshrl.u32 s8, $0x1  }
0xd: {  	s5 =	smul.u32 $0x13880, s5;
	s8 =	ssub.s32 s8, s11;
	s2 =	sadd.s32 s2, s9  }
0xe: {  	s11 =	simm.s32 $0x3;
	s7 =	sadd.s32 s6, s4;
	s4 =	sadd.s32 $0x59200, s4  }
0xf: {  	s5 =	sshrl.u32 s5, $0x3;
	s0 =	sadd.s32 s0, s6;
	s2 =	sshrl.u32 s2, $0x3  }
0x10: {  	s26 =	smax.u32 s8, $0x1;
	[dreg:$0x4] =	wrdreg s0;
	s23 =	sadd.s32 $0x2000, s5  }
0x11: {  	s24 =	sadd.s32 $0x6000, s7;
	[dreg:$0x8] =	wrdreg s26;
	s9 =	sadd.s32 s2, s4  }
0x12: {  	s26 =	simm.s32 $0x5800;
	[dreg:$0x5] =	wrdreg s24;
	s25 =	sadd.s32 s10, s23  }
0x13: {  	s0 =	sadd.s32 s4, s23;
	s10 =	sadd.s32 s2, s10;
	s23 =	simm.s32 $0x8800  }
0x14: {  	s24 =	simm.s32 $0x5000;
	s2 =	simm.s32 $0x2;
	[dreg:$0x6] =	wrdreg s25  }
0x15: {  	[dreg:$0x7] =	wrdreg s0;
	s25 =	simm.s32 $0x9000;
	s0 =	simm.s32 $0x0  }
.LBB2_1:
0x16: {  	s4 =	rddreg [dreg:$0x4]  }
0x17: {  	[tilespmem:s3], [sflag:$0x3] =	stream.linear.gather [hbm4b:s4+s3], $0x1400, $0x38;
	[tilespmem:$0xA800] =	vst v63  }
0x18: {  	_ =	swait.ge [sflag:s11], $0x1400  }
0x19: {  	[sflag:s11] =	ssyncset.done $0x0  }
0x1a: {  	s5 =	simm.s32 $0x1400;
	s8 =	rddreg [dreg:$0x5];
	[sflag:s11] =	ssyncadd.s32 $0xFFFFEC00  }
0x1b: {  	[tilespmem:s5], [sflag:$0x3] =	stream.linear.gather [hbm4b:s8+s3], $0x1400, $0x38;
	[tilespmem:$0xA800] =	vst v63  }
0x1c: {  	_ =	swait.ge [sflag:s11], $0x1400  }
0x1d: {  	[sflag:s11] =	ssyncset.done $0x0  }
0x1e: {  	s12 =	simm.s32 $0x0;
	[sflag:s11] =	ssyncadd.s32 $0xFFFFEC00  }
0x1f: {  	[tilespmem:s14], [sflag:$0x1] =	stream.indirect.gather [hbm4b:s1+s13], $0x10, s12, s13, $0xb8;
	[tilespmem:$0xA800] =	vst v63  }
0x20: {  	s5 =	simm.s32 $0x1400  }
0x21: {  	[tilespmem:s15], [sflag:$0x2] =	stream.indirect.gather [hbm4b:s1+s13], $0x10, s5, s13, $0xb8;
	[tilespmem:$0xA800] =	vst v63  }
0x22: {  	s6 =	simm.s32 $0x80  }
0x23: {  	[tilespmem:s16], [sflag:$0x1] =	stream.indirect.gather [hbm4b:s1+s13], $0x10, s6, s13, $0xb8;
	[tilespmem:$0xA800] =	vst v63  }
0x24: {  	s7 =	simm.s32 $0x1480  }
0x25: {  	[tilespmem:s17], [sflag:$0x2] =	stream.indirect.gather [hbm4b:s1+s13], $0x10, s7, s13, $0xb8;
	[tilespmem:$0xA800] =	vst v63  }
0x26: {  	s8 =	simm.s32 $0x100  }
0x27: {  	[tilespmem:s18], [sflag:$0x1] =	stream.indirect.gather [hbm4b:s1+s13], $0x10, s8, s13, $0xb8;
	[tilespmem:$0xA800] =	vst v63  }
0x28: {  	s12 =	simm.s32 $0x1500  }
0x29: {  	[tilespmem:s19], [sflag:$0x2] =	stream.indirect.gather [hbm4b:s1+s13], $0x10, s12, s13, $0xb8;
	[tilespmem:$0xA800] =	vst v63  }
0x2a: {  	s5 =	simm.s32 $0x180  }
0x2b: {  	[tilespmem:s20], [sflag:$0x1] =	stream.indirect.gather [hbm4b:s1+s13], $0x10, s5, s13, $0xb8;
	[tilespmem:$0xA800] =	vst v63  }
0x2c: {  	s6 =	simm.s32 $0x1580  }
0x2d: {  	[tilespmem:s21], [sflag:$0x2] =	stream.indirect.gather [hbm4b:s1+s13], $0x10, s6, s13, $0xb8;
	[tilespmem:$0xA800] =	vst v63  }
0x2e: {  	s7 =	simm.s32 $0x200  }
0x2f: {  	[tilespmem:s22], [sflag:$0x1] =	stream.indirect.gather [hbm4b:s1+s13], $0x10, s7, s13, $0xb8;
	[tilespmem:$0xA800] =	vst v63  }
0x30: {  	s8 =	simm.s32 $0x1600  }
0x31: {  	[tilespmem:s23], [sflag:$0x2] =	stream.indirect.gather [hbm4b:s1+s13], $0x10, s8, s13, $0xb8;
	[tilespmem:$0xA800] =	vst v63  }
0x32: {  	s12 =	simm.s32 $0x280  }
0x33: {  	[tilespmem:s24], [sflag:$0x1] =	stream.indirect.gather [hbm4b:s1+s13], $0x10, s12, s13, $0xb8;
	[tilespmem:$0xA800] =	vst v63  }
0x34: {  	s5 =	simm.s32 $0x1680  }
0x35: {  	[tilespmem:s25], [sflag:$0x2] =	stream.indirect.gather [hbm4b:s1+s13], $0x10, s5, s13, $0xb8;
	[tilespmem:$0xA800] =	vst v63  }
0x36: {  	s6 =	simm.s32 $0x300  }
0x37: {  	[tilespmem:s26], [sflag:$0x1] =	stream.indirect.gather [hbm4b:s1+s13], $0x10, s6, s13, $0xb8;
	[tilespmem:$0xA800] =	vst v63  }
0x38: {  	s7 =	simm.s32 $0x1700  }
0x39: {  	[tilespmem:s28], [sflag:$0x2] =	stream.indirect.gather [hbm4b:s1+s13], $0x10, s7, s13, $0xb8;
	[tilespmem:$0xA800] =	vst v63  }
0x3a: {  	s8 =	simm.s32 $0x380  }
0x3b: {  	[tilespmem:s29], [sflag:$0x1] =	stream.indirect.gather [hbm4b:s1+s13], $0x10, s8, s13, $0xb8;
	[tilespmem:$0xA800] =	vst v63  }
0x3c: {  	s12 =	simm.s32 $0x1780  }
0x3d: {  	[tilespmem:s30], [sflag:$0x2] =	stream.indirect.gather [hbm4b:s1+s13], $0x10, s12, s13, $0xb8;
	[tilespmem:$0xA800] =	vst v63  }
0x3e: {  	_ =	swait.ge [sflag:s31], $0x800  }
0x3f: {  	[sflag:s31] =	ssyncset.done $0x0  }
0x40: {  	[sflag:s31] =	ssyncadd.s32 $0xFFFFF800  }
0x41: {  	_ =	swait.ge [sflag:s2], $0x800  }
0x42: {  	[sflag:s2] =	ssyncset.done $0x0  }
0x43: {  	[sflag:s2] =	ssyncadd.s32 $0xFFFFF800  }
0x44: {  	_ =	swait.ge [sflag:s31], $0x800  }
0x45: {  	[sflag:s31] =	ssyncset.done $0x0  }
0x46: {  	[sflag:s31] =	ssyncadd.s32 $0xFFFFF800  }
0x47: {  	_ =	swait.ge [sflag:s2], $0x800  }
0x48: {  	[sflag:s2] =	ssyncset.done $0x0  }
0x49: {  	[sflag:s2] =	ssyncadd.s32 $0xFFFFF800  }
0x4a: {  	_ =	swait.ge [sflag:s31], $0x800  }
0x4b: {  	[sflag:s31] =	ssyncset.done $0x0  }
0x4c: {  	[sflag:s31] =	ssyncadd.s32 $0xFFFFF800  }
0x4d: {  	_ =	swait.ge [sflag:s2], $0x800  }
0x4e: {  	[sflag:s2] =	ssyncset.done $0x0  }
0x4f: {  	[sflag:s2] =	ssyncadd.s32 $0xFFFFF800  }
0x50: {  	_ =	swait.ge [sflag:s31], $0x800  }
0x51: {  	[sflag:s31] =	ssyncset.done $0x0  }
0x52: {  	[sflag:s31] =	ssyncadd.s32 $0xFFFFF800  }
0x53: {  	_ =	swait.ge [sflag:s2], $0x800  }
0x54: {  	[sflag:s2] =	ssyncset.done $0x0  }
0x55: {  	[sflag:s2] =	ssyncadd.s32 $0xFFFFF800  }
0x56: {  	_ =	swait.ge [sflag:s31], $0x800  }
0x57: {  	[sflag:s31] =	ssyncset.done $0x0  }
0x58: {  	[sflag:s31] =	ssyncadd.s32 $0xFFFFF800  }
0x59: {  	_ =	swait.ge [sflag:s2], $0x800  }
0x5a: {  	[sflag:s2] =	ssyncset.done $0x0  }
0x5b: {  	[sflag:s2] =	ssyncadd.s32 $0xFFFFF800  }
0x5c: {  	_ =	swait.ge [sflag:s31], $0x800  }
0x5d: {  	[sflag:s31] =	ssyncset.done $0x0  }
0x5e: {  	[sflag:s31] =	ssyncadd.s32 $0xFFFFF800  }
0x5f: {  	_ =	swait.ge [sflag:s2], $0x800  }
0x60: {  	[sflag:s2] =	ssyncset.done $0x0  }
0x61: {  	[sflag:s2] =	ssyncadd.s32 $0xFFFFF800  }
0x62: {  	_ =	swait.ge [sflag:s31], $0x800  }
0x63: {  	[sflag:s31] =	ssyncset.done $0x0  }
0x64: {  	[sflag:s31] =	ssyncadd.s32 $0xFFFFF800  }
0x65: {  	_ =	swait.ge [sflag:s2], $0x800  }
0x66: {  	[sflag:s2] =	ssyncset.done $0x0  }
0x67: {  	[sflag:s2] =	ssyncadd.s32 $0xFFFFF800  }
0x68: {  	_ =	swait.ge [sflag:s31], $0x800  }
0x69: {  	[sflag:s31] =	ssyncset.done $0x0  }
0x6a: {  	[sflag:s31] =	ssyncadd.s32 $0xFFFFF800  }
0x6b: {  	_ =	swait.ge [sflag:s2], $0x800  }
0x6c: {  	[sflag:s2] =	ssyncset.done $0x0  }
0x6d: {  	[sflag:s2] =	ssyncadd.s32 $0xFFFFF800  }
0x6e: {  	[hbm4b:s10+s3] =	stream.linear.scatter [tilespmem:s14], [sflag:$0x3], $0x4000, $0x38;
	[tilespmem:$0xA800] =	vst v63  }
0x6f: {  	_ =	swait.ge [sflag:s11], $0x4000  }
0x70: {  	[sflag:s11] =	ssyncset.done $0x0  }
0x71: {  	[sflag:s11] =	ssyncadd.s32 $0xFFFFC000  }
0x72: {  	[hbm4b:s9+s3] =	stream.linear.scatter [tilespmem:s15], [sflag:$0x3], $0x4000, $0x38;
	[tilespmem:$0xA800] =	vst v63  }
0x73: {  	s4 =	sadd.s32 $0x800, s10;
	s5 =	simm.s32 $0x1000;
	_ =	swait.ge [sflag:s11], $0x4000  }
0x74: {  	s6 =	simm.s32 $0x2000;
	s12 =	sadd.s32 $0x800, s9;
	[sflag:s11] =	ssyncset.done $0x0  }
.LBB2_2:
0x75: {  	s7 =	sshra.s32 s5, $0x2  }
0x76: {  	[sflag:s11] =	ssyncadd.s32 $0xFFFFC000;
	s5 =	smov.u32 s6;
	s8 =	sadd.s32 $0x1000, s6  }
0x77: {  	[tilespmem:s14], [sflag:$0x1] =	stream.indirect.gather [hbm4b:s1+s13], $0x10, s7, s13, $0xb8;
	[tilespmem:$0xA800] =	vst v63  }
0x78: {  	p0 =	sne.s32 s6, $0x3000;
	s6 =	sadd.s32 $0x1400, s7  }
0x79: {  	[tilespmem:s15], [sflag:$0x2] =	stream.indirect.gather [hbm4b:s1+s13], $0x10, s6, s13, $0xb8;
	[tilespmem:$0xA800] =	vst v63  }
0x7a: {  	s6 =	sadd.s32 $0x80, s7  }
0x7b: {  	[tilespmem:s16], [sflag:$0x1] =	stream.indirect.gather [hbm4b:s1+s13], $0x10, s6, s13, $0xb8;
	[tilespmem:$0xA800] =	vst v63  }
0x7c: {  	s6 =	sadd.s32 $0x1480, s7  }
0x7d: {  	[tilespmem:s17], [sflag:$0x2] =	stream.indirect.gather [hbm4b:s1+s13], $0x10, s6, s13, $0xb8;
	[tilespmem:$0xA800] =	vst v63  }
0x7e: {  	s6 =	sadd.s32 $0x100, s7  }
0x7f: {  	[tilespmem:s18], [sflag:$0x1] =	stream.indirect.gather [hbm4b:s1+s13], $0x10, s6, s13, $0xb8;
	[tilespmem:$0xA800] =	vst v63  }
0x80: {  	s6 =	sadd.s32 $0x1500, s7  }
0x81: {  	[tilespmem:s19], [sflag:$0x2] =	stream.indirect.gather [hbm4b:s1+s13], $0x10, s6, s13, $0xb8;
	[tilespmem:$0xA800] =	vst v63  }
0x82: {  	s6 =	sadd.s32 $0x180, s7  }
0x83: {  	[tilespmem:s20], [sflag:$0x1] =	stream.indirect.gather [hbm4b:s1+s13], $0x10, s6, s13, $0xb8;
	[tilespmem:$0xA800] =	vst v63  }
0x84: {  	s6 =	sadd.s32 $0x1580, s7  }
0x85: {  	[tilespmem:s21], [sflag:$0x2] =	stream.indirect.gather [hbm4b:s1+s13], $0x10, s6, s13, $0xb8;
	[tilespmem:$0xA800] =	vst v63  }
0x86: {  	s6 =	sadd.s32 $0x200, s7  }
0x87: {  	[tilespmem:s22], [sflag:$0x1] =	stream.indirect.gather [hbm4b:s1+s13], $0x10, s6, s13, $0xb8;
	[tilespmem:$0xA800] =	vst v63  }
0x88: {  	s6 =	sadd.s32 $0x1600, s7  }
0x89: {  	[tilespmem:s23], [sflag:$0x2] =	stream.indirect.gather [hbm4b:s1+s13], $0x10, s6, s13, $0xb8;
	[tilespmem:$0xA800] =	vst v63  }
0x8a: {  	s6 =	sadd.s32 $0x280, s7  }
0x8b: {  	[tilespmem:s24], [sflag:$0x1] =	stream.indirect.gather [hbm4b:s1+s13], $0x10, s6, s13, $0xb8;
	[tilespmem:$0xA800] =	vst v63  }
0x8c: {  	s6 =	sadd.s32 $0x1680, s7  }
0x8d: {  	[tilespmem:s25], [sflag:$0x2] =	stream.indirect.gather [hbm4b:s1+s13], $0x10, s6, s13, $0xb8;
	[tilespmem:$0xA800] =	vst v63  }
0x8e: {  	s6 =	sadd.s32 $0x300, s7  }
0x8f: {  	[tilespmem:s26], [sflag:$0x1] =	stream.indirect.gather [hbm4b:s1+s13], $0x10, s6, s13, $0xb8;
	[tilespmem:$0xA800] =	vst v63  }
0x90: {  	s6 =	sadd.s32 $0x1700, s7  }
0x91: {  	[tilespmem:s28], [sflag:$0x2] =	stream.indirect.gather [hbm4b:s1+s13], $0x10, s6, s13, $0xb8;
	[tilespmem:$0xA800] =	vst v63  }
0x92: {  	s6 =	sadd.s32 $0x380, s7  }
0x93: {  	[tilespmem:s29], [sflag:$0x1] =	stream.indirect.gather [hbm4b:s1+s13], $0x10, s6, s13, $0xb8;
	[tilespmem:$0xA800] =	vst v63  }
0x94: {  	s6 =	sadd.s32 $0x1780, s7  }
0x95: {  	[tilespmem:s30], [sflag:$0x2] =	stream.indirect.gather [hbm4b:s1+s13], $0x10, s6, s13, $0xb8;
	[tilespmem:$0xA800] =	vst v63  }
0x96: {  	_ =	swait.ge [sflag:s31], $0x800  }
0x97: {  	[sflag:s31] =	ssyncset.done $0x0  }
0x98: {  	[sflag:s31] =	ssyncadd.s32 $0xFFFFF800  }
0x99: {  	_ =	swait.ge [sflag:s2], $0x800  }
0x9a: {  	[sflag:s2] =	ssyncset.done $0x0  }
0x9b: {  	[sflag:s2] =	ssyncadd.s32 $0xFFFFF800  }
0x9c: {  	_ =	swait.ge [sflag:s31], $0x800  }
0x9d: {  	[sflag:s31] =	ssyncset.done $0x0  }
0x9e: {  	[sflag:s31] =	ssyncadd.s32 $0xFFFFF800  }
0x9f: {  	_ =	swait.ge [sflag:s2], $0x800  }
0xa0: {  	[sflag:s2] =	ssyncset.done $0x0  }
0xa1: {  	[sflag:s2] =	ssyncadd.s32 $0xFFFFF800  }
0xa2: {  	_ =	swait.ge [sflag:s31], $0x800  }
0xa3: {  	[sflag:s31] =	ssyncset.done $0x0  }
0xa4: {  	[sflag:s31] =	ssyncadd.s32 $0xFFFFF800  }
0xa5: {  	_ =	swait.ge [sflag:s2], $0x800  }
0xa6: {  	[sflag:s2] =	ssyncset.done $0x0  }
0xa7: {  	[sflag:s2] =	ssyncadd.s32 $0xFFFFF800  }
0xa8: {  	_ =	swait.ge [sflag:s31], $0x800  }
0xa9: {  	[sflag:s31] =	ssyncset.done $0x0  }
0xaa: {  	[sflag:s31] =	ssyncadd.s32 $0xFFFFF800  }
0xab: {  	_ =	swait.ge [sflag:s2], $0x800  }
0xac: {  	[sflag:s2] =	ssyncset.done $0x0  }
0xad: {  	[sflag:s2] =	ssyncadd.s32 $0xFFFFF800  }
0xae: {  	_ =	swait.ge [sflag:s31], $0x800  }
0xaf: {  	[sflag:s31] =	ssyncset.done $0x0  }
0xb0: {  	[sflag:s31] =	ssyncadd.s32 $0xFFFFF800  }
0xb1: {  	_ =	swait.ge [sflag:s2], $0x800  }
0xb2: {  	[sflag:s2] =	ssyncset.done $0x0  }
0xb3: {  	[sflag:s2] =	ssyncadd.s32 $0xFFFFF800  }
0xb4: {  	_ =	swait.ge [sflag:s31], $0x800  }
0xb5: {  	[sflag:s31] =	ssyncset.done $0x0  }
0xb6: {  	[sflag:s31] =	ssyncadd.s32 $0xFFFFF800  }
0xb7: {  	_ =	swait.ge [sflag:s2], $0x800  }
0xb8: {  	[sflag:s2] =	ssyncset.done $0x0  }
0xb9: {  	[sflag:s2] =	ssyncadd.s32 $0xFFFFF800  }
0xba: {  	_ =	swait.ge [sflag:s31], $0x800  }
0xbb: {  	[sflag:s31] =	ssyncset.done $0x0  }
0xbc: {  	[sflag:s31] =	ssyncadd.s32 $0xFFFFF800  }
0xbd: {  	_ =	swait.ge [sflag:s2], $0x800  }
0xbe: {  	[sflag:s2] =	ssyncset.done $0x0  }
0xbf: {  	[sflag:s2] =	ssyncadd.s32 $0xFFFFF800  }
0xc0: {  	_ =	swait.ge [sflag:s31], $0x800  }
0xc1: {  	[sflag:s31] =	ssyncset.done $0x0  }
0xc2: {  	[sflag:s31] =	ssyncadd.s32 $0xFFFFF800  }
0xc3: {  	_ =	swait.ge [sflag:s2], $0x800  }
0xc4: {  	[sflag:s2] =	ssyncset.done $0x0  }
0xc5: {  	[sflag:s2] =	ssyncadd.s32 $0xFFFFF800  }
0xc6: {  	[hbm4b:s4+s3] =	stream.linear.scatter [tilespmem:s14], [sflag:$0x3], $0x4000, $0x38;
	[tilespmem:$0xA800] =	vst v63  }
0xc7: {  	_ =	swait.ge [sflag:s11], $0x4000  }
.Ltmp0:
0xc8: {  	[sflag:s11] =	ssyncset.done $0x0;
	(pc) =	sbr.rel @p0 .LBB2_2-.Ltmp0, $4  }
0xc9: {  	[sflag:s11] =	ssyncadd.s32 $0xFFFFC000  }
0xca: {  	[hbm4b:s12+s3] =	stream.linear.scatter [tilespmem:s15], [sflag:$0x3], $0x4000, $0x38;
	[tilespmem:$0xA800] =	vst v63  }
0xcb: {  	s6 =	smov.u32 s8;
	_ =	swait.ge [sflag:s11], $0x4000  }
0xcc: {  	s4 =	sadd.s32 $0x800, s4;
	s12 =	sadd.s32 $0x800, s12;
	[sflag:s11] =	ssyncset.done $0x0  }
0xcd: {  	s5 =	sshra.s32 s5, $0x2;
	[sflag:s11] =	ssyncadd.s32 $0xFFFFC000  }
0xce: {  	[tilespmem:s14], [sflag:$0x1] =	stream.indirect.gather [hbm4b:s1+s13], $0x10, s5, s13, $0xb8;
	[tilespmem:$0xA800] =	vst v63  }
0xcf: {  	s6 =	sadd.s32 $0x1400, s5  }
0xd0: {  	[tilespmem:s15], [sflag:$0x2] =	stream.indirect.gather [hbm4b:s1+s13], $0x10, s6, s13, $0xb8;
	[tilespmem:$0xA800] =	vst v63  }
0xd1: {  	s8 =	sadd.s32 $0x80, s5  }
0xd2: {  	[tilespmem:s16], [sflag:$0x1] =	stream.indirect.gather [hbm4b:s1+s13], $0x10, s8, s13, $0xb8;
	[tilespmem:$0xA800] =	vst v63  }
0xd3: {  	s7 =	sadd.s32 $0x1480, s5  }
0xd4: {  	[tilespmem:s17], [sflag:$0x2] =	stream.indirect.gather [hbm4b:s1+s13], $0x10, s7, s13, $0xb8;
	[tilespmem:$0xA800] =	vst v63  }
0xd5: {  	s8 =	sadd.s32 $0x100, s5  }
0xd6: {  	[tilespmem:s18], [sflag:$0x1] =	stream.indirect.gather [hbm4b:s1+s13], $0x10, s8, s13, $0xb8;
	[tilespmem:$0xA800] =	vst v63  }
0xd7: {  	s7 =	sadd.s32 $0x1500, s5  }
0xd8: {  	[tilespmem:s19], [sflag:$0x2] =	stream.indirect.gather [hbm4b:s1+s13], $0x10, s7, s13, $0xb8;
	[tilespmem:$0xA800] =	vst v63  }
0xd9: {  	s8 =	sadd.s32 $0x180, s5  }
0xda: {  	[tilespmem:s20], [sflag:$0x1] =	stream.indirect.gather [hbm4b:s1+s13], $0x10, s8, s13, $0xb8;
	[tilespmem:$0xA800] =	vst v63  }
0xdb: {  	s7 =	sadd.s32 $0x1580, s5  }
0xdc: {  	[tilespmem:s21], [sflag:$0x2] =	stream.indirect.gather [hbm4b:s1+s13], $0x10, s7, s13, $0xb8;
	[tilespmem:$0xA800] =	vst v63  }
0xdd: {  	s8 =	sadd.s32 $0x200, s5  }
0xde: {  	[tilespmem:s22], [sflag:$0x1] =	stream.indirect.gather [hbm4b:s1+s13], $0x10, s8, s13, $0xb8;
	[tilespmem:$0xA800] =	vst v63  }
0xdf: {  	s7 =	sadd.s32 $0x1600, s5  }
0xe0: {  	[tilespmem:s23], [sflag:$0x2] =	stream.indirect.gather [hbm4b:s1+s13], $0x10, s7, s13, $0xb8;
	[tilespmem:$0xA800] =	vst v63  }
0xe1: {  	s8 =	sadd.s32 $0x280, s5  }
0xe2: {  	[tilespmem:s24], [sflag:$0x1] =	stream.indirect.gather [hbm4b:s1+s13], $0x10, s8, s13, $0xb8;
	[tilespmem:$0xA800] =	vst v63  }
0xe3: {  	s7 =	sadd.s32 $0x1680, s5  }
0xe4: {  	[tilespmem:s25], [sflag:$0x2] =	stream.indirect.gather [hbm4b:s1+s13], $0x10, s7, s13, $0xb8;
	[tilespmem:$0xA800] =	vst v63  }
0xe5: {  	s8 =	sadd.s32 $0x300, s5  }
0xe6: {  	[tilespmem:s26], [sflag:$0x1] =	stream.indirect.gather [hbm4b:s1+s13], $0x10, s8, s13, $0xb8;
	[tilespmem:$0xA800] =	vst v63  }
0xe7: {  	s7 =	sadd.s32 $0x1700, s5  }
0xe8: {  	[tilespmem:s28], [sflag:$0x2] =	stream.indirect.gather [hbm4b:s1+s13], $0x10, s7, s13, $0xb8;
	[tilespmem:$0xA800] =	vst v63  }
0xe9: {  	s8 =	sadd.s32 $0x380, s5  }
0xea: {  	[tilespmem:s29], [sflag:$0x1] =	stream.indirect.gather [hbm4b:s1+s13], $0x10, s8, s13, $0xb8;
	[tilespmem:$0xA800] =	vst v63  }
0xeb: {  	s5 =	sadd.s32 $0x1780, s5  }
0xec: {  	[tilespmem:s30], [sflag:$0x2] =	stream.indirect.gather [hbm4b:s1+s13], $0x10, s5, s13, $0xb8;
	[tilespmem:$0xA800] =	vst v63  }
0xed: {  	_ =	swait.ge [sflag:s31], $0x800  }
0xee: {  	[sflag:s31] =	ssyncset.done $0x0  }
0xef: {  	[sflag:s31] =	ssyncadd.s32 $0xFFFFF800  }
0xf0: {  	_ =	swait.ge [sflag:s2], $0x800  }
0xf1: {  	[sflag:s2] =	ssyncset.done $0x0  }
0xf2: {  	[sflag:s2] =	ssyncadd.s32 $0xFFFFF800  }
0xf3: {  	_ =	swait.ge [sflag:s31], $0x800  }
0xf4: {  	[sflag:s31] =	ssyncset.done $0x0  }
0xf5: {  	[sflag:s31] =	ssyncadd.s32 $0xFFFFF800  }
0xf6: {  	_ =	swait.ge [sflag:s2], $0x800  }
0xf7: {  	[sflag:s2] =	ssyncset.done $0x0  }
0xf8: {  	[sflag:s2] =	ssyncadd.s32 $0xFFFFF800  }
0xf9: {  	_ =	swait.ge [sflag:s31], $0x800  }
0xfa: {  	[sflag:s31] =	ssyncset.done $0x0  }
0xfb: {  	[sflag:s31] =	ssyncadd.s32 $0xFFFFF800  }
0xfc: {  	_ =	swait.ge [sflag:s2], $0x800  }
0xfd: {  	[sflag:s2] =	ssyncset.done $0x0  }
0xfe: {  	[sflag:s2] =	ssyncadd.s32 $0xFFFFF800  }
0xff: {  	_ =	swait.ge [sflag:s31], $0x800  }
0x100: {  	[sflag:s31] =	ssyncset.done $0x0  }
0x101: {  	[sflag:s31] =	ssyncadd.s32 $0xFFFFF800  }
0x102: {  	_ =	swait.ge [sflag:s2], $0x800  }
0x103: {  	[sflag:s2] =	ssyncset.done $0x0  }
0x104: {  	[sflag:s2] =	ssyncadd.s32 $0xFFFFF800  }
0x105: {  	_ =	swait.ge [sflag:s31], $0x800  }
0x106: {  	[sflag:s31] =	ssyncset.done $0x0  }
0x107: {  	[sflag:s31] =	ssyncadd.s32 $0xFFFFF800  }
0x108: {  	_ =	swait.ge [sflag:s2], $0x800  }
0x109: {  	[sflag:s2] =	ssyncset.done $0x0  }
0x10a: {  	[sflag:s2] =	ssyncadd.s32 $0xFFFFF800  }
0x10b: {  	_ =	swait.ge [sflag:s31], $0x800  }
0x10c: {  	[sflag:s31] =	ssyncset.done $0x0  }
0x10d: {  	[sflag:s31] =	ssyncadd.s32 $0xFFFFF800  }
0x10e: {  	_ =	swait.ge [sflag:s2], $0x800  }
0x10f: {  	[sflag:s2] =	ssyncset.done $0x0  }
0x110: {  	[sflag:s2] =	ssyncadd.s32 $0xFFFFF800  }
0x111: {  	_ =	swait.ge [sflag:s31], $0x800  }
0x112: {  	[sflag:s31] =	ssyncset.done $0x0  }
0x113: {  	[sflag:s31] =	ssyncadd.s32 $0xFFFFF800  }
0x114: {  	_ =	swait.ge [sflag:s2], $0x800  }
0x115: {  	[sflag:s2] =	ssyncset.done $0x0  }
0x116: {  	[sflag:s2] =	ssyncadd.s32 $0xFFFFF800  }
0x117: {  	_ =	swait.ge [sflag:s31], $0x800  }
0x118: {  	[sflag:s31] =	ssyncset.done $0x0  }
0x119: {  	[sflag:s31] =	ssyncadd.s32 $0xFFFFF800  }
0x11a: {  	_ =	swait.ge [sflag:s2], $0x800  }
0x11b: {  	[sflag:s2] =	ssyncset.done $0x0  }
0x11c: {  	[sflag:s2] =	ssyncadd.s32 $0xFFFFF800  }
0x11d: {  	[hbm4b:s4+s3] =	stream.linear.scatter [tilespmem:s14], [sflag:$0x3], $0x4000, $0x38;
	[tilespmem:$0xA800] =	vst v63  }
0x11e: {  	_ =	swait.ge [sflag:s11], $0x4000  }
0x11f: {  	[sflag:s11] =	ssyncset.done $0x0  }
0x120: {  	[sflag:s11] =	ssyncadd.s32 $0xFFFFC000  }
0x121: {  	[hbm4b:s12+s3] =	stream.linear.scatter [tilespmem:s15], [sflag:$0x3], $0x4000, $0x38;
	[tilespmem:$0xA800] =	vst v63  }
0x122: {  	_ =	swait.ge [sflag:s11], $0x4000  }
0x123: {  	[sflag:s11] =	ssyncset.done $0x0  }
0x124: {  	s6 =	simm.s32 $0x1000;
	[sflag:s11] =	ssyncadd.s32 $0xFFFFC000  }
0x125: {  	[tilespmem:s14], [sflag:$0x1] =	stream.indirect.gather [hbm4b:s1+s13], $0x10, s6, s13, $0xb8;
	[tilespmem:$0xA800] =	vst v63  }
0x126: {  	s7 =	simm.s32 $0x2400  }
0x127: {  	[tilespmem:s15], [sflag:$0x2] =	stream.indirect.gather [hbm4b:s1+s13], $0x10, s7, s13, $0xb8;
	[tilespmem:$0xA800] =	vst v63  }
0x128: {  	s8 =	simm.s32 $0x1080  }
0x129: {  	[tilespmem:s16], [sflag:$0x1] =	stream.indirect.gather [hbm4b:s1+s13], $0x10, s8, s13, $0xb8;
	[tilespmem:$0xA800] =	vst v63  }
0x12a: {  	s12 =	simm.s32 $0x2480  }
0x12b: {  	[tilespmem:s17], [sflag:$0x2] =	stream.indirect.gather [hbm4b:s1+s13], $0x10, s12, s13, $0xb8;
	[tilespmem:$0xA800] =	vst v63  }
0x12c: {  	s5 =	simm.s32 $0x1100  }
0x12d: {  	[tilespmem:s18], [sflag:$0x1] =	stream.indirect.gather [hbm4b:s1+s13], $0x10, s5, s13, $0xb8;
	[tilespmem:$0xA800] =	vst v63  }
0x12e: {  	s6 =	simm.s32 $0x2500  }
0x12f: {  	[tilespmem:s19], [sflag:$0x2] =	stream.indirect.gather [hbm4b:s1+s13], $0x10, s6, s13, $0xb8;
	[tilespmem:$0xA800] =	vst v63  }
0x130: {  	s7 =	simm.s32 $0x1180  }
0x131: {  	[tilespmem:s20], [sflag:$0x1] =	stream.indirect.gather [hbm4b:s1+s13], $0x10, s7, s13, $0xb8;
	[tilespmem:$0xA800] =	vst v63  }
0x132: {  	s8 =	simm.s32 $0x2580  }
0x133: {  	[tilespmem:s21], [sflag:$0x2] =	stream.indirect.gather [hbm4b:s1+s13], $0x10, s8, s13, $0xb8;
	[tilespmem:$0xA800] =	vst v63  }
0x134: {  	s12 =	simm.s32 $0x1200  }
0x135: {  	[tilespmem:s22], [sflag:$0x1] =	stream.indirect.gather [hbm4b:s1+s13], $0x10, s12, s13, $0xb8;
	[tilespmem:$0xA800] =	vst v63  }
0x136: {  	s5 =	simm.s32 $0x2600  }
0x137: {  	[tilespmem:s23], [sflag:$0x2] =	stream.indirect.gather [hbm4b:s1+s13], $0x10, s5, s13, $0xb8;
	[tilespmem:$0xA800] =	vst v63  }
0x138: {  	s6 =	simm.s32 $0x1280  }
0x139: {  	[tilespmem:s24], [sflag:$0x1] =	stream.indirect.gather [hbm4b:s1+s13], $0x10, s6, s13, $0xb8;
	[tilespmem:$0xA800] =	vst v63  }
0x13a: {  	s7 =	simm.s32 $0x2680  }
0x13b: {  	[tilespmem:s25], [sflag:$0x2] =	stream.indirect.gather [hbm4b:s1+s13], $0x10, s7, s13, $0xb8;
	[tilespmem:$0xA800] =	vst v63  }
0x13c: {  	s8 =	simm.s32 $0x1300  }
0x13d: {  	[tilespmem:s26], [sflag:$0x1] =	stream.indirect.gather [hbm4b:s1+s13], $0x10, s8, s13, $0xb8;
	[tilespmem:$0xA800] =	vst v63  }
0x13e: {  	s12 =	simm.s32 $0x2700  }
0x13f: {  	[tilespmem:s28], [sflag:$0x2] =	stream.indirect.gather [hbm4b:s1+s13], $0x10, s12, s13, $0xb8;
	[tilespmem:$0xA800] =	vst v63  }
0x140: {  	s5 =	simm.s32 $0x1380  }
0x141: {  	[tilespmem:s29], [sflag:$0x1] =	stream.indirect.gather [hbm4b:s1+s13], $0x10, s5, s13, $0xb8;
	[tilespmem:$0xA800] =	vst v63  }
0x142: {  	s6 =	simm.s32 $0x2780  }
0x143: {  	[tilespmem:s30], [sflag:$0x2] =	stream.indirect.gather [hbm4b:s1+s13], $0x10, s6, s13, $0xb8;
	[tilespmem:$0xA800] =	vst v63  }
0x144: {  	_ =	swait.ge [sflag:s31], $0x800  }
0x145: {  	[sflag:s31] =	ssyncset.done $0x0  }
0x146: {  	[sflag:s31] =	ssyncadd.s32 $0xFFFFF800  }
0x147: {  	_ =	swait.ge [sflag:s2], $0x800  }
0x148: {  	[sflag:s2] =	ssyncset.done $0x0  }
0x149: {  	[sflag:s2] =	ssyncadd.s32 $0xFFFFF800  }
0x14a: {  	_ =	swait.ge [sflag:s31], $0x800  }
0x14b: {  	[sflag:s31] =	ssyncset.done $0x0  }
0x14c: {  	[sflag:s31] =	ssyncadd.s32 $0xFFFFF800  }
0x14d: {  	_ =	swait.ge [sflag:s2], $0x800  }
0x14e: {  	[sflag:s2] =	ssyncset.done $0x0  }
0x14f: {  	[sflag:s2] =	ssyncadd.s32 $0xFFFFF800  }
0x150: {  	_ =	swait.ge [sflag:s31], $0x800  }
0x151: {  	[sflag:s31] =	ssyncset.done $0x0  }
0x152: {  	[sflag:s31] =	ssyncadd.s32 $0xFFFFF800  }
0x153: {  	_ =	swait.ge [sflag:s2], $0x800  }
0x154: {  	[sflag:s2] =	ssyncset.done $0x0  }
0x155: {  	[sflag:s2] =	ssyncadd.s32 $0xFFFFF800  }
0x156: {  	_ =	swait.ge [sflag:s31], $0x800  }
0x157: {  	[sflag:s31] =	ssyncset.done $0x0  }
0x158: {  	[sflag:s31] =	ssyncadd.s32 $0xFFFFF800  }
0x159: {  	_ =	swait.ge [sflag:s2], $0x800  }
0x15a: {  	[sflag:s2] =	ssyncset.done $0x0  }
0x15b: {  	[sflag:s2] =	ssyncadd.s32 $0xFFFFF800  }
0x15c: {  	_ =	swait.ge [sflag:s31], $0x800  }
0x15d: {  	[sflag:s31] =	ssyncset.done $0x0  }
0x15e: {  	[sflag:s31] =	ssyncadd.s32 $0xFFFFF800  }
0x15f: {  	_ =	swait.ge [sflag:s2], $0x800  }
0x160: {  	[sflag:s2] =	ssyncset.done $0x0  }
0x161: {  	[sflag:s2] =	ssyncadd.s32 $0xFFFFF800  }
0x162: {  	_ =	swait.ge [sflag:s31], $0x800  }
0x163: {  	[sflag:s31] =	ssyncset.done $0x0  }
0x164: {  	[sflag:s31] =	ssyncadd.s32 $0xFFFFF800  }
0x165: {  	_ =	swait.ge [sflag:s2], $0x800  }
0x166: {  	[sflag:s2] =	ssyncset.done $0x0  }
0x167: {  	[sflag:s2] =	ssyncadd.s32 $0xFFFFF800  }
0x168: {  	_ =	swait.ge [sflag:s31], $0x800  }
0x169: {  	[sflag:s31] =	ssyncset.done $0x0  }
0x16a: {  	[sflag:s31] =	ssyncadd.s32 $0xFFFFF800  }
0x16b: {  	_ =	swait.ge [sflag:s2], $0x800  }
0x16c: {  	[sflag:s2] =	ssyncset.done $0x0  }
0x16d: {  	[sflag:s2] =	ssyncadd.s32 $0xFFFFF800  }
0x16e: {  	_ =	swait.ge [sflag:s31], $0x800  }
0x16f: {  	[sflag:s31] =	ssyncset.done $0x0  }
0x170: {  	[sflag:s31] =	ssyncadd.s32 $0xFFFFF800  }
0x171: {  	_ =	swait.ge [sflag:s2], $0x800  }
0x172: {  	[sflag:s2] =	ssyncset.done $0x0  }
0x173: {  	s7 =	rddreg [dreg:$0x6];
	[sflag:s2] =	ssyncadd.s32 $0xFFFFF800  }
0x174: {  	[hbm4b:s7+s3] =	stream.linear.scatter [tilespmem:s14], [sflag:$0x3], $0x3880, $0x38;
	[tilespmem:$0xA800] =	vst v63  }
0x175: {  	_ =	swait.ge [sflag:s11], $0x3880  }
0x176: {  	[sflag:s11] =	ssyncset.done $0x0  }
0x177: {  	s8 =	rddreg [dreg:$0x7];
	[sflag:s11] =	ssyncadd.s32 $0xFFFFC780  }
0x178: {  	[hbm4b:s8+s3] =	stream.linear.scatter [tilespmem:s15], [sflag:$0x3], $0x3880, $0x38;
	[tilespmem:$0xA800] =	vst v63  }
0x179: {  	_ =	swait.ge [sflag:s11], $0x3880  }
0x17a: {  	s0 =	sadd.s32 $0x1, s0;
	s12 =	rddreg [dreg:$0x8]  }
0x17b: {  	p0 =	sne.s32 s0, s12  }
.Ltmp1:
0x17c: {  	_ = 	snop;
	(pc) =	sbr.rel @p0 .LBB2_1-.Ltmp1, $3  }
0x17d: {  	_ =	sdelay $0x1  }
0x17e: {  	[sflag:s11] =	ssyncset.done $0x0  }
0x17f: {  	[sflag:s11] =	ssyncadd.s32 $0xFFFFC780  }
0x180: {  	_ =	sfence.sel $0x180000  }
0x181: {  	[bflag:$0x0] =	sbarrier.arrive $0xFFFF  }
0x182: {  	_ =	strace $0x9000004D  }
0x183: {  	s0 =	stileid.u32;
	[bflag:$0x2] =	sbarrier.arrive $0xFFFF  }
0x184: {  	p0 =	sne.s32 s0, $0x0;
	s0 =	rddreg [dreg:$0x3]  }
0x185: {  	s0 =	sadd.s32 @!p0 $0x100000, s0  }
0x186: {  	[sflag:s0] =	ssyncadd.tile.s32 @!p0 $0x1;
	_ =	shalt  }
.Lfunc_end2:
_tile_overlayer_lowered:
.L_overlay_start_2:
0x187: {  	(tag) =	ssettag $0x2  }
0x188: {  	s0 =	rddreg [dreg:$0x0];
	s2 =	stileid.u32  }
0x189: {  	s1 =	rddreg [dreg:$0x1];
	p0 =	sne.s32 s2, $0x0  }
0x18a: {  	s3 =	rddreg [dreg:$0x2];
	[bflag:$0x3] =	sbarrier.arrive $0xFFFF;
	s2 =	simm.s32 @!p0 $0x1C03  }
0x18b: {  	[timem:s3], [sflag:s2] =	dma.local @!p0 [hbm:s0], s1  }
0x18c: {  	s0 =	simm.s32 @!p0 $0x3  }
0x18d: {  	_ =	swait.ge @!p0 [sflag:s0], s1  }
0x18e: {  	s1 =	ssub.s32 @!p0 $0x0, s1;
	[sflag:s0] =	ssyncset.done @!p0 $0x0  }
0x18f: {  	[sflag:s0] =	ssyncadd.s32 @!p0 s1  }
0x190: {  	[bflag:$0x3] =	sbarrier.arrive $0xFFFF  }
0x191: {  	_ =	shalt  }

// kernel: kernel.20.cloned.1.call-start
scs
__scs_entry_jumppad:
0x0: {  	(pc) =	sbr.rel $0x88, $3  }
0x1: {  	(tag) =	ssettag $0x0;
	lr =	simm.s32 $0x1  }
0x2: {  	[smem:$0x3F92] =	sst lr;
	_ =	strace $0xD0000000  }
0x3: {  	_ = 	snop  }
0x4: {  	_ = 	snop  }
0x5: {  	_ = 	snop  }
0x6: {  	_ = 	snop  }
0x7: {  	_ = 	snop  }
__scs_overlays_trampoline_lowered:
0x8: {  	[smem:$0x3FA1] =	sst s0  }
0x9: {  	[smem:$0x3FA2] =	sst s1  }
0xa: {  	[smem:$0x3FA3] =	sst s2  }
0xb: {  	[smem:$0x3FA4] =	sst s3  }
0xc: {  	[smem:$0x3FA5] =	sst s4  }
0xd: {  	[smem:$0x3FA6] =	sst s5  }
0xe: {  	[smem:$0x3FA7] =	sst s6  }
0xf: {  	[smem:$0x3FA8] =	sst s7  }
0x10: {  	[smem:$0x3FA9] =	sst s8  }
0x11: {  	[smem:$0x3FAA] =	sst s9;
	s0 =	simm.s32 @!p0 $0x0  }
0x12: {  	s1 =	sld [smem:$0x3F90];
	s0 =	simm.s32 @p0 $0x1  }
0x13: {  	[smem:$0x3FAB] =	sst s0;
	s0 =	simm.s32 @!p1 $0x0  }
0x14: {  	s2 =	sld [smem:$0x3F8F];
	s0 =	simm.s32 @p1 $0x1  }
0x15: {  	[smem:$0x3FAC] =	sst s0;
	s0 =	simm.s32 @!p2 $0x0  }
0x16: {  	s3 =	sld [smem:$0x3FDB];
	s0 =	simm.s32 @p2 $0x1  }
0x17: {  	s4 =	simm.s32 $0x1BF5;
	[smem:$0x3FAE] =	sst s0  }
0x18: {  	s0 =	sld [smem:$0x3F91];
	_ =	swait.ge [sflag:s4], $0x0  }
0x19: {  	s7 =	sld [smem:$0x3F92]  }
0x1a: {  	s8 =	sadd.s32 $0xFFFFE003, lr  }
0x1b: {  	s9 =	sadd.s32 $0xFFFFFEF7, lr;
	s5 =	simm.s32 $0xFFFFFFFF;
	p2 =	slt.u32 s8, $0xFFFFF086  }
0x1c: {  	p1 =	slt.u32 s9, $0xF7A;
	s5 =	simm.s32 @!p2 $0x0  }
0x1d: {  	s5 =	simm.s32 @p1 $0x1;
	p0 =	seq.s32 s7, s2  }
0x1e: {  	s7 =	smul.u32 @!p0 $0xF7A, s2;
	p2 =	seq.s32 @!p0 s5, $0x0  }
0x1f: {  	s9 =	smul.u32 $0xF7A, s1;
	s8 =	simm.s32 @!p0 $0x1BF5;
	p2 =	por !p2, p0  }
0x20: {  	[sflag:s8] =	ssyncset.s32 @!p0 $0xFFFFF086;
	s6 =	sadd.s32 @!p0 s3, s7;
	s7 =	simm.s32 @!p0 $0x108  }
0x21: {  	s3 =	sadd.s32 s3, s9;
	s6 =	sadd.s32 @!p0 $0x88, s6;
	s7 =	simm.s32 @p2 $0x1082  }
0x22: {  	[simem:s7], [sflag:s8] =	dma.local @!p0 [hbm:s6], $0xF7A  }
0x23: {  	s9 =	sor.u32 $0xD0000000, s2;
	s6 =	simm.s32 $0x108;
	_ =	swait.ge @!p0 [sflag:s8], $0x0  }
0x24: {  	s3 =	sadd.s32 $0x88, s3;
	s6 =	simm.s32 @!p1 $0x1082;
	[sflag:s4] =	ssyncset.s32 $0xFFFFF086  }
0x25: {  	[simem:s6], [sflag:s4] =	dma.local [hbm:s3], $0xF7A  }
0x26: {  	[smem:$0x3F92] =	sst s1;
	(tag) =	ssettag s2;
	_ =	strace s9  }
0x27: {  	s1 =	sld [smem:$0x3FA2]  }
0x28: {  	s2 =	sld [smem:$0x3FA3]  }
0x29: {  	s4 =	sld [smem:$0x3FA5]  }
0x2a: {  	p0 =	seq.s32 s5, $0x0;
	s5 =	sld [smem:$0x3FA6]  }
0x2b: {  	s6 =	sld [smem:$0x3FA7]  }
0x2c: {  	s7 =	sld [smem:$0x3FA8]  }
0x2d: {  	s3 =	simm.s32 $0x108;
	s8 =	sld [smem:$0x3FA9]  }
0x2e: {  	s3 =	simm.s32 @!p0 $0x1082;
	s9 =	sld [smem:$0x3FAA]  }
0x2f: {  	lr =	sadd.s32 s0, s3;
	s0 =	sld [smem:$0x3FA1]  }
0x30: {  	s3 =	sld [smem:$0x3FA4]  }
0x31: {  	[smem:$0x3FAD] =	sst s10  }
0x32: {  	s10 =	sld [smem:$0x3FAB];
	_ =	sdelay $0x3  }
0x33: {  	p0 =	seq.s32 s10, $0x1;
	s10 =	sld [smem:$0x3FAD];
	_ =	sdelay $0x3  }
0x34: {  	[smem:$0x3FAD] =	sst s10  }
0x35: {  	s10 =	sld [smem:$0x3FAC];
	_ =	sdelay $0x3  }
0x36: {  	p1 =	seq.s32 s10, $0x1;
	s10 =	sld [smem:$0x3FAD];
	_ =	sdelay $0x3  }
0x37: {  	[smem:$0x3FAD] =	sst s10  }
0x38: {  	s10 =	sld [smem:$0x3FAE]  }
0x39: {  	_ = 	snop;
	(pc) =	sbr.ind lr, $3  }
0x3a: {  	_ = 	snop  }
0x3b: {  	_ = 	snop  }
0x3c: {  	p2 =	seq.s32 s10, $0x1;
	s10 =	sld [smem:$0x3FAD]  }
0x3d: {  	_ =	shalt  }
0x3e: {  	_ =	shalt  }
0x3f: {  	_ =	shalt  }
0x40: {  	_ =	shalt  }
0x41: {  	_ =	shalt  }
0x42: {  	_ =	shalt  }
0x43: {  	_ =	shalt  }
0x44: {  	_ =	shalt  }
0x45: {  	_ =	shalt  }
0x46: {  	_ =	shalt  }
0x47: {  	_ =	shalt  }
0x48: {  	_ =	shalt  }
0x49: {  	_ =	shalt  }
0x4a: {  	_ =	shalt  }
0x4b: {  	_ =	shalt  }
0x4c: {  	_ =	shalt  }
0x4d: {  	_ =	shalt  }
0x4e: {  	_ =	shalt  }
0x4f: {  	_ =	shalt  }
0x50: {  	_ =	shalt  }
0x51: {  	_ =	shalt  }
0x52: {  	_ =	shalt  }
0x53: {  	_ =	shalt  }
0x54: {  	_ =	shalt  }
0x55: {  	_ =	shalt  }
0x56: {  	_ =	shalt  }
0x57: {  	_ =	shalt  }
0x58: {  	_ =	shalt  }
0x59: {  	_ =	shalt  }
0x5a: {  	_ =	shalt  }
0x5b: {  	_ =	shalt  }
0x5c: {  	_ =	shalt  }
0x5d: {  	_ =	shalt  }
0x5e: {  	_ =	shalt  }
0x5f: {  	_ =	shalt  }
0x60: {  	_ =	shalt  }
0x61: {  	_ =	shalt  }
0x62: {  	_ =	shalt  }
0x63: {  	_ =	shalt  }
0x64: {  	_ =	shalt  }
0x65: {  	_ =	shalt  }
0x66: {  	_ =	shalt  }
0x67: {  	_ =	shalt  }
0x68: {  	_ =	shalt  }
0x69: {  	_ =	shalt  }
0x6a: {  	_ =	shalt  }
0x6b: {  	_ =	shalt  }
0x6c: {  	_ =	shalt  }
0x6d: {  	_ =	shalt  }
0x6e: {  	_ =	shalt  }
0x6f: {  	_ =	shalt  }
0x70: {  	_ =	shalt  }
0x71: {  	_ =	shalt  }
0x72: {  	_ =	shalt  }
0x73: {  	_ =	shalt  }
0x74: {  	_ =	shalt  }
0x75: {  	_ =	shalt  }
0x76: {  	_ =	shalt  }
0x77: {  	_ =	shalt  }
0x78: {  	_ =	shalt  }
0x79: {  	_ =	shalt  }
0x7a: {  	_ =	shalt  }
0x7b: {  	_ =	shalt  }
0x7c: {  	_ =	shalt  }
0x7d: {  	_ =	shalt  }
0x7e: {  	_ =	shalt  }
0x7f: {  	_ =	shalt  }
0x80: {  	_ =	shalt  }
0x81: {  	_ =	shalt  }
0x82: {  	_ =	shalt  }
0x83: {  	_ =	shalt  }
0x84: {  	_ =	shalt  }
0x85: {  	_ =	shalt  }
0x86: {  	_ =	shalt  }
0x87: {  	_ =	shalt  }
.Lfunc_end0:
.L_simem_size_0:
called_computation.3_lowered:
.L_overlay_start_0:
0x88: {  	s2 =	sld [smem:$0x3FD9]  }
0x89: {  	s3 =	sld [smem:$0x3FFE];
	_ =	sdelay $0x1  }
0x8a: {  	s1 =	srdreg.scid  }
0x8b: {  	s0 =	sand.u32 $0x1, s1  }
0x8c: {  	s16 =	sshll.u32 s0, $0xA;
	s2 =	sadd.s32 s3, s2  }
0x8d: {  	s2 =	sadd.s32 s2, s16  }
0x8e: {  	[smem:$0x3FB9] =	sst s2  }
0x8f: {  	_ = 	snop  }
0x90: {  	(tm) =	ssettm $0x1  }
0x91: {  	s17 =	sld [smem:$0x3FFB];
	_ =	sdelay $0x3  }
0x92: {  	_ =	strace s17  }
0x93: {  	s2 =	sld [smem:$0x3FFC];
	_ =	sdelay $0x3  }
0x94: {  	_ =	strace s2  }
0x95: {  	s2 =	sld [smem:$0x3FFD];
	_ =	sdelay $0x3  }
0x96: {  	_ =	strace s2  }
0x97: {  	_ =	strace $0x8FFFFFFF  }
0x98: {  	s18 =	sld [smem:$0x3FDB];
	_ =	sdelay $0x1  }
0x99: {  	s19 =	simm.s32 $_scs_section_size  }
0x9a: {  	s4 =	simm.s32 $_size__tile_overlayer_lowered;
	s5 =	simm.s32 $_tile_overlayer_lowered  }
0x9b: {  	s22 =	simm.s32 $0x1BFF;
	s21 =	sshll.u32 s5, $0x1;
	s2 =	sadd.s32 s19, s18  }
0x9c: {  	s6 =	simm.s32 $0x0;
	s20 =	sshll.u32 s4, $0x1;
	s4 =	sadd.s32 s21, s2  }
0x9d: {  	[timem:s6], [sflag:s22] =	dma.local [hbm:s4], s20  }
0x9e: {  	_ =	swait.ge [sflag:s22], s20  }
0x9f: {  	s3 =	ssub.s32 $0x0, s20;
	[sflag:s22] =	ssyncset.done $0x0  }
0xa0: {  	[sflag:s22] =	ssyncadd.s32 s3;
	_ =	sdelay $0x1  }
0xa1: {  	s23 =	simm.s32 $0x1B8B  }
0xa2: {  	_ =	swait.ge [sflag:s23], $0x1  }
0xa3: {  	[sflag:s23] =	ssyncset.done $0x0  }
0xa4: {  	s25 =	simm.s32 $0x1B8E;
	s24 =	sld [smem:$0x3FFE];
	[sflag:s23] =	ssyncadd.s32 $0xFFFFFFFF  }
0xa5: {  	s26 =	simm.s32 $execute0_lowered;
	[smem:$0x3FD2] =	sst s25  }
0xa6: {  	s4 =	sshll.u32 s26, $0x1;
	_ =	strace $0x8000004F;
	[dreg:$0x1] =	wrdreg $0xFFFFFFFF  }
0xa7: {  	s28 =	simm.s32 $_size_execute0_lowered;
	s2 =	sadd.s32 s2, s4;
	[dreg:$0x0] =	wrdreg $0x0  }
0xa8: {  	s4 =	sshll.u32 s28, $0x1;
	[dreg:$0x2] =	wrdreg s2  }
0xa9: {  	[dreg:$0x3] =	wrdreg s4  }
0xaa: {  	[dreg:$0x4] =	wrdreg $0xC0  }
0xab: {  	_ =	task [dreg:s6], $0x5FFFF  }
0xac: {  	[dreg:$0x1] =	wrdreg $0xFFFFFFFF  }
0xad: {  	[dreg:$0x0] =	wrdreg $0x60  }
0xae: {  	[dreg:$0x2] =	wrdreg s24  }
0xaf: {  	[dreg:$0x3] =	wrdreg $0x17B100  }
0xb0: {  	[dreg:$0x4] =	wrdreg $0x9  }
0xb1: {  	_ =	task.clear_ibuf [dreg:s6], $0x5FFFF;
	_ =	strace $0x9000004F  }
0xb2: {  	s29 =	simm.s32 $0x9;
	_ =	strace $0x80000051  }
0xb3: {  	_ =	swait.ge [sflag:s29], $0x1  }
0xb4: {  	[sflag:s29] =	ssyncadd.s32 $0xFFFFFFFF  }
0xb5: {  	_ =	strace $0x90000051  }
0xb6: {  	_ =	sfence  }
0xb7: {  	s30 =	sld [smem:$0x0];
	_ =	sdelay $0x2  }
0xb8: {  	s31 =	sshll.u32 s1, $0xD;
	s1 =	sshrl.u32 s1, $0x2  }
0xb9: {  	s3 =	sand.u32 $0x4000, s31;
	s1 =	sadd.s32 s1, s30  }
0xba: {  	s0 =	sor.u32 s3, s0;
	s1 =	sshll.u32 s1, $0x11  }
0xbb: {  	s0 =	sor.u32 s1, s0  }
0xbc: {  	s0 =	sadd.s32 $0x8F2B, s0  }
0xbd: {  	[sflag:s0] =	ssyncadd.remote.s32 $0x1  }
0xbe: {  	_ =	sfence.sel $0xFFFF  }
0xbf: {  	[dreg:$0x0] =	wrdreg $0xFFFFFFFF;
	(pc) =	sbr.abs _section_cstart, $3  }
0xc0: {  	[dreg:$0x1] =	wrdreg $0xFFFFFFFF  }
0xc1: {  	_ =	task.clear_ibuf [dreg:s6], $0x2FFFF;
	_ =	strace $0x9FFFFFFF  }
0xc2: {  	(tm) =	ssettm $0x7FFFFFFF  }
0xc3: {  	_ =	shalt  }
tec
execute0_lowered:
.L_overlay_start_1:
0x0: {  	(tag) =	ssettag $0x1  }
0x1: {  	s4 =	rddreg [dreg:$0x0]  }
0x2: {  	s2 =	rddreg [dreg:$0x1]  }
0x3: {  	s0 =	rddreg [dreg:$0x2];
	s3 =	srdreg.scid  }
0x4: {  	s1 =	stileid.u32;
	s11 =	simm.s32 $0x80;
	s5 =	sand.u32 $0x1, s3  }
0x5: {  	s6 =	sshll.u32 s1, $0x1;
	s7 =	smul.u32 $0x2710, s1;
	s3 =	simm.s32 $0x0  }
0x6: {  	s12 =	sshll.u32 s1, $0x6;
	s6 =	sor.u32 s5, s6;
	s8 =	smul.u32 $0x27100, s5  }
0x7: {  	[smem:$0x7FF] =	sst s3;
	s5 =	ssub.s32 $0x2, s5;
	s9 =	smul.u32 $0x2710, s6  }
0x8: {  	s12 =	sor.u32 $0x1C01, s12;
	s6 =	smul.u32 $0x280, s6;
	s31 =	sshrl.u32 s5, $0x1  }
0x9: {  	_ =	strace $0x80000050;
	s8 =	sadd.s32 s7, s8;
	s10 =	ssub.s32 s5, s31  }
0xa: {  	s9 =	sadd.s32 s9, s4;
	s8 =	sshrl.u32 s8, $0x3;
	s6 =	sadd.s32 s6, s4  }
0xb: {  	s8 =	sadd.s32 s8, s4;
	s4 =	sadd.s32 s7, s2;
	s5 =	sadd.s32 $0x589600, s6  }
0xc: {  	s6 =	sadd.s32 $0x6000, s9;
	s9 =	simm.s32 $0x15400;
	s7 =	sadd.s32 $0x54200, s8  }
0xd: {  	v0 =	vimm.f32 $0.0e+00;
	s8 =	smax.u32 s10, $0x1;
	s10 =	simm.s32 $0x1;
	s13 =	sshrl.u32 s4, $0x3  }
.LBB2_1:
0xe: {  	s14 =	simm.s32 $0x40;
	s15 =	simm.s32 $0x0  }
.LBB2_2:
0xf: {  	p0 =	sne.s32 s14, $0x9C00;
	[tilespmem:s15+$0x15400] =	vst v0;
	s15 =	smov.u32 s14;
	s14 =	sadd.s32 $0x40, s14  }
.Ltmp0:
0x10: {  	(pc) =	sbr.rel @p0 .LBB2_2-.Ltmp0, $2  }
0x11: {  	_ =	sdelay $0x2  }
0x12: {  	s15 =	sshra.s32 s15, $0x2  }
0x13: {  	[tilespmem:s15+$0x15400] =	vst v0  }
0x14: {  	[spmem:s4] =	stream.linear.scatter [tilespmem:s9], [sflag:$0x1], $0x2710, $0x38;
	[tilespmem:$0x1A220] =	vst v63  }
0x15: {  	_ =	swait.ge [sflag:s10], $0x2710  }
0x16: {  	[sflag:s10] =	ssyncset.done $0x0  }
0x17: {  	s14 =	simm.s32 $0x40;
	s15 =	simm.s32 $0x0;
	[sflag:s10] =	ssyncadd.s32 $0xFFFFD8F0  }
.LBB2_4:
0x18: {  	p0 =	sne.s32 s14, $0x1DC0;
	[tilespmem:s15+$0x14C80] =	vst v0;
	s15 =	smov.u32 s14;
	s14 =	sadd.s32 $0x40, s14  }
.Ltmp1:
0x19: {  	(pc) =	sbr.rel @p0 .LBB2_4-.Ltmp1, $2  }
0x1a: {  	_ =	sdelay $0x2  }
0x1b: {  	s15 =	sshra.s32 s15, $0x2  }
0x1c: {  	[tilespmem:s15+$0x14C80] =	vst v0  }
0x1d: {  	s30 =	simm.s32 $0x0;
	[bflag:$0x0] =	sbarrier.arrive $0xFFFF  }
0x1e: {  	[tilespmem:s30], [sflag:$0x1] =	stream.linear.gather [hbm4b:s5+s30], $0x1400, $0x38;
	[tilespmem:$0x1A220] =	vst v63  }
0x1f: {  	_ =	swait.ge [sflag:s10], $0x1400  }
0x20: {  	[sflag:s10] =	ssyncset.done $0x0  }
0x21: {  	s14 =	simm.s32 $0x1400;
	[sflag:s10] =	ssyncadd.s32 $0xFFFFEC00  }
0x22: {  	[tilespmem:s14], [sflag:$0x1] =	stream.linear.gather [hbm4b:s6+s30], $0x13880, $0x38;
	[tilespmem:$0x1A220] =	vst v63  }
0x23: {  	_ =	swait.ge [sflag:s10], $0x13880  }
0x24: {  	[sflag:s10] =	ssyncset.done $0x0  }
0x25: {  	s31 =	simm.s32 $0x0;
	[sflag:s10] =	ssyncadd.s32 $0xFFFEC780  }
0x26: {  	[spmem:s2] =	stream.indirect.scatter.add.f32 [tilespmem:s14], [sflag:$0x1], $0x10, s31, s11, $0xb8;
	[tilespmem:$0x1A220] =	vst v63  }
0x27: {  	_ =	swait.ge [sflag:s10], $0x800  }
0x28: {  	s15 =	simm.s32 $0x200;
	[sflag:s10] =	ssyncset.done $0x0  }
.LBB2_6:
0x29: {  	s16 =	sshra.s32 s15, $0x2  }
0x2a: {  	[sflag:s10] =	ssyncadd.s32 $0xFFFFF800;
	s14 =	sadd.s32 $0x800, s14;
	p0 =	sne.s32 s15, $0x4E00  }
0x2b: {  	[spmem:s2] =	stream.indirect.scatter.add.f32 [tilespmem:s14], [sflag:$0x1], $0x10, s16, s11, $0xb8;
	[tilespmem:$0x1A220] =	vst v63  }
.Ltmp2:
0x2c: {  	_ = 	snop;
	(pc) =	sbr.rel @p0 .LBB2_6-.Ltmp2, $4  }
0x2d: {  	_ = 	snop  }
0x2e: {  	s15 =	sadd.s32 $0x200, s15  }
0x2f: {  	_ =	swait.ge [sflag:s10], $0x800  }
0x30: {  	[sflag:s10] =	ssyncset.done $0x0  }
0x31: {  	s3 =	sadd.s32 $0x1, s3  }
0x32: {  	[sflag:s10] =	ssyncadd.s32 $0xFFFFF800;
	p0 =	sne.s32 s3, s8  }
.Ltmp3:
0x33: {  	[bflag:$0x0] =	sbarrier.arrive $0xFFFF;
	(pc) =	sbr.rel @p0 .LBB2_1-.Ltmp3, $4  }
0x34: {  	[hbm:s7], [sflag:s12] =	dma.local [spmem:s13], $0x4E2  }
0x35: {  	_ =	swait.ge [sflag:s10], $0x4E2  }
0x36: {  	[sflag:s10] =	ssyncset.done $0x0  }
0x37: {  	[sflag:s10] =	ssyncadd.s32 $0xFFFFFB1E  }
0x38: {  	_ =	sfence.sel $0x180000  }
0x39: {  	[bflag:$0x0] =	sbarrier.arrive $0xFFFF  }
0x3a: {  	p0 =	sne.s32 s1, $0x0;
	_ =	strace $0x90000050  }
0x3b: {  	s0 =	sadd.s32 @!p0 $0x100000, s0;
	[bflag:$0x2] =	sbarrier.arrive $0xFFFF  }
0x3c: {  	[sflag:s0] =	ssyncadd.tile.s32 @!p0 $0x1;
	_ =	shalt  }
.Lfunc_end2:
_tile_overlayer_lowered:
.L_overlay_start_2:
0x3d: {  	(tag) =	ssettag $0x2  }
0x3e: {  	s0 =	rddreg [dreg:$0x0];
	s2 =	stileid.u32  }
0x3f: {  	s1 =	rddreg [dreg:$0x1];
	p0 =	sne.s32 s2, $0x0  }
0x40: {  	s3 =	rddreg [dreg:$0x2];
	[bflag:$0x3] =	sbarrier.arrive $0xFFFF;
	s2 =	simm.s32 @!p0 $0x1C01  }
0x41: {  	[timem:s3], [sflag:s2] =	dma.local @!p0 [hbm:s0], s1  }
0x42: {  	s0 =	simm.s32 @!p0 $0x1  }
0x43: {  	_ =	swait.ge @!p0 [sflag:s0], s1  }
0x44: {  	s1 =	ssub.s32 @!p0 $0x0, s1;
	[sflag:s0] =	ssyncset.done @!p0 $0x0  }
0x45: {  	[sflag:s0] =	ssyncadd.s32 @!p0 s1  }
0x46: {  	[bflag:$0x3] =	sbarrier.arrive $0xFFFF  }
0x47: {  	_ =	shalt  }

</sc_bundles>
